<compile_context>
chip_gen: v7x
topology: tpu7x:2x2x1
jax: 0.10.2.dev20260603
libtpu: 0.0.44.dev20260713+nightly
codegen_flags: <defaults>
</compile_context>

<pallas_src>
import functools

import jax
import jax.numpy as jnp
from jax import lax
from jax.experimental import pallas as pl
from jax.experimental.pallas import tpu as pltpu
from jax.experimental.pallas import tpu_sc as plsc

_NUM_CORES = 2
_NUM_SUBCORES = 16
_NUM_WORKERS = _NUM_CORES * _NUM_SUBCORES
_LANE = 16
_BT = 128
_NBUF = 5


@functools.lru_cache(maxsize=None)
def _make_gather(S: int, NB: int, V: int, D: int):
    assert NB == _NUM_WORKERS * _BT and D % 8 == 0 and S % _NBUF == 0
    n_dt = D // 8

    mesh = plsc.VectorSubcoreMesh(core_axis_name="c", subcore_axis_name="s")

    @functools.partial(
        pl.kernel,
        out_type=jax.ShapeDtypeStruct(
            (S, n_dt, _NUM_WORKERS, 8, _BT), jnp.float32
        ),
        mesh=mesh,
        scratch_types=[
            pltpu.VMEM((S, _BT), jnp.int32),
            [pltpu.VMEM((_BT, D), jnp.float32) for _ in range(_NBUF)],
            [pltpu.VMEM((D, _BT + 1), jnp.float32) for _ in range(_NBUF)],
            [pltpu.SemaphoreType.DMA for _ in range(_NBUF)],
            [pltpu.SemaphoreType.DMA for _ in range(_NBUF)],
        ],
        compiler_params=pltpu.CompilerParams(
            use_tc_tiling_on_sc=False, needs_layout_passes=False
        ),
    )
    def gather(idx_hbm, table_hbm, out_hbm, idx_all, rows, trans, gsems, ssems):
        wid = lax.axis_index("s") * _NUM_CORES + lax.axis_index("c")
        pltpu.sync_copy(idx_hbm.at[:, pl.ds(wid * _BT, _BT)], idx_all)

        def gather_desc(s, b):
            return pltpu.make_async_copy(
                table_hbm.at[idx_all.at[s]], rows[b], gsems[b]
            )

        def store_descs(s, b):
            return [
                pltpu.make_async_copy(
                    trans[b].at[pl.ds(dt * 8, 8), pl.ds(0, _BT)],
                    out_hbm.at[s, dt, wid],
                    ssems[b],
                )
                for dt in range(n_dt)
            ]

        lanes = lax.iota(jnp.int32, 16)
        d_ids = [lanes + t * _LANE for t in range(D // _LANE)]
        zeros = lanes * 0

        def transpose(b):
            @plsc.parallel_loop(0, _BT, 1, unroll=4)
            def _bl(bl):
                bl_vec = zeros + bl
                for t in range(D // _LANE):
                    vals = rows[b][bl, pl.ds(t * _LANE, _LANE)]
                    plsc.store_scatter(trans[b], [d_ids[t], bl_vec], vals)

        for b in range(_NBUF):
            gather_desc(b, b).start()

        @pl.loop(0, S, step=_NBUF)
        def _outer(s0):
            for b in range(_NBUF):
                s = s0 + b
                gather_desc(s, b).wait()

                @pl.when(s >= _NBUF)
                def _wait_prev_store():
                    for d in store_descs(s - _NBUF, b):
                        d.wait()

                transpose(b)

                @pl.when(s + _NBUF < S)
                def _start_next_gather():
                    gather_desc(s + _NBUF, b).start()

                for d in store_descs(s, b):
                    d.start()

        for b in range(_NBUF):
            for d in store_descs(S - _NBUF + b, b):
                d.wait()

    return gather


def kernel(idxs, table):
    b, s = idxs.shape
    v, d = table.shape
    idx_t = idxs.T.astype(jnp.int32)
    out5 = _make_gather(s, b, v, d)(idx_t, table)
    return out5.transpose(2, 4, 0, 1, 3).reshape(b, s, d)

# --- scband reference (transcript-rebuilt; emitter-appended) ---
"""Pipeline reference for scband-cpu-embedding-77489799954471 (READ-ONLY COPY).

The authoritative reference and input builder live on the scoring server;
editing this copy changes nothing except your own understanding.
"""

import jax, jax.numpy as jnp
import numpy as np


def setup_inputs(seed: int = 0) -> dict:
    key = jax.random.key(seed)
    k1, k2 = jax.random.split(key)
    idxs = jax.random.randint(k1, (4096, 50), 0, 100000, dtype=jnp.int64) if jax.config.jax_enable_x64 else jax.random.randint(k1, (4096, 50), 0, 100000, dtype=jnp.int32)
    table = jax.random.normal(k2, (100000, 64), dtype=jnp.float32)
    return {"idxs": idxs, "table": table}


def reference(idxs, table):
    # CpuEmbedding.forward: nn.Embedding lookup (device shuffling is a no-op mathematically)
    return jnp.take(table, idxs, axis=0)

if __name__ == "__main__":
    import jax
    _d = setup_inputs()
    print(jax.jit(kernel)(*tuple(_d.values())))

</pallas_src>

<mosaic_0001>
#map = affine_map<(d0, d1) -> (0, 0)>
#map1 = affine_map<(d0, d1) -> (0, 0, 0, 0, 0)>
module attributes {stable_mosaic.version = 14 : i64} {
  func.func @gather(%arg0: i32, %arg1: i32, %arg2: memref<50x4096xi32, #tpu.memory_space<hbm>>, %arg3: memref<100000x64xf32, #tpu.memory_space<hbm>>, %arg4: memref<50x8x32x8x128xf32, #tpu.memory_space<hbm>>, %arg5: memref<50x128xi32, #tpu.memory_space<vmem>>, %arg6: memref<128x64xf32, #tpu.memory_space<vmem>>, %arg7: memref<128x64xf32, #tpu.memory_space<vmem>>, %arg8: memref<128x64xf32, #tpu.memory_space<vmem>>, %arg9: memref<128x64xf32, #tpu.memory_space<vmem>>, %arg10: memref<128x64xf32, #tpu.memory_space<vmem>>, %arg11: memref<64x129xf32, #tpu.memory_space<vmem>>, %arg12: memref<64x129xf32, #tpu.memory_space<vmem>>, %arg13: memref<64x129xf32, #tpu.memory_space<vmem>>, %arg14: memref<64x129xf32, #tpu.memory_space<vmem>>, %arg15: memref<64x129xf32, #tpu.memory_space<vmem>>, %arg16: memref<!tpu.dma_semaphore, #tpu.memory_space<semaphore_mem>>, %arg17: memref<!tpu.dma_semaphore, #tpu.memory_space<semaphore_mem>>, %arg18: memref<!tpu.dma_semaphore, #tpu.memory_space<semaphore_mem>>, %arg19: memref<!tpu.dma_semaphore, #tpu.memory_space<semaphore_mem>>, %arg20: memref<!tpu.dma_semaphore, #tpu.memory_space<semaphore_mem>>, %arg21: memref<!tpu.dma_semaphore, #tpu.memory_space<semaphore_mem>>, %arg22: memref<!tpu.dma_semaphore, #tpu.memory_space<semaphore_mem>>, %arg23: memref<!tpu.dma_semaphore, #tpu.memory_space<semaphore_mem>>, %arg24: memref<!tpu.dma_semaphore, #tpu.memory_space<semaphore_mem>>, %arg25: memref<!tpu.dma_semaphore, #tpu.memory_space<semaphore_mem>>) attributes {dimension_semantics = [#tpu.dimension_semantics<core_parallel>, #tpu.dimension_semantics<subcore_parallel>], iteration_bounds = array<i64: 2, 16>, scalar_prefetch = 0 : i64, scratch_operands = 21 : i64, tpu.core_type = #tpu.core_type<sc_vector_subcore>, window_params = [{transform_indices = #map}, {transform_indices = #map}, {transform_indices = #map1}]} {
    %mul3A = arith.constant 2 : i32
    %mul3A_0 = arith.muli %arg1, %mul3A : i32
    %add3A = arith.addi %mul3A_0, %arg0 : i32
    %mul3A_1 = arith.constant 128 : i32
    %mul3A_2 = arith.muli %add3A, %mul3A_1 : i32
    "tpu.region"() ({
      %run_scoped3A = tpu.sem_alloc : memref<!tpu.dma_semaphore, #tpu.memory_space<semaphore_mem>>
      %dma_start3A_695 = arith.constant 0 : i32
      %dma_start3A_696 = tpu.memref_slice %arg2[%dma_start3A_695, %mul3A_2] : memref<50x4096xi32, #tpu.memory_space<hbm>> -> memref<50x128xi32, #tpu.memory_space<hbm>>
      %dma_start3A_697 = arith.constant 0 : i32
      %dma_start3A_698 = tpu.memref_slice %arg2[%dma_start3A_697, %mul3A_2] : memref<50x4096xi32, #tpu.memory_space<hbm>> -> memref<50x128xi32, #tpu.memory_space<hbm>>
      tpu.enqueue_dma source(%dma_start3A_698 : memref<50x128xi32, #tpu.memory_space<hbm>>) target(%arg5 : memref<50x128xi32, #tpu.memory_space<vmem>>) target_semaphore(%run_scoped3A : memref<!tpu.dma_semaphore, #tpu.memory_space<semaphore_mem>>)
      %dma_wait3A_699 = arith.constant 0 : i32
      %dma_wait3A_700 = tpu.memref_slice %arg2[%dma_wait3A_699, %mul3A_2] : memref<50x4096xi32, #tpu.memory_space<hbm>> -> memref<50x128xi32, #tpu.memory_space<hbm>>
      %dma_wait3A_701 = arith.constant 0 : i32
      %dma_wait3A_702 = tpu.memref_slice %arg2[%dma_wait3A_701, %mul3A_2] : memref<50x4096xi32, #tpu.memory_space<hbm>> -> memref<50x128xi32, #tpu.memory_space<hbm>>
      tpu.wait_dma2 semaphore(%run_scoped3A : memref<!tpu.dma_semaphore, #tpu.memory_space<semaphore_mem>>) src(%dma_wait3A_702 : memref<50x128xi32, #tpu.memory_space<hbm>>) dst(%arg5 : memref<50x128xi32, #tpu.memory_space<vmem>>)
      tpu.yield
    }) : () -> ()
    %iota3A = tpu.iota {dimensions = array<i32: 0>} : vector<16xi32>
    %add3A_3 = arith.constant 0 : i32
    %add3A_4 = vector.broadcast %add3A_3 : i32 to vector<16xi32>
    %add3A_5 = arith.addi %iota3A, %add3A_4 : vector<16xi32>
    %add3A_6 = arith.constant 16 : i32
    %add3A_7 = vector.broadcast %add3A_6 : i32 to vector<16xi32>
    %add3A_8 = arith.addi %iota3A, %add3A_7 : vector<16xi32>
    %add3A_9 = arith.constant 32 : i32
    %add3A_10 = vector.broadcast %add3A_9 : i32 to vector<16xi32>
    %add3A_11 = arith.addi %iota3A, %add3A_10 : vector<16xi32>
    %add3A_12 = arith.constant 48 : i32
    %add3A_13 = vector.broadcast %add3A_12 : i32 to vector<16xi32>
    %add3A_14 = arith.addi %iota3A, %add3A_13 : vector<16xi32>
    %mul3A_15 = arith.constant 0 : i32
    %mul3A_16 = vector.broadcast %mul3A_15 : i32 to vector<16xi32>
    %mul3A_17 = arith.muli %iota3A, %mul3A_16 : vector<16xi32>
    %dma_start3A = arith.constant 0 : i32
    %dma_start3A_18 = arith.constant 0 : i32
    %dma_start3A_19 = tpu.memref_slice %arg5[%dma_start3A, %dma_start3A_18] : memref<50x128xi32, #tpu.memory_space<vmem>> -> memref<1x128xi32, #tpu.memory_space<vmem>>
    %dma_start3A_20 = tpu.memref_squeeze %dma_start3A_19 : memref<1x128xi32, #tpu.memory_space<vmem>> -> memref<128xi32, #tpu.memory_space<vmem>>
    %dma_start3A_21 = arith.constant 0 : i32
    %dma_start3A_22 = arith.constant 0 : i32
    %dma_start3A_23 = tpu.memref_slice %arg3[%dma_start3A_21, %dma_start3A_22] : memref<100000x64xf32, #tpu.memory_space<hbm>> -> memref<100000x64xf32, #tpu.memory_space<hbm>>
    tpu.enqueue_indirect_dma source(%dma_start3A_23 : memref<100000x64xf32, #tpu.memory_space<hbm>>) target(%arg6 : memref<128x64xf32, #tpu.memory_space<vmem>>) offsets(%dma_start3A_20 : memref<128xi32, #tpu.memory_space<vmem>>) semaphore(%arg16 : memref<!tpu.dma_semaphore, #tpu.memory_space<semaphore_mem>>)
    %dma_start3A_24 = arith.constant 1 : i32
    %dma_start3A_25 = arith.constant 0 : i32
    %dma_start3A_26 = tpu.memref_slice %arg5[%dma_start3A_24, %dma_start3A_25] : memref<50x128xi32, #tpu.memory_space<vmem>> -> memref<1x128xi32, #tpu.memory_space<vmem>>
    %dma_start3A_27 = tpu.memref_squeeze %dma_start3A_26 : memref<1x128xi32, #tpu.memory_space<vmem>> -> memref<128xi32, #tpu.memory_space<vmem>>
    %dma_start3A_28 = arith.constant 0 : i32
    %dma_start3A_29 = arith.constant 0 : i32
    %dma_start3A_30 = tpu.memref_slice %arg3[%dma_start3A_28, %dma_start3A_29] : memref<100000x64xf32, #tpu.memory_space<hbm>> -> memref<100000x64xf32, #tpu.memory_space<hbm>>
    tpu.enqueue_indirect_dma source(%dma_start3A_30 : memref<100000x64xf32, #tpu.memory_space<hbm>>) target(%arg7 : memref<128x64xf32, #tpu.memory_space<vmem>>) offsets(%dma_start3A_27 : memref<128xi32, #tpu.memory_space<vmem>>) semaphore(%arg17 : memref<!tpu.dma_semaphore, #tpu.memory_space<semaphore_mem>>)
    %dma_start3A_31 = arith.constant 2 : i32
    %dma_start3A_32 = arith.constant 0 : i32
    %dma_start3A_33 = tpu.memref_slice %arg5[%dma_start3A_31, %dma_start3A_32] : memref<50x128xi32, #tpu.memory_space<vmem>> -> memref<1x128xi32, #tpu.memory_space<vmem>>
    %dma_start3A_34 = tpu.memref_squeeze %dma_start3A_33 : memref<1x128xi32, #tpu.memory_space<vmem>> -> memref<128xi32, #tpu.memory_space<vmem>>
    %dma_start3A_35 = arith.constant 0 : i32
    %dma_start3A_36 = arith.constant 0 : i32
    %dma_start3A_37 = tpu.memref_slice %arg3[%dma_start3A_35, %dma_start3A_36] : memref<100000x64xf32, #tpu.memory_space<hbm>> -> memref<100000x64xf32, #tpu.memory_space<hbm>>
    tpu.enqueue_indirect_dma source(%dma_start3A_37 : memref<100000x64xf32, #tpu.memory_space<hbm>>) target(%arg8 : memref<128x64xf32, #tpu.memory_space<vmem>>) offsets(%dma_start3A_34 : memref<128xi32, #tpu.memory_space<vmem>>) semaphore(%arg18 : memref<!tpu.dma_semaphore, #tpu.memory_space<semaphore_mem>>)
    %dma_start3A_38 = arith.constant 3 : i32
    %dma_start3A_39 = arith.constant 0 : i32
    %dma_start3A_40 = tpu.memref_slice %arg5[%dma_start3A_38, %dma_start3A_39] : memref<50x128xi32, #tpu.memory_space<vmem>> -> memref<1x128xi32, #tpu.memory_space<vmem>>
    %dma_start3A_41 = tpu.memref_squeeze %dma_start3A_40 : memref<1x128xi32, #tpu.memory_space<vmem>> -> memref<128xi32, #tpu.memory_space<vmem>>
    %dma_start3A_42 = arith.constant 0 : i32
    %dma_start3A_43 = arith.constant 0 : i32
    %dma_start3A_44 = tpu.memref_slice %arg3[%dma_start3A_42, %dma_start3A_43] : memref<100000x64xf32, #tpu.memory_space<hbm>> -> memref<100000x64xf32, #tpu.memory_space<hbm>>
    tpu.enqueue_indirect_dma source(%dma_start3A_44 : memref<100000x64xf32, #tpu.memory_space<hbm>>) target(%arg9 : memref<128x64xf32, #tpu.memory_space<vmem>>) offsets(%dma_start3A_41 : memref<128xi32, #tpu.memory_space<vmem>>) semaphore(%arg19 : memref<!tpu.dma_semaphore, #tpu.memory_space<semaphore_mem>>)
    %dma_start3A_45 = arith.constant 4 : i32
    %dma_start3A_46 = arith.constant 0 : i32
    %dma_start3A_47 = tpu.memref_slice %arg5[%dma_start3A_45, %dma_start3A_46] : memref<50x128xi32, #tpu.memory_space<vmem>> -> memref<1x128xi32, #tpu.memory_space<vmem>>
    %dma_start3A_48 = tpu.memref_squeeze %dma_start3A_47 : memref<1x128xi32, #tpu.memory_space<vmem>> -> memref<128xi32, #tpu.memory_space<vmem>>
    %dma_start3A_49 = arith.constant 0 : i32
    %dma_start3A_50 = arith.constant 0 : i32
    %dma_start3A_51 = tpu.memref_slice %arg3[%dma_start3A_49, %dma_start3A_50] : memref<100000x64xf32, #tpu.memory_space<hbm>> -> memref<100000x64xf32, #tpu.memory_space<hbm>>
    tpu.enqueue_indirect_dma source(%dma_start3A_51 : memref<100000x64xf32, #tpu.memory_space<hbm>>) target(%arg10 : memref<128x64xf32, #tpu.memory_space<vmem>>) offsets(%dma_start3A_48 : memref<128xi32, #tpu.memory_space<vmem>>) semaphore(%arg20 : memref<!tpu.dma_semaphore, #tpu.memory_space<semaphore_mem>>)
    %scan3A = arith.constant 0 : i32
    %scan3A_52 = arith.constant 10 : i32
    %scan3A_53 = arith.addi %scan3A, %scan3A_52 : i32
    %scan3A_54 = arith.constant 1 : i32
    scf.for %scan3A_695 = %scan3A to %scan3A_53 step %scan3A_54  : i32 {
      %mul3A_696 = arith.constant 5 : i32
      %mul3A_697 = arith.muli %scan3A_695, %mul3A_696 : i32
      %add3A_698 = arith.constant 0 : i32
      %add3A_699 = arith.addi %add3A_698, %mul3A_697 : i32
      %add3A_700 = arith.constant 0 : i32
      %add3A_701 = arith.addi %add3A_699, %add3A_700 : i32
      %dma_wait3A_702 = arith.constant 0 : i32
      %dma_wait3A_703 = tpu.memref_slice %arg5[%add3A_701, %dma_wait3A_702] : memref<50x128xi32, #tpu.memory_space<vmem>> -> memref<1x128xi32, #tpu.memory_space<vmem>>
      %dma_wait3A_704 = tpu.memref_squeeze %dma_wait3A_703 : memref<1x128xi32, #tpu.memory_space<vmem>> -> memref<128xi32, #tpu.memory_space<vmem>>
      %dma_wait3A_705 = arith.constant 0 : i32
      %dma_wait3A_706 = arith.constant 0 : i32
      %dma_wait3A_707 = tpu.memref_slice %arg3[%dma_wait3A_705, %dma_wait3A_706] : memref<100000x64xf32, #tpu.memory_space<hbm>> -> memref<100000x64xf32, #tpu.memory_space<hbm>>
      tpu.wait_indirect_dma semaphore(%arg16 : memref<!tpu.dma_semaphore, #tpu.memory_space<semaphore_mem>>) src(%dma_wait3A_707 : memref<100000x64xf32, #tpu.memory_space<hbm>>) dst(%arg6 : memref<128x64xf32, #tpu.memory_space<vmem>>)
      %ge3A = arith.constant 5 : i32
      %ge3A_708 = arith.cmpi sge, %add3A_701, %ge3A : i32
      %convert_element_type3A = arith.extui %ge3A_708 : i1 to i32
      %cond3A = arith.constant 0 : i32
      %cond3A_709 = arith.cmpi ne, %convert_element_type3A, %cond3A : i32
      scf.if %cond3A_709 {
        %sub3A = arith.constant 5 : i32
        %sub3A_1410 = arith.subi %add3A_701, %sub3A : i32
        %dma_wait3A_1411 = arith.constant 0 : i32
        %dma_wait3A_1412 = arith.constant 0 : i32
        %dma_wait3A_1413 = arith.constant 0 : i32
        %dma_wait3A_1414 = tpu.memref_slice %arg11[%dma_wait3A_1412, %dma_wait3A_1413] : memref<64x129xf32, #tpu.memory_space<vmem>> -> memref<8x128xf32, #tpu.memory_space<vmem>>
        %dma_wait3A_1415 = arith.constant 0 : i32
        %dma_wait3A_1416 = arith.constant 0 : i32
        %dma_wait3A_1417 = tpu.memref_slice %arg4[%sub3A_1410, %dma_wait3A_1411, %add3A, %dma_wait3A_1415, %dma_wait3A_1416] : memref<50x8x32x8x128xf32, #tpu.memory_space<hbm>> -> memref<1x1x1x8x128xf32, #tpu.memory_space<hbm>>
        %dma_wait3A_1418 = tpu.memref_squeeze %dma_wait3A_1417 : memref<1x1x1x8x128xf32, #tpu.memory_space<hbm>> -> memref<8x128xf32, #tpu.memory_space<hbm>>
        %dma_wait3A_1419 = arith.constant 0 : i32
        %dma_wait3A_1420 = arith.constant 0 : i32
        %dma_wait3A_1421 = tpu.memref_slice %arg4[%sub3A_1410, %dma_wait3A_1411, %add3A, %dma_wait3A_1419, %dma_wait3A_1420] : memref<50x8x32x8x128xf32, #tpu.memory_space<hbm>> -> memref<1x1x1x8x128xf32, #tpu.memory_space<hbm>>
        %dma_wait3A_1422 = tpu.memref_squeeze %dma_wait3A_1421 : memref<1x1x1x8x128xf32, #tpu.memory_space<hbm>> -> memref<8x128xf32, #tpu.memory_space<hbm>>
        %dma_wait3A_1423 = arith.constant 0 : i32
        %dma_wait3A_1424 = arith.constant 0 : i32
        %dma_wait3A_1425 = tpu.memref_slice %arg11[%dma_wait3A_1423, %dma_wait3A_1424] : memref<64x129xf32, #tpu.memory_space<vmem>> -> memref<8x128xf32, #tpu.memory_space<vmem>>
        tpu.wait_dma2 semaphore(%arg21 : memref<!tpu.dma_semaphore, #tpu.memory_space<semaphore_mem>>) src(%dma_wait3A_1425 : memref<8x128xf32, #tpu.memory_space<vmem>>) dst(%dma_wait3A_1422 : memref<8x128xf32, #tpu.memory_space<hbm>>)
        %dma_wait3A_1426 = arith.constant 1 : i32
        %dma_wait3A_1427 = arith.constant 8 : i32
        %dma_wait3A_1428 = arith.constant 0 : i32
        %dma_wait3A_1429 = tpu.memref_slice %arg11[%dma_wait3A_1427, %dma_wait3A_1428] : memref<64x129xf32, #tpu.memory_space<vmem>> -> memref<8x128xf32, #tpu.memory_space<vmem>>
        %dma_wait3A_1430 = arith.constant 0 : i32
        %dma_wait3A_1431 = arith.constant 0 : i32
        %dma_wait3A_1432 = tpu.memref_slice %arg4[%sub3A_1410, %dma_wait3A_1426, %add3A, %dma_wait3A_1430, %dma_wait3A_1431] : memref<50x8x32x8x128xf32, #tpu.memory_space<hbm>> -> memref<1x1x1x8x128xf32, #tpu.memory_space<hbm>>
        %dma_wait3A_1433 = tpu.memref_squeeze %dma_wait3A_1432 : memref<1x1x1x8x128xf32, #tpu.memory_space<hbm>> -> memref<8x128xf32, #tpu.memory_space<hbm>>
        %dma_wait3A_1434 = arith.constant 0 : i32
        %dma_wait3A_1435 = arith.constant 0 : i32
        %dma_wait3A_1436 = tpu.memref_slice %arg4[%sub3A_1410, %dma_wait3A_1426, %add3A, %dma_wait3A_1434, %dma_wait3A_1435] : memref<50x8x32x8x128xf32, #tpu.memory_space<hbm>> -> memref<1x1x1x8x128xf32, #tpu.memory_space<hbm>>
        %dma_wait3A_1437 = tpu.memref_squeeze %dma_wait3A_1436 : memref<1x1x1x8x128xf32, #tpu.memory_space<hbm>> -> memref<8x128xf32, #tpu.memory_space<hbm>>
        %dma_wait3A_1438 = arith.constant 8 : i32
        %dma_wait3A_1439 = arith.constant 0 : i32
        %dma_wait3A_1440 = tpu.memref_slice %arg11[%dma_wait3A_1438, %dma_wait3A_1439] : memref<64x129xf32, #tpu.memory_space<vmem>> -> memref<8x128xf32, #tpu.memory_space<vmem>>
        tpu.wait_dma2 semaphore(%arg21 : memref<!tpu.dma_semaphore, #tpu.memory_space<semaphore_mem>>) src(%dma_wait3A_1440 : memref<8x128xf32, #tpu.memory_space<vmem>>) dst(%dma_wait3A_1437 : memref<8x128xf32, #tpu.memory_space<hbm>>)
        %dma_wait3A_1441 = arith.constant 2 : i32
        %dma_wait3A_1442 = arith.constant 16 : i32
        %dma_wait3A_1443 = arith.constant 0 : i32
        %dma_wait3A_1444 = tpu.memref_slice %arg11[%dma_wait3A_1442, %dma_wait3A_1443] : memref<64x129xf32, #tpu.memory_space<vmem>> -> memref<8x128xf32, #tpu.memory_space<vmem>>
        %dma_wait3A_1445 = arith.constant 0 : i32
        %dma_wait3A_1446 = arith.constant 0 : i32
        %dma_wait3A_1447 = tpu.memref_slice %arg4[%sub3A_1410, %dma_wait3A_1441, %add3A, %dma_wait3A_1445, %dma_wait3A_1446] : memref<50x8x32x8x128xf32, #tpu.memory_space<hbm>> -> memref<1x1x1x8x128xf32, #tpu.memory_space<hbm>>
        %dma_wait3A_1448 = tpu.memref_squeeze %dma_wait3A_1447 : memref<1x1x1x8x128xf32, #tpu.memory_space<hbm>> -> memref<8x128xf32, #tpu.memory_space<hbm>>
        %dma_wait3A_1449 = arith.constant 0 : i32
        %dma_wait3A_1450 = arith.constant 0 : i32
        %dma_wait3A_1451 = tpu.memref_slice %arg4[%sub3A_1410, %dma_wait3A_1441, %add3A, %dma_wait3A_1449, %dma_wait3A_1450] : memref<50x8x32x8x128xf32, #tpu.memory_space<hbm>> -> memref<1x1x1x8x128xf32, #tpu.memory_space<hbm>>
        %dma_wait3A_1452 = tpu.memref_squeeze %dma_wait3A_1451 : memref<1x1x1x8x128xf32, #tpu.memory_space<hbm>> -> memref<8x128xf32, #tpu.memory_space<hbm>>
        %dma_wait3A_1453 = arith.constant 16 : i32
        %dma_wait3A_1454 = arith.constant 0 : i32
        %dma_wait3A_1455 = tpu.memref_slice %arg11[%dma_wait3A_1453, %dma_wait3A_1454] : memref<64x129xf32, #tpu.memory_space<vmem>> -> memref<8x128xf32, #tpu.memory_space<vmem>>
        tpu.wait_dma2 semaphore(%arg21 : memref<!tpu.dma_semaphore, #tpu.memory_space<semaphore_mem>>) src(%dma_wait3A_1455 : memref<8x128xf32, #tpu.memory_space<vmem>>) dst(%dma_wait3A_1452 : memref<8x128xf32, #tpu.memory_space<hbm>>)
        %dma_wait3A_1456 = arith.constant 3 : i32
        %dma_wait3A_1457 = arith.constant 24 : i32
        %dma_wait3A_1458 = arith.constant 0 : i32
        %dma_wait3A_1459 = tpu.memref_slice %arg11[%dma_wait3A_1457, %dma_wait3A_1458] : memref<64x129xf32, #tpu.memory_space<vmem>> -> memref<8x128xf32, #tpu.memory_space<vmem>>
        %dma_wait3A_1460 = arith.constant 0 : i32
        %dma_wait3A_1461 = arith.constant 0 : i32
        %dma_wait3A_1462 = tpu.memref_slice %arg4[%sub3A_1410, %dma_wait3A_1456, %add3A, %dma_wait3A_1460, %dma_wait3A_1461] : memref<50x8x32x8x128xf32, #tpu.memory_space<hbm>> -> memref<1x1x1x8x128xf32, #tpu.memory_space<hbm>>
        %dma_wait3A_1463 = tpu.memref_squeeze %dma_wait3A_1462 : memref<1x1x1x8x128xf32, #tpu.memory_space<hbm>> -> memref<8x128xf32, #tpu.memory_space<hbm>>
        %dma_wait3A_1464 = arith.constant 0 : i32
        %dma_wait3A_1465 = arith.constant 0 : i32
        %dma_wait3A_1466 = tpu.memref_slice %arg4[%sub3A_1410, %dma_wait3A_1456, %add3A, %dma_wait3A_1464, %dma_wait3A_1465] : memref<50x8x32x8x128xf32, #tpu.memory_space<hbm>> -> memref<1x1x1x8x128xf32, #tpu.memory_space<hbm>>
        %dma_wait3A_1467 = tpu.memref_squeeze %dma_wait3A_1466 : memref<1x1x1x8x128xf32, #tpu.memory_space<hbm>> -> memref<8x128xf32, #tpu.memory_space<hbm>>
        %dma_wait3A_1468 = arith.constant 24 : i32
        %dma_wait3A_1469 = arith.constant 0 : i32
        %dma_wait3A_1470 = tpu.memref_slice %arg11[%dma_wait3A_1468, %dma_wait3A_1469] : memref<64x129xf32, #tpu.memory_space<vmem>> -> memref<8x128xf32, #tpu.memory_space<vmem>>
        tpu.wait_dma2 semaphore(%arg21 : memref<!tpu.dma_semaphore, #tpu.memory_space<semaphore_mem>>) src(%dma_wait3A_1470 : memref<8x128xf32, #tpu.memory_space<vmem>>) dst(%dma_wait3A_1467 : memref<8x128xf32, #tpu.memory_space<hbm>>)
        %dma_wait3A_1471 = arith.constant 4 : i32
        %dma_wait3A_1472 = arith.constant 32 : i32
        %dma_wait3A_1473 = arith.constant 0 : i32
        %dma_wait3A_1474 = tpu.memref_slice %arg11[%dma_wait3A_1472, %dma_wait3A_1473] : memref<64x129xf32, #tpu.memory_space<vmem>> -> memref<8x128xf32, #tpu.memory_space<vmem>>
        %dma_wait3A_1475 = arith.constant 0 : i32
        %dma_wait3A_1476 = arith.constant 0 : i32
        %dma_wait3A_1477 = tpu.memref_slice %arg4[%sub3A_1410, %dma_wait3A_1471, %add3A, %dma_wait3A_1475, %dma_wait3A_1476] : memref<50x8x32x8x128xf32, #tpu.memory_space<hbm>> -> memref<1x1x1x8x128xf32, #tpu.memory_space<hbm>>
        %dma_wait3A_1478 = tpu.memref_squeeze %dma_wait3A_1477 : memref<1x1x1x8x128xf32, #tpu.memory_space<hbm>> -> memref<8x128xf32, #tpu.memory_space<hbm>>
        %dma_wait3A_1479 = arith.constant 0 : i32
        %dma_wait3A_1480 = arith.constant 0 : i32
        %dma_wait3A_1481 = tpu.memref_slice %arg4[%sub3A_1410, %dma_wait3A_1471, %add3A, %dma_wait3A_1479, %dma_wait3A_1480] : memref<50x8x32x8x128xf32, #tpu.memory_space<hbm>> -> memref<1x1x1x8x128xf32, #tpu.memory_space<hbm>>
        %dma_wait3A_1482 = tpu.memref_squeeze %dma_wait3A_1481 : memref<1x1x1x8x128xf32, #tpu.memory_space<hbm>> -> memref<8x128xf32, #tpu.memory_space<hbm>>
        %dma_wait3A_1483 = arith.constant 32 : i32
        %dma_wait3A_1484 = arith.constant 0 : i32
        %dma_wait3A_1485 = tpu.memref_slice %arg11[%dma_wait3A_1483, %dma_wait3A_1484] : memref<64x129xf32, #tpu.memory_space<vmem>> -> memref<8x128xf32, #tpu.memory_space<vmem>>
        tpu.wait_dma2 semaphore(%arg21 : memref<!tpu.dma_semaphore, #tpu.memory_space<semaphore_mem>>) src(%dma_wait3A_1485 : memref<8x128xf32, #tpu.memory_space<vmem>>) dst(%dma_wait3A_1482 : memref<8x128xf32, #tpu.memory_space<hbm>>)
        %dma_wait3A_1486 = arith.constant 5 : i32
        %dma_wait3A_1487 = arith.constant 40 : i32
        %dma_wait3A_1488 = arith.constant 0 : i32
        %dma_wait3A_1489 = tpu.memref_slice %arg11[%dma_wait3A_1487, %dma_wait3A_1488] : memref<64x129xf32, #tpu.memory_space<vmem>> -> memref<8x128xf32, #tpu.memory_space<vmem>>
        %dma_wait3A_1490 = arith.constant 0 : i32
        %dma_wait3A_1491 = arith.constant 0 : i32
        %dma_wait3A_1492 = tpu.memref_slice %arg4[%sub3A_1410, %dma_wait3A_1486, %add3A, %dma_wait3A_1490, %dma_wait3A_1491] : memref<50x8x32x8x128xf32, #tpu.memory_space<hbm>> -> memref<1x1x1x8x128xf32, #tpu.memory_space<hbm>>
        %dma_wait3A_1493 = tpu.memref_squeeze %dma_wait3A_1492 : memref<1x1x1x8x128xf32, #tpu.memory_space<hbm>> -> memref<8x128xf32, #tpu.memory_space<hbm>>
        %dma_wait3A_1494 = arith.constant 0 : i32
        %dma_wait3A_1495 = arith.constant 0 : i32
        %dma_wait3A_1496 = tpu.memref_slice %arg4[%sub3A_1410, %dma_wait3A_1486, %add3A, %dma_wait3A_1494, %dma_wait3A_1495] : memref<50x8x32x8x128xf32, #tpu.memory_space<hbm>> -> memref<1x1x1x8x128xf32, #tpu.memory_space<hbm>>
        %dma_wait3A_1497 = tpu.memref_squeeze %dma_wait3A_1496 : memref<1x1x1x8x128xf32, #tpu.memory_space<hbm>> -> memref<8x128xf32, #tpu.memory_space<hbm>>
        %dma_wait3A_1498 = arith.constant 40 : i32
        %dma_wait3A_1499 = arith.constant 0 : i32
        %dma_wait3A_1500 = tpu.memref_slice %arg11[%dma_wait3A_1498, %dma_wait3A_1499] : memref<64x129xf32, #tpu.memory_space<vmem>> -> memref<8x128xf32, #tpu.memory_space<vmem>>
        tpu.wait_dma2 semaphore(%arg21 : memref<!tpu.dma_semaphore, #tpu.memory_space<semaphore_mem>>) src(%dma_wait3A_1500 : memref<8x128xf32, #tpu.memory_space<vmem>>) dst(%dma_wait3A_1497 : memref<8x128xf32, #tpu.memory_space<hbm>>)
        %dma_wait3A_1501 = arith.constant 6 : i32
        %dma_wait3A_1502 = arith.constant 48 : i32
        %dma_wait3A_1503 = arith.constant 0 : i32
        %dma_wait3A_1504 = tpu.memref_slice %arg11[%dma_wait3A_1502, %dma_wait3A_1503] : memref<64x129xf32, #tpu.memory_space<vmem>> -> memref<8x128xf32, #tpu.memory_space<vmem>>
        %dma_wait3A_1505 = arith.constant 0 : i32
        %dma_wait3A_1506 = arith.constant 0 : i32
        %dma_wait3A_1507 = tpu.memref_slice %arg4[%sub3A_1410, %dma_wait3A_1501, %add3A, %dma_wait3A_1505, %dma_wait3A_1506] : memref<50x8x32x8x128xf32, #tpu.memory_space<hbm>> -> memref<1x1x1x8x128xf32, #tpu.memory_space<hbm>>
        %dma_wait3A_1508 = tpu.memref_squeeze %dma_wait3A_1507 : memref<1x1x1x8x128xf32, #tpu.memory_space<hbm>> -> memref<8x128xf32, #tpu.memory_space<hbm>>
        %dma_wait3A_1509 = arith.constant 0 : i32
        %dma_wait3A_1510 = arith.constant 0 : i32
        %dma_wait3A_1511 = tpu.memref_slice %arg4[%sub3A_1410, %dma_wait3A_1501, %add3A, %dma_wait3A_1509, %dma_wait3A_1510] : memref<50x8x32x8x128xf32, #tpu.memory_space<hbm>> -> memref<1x1x1x8x128xf32, #tpu.memory_space<hbm>>
        %dma_wait3A_1512 = tpu.memref_squeeze %dma_wait3A_1511 : memref<1x1x1x8x128xf32, #tpu.memory_space<hbm>> -> memref<8x128xf32, #tpu.memory_space<hbm>>
        %dma_wait3A_1513 = arith.constant 48 : i32
        %dma_wait3A_1514 = arith.constant 0 : i32
        %dma_wait3A_1515 = tpu.memref_slice %arg11[%dma_wait3A_1513, %dma_wait3A_1514] : memref<64x129xf32, #tpu.memory_space<vmem>> -> memref<8x128xf32, #tpu.memory_space<vmem>>
        tpu.wait_dma2 semaphore(%arg21 : memref<!tpu.dma_semaphore, #tpu.memory_space<semaphore_mem>>) src(%dma_wait3A_1515 : memref<8x128xf32, #tpu.memory_space<vmem>>) dst(%dma_wait3A_1512 : memref<8x128xf32, #tpu.memory_space<hbm>>)
        %dma_wait3A_1516 = arith.constant 7 : i32
        %dma_wait3A_1517 = arith.constant 56 : i32
        %dma_wait3A_1518 = arith.constant 0 : i32
        %dma_wait3A_1519 = tpu.memref_slice %arg11[%dma_wait3A_1517, %dma_wait3A_1518] : memref<64x129xf32, #tpu.memory_space<vmem>> -> memref<8x128xf32, #tpu.memory_space<vmem>>
        %dma_wait3A_1520 = arith.constant 0 : i32
        %dma_wait3A_1521 = arith.constant 0 : i32
        %dma_wait3A_1522 = tpu.memref_slice %arg4[%sub3A_1410, %dma_wait3A_1516, %add3A, %dma_wait3A_1520, %dma_wait3A_1521] : memref<50x8x32x8x128xf32, #tpu.memory_space<hbm>> -> memref<1x1x1x8x128xf32, #tpu.memory_space<hbm>>
        %dma_wait3A_1523 = tpu.memref_squeeze %dma_wait3A_1522 : memref<1x1x1x8x128xf32, #tpu.memory_space<hbm>> -> memref<8x128xf32, #tpu.memory_space<hbm>>
        %dma_wait3A_1524 = arith.constant 0 : i32
        %dma_wait3A_1525 = arith.constant 0 : i32
        %dma_wait3A_1526 = tpu.memref_slice %arg4[%sub3A_1410, %dma_wait3A_1516, %add3A, %dma_wait3A_1524, %dma_wait3A_1525] : memref<50x8x32x8x128xf32, #tpu.memory_space<hbm>> -> memref<1x1x1x8x128xf32, #tpu.memory_space<hbm>>
        %dma_wait3A_1527 = tpu.memref_squeeze %dma_wait3A_1526 : memref<1x1x1x8x128xf32, #tpu.memory_space<hbm>> -> memref<8x128xf32, #tpu.memory_space<hbm>>
        %dma_wait3A_1528 = arith.constant 56 : i32
        %dma_wait3A_1529 = arith.constant 0 : i32
        %dma_wait3A_1530 = tpu.memref_slice %arg11[%dma_wait3A_1528, %dma_wait3A_1529] : memref<64x129xf32, #tpu.memory_space<vmem>> -> memref<8x128xf32, #tpu.memory_space<vmem>>
        tpu.wait_dma2 semaphore(%arg21 : memref<!tpu.dma_semaphore, #tpu.memory_space<semaphore_mem>>) src(%dma_wait3A_1530 : memref<8x128xf32, #tpu.memory_space<vmem>>) dst(%dma_wait3A_1527 : memref<8x128xf32, #tpu.memory_space<hbm>>)
      } else {
      }
      %parallel_loop3A = arith.constant 0 : i32
      %parallel_loop3A_710 = arith.constant 128 : i32
      %parallel_loop3A_711 = arith.constant 1 : i32
      scf.for %parallel_loop3A_1410 = %parallel_loop3A to %parallel_loop3A_710 step %parallel_loop3A_711  : i32 {
        %parallel_loop3A_1411 = vector.broadcast %parallel_loop3A_1410 : i32 to vector<16xi32>
        %parallel_loop3A_1412 = arith.addi %mul3A_17, %parallel_loop3A_1411 : vector<16xi32>
        %parallel_loop3A_1413 = arith.index_cast %parallel_loop3A_1410 : i32 to index
        %parallel_loop3A_1414 = arith.constant 0 : index
        %parallel_loop3A_1415 = tpu.vector_load %arg6[%parallel_loop3A_1413, %parallel_loop3A_1414] {strides = array<i32>} : memref<128x64xf32, #tpu.memory_space<vmem>>, vector<16xf32>,
        tpu.vector_store_idx %arg11[%add3A_5, %parallel_loop3A_1412], %parallel_loop3A_1415 : memref<64x129xf32, #tpu.memory_space<vmem>>[vector<16xi32>, vector<16xi32>], vector<16xf32>,
        %parallel_loop3A_1416 = arith.index_cast %parallel_loop3A_1410 : i32 to index
        %parallel_loop3A_1417 = arith.constant 16 : index
        %parallel_loop3A_1418 = tpu.vector_load %arg6[%parallel_loop3A_1416, %parallel_loop3A_1417] {strides = array<i32>} : memref<128x64xf32, #tpu.memory_space<vmem>>, vector<16xf32>,
        tpu.vector_store_idx %arg11[%add3A_8, %parallel_loop3A_1412], %parallel_loop3A_1418 : memref<64x129xf32, #tpu.memory_space<vmem>>[vector<16xi32>, vector<16xi32>], vector<16xf32>,
        %parallel_loop3A_1419 = arith.index_cast %parallel_loop3A_1410 : i32 to index
        %parallel_loop3A_1420 = arith.constant 32 : index
        %parallel_loop3A_1421 = tpu.vector_load %arg6[%parallel_loop3A_1419, %parallel_loop3A_1420] {strides = array<i32>} : memref<128x64xf32, #tpu.memory_space<vmem>>, vector<16xf32>,
        tpu.vector_store_idx %arg11[%add3A_11, %parallel_loop3A_1412], %parallel_loop3A_1421 : memref<64x129xf32, #tpu.memory_space<vmem>>[vector<16xi32>, vector<16xi32>], vector<16xf32>,
        %parallel_loop3A_1422 = arith.index_cast %parallel_loop3A_1410 : i32 to index
        %parallel_loop3A_1423 = arith.constant 48 : index
        %parallel_loop3A_1424 = tpu.vector_load %arg6[%parallel_loop3A_1422, %parallel_loop3A_1423] {strides = array<i32>} : memref<128x64xf32, #tpu.memory_space<vmem>>, vector<16xf32>,
        tpu.vector_store_idx %arg11[%add3A_14, %parallel_loop3A_1412], %parallel_loop3A_1424 : memref<64x129xf32, #tpu.memory_space<vmem>>[vector<16xi32>, vector<16xi32>], vector<16xf32>,
      } {sc.loop_unroll_factor = 4 : i64, sc.parallel_access}
      %add3A_712 = arith.constant 5 : i32
      %add3A_713 = arith.addi %add3A_701, %add3A_712 : i32
      %lt3A = arith.constant 50 : i32
      %lt3A_714 = arith.cmpi slt, %add3A_713, %lt3A : i32
      %convert_element_type3A_715 = arith.extui %lt3A_714 : i1 to i32
      %cond3A_716 = arith.constant 0 : i32
      %cond3A_717 = arith.cmpi ne, %convert_element_type3A_715, %cond3A_716 : i32
      scf.if %cond3A_717 {
        %add3A_1410 = arith.constant 5 : i32
        %add3A_1411 = arith.addi %add3A_701, %add3A_1410 : i32
        %dma_start3A_1412 = arith.constant 0 : i32
        %dma_start3A_1413 = tpu.memref_slice %arg5[%add3A_1411, %dma_start3A_1412] : memref<50x128xi32, #tpu.memory_space<vmem>> -> memref<1x128xi32, #tpu.memory_space<vmem>>
        %dma_start3A_1414 = tpu.memref_squeeze %dma_start3A_1413 : memref<1x128xi32, #tpu.memory_space<vmem>> -> memref<128xi32, #tpu.memory_space<vmem>>
        %dma_start3A_1415 = arith.constant 0 : i32
        %dma_start3A_1416 = arith.constant 0 : i32
        %dma_start3A_1417 = tpu.memref_slice %arg3[%dma_start3A_1415, %dma_start3A_1416] : memref<100000x64xf32, #tpu.memory_space<hbm>> -> memref<100000x64xf32, #tpu.memory_space<hbm>>
        tpu.enqueue_indirect_dma source(%dma_start3A_1417 : memref<100000x64xf32, #tpu.memory_space<hbm>>) target(%arg6 : memref<128x64xf32, #tpu.memory_space<vmem>>) offsets(%dma_start3A_1414 : memref<128xi32, #tpu.memory_space<vmem>>) semaphore(%arg16 : memref<!tpu.dma_semaphore, #tpu.memory_space<semaphore_mem>>)
      } else {
      }
      %dma_start3A_718 = arith.constant 0 : i32
      %dma_start3A_719 = arith.constant 0 : i32
      %dma_start3A_720 = arith.constant 0 : i32
      %dma_start3A_721 = tpu.memref_slice %arg11[%dma_start3A_719, %dma_start3A_720] : memref<64x129xf32, #tpu.memory_space<vmem>> -> memref<8x128xf32, #tpu.memory_space<vmem>>
      %dma_start3A_722 = arith.constant 0 : i32
      %dma_start3A_723 = arith.constant 0 : i32
      %dma_start3A_724 = tpu.memref_slice %arg4[%add3A_701, %dma_start3A_718, %add3A, %dma_start3A_722, %dma_start3A_723] : memref<50x8x32x8x128xf32, #tpu.memory_space<hbm>> -> memref<1x1x1x8x128xf32, #tpu.memory_space<hbm>>
      %dma_start3A_725 = tpu.memref_squeeze %dma_start3A_724 : memref<1x1x1x8x128xf32, #tpu.memory_space<hbm>> -> memref<8x128xf32, #tpu.memory_space<hbm>>
      %dma_start3A_726 = arith.constant 0 : i32
      %dma_start3A_727 = arith.constant 0 : i32
      %dma_start3A_728 = tpu.memref_slice %arg4[%add3A_701, %dma_start3A_718, %add3A, %dma_start3A_726, %dma_start3A_727] : memref<50x8x32x8x128xf32, #tpu.memory_space<hbm>> -> memref<1x1x1x8x128xf32, #tpu.memory_space<hbm>>
      %dma_start3A_729 = tpu.memref_squeeze %dma_start3A_728 : memref<1x1x1x8x128xf32, #tpu.memory_space<hbm>> -> memref<8x128xf32, #tpu.memory_space<hbm>>
      %dma_start3A_730 = arith.constant 0 : i32
      %dma_start3A_731 = arith.constant 0 : i32
      %dma_start3A_732 = tpu.memref_slice %arg11[%dma_start3A_730, %dma_start3A_731] : memref<64x129xf32, #tpu.memory_space<vmem>> -> memref<8x128xf32, #tpu.memory_space<vmem>>
      tpu.enqueue_dma source(%dma_start3A_732 : memref<8x128xf32, #tpu.memory_space<vmem>>) target(%dma_start3A_729 : memref<8x128xf32, #tpu.memory_space<hbm>>) target_semaphore(%arg21 : memref<!tpu.dma_semaphore, #tpu.memory_space<semaphore_mem>>)
      %dma_start3A_733 = arith.constant 1 : i32
      %dma_start3A_734 = arith.constant 8 : i32
      %dma_start3A_735 = arith.constant 0 : i32
      %dma_start3A_736 = tpu.memref_slice %arg11[%dma_start3A_734, %dma_start3A_735] : memref<64x129xf32, #tpu.memory_space<vmem>> -> memref<8x128xf32, #tpu.memory_space<vmem>>
      %dma_start3A_737 = arith.constant 0 : i32
      %dma_start3A_738 = arith.constant 0 : i32
      %dma_start3A_739 = tpu.memref_slice %arg4[%add3A_701, %dma_start3A_733, %add3A, %dma_start3A_737, %dma_start3A_738] : memref<50x8x32x8x128xf32, #tpu.memory_space<hbm>> -> memref<1x1x1x8x128xf32, #tpu.memory_space<hbm>>
      %dma_start3A_740 = tpu.memref_squeeze %dma_start3A_739 : memref<1x1x1x8x128xf32, #tpu.memory_space<hbm>> -> memref<8x128xf32, #tpu.memory_space<hbm>>
      %dma_start3A_741 = arith.constant 0 : i32
      %dma_start3A_742 = arith.constant 0 : i32
      %dma_start3A_743 = tpu.memref_slice %arg4[%add3A_701, %dma_start3A_733, %add3A, %dma_start3A_741, %dma_start3A_742] : memref<50x8x32x8x128xf32, #tpu.memory_space<hbm>> -> memref<1x1x1x8x128xf32, #tpu.memory_space<hbm>>
      %dma_start3A_744 = tpu.memref_squeeze %dma_start3A_743 : memref<1x1x1x8x128xf32, #tpu.memory_space<hbm>> -> memref<8x128xf32, #tpu.memory_space<hbm>>
      %dma_start3A_745 = arith.constant 8 : i32
      %dma_start3A_746 = arith.constant 0 : i32
      %dma_start3A_747 = tpu.memref_slice %arg11[%dma_start3A_745, %dma_start3A_746] : memref<64x129xf32, #tpu.memory_space<vmem>> -> memref<8x128xf32, #tpu.memory_space<vmem>>
      tpu.enqueue_dma source(%dma_start3A_747 : memref<8x128xf32, #tpu.memory_space<vmem>>) target(%dma_start3A_744 : memref<8x128xf32, #tpu.memory_space<hbm>>) target_semaphore(%arg21 : memref<!tpu.dma_semaphore, #tpu.memory_space<semaphore_mem>>)
      %dma_start3A_748 = arith.constant 2 : i32
      %dma_start3A_749 = arith.constant 16 : i32
      %dma_start3A_750 = arith.constant 0 : i32
      %dma_start3A_751 = tpu.memref_slice %arg11[%dma_start3A_749, %dma_start3A_750] : memref<64x129xf32, #tpu.memory_space<vmem>> -> memref<8x128xf32, #tpu.memory_space<vmem>>
      %dma_start3A_752 = arith.constant 0 : i32
      %dma_start3A_753 = arith.constant 0 : i32
      %dma_start3A_754 = tpu.memref_slice %arg4[%add3A_701, %dma_start3A_748, %add3A, %dma_start3A_752, %dma_start3A_753] : memref<50x8x32x8x128xf32, #tpu.memory_space<hbm>> -> memref<1x1x1x8x128xf32, #tpu.memory_space<hbm>>
      %dma_start3A_755 = tpu.memref_squeeze %dma_start3A_754 : memref<1x1x1x8x128xf32, #tpu.memory_space<hbm>> -> memref<8x128xf32, #tpu.memory_space<hbm>>
      %dma_start3A_756 = arith.constant 0 : i32
      %dma_start3A_757 = arith.constant 0 : i32
      %dma_start3A_758 = tpu.memref_slice %arg4[%add3A_701, %dma_start3A_748, %add3A, %dma_start3A_756, %dma_start3A_757] : memref<50x8x32x8x128xf32, #tpu.memory_space<hbm>> -> memref<1x1x1x8x128xf32, #tpu.memory_space<hbm>>
      %dma_start3A_759 = tpu.memref_squeeze %dma_start3A_758 : memref<1x1x1x8x128xf32, #tpu.memory_space<hbm>> -> memref<8x128xf32, #tpu.memory_space<hbm>>
      %dma_start3A_760 = arith.constant 16 : i32
      %dma_start3A_761 = arith.constant 0 : i32
      %dma_start3A_762 = tpu.memref_slice %arg11[%dma_start3A_760, %dma_start3A_761] : memref<64x129xf32, #tpu.memory_space<vmem>> -> memref<8x128xf32, #tpu.memory_space<vmem>>
      tpu.enqueue_dma source(%dma_start3A_762 : memref<8x128xf32, #tpu.memory_space<vmem>>) target(%dma_start3A_759 : memref<8x128xf32, #tpu.memory_space<hbm>>) target_semaphore(%arg21 : memref<!tpu.dma_semaphore, #tpu.memory_space<semaphore_mem>>)
      %dma_start3A_763 = arith.constant 3 : i32
      %dma_start3A_764 = arith.constant 24 : i32
      %dma_start3A_765 = arith.constant 0 : i32
      %dma_start3A_766 = tpu.memref_slice %arg11[%dma_start3A_764, %dma_start3A_765] : memref<64x129xf32, #tpu.memory_space<vmem>> -> memref<8x128xf32, #tpu.memory_space<vmem>>
      %dma_start3A_767 = arith.constant 0 : i32
      %dma_start3A_768 = arith.constant 0 : i32
      %dma_start3A_769 = tpu.memref_slice %arg4[%add3A_701, %dma_start3A_763, %add3A, %dma_start3A_767, %dma_start3A_768] : memref<50x8x32x8x128xf32, #tpu.memory_space<hbm>> -> memref<1x1x1x8x128xf32, #tpu.memory_space<hbm>>
      %dma_start3A_770 = tpu.memref_squeeze %dma_start3A_769 : memref<1x1x1x8x128xf32, #tpu.memory_space<hbm>> -> memref<8x128xf32, #tpu.memory_space<hbm>>
      %dma_start3A_771 = arith.constant 0 : i32
      %dma_start3A_772 = arith.constant 0 : i32
      %dma_start3A_773 = tpu.memref_slice %arg4[%add3A_701, %dma_start3A_763, %add3A, %dma_start3A_771, %dma_start3A_772] : memref<50x8x32x8x128xf32, #tpu.memory_space<hbm>> -> memref<1x1x1x8x128xf32, #tpu.memory_space<hbm>>
      %dma_start3A_774 = tpu.memref_squeeze %dma_start3A_773 : memref<1x1x1x8x128xf32, #tpu.memory_space<hbm>> -> memref<8x128xf32, #tpu.memory_space<hbm>>
      %dma_start3A_775 = arith.constant 24 : i32
      %dma_start3A_776 = arith.constant 0 : i32
      %dma_start3A_777 = tpu.memref_slice %arg11[%dma_start3A_775, %dma_start3A_776] : memref<64x129xf32, #tpu.memory_space<vmem>> -> memref<8x128xf32, #tpu.memory_space<vmem>>
      tpu.enqueue_dma source(%dma_start3A_777 : memref<8x128xf32, #tpu.memory_space<vmem>>) target(%dma_start3A_774 : memref<8x128xf32, #tpu.memory_space<hbm>>) target_semaphore(%arg21 : memref<!tpu.dma_semaphore, #tpu.memory_space<semaphore_mem>>)
      %dma_start3A_778 = arith.constant 4 : i32
      %dma_start3A_779 = arith.constant 32 : i32
      %dma_start3A_780 = arith.constant 0 : i32
      %dma_start3A_781 = tpu.memref_slice %arg11[%dma_start3A_779, %dma_start3A_780] : memref<64x129xf32, #tpu.memory_space<vmem>> -> memref<8x128xf32, #tpu.memory_space<vmem>>
      %dma_start3A_782 = arith.constant 0 : i32
      %dma_start3A_783 = arith.constant 0 : i32
      %dma_start3A_784 = tpu.memref_slice %arg4[%add3A_701, %dma_start3A_778, %add3A, %dma_start3A_782, %dma_start3A_783] : memref<50x8x32x8x128xf32, #tpu.memory_space<hbm>> -> memref<1x1x1x8x128xf32, #tpu.memory_space<hbm>>
      %dma_start3A_785 = tpu.memref_squeeze %dma_start3A_784 : memref<1x1x1x8x128xf32, #tpu.memory_space<hbm>> -> memref<8x128xf32, #tpu.memory_space<hbm>>
      %dma_start3A_786 = arith.constant 0 : i32
      %dma_start3A_787 = arith.constant 0 : i32
      %dma_start3A_788 = tpu.memref_slice %arg4[%add3A_701, %dma_start3A_778, %add3A, %dma_start3A_786, %dma_start3A_787] : memref<50x8x32x8x128xf32, #tpu.memory_space<hbm>> -> memref<1x1x1x8x128xf32, #tpu.memory_space<hbm>>
      %dma_start3A_789 = tpu.memref_squeeze %dma_start3A_788 : memref<1x1x1x8x128xf32, #tpu.memory_space<hbm>> -> memref<8x128xf32, #tpu.memory_space<hbm>>
      %dma_start3A_790 = arith.constant 32 : i32
      %dma_start3A_791 = arith.constant 0 : i32
      %dma_start3A_792 = tpu.memref_slice %arg11[%dma_start3A_790, %dma_start3A_791] : memref<64x129xf32, #tpu.memory_space<vmem>> -> memref<8x128xf32, #tpu.memory_space<vmem>>
      tpu.enqueue_dma source(%dma_start3A_792 : memref<8x128xf32, #tpu.memory_space<vmem>>) target(%dma_start3A_789 : memref<8x128xf32, #tpu.memory_space<hbm>>) target_semaphore(%arg21 : memref<!tpu.dma_semaphore, #tpu.memory_space<semaphore_mem>>)
      %dma_start3A_793 = arith.constant 5 : i32
      %dma_start3A_794 = arith.constant 40 : i32
      %dma_start3A_795 = arith.constant 0 : i32
      %dma_start3A_796 = tpu.memref_slice %arg11[%dma_start3A_794, %dma_start3A_795] : memref<64x129xf32, #tpu.memory_space<vmem>> -> memref<8x128xf32, #tpu.memory_space<vmem>>
      %dma_start3A_797 = arith.constant 0 : i32
      %dma_start3A_798 = arith.constant 0 : i32
      %dma_start3A_799 = tpu.memref_slice %arg4[%add3A_701, %dma_start3A_793, %add3A, %dma_start3A_797, %dma_start3A_798] : memref<50x8x32x8x128xf32, #tpu.memory_space<hbm>> -> memref<1x1x1x8x128xf32, #tpu.memory_space<hbm>>
      %dma_start3A_800 = tpu.memref_squeeze %dma_start3A_799 : memref<1x1x1x8x128xf32, #tpu.memory_space<hbm>> -> memref<8x128xf32, #tpu.memory_space<hbm>>
      %dma_start3A_801 = arith.constant 0 : i32
      %dma_start3A_802 = arith.constant 0 : i32
      %dma_start3A_803 = tpu.memref_slice %arg4[%add3A_701, %dma_start3A_793, %add3A, %dma_start3A_801, %dma_start3A_802] : memref<50x8x32x8x128xf32, #tpu.memory_space<hbm>> -> memref<1x1x1x8x128xf32, #tpu.memory_space<hbm>>
      %dma_start3A_804 = tpu.memref_squeeze %dma_start3A_803 : memref<1x1x1x8x128xf32, #tpu.memory_space<hbm>> -> memref<8x128xf32, #tpu.memory_space<hbm>>
      %dma_start3A_805 = arith.constant 40 : i32
      %dma_start3A_806 = arith.constant 0 : i32
      %dma_start3A_807 = tpu.memref_slice %arg11[%dma_start3A_805, %dma_start3A_806] : memref<64x129xf32, #tpu.memory_space<vmem>> -> memref<8x128xf32, #tpu.memory_space<vmem>>
      tpu.enqueue_dma source(%dma_start3A_807 : memref<8x128xf32, #tpu.memory_space<vmem>>) target(%dma_start3A_804 : memref<8x128xf32, #tpu.memory_space<hbm>>) target_semaphore(%arg21 : memref<!tpu.dma_semaphore, #tpu.memory_space<semaphore_mem>>)
      %dma_start3A_808 = arith.constant 6 : i32
      %dma_start3A_809 = arith.constant 48 : i32
      %dma_start3A_810 = arith.constant 0 : i32
      %dma_start3A_811 = tpu.memref_slice %arg11[%dma_start3A_809, %dma_start3A_810] : memref<64x129xf32, #tpu.memory_space<vmem>> -> memref<8x128xf32, #tpu.memory_space<vmem>>
      %dma_start3A_812 = arith.constant 0 : i32
      %dma_start3A_813 = arith.constant 0 : i32
      %dma_start3A_814 = tpu.memref_slice %arg4[%add3A_701, %dma_start3A_808, %add3A, %dma_start3A_812, %dma_start3A_813] : memref<50x8x32x8x128xf32, #tpu.memory_space<hbm>> -> memref<1x1x1x8x128xf32, #tpu.memory_space<hbm>>
      %dma_start3A_815 = tpu.memref_squeeze %dma_start3A_814 : memref<1x1x1x8x128xf32, #tpu.memory_space<hbm>> -> memref<8x128xf32, #tpu.memory_space<hbm>>
      %dma_start3A_816 = arith.constant 0 : i32
      %dma_start3A_817 = arith.constant 0 : i32
      %dma_start3A_818 = tpu.memref_slice %arg4[%add3A_701, %dma_start3A_808, %add3A, %dma_start3A_816, %dma_start3A_817] : memref<50x8x32x8x128xf32, #tpu.memory_space<hbm>> -> memref<1x1x1x8x128xf32, #tpu.memory_space<hbm>>
      %dma_start3A_819 = tpu.memref_squeeze %dma_start3A_818 : memref<1x1x1x8x128xf32, #tpu.memory_space<hbm>> -> memref<8x128xf32, #tpu.memory_space<hbm>>
      %dma_start3A_820 = arith.constant 48 : i32
      %dma_start3A_821 = arith.constant 0 : i32
      %dma_start3A_822 = tpu.memref_slice %arg11[%dma_start3A_820, %dma_start3A_821] : memref<64x129xf32, #tpu.memory_space<vmem>> -> memref<8x128xf32, #tpu.memory_space<vmem>>
      tpu.enqueue_dma source(%dma_start3A_822 : memref<8x128xf32, #tpu.memory_space<vmem>>) target(%dma_start3A_819 : memref<8x128xf32, #tpu.memory_space<hbm>>) target_semaphore(%arg21 : memref<!tpu.dma_semaphore, #tpu.memory_space<semaphore_mem>>)
      %dma_start3A_823 = arith.constant 7 : i32
      %dma_start3A_824 = arith.constant 56 : i32
      %dma_start3A_825 = arith.constant 0 : i32
      %dma_start3A_826 = tpu.memref_slice %arg11[%dma_start3A_824, %dma_start3A_825] : memref<64x129xf32, #tpu.memory_space<vmem>> -> memref<8x128xf32, #tpu.memory_space<vmem>>
      %dma_start3A_827 = arith.constant 0 : i32
      %dma_start3A_828 = arith.constant 0 : i32
      %dma_start3A_829 = tpu.memref_slice %arg4[%add3A_701, %dma_start3A_823, %add3A, %dma_start3A_827, %dma_start3A_828] : memref<50x8x32x8x128xf32, #tpu.memory_space<hbm>> -> memref<1x1x1x8x128xf32, #tpu.memory_space<hbm>>
      %dma_start3A_830 = tpu.memref_squeeze %dma_start3A_829 : memref<1x1x1x8x128xf32, #tpu.memory_space<hbm>> -> memref<8x128xf32, #tpu.memory_space<hbm>>
      %dma_start3A_831 = arith.constant 0 : i32
      %dma_start3A_832 = arith.constant 0 : i32
      %dma_start3A_833 = tpu.memref_slice %arg4[%add3A_701, %dma_start3A_823, %add3A, %dma_start3A_831, %dma_start3A_832] : memref<50x8x32x8x128xf32, #tpu.memory_space<hbm>> -> memref<1x1x1x8x128xf32, #tpu.memory_space<hbm>>
      %dma_start3A_834 = tpu.memref_squeeze %dma_start3A_833 : memref<1x1x1x8x128xf32, #tpu.memory_space<hbm>> -> memref<8x128xf32, #tpu.memory_space<hbm>>
      %dma_start3A_835 = arith.constant 56 : i32
      %dma_start3A_836 = arith.constant 0 : i32
      %dma_start3A_837 = tpu.memref_slice %arg11[%dma_start3A_835, %dma_start3A_836] : memref<64x129xf32, #tpu.memory_space<vmem>> -> memref<8x128xf32, #tpu.memory_space<vmem>>
      tpu.enqueue_dma source(%dma_start3A_837 : memref<8x128xf32, #tpu.memory_space<vmem>>) target(%dma_start3A_834 : memref<8x128xf32, #tpu.memory_space<hbm>>) target_semaphore(%arg21 : memref<!tpu.dma_semaphore, #tpu.memory_space<semaphore_mem>>)
      %add3A_838 = arith.constant 1 : i32
      %add3A_839 = arith.addi %add3A_699, %add3A_838 : i32
      %dma_wait3A_840 = arith.constant 0 : i32
      %dma_wait3A_841 = tpu.memref_slice %arg5[%add3A_839, %dma_wait3A_840] : memref<50x128xi32, #tpu.memory_space<vmem>> -> memref<1x128xi32, #tpu.memory_space<vmem>>
      %dma_wait3A_842 = tpu.memref_squeeze %dma_wait3A_841 : memref<1x128xi32, #tpu.memory_space<vmem>> -> memref<128xi32, #tpu.memory_space<vmem>>
      %dma_wait3A_843 = arith.constant 0 : i32
      %dma_wait3A_844 = arith.constant 0 : i32
      %dma_wait3A_845 = tpu.memref_slice %arg3[%dma_wait3A_843, %dma_wait3A_844] : memref<100000x64xf32, #tpu.memory_space<hbm>> -> memref<100000x64xf32, #tpu.memory_space<hbm>>
      tpu.wait_indirect_dma semaphore(%arg17 : memref<!tpu.dma_semaphore, #tpu.memory_space<semaphore_mem>>) src(%dma_wait3A_845 : memref<100000x64xf32, #tpu.memory_space<hbm>>) dst(%arg7 : memref<128x64xf32, #tpu.memory_space<vmem>>)
      %ge3A_846 = arith.constant 5 : i32
      %ge3A_847 = arith.cmpi sge, %add3A_839, %ge3A_846 : i32
      %convert_element_type3A_848 = arith.extui %ge3A_847 : i1 to i32
      %cond3A_849 = arith.constant 0 : i32
      %cond3A_850 = arith.cmpi ne, %convert_element_type3A_848, %cond3A_849 : i32
      scf.if %cond3A_850 {
        %sub3A = arith.constant 5 : i32
        %sub3A_1410 = arith.subi %add3A_839, %sub3A : i32
        %dma_wait3A_1411 = arith.constant 0 : i32
        %dma_wait3A_1412 = arith.constant 0 : i32
        %dma_wait3A_1413 = arith.constant 0 : i32
        %dma_wait3A_1414 = tpu.memref_slice %arg12[%dma_wait3A_1412, %dma_wait3A_1413] : memref<64x129xf32, #tpu.memory_space<vmem>> -> memref<8x128xf32, #tpu.memory_space<vmem>>
        %dma_wait3A_1415 = arith.constant 0 : i32
        %dma_wait3A_1416 = arith.constant 0 : i32
        %dma_wait3A_1417 = tpu.memref_slice %arg4[%sub3A_1410, %dma_wait3A_1411, %add3A, %dma_wait3A_1415, %dma_wait3A_1416] : memref<50x8x32x8x128xf32, #tpu.memory_space<hbm>> -> memref<1x1x1x8x128xf32, #tpu.memory_space<hbm>>
        %dma_wait3A_1418 = tpu.memref_squeeze %dma_wait3A_1417 : memref<1x1x1x8x128xf32, #tpu.memory_space<hbm>> -> memref<8x128xf32, #tpu.memory_space<hbm>>
        %dma_wait3A_1419 = arith.constant 0 : i32
        %dma_wait3A_1420 = arith.constant 0 : i32
        %dma_wait3A_1421 = tpu.memref_slice %arg4[%sub3A_1410, %dma_wait3A_1411, %add3A, %dma_wait3A_1419, %dma_wait3A_1420] : memref<50x8x32x8x128xf32, #tpu.memory_space<hbm>> -> memref<1x1x1x8x128xf32, #tpu.memory_space<hbm>>
        %dma_wait3A_1422 = tpu.memref_squeeze %dma_wait3A_1421 : memref<1x1x1x8x128xf32, #tpu.memory_space<hbm>> -> memref<8x128xf32, #tpu.memory_space<hbm>>
        %dma_wait3A_1423 = arith.constant 0 : i32
        %dma_wait3A_1424 = arith.constant 0 : i32
        %dma_wait3A_1425 = tpu.memref_slice %arg12[%dma_wait3A_1423, %dma_wait3A_1424] : memref<64x129xf32, #tpu.memory_space<vmem>> -> memref<8x128xf32, #tpu.memory_space<vmem>>
        tpu.wait_dma2 semaphore(%arg22 : memref<!tpu.dma_semaphore, #tpu.memory_space<semaphore_mem>>) src(%dma_wait3A_1425 : memref<8x128xf32, #tpu.memory_space<vmem>>) dst(%dma_wait3A_1422 : memref<8x128xf32, #tpu.memory_space<hbm>>)
        %dma_wait3A_1426 = arith.constant 1 : i32
        %dma_wait3A_1427 = arith.constant 8 : i32
        %dma_wait3A_1428 = arith.constant 0 : i32
        %dma_wait3A_1429 = tpu.memref_slice %arg12[%dma_wait3A_1427, %dma_wait3A_1428] : memref<64x129xf32, #tpu.memory_space<vmem>> -> memref<8x128xf32, #tpu.memory_space<vmem>>
        %dma_wait3A_1430 = arith.constant 0 : i32
        %dma_wait3A_1431 = arith.constant 0 : i32
        %dma_wait3A_1432 = tpu.memref_slice %arg4[%sub3A_1410, %dma_wait3A_1426, %add3A, %dma_wait3A_1430, %dma_wait3A_1431] : memref<50x8x32x8x128xf32, #tpu.memory_space<hbm>> -> memref<1x1x1x8x128xf32, #tpu.memory_space<hbm>>
        %dma_wait3A_1433 = tpu.memref_squeeze %dma_wait3A_1432 : memref<1x1x1x8x128xf32, #tpu.memory_space<hbm>> -> memref<8x128xf32, #tpu.memory_space<hbm>>
        %dma_wait3A_1434 = arith.constant 0 : i32
        %dma_wait3A_1435 = arith.constant 0 : i32
        %dma_wait3A_1436 = tpu.memref_slice %arg4[%sub3A_1410, %dma_wait3A_1426, %add3A, %dma_wait3A_1434, %dma_wait3A_1435] : memref<50x8x32x8x128xf32, #tpu.memory_space<hbm>> -> memref<1x1x1x8x128xf32, #tpu.memory_space<hbm>>
        %dma_wait3A_1437 = tpu.memref_squeeze %dma_wait3A_1436 : memref<1x1x1x8x128xf32, #tpu.memory_space<hbm>> -> memref<8x128xf32, #tpu.memory_space<hbm>>
        %dma_wait3A_1438 = arith.constant 8 : i32
        %dma_wait3A_1439 = arith.constant 0 : i32
        %dma_wait3A_1440 = tpu.memref_slice %arg12[%dma_wait3A_1438, %dma_wait3A_1439] : memref<64x129xf32, #tpu.memory_space<vmem>> -> memref<8x128xf32, #tpu.memory_space<vmem>>
        tpu.wait_dma2 semaphore(%arg22 : memref<!tpu.dma_semaphore, #tpu.memory_space<semaphore_mem>>) src(%dma_wait3A_1440 : memref<8x128xf32, #tpu.memory_space<vmem>>) dst(%dma_wait3A_1437 : memref<8x128xf32, #tpu.memory_space<hbm>>)
        %dma_wait3A_1441 = arith.constant 2 : i32
        %dma_wait3A_1442 = arith.constant 16 : i32
        %dma_wait3A_1443 = arith.constant 0 : i32
        %dma_wait3A_1444 = tpu.memref_slice %arg12[%dma_wait3A_1442, %dma_wait3A_1443] : memref<64x129xf32, #tpu.memory_space<vmem>> -> memref<8x128xf32, #tpu.memory_space<vmem>>
        %dma_wait3A_1445 = arith.constant 0 : i32
        %dma_wait3A_1446 = arith.constant 0 : i32
        %dma_wait3A_1447 = tpu.memref_slice %arg4[%sub3A_1410, %dma_wait3A_1441, %add3A, %dma_wait3A_1445, %dma_wait3A_1446] : memref<50x8x32x8x128xf32, #tpu.memory_space<hbm>> -> memref<1x1x1x8x128xf32, #tpu.memory_space<hbm>>
        %dma_wait3A_1448 = tpu.memref_squeeze %dma_wait3A_1447 : memref<1x1x1x8x128xf32, #tpu.memory_space<hbm>> -> memref<8x128xf32, #tpu.memory_space<hbm>>
        %dma_wait3A_1449 = arith.constant 0 : i32
        %dma_wait3A_1450 = arith.constant 0 : i32
        %dma_wait3A_1451 = tpu.memref_slice %arg4[%sub3A_1410, %dma_wait3A_1441, %add3A, %dma_wait3A_1449, %dma_wait3A_1450] : memref<50x8x32x8x128xf32, #tpu.memory_space<hbm>> -> memref<1x1x1x8x128xf32, #tpu.memory_space<hbm>>
        %dma_wait3A_1452 = tpu.memref_squeeze %dma_wait3A_1451 : memref<1x1x1x8x128xf32, #tpu.memory_space<hbm>> -> memref<8x128xf32, #tpu.memory_space<hbm>>
        %dma_wait3A_1453 = arith.constant 16 : i32
        %dma_wait3A_1454 = arith.constant 0 : i32
        %dma_wait3A_1455 = tpu.memref_slice %arg12[%dma_wait3A_1453, %dma_wait3A_1454] : memref<64x129xf32, #tpu.memory_space<vmem>> -> memref<8x128xf32, #tpu.memory_space<vmem>>
        tpu.wait_dma2 semaphore(%arg22 : memref<!tpu.dma_semaphore, #tpu.memory_space<semaphore_mem>>) src(%dma_wait3A_1455 : memref<8x128xf32, #tpu.memory_space<vmem>>) dst(%dma_wait3A_1452 : memref<8x128xf32, #tpu.memory_space<hbm>>)
        %dma_wait3A_1456 = arith.constant 3 : i32
        %dma_wait3A_1457 = arith.constant 24 : i32
        %dma_wait3A_1458 = arith.constant 0 : i32
        %dma_wait3A_1459 = tpu.memref_slice %arg12[%dma_wait3A_1457, %dma_wait3A_1458] : memref<64x129xf32, #tpu.memory_space<vmem>> -> memref<8x128xf32, #tpu.memory_space<vmem>>
        %dma_wait3A_1460 = arith.constant 0 : i32
        %dma_wait3A_1461 = arith.constant 0 : i32
        %dma_wait3A_1462 = tpu.memref_slice %arg4[%sub3A_1410, %dma_wait3A_1456, %add3A, %dma_wait3A_1460, %dma_wait3A_1461] : memref<50x8x32x8x128xf32, #tpu.memory_space<hbm>> -> memref<1x1x1x8x128xf32, #tpu.memory_space<hbm>>
        %dma_wait3A_1463 = tpu.memref_squeeze %dma_wait3A_1462 : memref<1x1x1x8x128xf32, #tpu.memory_space<hbm>> -> memref<8x128xf32, #tpu.memory_space<hbm>>
        %dma_wait3A_1464 = arith.constant 0 : i32
        %dma_wait3A_1465 = arith.constant 0 : i32
        %dma_wait3A_1466 = tpu.memref_slice %arg4[%sub3A_1410, %dma_wait3A_1456, %add3A, %dma_wait3A_1464, %dma_wait3A_1465] : memref<50x8x32x8x128xf32, #tpu.memory_space<hbm>> -> memref<1x1x1x8x128xf32, #tpu.memory_space<hbm>>
        %dma_wait3A_1467 = tpu.memref_squeeze %dma_wait3A_1466 : memref<1x1x1x8x128xf32, #tpu.memory_space<hbm>> -> memref<8x128xf32, #tpu.memory_space<hbm>>
        %dma_wait3A_1468 = arith.constant 24 : i32
        %dma_wait3A_1469 = arith.constant 0 : i32
        %dma_wait3A_1470 = tpu.memref_slice %arg12[%dma_wait3A_1468, %dma_wait3A_1469] : memref<64x129xf32, #tpu.memory_space<vmem>> -> memref<8x128xf32, #tpu.memory_space<vmem>>
        tpu.wait_dma2 semaphore(%arg22 : memref<!tpu.dma_semaphore, #tpu.memory_space<semaphore_mem>>) src(%dma_wait3A_1470 : memref<8x128xf32, #tpu.memory_space<vmem>>) dst(%dma_wait3A_1467 : memref<8x128xf32, #tpu.memory_space<hbm>>)
        %dma_wait3A_1471 = arith.constant 4 : i32
        %dma_wait3A_1472 = arith.constant 32 : i32
        %dma_wait3A_1473 = arith.constant 0 : i32
        %dma_wait3A_1474 = tpu.memref_slice %arg12[%dma_wait3A_1472, %dma_wait3A_1473] : memref<64x129xf32, #tpu.memory_space<vmem>> -> memref<8x128xf32, #tpu.memory_space<vmem>>
        %dma_wait3A_1475 = arith.constant 0 : i32
        %dma_wait3A_1476 = arith.constant 0 : i32
        %dma_wait3A_1477 = tpu.memref_slice %arg4[%sub3A_1410, %dma_wait3A_1471, %add3A, %dma_wait3A_1475, %dma_wait3A_1476] : memref<50x8x32x8x128xf32, #tpu.memory_space<hbm>> -> memref<1x1x1x8x128xf32, #tpu.memory_space<hbm>>
        %dma_wait3A_1478 = tpu.memref_squeeze %dma_wait3A_1477 : memref<1x1x1x8x128xf32, #tpu.memory_space<hbm>> -> memref<8x128xf32, #tpu.memory_space<hbm>>
        %dma_wait3A_1479 = arith.constant 0 : i32
        %dma_wait3A_1480 = arith.constant 0 : i32
        %dma_wait3A_1481 = tpu.memref_slice %arg4[%sub3A_1410, %dma_wait3A_1471, %add3A, %dma_wait3A_1479, %dma_wait3A_1480] : memref<50x8x32x8x128xf32, #tpu.memory_space<hbm>> -> memref<1x1x1x8x128xf32, #tpu.memory_space<hbm>>
        %dma_wait3A_1482 = tpu.memref_squeeze %dma_wait3A_1481 : memref<1x1x1x8x128xf32, #tpu.memory_space<hbm>> -> memref<8x128xf32, #tpu.memory_space<hbm>>
        %dma_wait3A_1483 = arith.constant 32 : i32
        %dma_wait3A_1484 = arith.constant 0 : i32
        %dma_wait3A_1485 = tpu.memref_slice %arg12[%dma_wait3A_1483, %dma_wait3A_1484] : memref<64x129xf32, #tpu.memory_space<vmem>> -> memref<8x128xf32, #tpu.memory_space<vmem>>
        tpu.wait_dma2 semaphore(%arg22 : memref<!tpu.dma_semaphore, #tpu.memory_space<semaphore_mem>>) src(%dma_wait3A_1485 : memref<8x128xf32, #tpu.memory_space<vmem>>) dst(%dma_wait3A_1482 : memref<8x128xf32, #tpu.memory_space<hbm>>)
        %dma_wait3A_1486 = arith.constant 5 : i32
        %dma_wait3A_1487 = arith.constant 40 : i32
        %dma_wait3A_1488 = arith.constant 0 : i32
        %dma_wait3A_1489 = tpu.memref_slice %arg12[%dma_wait3A_1487, %dma_wait3A_1488] : memref<64x129xf32, #tpu.memory_space<vmem>> -> memref<8x128xf32, #tpu.memory_space<vmem>>
        %dma_wait3A_1490 = arith.constant 0 : i32
        %dma_wait3A_1491 = arith.constant 0 : i32
        %dma_wait3A_1492 = tpu.memref_slice %arg4[%sub3A_1410, %dma_wait3A_1486, %add3A, %dma_wait3A_1490, %dma_wait3A_1491] : memref<50x8x32x8x128xf32, #tpu.memory_space<hbm>> -> memref<1x1x1x8x128xf32, #tpu.memory_space<hbm>>
        %dma_wait3A_1493 = tpu.memref_squeeze %dma_wait3A_1492 : memref<1x1x1x8x128xf32, #tpu.memory_space<hbm>> -> memref<8x128xf32, #tpu.memory_space<hbm>>
        %dma_wait3A_1494 = arith.constant 0 : i32
        %dma_wait3A_1495 = arith.constant 0 : i32
        %dma_wait3A_1496 = tpu.memref_slice %arg4[%sub3A_1410, %dma_wait3A_1486, %add3A, %dma_wait3A_1494, %dma_wait3A_1495] : memref<50x8x32x8x128xf32, #tpu.memory_space<hbm>> -> memref<1x1x1x8x128xf32, #tpu.memory_space<hbm>>
        %dma_wait3A_1497 = tpu.memref_squeeze %dma_wait3A_1496 : memref<1x1x1x8x128xf32, #tpu.memory_space<hbm>> -> memref<8x128xf32, #tpu.memory_space<hbm>>
        %dma_wait3A_1498 = arith.constant 40 : i32
        %dma_wait3A_1499 = arith.constant 0 : i32
        %dma_wait3A_1500 = tpu.memref_slice %arg12[%dma_wait3A_1498, %dma_wait3A_1499] : memref<64x129xf32, #tpu.memory_space<vmem>> -> memref<8x128xf32, #tpu.memory_space<vmem>>
        tpu.wait_dma2 semaphore(%arg22 : memref<!tpu.dma_semaphore, #tpu.memory_space<semaphore_mem>>) src(%dma_wait3A_1500 : memref<8x128xf32, #tpu.memory_space<vmem>>) dst(%dma_wait3A_1497 : memref<8x128xf32, #tpu.memory_space<hbm>>)
        %dma_wait3A_1501 = arith.constant 6 : i32
        %dma_wait3A_1502 = arith.constant 48 : i32
        %dma_wait3A_1503 = arith.constant 0 : i32
        %dma_wait3A_1504 = tpu.memref_slice %arg12[%dma_wait3A_1502, %dma_wait3A_1503] : memref<64x129xf32, #tpu.memory_space<vmem>> -> memref<8x128xf32, #tpu.memory_space<vmem>>
        %dma_wait3A_1505 = arith.constant 0 : i32
        %dma_wait3A_1506 = arith.constant 0 : i32
        %dma_wait3A_1507 = tpu.memref_slice %arg4[%sub3A_1410, %dma_wait3A_1501, %add3A, %dma_wait3A_1505, %dma_wait3A_1506] : memref<50x8x32x8x128xf32, #tpu.memory_space<hbm>> -> memref<1x1x1x8x128xf32, #tpu.memory_space<hbm>>
        %dma_wait3A_1508 = tpu.memref_squeeze %dma_wait3A_1507 : memref<1x1x1x8x128xf32, #tpu.memory_space<hbm>> -> memref<8x128xf32, #tpu.memory_space<hbm>>
        %dma_wait3A_1509 = arith.constant 0 : i32
        %dma_wait3A_1510 = arith.constant 0 : i32
        %dma_wait3A_1511 = tpu.memref_slice %arg4[%sub3A_1410, %dma_wait3A_1501, %add3A, %dma_wait3A_1509, %dma_wait3A_1510] : memref<50x8x32x8x128xf32, #tpu.memory_space<hbm>> -> memref<1x1x1x8x128xf32, #tpu.memory_space<hbm>>
        %dma_wait3A_1512 = tpu.memref_squeeze %dma_wait3A_1511 : memref<1x1x1x8x128xf32, #tpu.memory_space<hbm>> -> memref<8x128xf32, #tpu.memory_space<hbm>>
        %dma_wait3A_1513 = arith.constant 48 : i32
        %dma_wait3A_1514 = arith.constant 0 : i32
        %dma_wait3A_1515 = tpu.memref_slice %arg12[%dma_wait3A_1513, %dma_wait3A_1514] : memref<64x129xf32, #tpu.memory_space<vmem>> -> memref<8x128xf32, #tpu.memory_space<vmem>>
        tpu.wait_dma2 semaphore(%arg22 : memref<!tpu.dma_semaphore, #tpu.memory_space<semaphore_mem>>) src(%dma_wait3A_1515 : memref<8x128xf32, #tpu.memory_space<vmem>>) dst(%dma_wait3A_1512 : memref<8x128xf32, #tpu.memory_space<hbm>>)
        %dma_wait3A_1516 = arith.constant 7 : i32
        %dma_wait3A_1517 = arith.constant 56 : i32
        %dma_wait3A_1518 = arith.constant 0 : i32
        %dma_wait3A_1519 = tpu.memref_slice %arg12[%dma_wait3A_1517, %dma_wait3A_1518] : memref<64x129xf32, #tpu.memory_space<vmem>> -> memref<8x128xf32, #tpu.memory_space<vmem>>
        %dma_wait3A_1520 = arith.constant 0 : i32
        %dma_wait3A_1521 = arith.constant 0 : i32
        %dma_wait3A_1522 = tpu.memref_slice %arg4[%sub3A_1410, %dma_wait3A_1516, %add3A, %dma_wait3A_1520, %dma_wait3A_1521] : memref<50x8x32x8x128xf32, #tpu.memory_space<hbm>> -> memref<1x1x1x8x128xf32, #tpu.memory_space<hbm>>
        %dma_wait3A_1523 = tpu.memref_squeeze %dma_wait3A_1522 : memref<1x1x1x8x128xf32, #tpu.memory_space<hbm>> -> memref<8x128xf32, #tpu.memory_space<hbm>>
        %dma_wait3A_1524 = arith.constant 0 : i32
        %dma_wait3A_1525 = arith.constant 0 : i32
        %dma_wait3A_1526 = tpu.memref_slice %arg4[%sub3A_1410, %dma_wait3A_1516, %add3A, %dma_wait3A_1524, %dma_wait3A_1525] : memref<50x8x32x8x128xf32, #tpu.memory_space<hbm>> -> memref<1x1x1x8x128xf32, #tpu.memory_space<hbm>>
        %dma_wait3A_1527 = tpu.memref_squeeze %dma_wait3A_1526 : memref<1x1x1x8x128xf32, #tpu.memory_space<hbm>> -> memref<8x128xf32, #tpu.memory_space<hbm>>
        %dma_wait3A_1528 = arith.constant 56 : i32
        %dma_wait3A_1529 = arith.constant 0 : i32
        %dma_wait3A_1530 = tpu.memref_slice %arg12[%dma_wait3A_1528, %dma_wait3A_1529] : memref<64x129xf32, #tpu.memory_space<vmem>> -> memref<8x128xf32, #tpu.memory_space<vmem>>
        tpu.wait_dma2 semaphore(%arg22 : memref<!tpu.dma_semaphore, #tpu.memory_space<semaphore_mem>>) src(%dma_wait3A_1530 : memref<8x128xf32, #tpu.memory_space<vmem>>) dst(%dma_wait3A_1527 : memref<8x128xf32, #tpu.memory_space<hbm>>)
      } else {
      }
      %parallel_loop3A_851 = arith.constant 0 : i32
      %parallel_loop3A_852 = arith.constant 128 : i32
      %parallel_loop3A_853 = arith.constant 1 : i32
      scf.for %parallel_loop3A_1410 = %parallel_loop3A_851 to %parallel_loop3A_852 step %parallel_loop3A_853  : i32 {
        %parallel_loop3A_1411 = vector.broadcast %parallel_loop3A_1410 : i32 to vector<16xi32>
        %parallel_loop3A_1412 = arith.addi %mul3A_17, %parallel_loop3A_1411 : vector<16xi32>
        %parallel_loop3A_1413 = arith.index_cast %parallel_loop3A_1410 : i32 to index
        %parallel_loop3A_1414 = arith.constant 0 : index
        %parallel_loop3A_1415 = tpu.vector_load %arg7[%parallel_loop3A_1413, %parallel_loop3A_1414] {strides = array<i32>} : memref<128x64xf32, #tpu.memory_space<vmem>>, vector<16xf32>,
        tpu.vector_store_idx %arg12[%add3A_5, %parallel_loop3A_1412], %parallel_loop3A_1415 : memref<64x129xf32, #tpu.memory_space<vmem>>[vector<16xi32>, vector<16xi32>], vector<16xf32>,
        %parallel_loop3A_1416 = arith.index_cast %parallel_loop3A_1410 : i32 to index
        %parallel_loop3A_1417 = arith.constant 16 : index
        %parallel_loop3A_1418 = tpu.vector_load %arg7[%parallel_loop3A_1416, %parallel_loop3A_1417] {strides = array<i32>} : memref<128x64xf32, #tpu.memory_space<vmem>>, vector<16xf32>,
        tpu.vector_store_idx %arg12[%add3A_8, %parallel_loop3A_1412], %parallel_loop3A_1418 : memref<64x129xf32, #tpu.memory_space<vmem>>[vector<16xi32>, vector<16xi32>], vector<16xf32>,
        %parallel_loop3A_1419 = arith.index_cast %parallel_loop3A_1410 : i32 to index
        %parallel_loop3A_1420 = arith.constant 32 : index
        %parallel_loop3A_1421 = tpu.vector_load %arg7[%parallel_loop3A_1419, %parallel_loop3A_1420] {strides = array<i32>} : memref<128x64xf32, #tpu.memory_space<vmem>>, vector<16xf32>,
        tpu.vector_store_idx %arg12[%add3A_11, %parallel_loop3A_1412], %parallel_loop3A_1421 : memref<64x129xf32, #tpu.memory_space<vmem>>[vector<16xi32>, vector<16xi32>], vector<16xf32>,
        %parallel_loop3A_1422 = arith.index_cast %parallel_loop3A_1410 : i32 to index
        %parallel_loop3A_1423 = arith.constant 48 : index
        %parallel_loop3A_1424 = tpu.vector_load %arg7[%parallel_loop3A_1422, %parallel_loop3A_1423] {strides = array<i32>} : memref<128x64xf32, #tpu.memory_space<vmem>>, vector<16xf32>,
        tpu.vector_store_idx %arg12[%add3A_14, %parallel_loop3A_1412], %parallel_loop3A_1424 : memref<64x129xf32, #tpu.memory_space<vmem>>[vector<16xi32>, vector<16xi32>], vector<16xf32>,
      } {sc.loop_unroll_factor = 4 : i64, sc.parallel_access}
      %add3A_854 = arith.constant 5 : i32
      %add3A_855 = arith.addi %add3A_839, %add3A_854 : i32
      %lt3A_856 = arith.constant 50 : i32
      %lt3A_857 = arith.cmpi slt, %add3A_855, %lt3A_856 : i32
      %convert_element_type3A_858 = arith.extui %lt3A_857 : i1 to i32
      %cond3A_859 = arith.constant 0 : i32
      %cond3A_860 = arith.cmpi ne, %convert_element_type3A_858, %cond3A_859 : i32
      scf.if %cond3A_860 {
        %add3A_1410 = arith.constant 5 : i32
        %add3A_1411 = arith.addi %add3A_839, %add3A_1410 : i32
        %dma_start3A_1412 = arith.constant 0 : i32
        %dma_start3A_1413 = tpu.memref_slice %arg5[%add3A_1411, %dma_start3A_1412] : memref<50x128xi32, #tpu.memory_space<vmem>> -> memref<1x128xi32, #tpu.memory_space<vmem>>
        %dma_start3A_1414 = tpu.memref_squeeze %dma_start3A_1413 : memref<1x128xi32, #tpu.memory_space<vmem>> -> memref<128xi32, #tpu.memory_space<vmem>>
        %dma_start3A_1415 = arith.constant 0 : i32
        %dma_start3A_1416 = arith.constant 0 : i32
        %dma_start3A_1417 = tpu.memref_slice %arg3[%dma_start3A_1415, %dma_start3A_1416] : memref<100000x64xf32, #tpu.memory_space<hbm>> -> memref<100000x64xf32, #tpu.memory_space<hbm>>
        tpu.enqueue_indirect_dma source(%dma_start3A_1417 : memref<100000x64xf32, #tpu.memory_space<hbm>>) target(%arg7 : memref<128x64xf32, #tpu.memory_space<vmem>>) offsets(%dma_start3A_1414 : memref<128xi32, #tpu.memory_space<vmem>>) semaphore(%arg17 : memref<!tpu.dma_semaphore, #tpu.memory_space<semaphore_mem>>)
      } else {
      }
      %dma_start3A_861 = arith.constant 0 : i32
      %dma_start3A_862 = arith.constant 0 : i32
      %dma_start3A_863 = arith.constant 0 : i32
      %dma_start3A_864 = tpu.memref_slice %arg12[%dma_start3A_862, %dma_start3A_863] : memref<64x129xf32, #tpu.memory_space<vmem>> -> memref<8x128xf32, #tpu.memory_space<vmem>>
      %dma_start3A_865 = arith.constant 0 : i32
      %dma_start3A_866 = arith.constant 0 : i32
      %dma_start3A_867 = tpu.memref_slice %arg4[%add3A_839, %dma_start3A_861, %add3A, %dma_start3A_865, %dma_start3A_866] : memref<50x8x32x8x128xf32, #tpu.memory_space<hbm>> -> memref<1x1x1x8x128xf32, #tpu.memory_space<hbm>>
      %dma_start3A_868 = tpu.memref_squeeze %dma_start3A_867 : memref<1x1x1x8x128xf32, #tpu.memory_space<hbm>> -> memref<8x128xf32, #tpu.memory_space<hbm>>
      %dma_start3A_869 = arith.constant 0 : i32
      %dma_start3A_870 = arith.constant 0 : i32
      %dma_start3A_871 = tpu.memref_slice %arg4[%add3A_839, %dma_start3A_861, %add3A, %dma_start3A_869, %dma_start3A_870] : memref<50x8x32x8x128xf32, #tpu.memory_space<hbm>> -> memref<1x1x1x8x128xf32, #tpu.memory_space<hbm>>
      %dma_start3A_872 = tpu.memref_squeeze %dma_start3A_871 : memref<1x1x1x8x128xf32, #tpu.memory_space<hbm>> -> memref<8x128xf32, #tpu.memory_space<hbm>>
      %dma_start3A_873 = arith.constant 0 : i32
      %dma_start3A_874 = arith.constant 0 : i32
      %dma_start3A_875 = tpu.memref_slice %arg12[%dma_start3A_873, %dma_start3A_874] : memref<64x129xf32, #tpu.memory_space<vmem>> -> memref<8x128xf32, #tpu.memory_space<vmem>>
      tpu.enqueue_dma source(%dma_start3A_875 : memref<8x128xf32, #tpu.memory_space<vmem>>) target(%dma_start3A_872 : memref<8x128xf32, #tpu.memory_space<hbm>>) target_semaphore(%arg22 : memref<!tpu.dma_semaphore, #tpu.memory_space<semaphore_mem>>)
      %dma_start3A_876 = arith.constant 1 : i32
      %dma_start3A_877 = arith.constant 8 : i32
      %dma_start3A_878 = arith.constant 0 : i32
      %dma_start3A_879 = tpu.memref_slice %arg12[%dma_start3A_877, %dma_start3A_878] : memref<64x129xf32, #tpu.memory_space<vmem>> -> memref<8x128xf32, #tpu.memory_space<vmem>>
      %dma_start3A_880 = arith.constant 0 : i32
      %dma_start3A_881 = arith.constant 0 : i32
      %dma_start3A_882 = tpu.memref_slice %arg4[%add3A_839, %dma_start3A_876, %add3A, %dma_start3A_880, %dma_start3A_881] : memref<50x8x32x8x128xf32, #tpu.memory_space<hbm>> -> memref<1x1x1x8x128xf32, #tpu.memory_space<hbm>>
      %dma_start3A_883 = tpu.memref_squeeze %dma_start3A_882 : memref<1x1x1x8x128xf32, #tpu.memory_space<hbm>> -> memref<8x128xf32, #tpu.memory_space<hbm>>
      %dma_start3A_884 = arith.constant 0 : i32
      %dma_start3A_885 = arith.constant 0 : i32
      %dma_start3A_886 = tpu.memref_slice %arg4[%add3A_839, %dma_start3A_876, %add3A, %dma_start3A_884, %dma_start3A_885] : memref<50x8x32x8x128xf32, #tpu.memory_space<hbm>> -> memref<1x1x1x8x128xf32, #tpu.memory_space<hbm>>
      %dma_start3A_887 = tpu.memref_squeeze %dma_start3A_886 : memref<1x1x1x8x128xf32, #tpu.memory_space<hbm>> -> memref<8x128xf32, #tpu.memory_space<hbm>>
      %dma_start3A_888 = arith.constant 8 : i32
      %dma_start3A_889 = arith.constant 0 : i32
      %dma_start3A_890 = tpu.memref_slice %arg12[%dma_start3A_888, %dma_start3A_889] : memref<64x129xf32, #tpu.memory_space<vmem>> -> memref<8x128xf32, #tpu.memory_space<vmem>>
      tpu.enqueue_dma source(%dma_start3A_890 : memref<8x128xf32, #tpu.memory_space<vmem>>) target(%dma_start3A_887 : memref<8x128xf32, #tpu.memory_space<hbm>>) target_semaphore(%arg22 : memref<!tpu.dma_semaphore, #tpu.memory_space<semaphore_mem>>)
      %dma_start3A_891 = arith.constant 2 : i32
      %dma_start3A_892 = arith.constant 16 : i32
      %dma_start3A_893 = arith.constant 0 : i32
      %dma_start3A_894 = tpu.memref_slice %arg12[%dma_start3A_892, %dma_start3A_893] : memref<64x129xf32, #tpu.memory_space<vmem>> -> memref<8x128xf32, #tpu.memory_space<vmem>>
      %dma_start3A_895 = arith.constant 0 : i32
      %dma_start3A_896 = arith.constant 0 : i32
      %dma_start3A_897 = tpu.memref_slice %arg4[%add3A_839, %dma_start3A_891, %add3A, %dma_start3A_895, %dma_start3A_896] : memref<50x8x32x8x128xf32, #tpu.memory_space<hbm>> -> memref<1x1x1x8x128xf32, #tpu.memory_space<hbm>>
      %dma_start3A_898 = tpu.memref_squeeze %dma_start3A_897 : memref<1x1x1x8x128xf32, #tpu.memory_space<hbm>> -> memref<8x128xf32, #tpu.memory_space<hbm>>
      %dma_start3A_899 = arith.constant 0 : i32
      %dma_start3A_900 = arith.constant 0 : i32
      %dma_start3A_901 = tpu.memref_slice %arg4[%add3A_839, %dma_start3A_891, %add3A, %dma_start3A_899, %dma_start3A_900] : memref<50x8x32x8x128xf32, #tpu.memory_space<hbm>> -> memref<1x1x1x8x128xf32, #tpu.memory_space<hbm>>
      %dma_start3A_902 = tpu.memref_squeeze %dma_start3A_901 : memref<1x1x1x8x128xf32, #tpu.memory_space<hbm>> -> memref<8x128xf32, #tpu.memory_space<hbm>>
      %dma_start3A_903 = arith.constant 16 : i32
      %dma_start3A_904 = arith.constant 0 : i32
      %dma_start3A_905 = tpu.memref_slice %arg12[%dma_start3A_903, %dma_start3A_904] : memref<64x129xf32, #tpu.memory_space<vmem>> -> memref<8x128xf32, #tpu.memory_space<vmem>>
      tpu.enqueue_dma source(%dma_start3A_905 : memref<8x128xf32, #tpu.memory_space<vmem>>) target(%dma_start3A_902 : memref<8x128xf32, #tpu.memory_space<hbm>>) target_semaphore(%arg22 : memref<!tpu.dma_semaphore, #tpu.memory_space<semaphore_mem>>)
      %dma_start3A_906 = arith.constant 3 : i32
      %dma_start3A_907 = arith.constant 24 : i32
      %dma_start3A_908 = arith.constant 0 : i32
      %dma_start3A_909 = tpu.memref_slice %arg12[%dma_start3A_907, %dma_start3A_908] : memref<64x129xf32, #tpu.memory_space<vmem>> -> memref<8x128xf32, #tpu.memory_space<vmem>>
      %dma_start3A_910 = arith.constant 0 : i32
      %dma_start3A_911 = arith.constant 0 : i32
      %dma_start3A_912 = tpu.memref_slice %arg4[%add3A_839, %dma_start3A_906, %add3A, %dma_start3A_910, %dma_start3A_911] : memref<50x8x32x8x128xf32, #tpu.memory_space<hbm>> -> memref<1x1x1x8x128xf32, #tpu.memory_space<hbm>>
      %dma_start3A_913 = tpu.memref_squeeze %dma_start3A_912 : memref<1x1x1x8x128xf32, #tpu.memory_space<hbm>> -> memref<8x128xf32, #tpu.memory_space<hbm>>
      %dma_start3A_914 = arith.constant 0 : i32
      %dma_start3A_915 = arith.constant 0 : i32
      %dma_start3A_916 = tpu.memref_slice %arg4[%add3A_839, %dma_start3A_906, %add3A, %dma_start3A_914, %dma_start3A_915] : memref<50x8x32x8x128xf32, #tpu.memory_space<hbm>> -> memref<1x1x1x8x128xf32, #tpu.memory_space<hbm>>
      %dma_start3A_917 = tpu.memref_squeeze %dma_start3A_916 : memref<1x1x1x8x128xf32, #tpu.memory_space<hbm>> -> memref<8x128xf32, #tpu.memory_space<hbm>>
      %dma_start3A_918 = arith.constant 24 : i32
      %dma_start3A_919 = arith.constant 0 : i32
      %dma_start3A_920 = tpu.memref_slice %arg12[%dma_start3A_918, %dma_start3A_919] : memref<64x129xf32, #tpu.memory_space<vmem>> -> memref<8x128xf32, #tpu.memory_space<vmem>>
      tpu.enqueue_dma source(%dma_start3A_920 : memref<8x128xf32, #tpu.memory_space<vmem>>) target(%dma_start3A_917 : memref<8x128xf32, #tpu.memory_space<hbm>>) target_semaphore(%arg22 : memref<!tpu.dma_semaphore, #tpu.memory_space<semaphore_mem>>)
      %dma_start3A_921 = arith.constant 4 : i32
      %dma_start3A_922 = arith.constant 32 : i32
      %dma_start3A_923 = arith.constant 0 : i32
      %dma_start3A_924 = tpu.memref_slice %arg12[%dma_start3A_922, %dma_start3A_923] : memref<64x129xf32, #tpu.memory_space<vmem>> -> memref<8x128xf32, #tpu.memory_space<vmem>>
      %dma_start3A_925 = arith.constant 0 : i32
      %dma_start3A_926 = arith.constant 0 : i32
      %dma_start3A_927 = tpu.memref_slice %arg4[%add3A_839, %dma_start3A_921, %add3A, %dma_start3A_925, %dma_start3A_926] : memref<50x8x32x8x128xf32, #tpu.memory_space<hbm>> -> memref<1x1x1x8x128xf32, #tpu.memory_space<hbm>>
      %dma_start3A_928 = tpu.memref_squeeze %dma_start3A_927 : memref<1x1x1x8x128xf32, #tpu.memory_space<hbm>> -> memref<8x128xf32, #tpu.memory_space<hbm>>
      %dma_start3A_929 = arith.constant 0 : i32
      %dma_start3A_930 = arith.constant 0 : i32
      %dma_start3A_931 = tpu.memref_slice %arg4[%add3A_839, %dma_start3A_921, %add3A, %dma_start3A_929, %dma_start3A_930] : memref<50x8x32x8x128xf32, #tpu.memory_space<hbm>> -> memref<1x1x1x8x128xf32, #tpu.memory_space<hbm>>
      %dma_start3A_932 = tpu.memref_squeeze %dma_start3A_931 : memref<1x1x1x8x128xf32, #tpu.memory_space<hbm>> -> memref<8x128xf32, #tpu.memory_space<hbm>>
      %dma_start3A_933 = arith.constant 32 : i32
      %dma_start3A_934 = arith.constant 0 : i32
      %dma_start3A_935 = tpu.memref_slice %arg12[%dma_start3A_933, %dma_start3A_934] : memref<64x129xf32, #tpu.memory_space<vmem>> -> memref<8x128xf32, #tpu.memory_space<vmem>>
      tpu.enqueue_dma source(%dma_start3A_935 : memref<8x128xf32, #tpu.memory_space<vmem>>) target(%dma_start3A_932 : memref<8x128xf32, #tpu.memory_space<hbm>>) target_semaphore(%arg22 : memref<!tpu.dma_semaphore, #tpu.memory_space<semaphore_mem>>)
      %dma_start3A_936 = arith.constant 5 : i32
      %dma_start3A_937 = arith.constant 40 : i32
      %dma_start3A_938 = arith.constant 0 : i32
      %dma_start3A_939 = tpu.memref_slice %arg12[%dma_start3A_937, %dma_start3A_938] : memref<64x129xf32, #tpu.memory_space<vmem>> -> memref<8x128xf32, #tpu.memory_space<vmem>>
      %dma_start3A_940 = arith.constant 0 : i32
      %dma_start3A_941 = arith.constant 0 : i32
      %dma_start3A_942 = tpu.memref_slice %arg4[%add3A_839, %dma_start3A_936, %add3A, %dma_start3A_940, %dma_start3A_941] : memref<50x8x32x8x128xf32, #tpu.memory_space<hbm>> -> memref<1x1x1x8x128xf32, #tpu.memory_space<hbm>>
      %dma_start3A_943 = tpu.memref_squeeze %dma_start3A_942 : memref<1x1x1x8x128xf32, #tpu.memory_space<hbm>> -> memref<8x128xf32, #tpu.memory_space<hbm>>
      %dma_start3A_944 = arith.constant 0 : i32
      %dma_start3A_945 = arith.constant 0 : i32
      %dma_start3A_946 = tpu.memref_slice %arg4[%add3A_839, %dma_start3A_936, %add3A, %dma_start3A_944, %dma_start3A_945] : memref<50x8x32x8x128xf32, #tpu.memory_space<hbm>> -> memref<1x1x1x8x128xf32, #tpu.memory_space<hbm>>
      %dma_start3A_947 = tpu.memref_squeeze %dma_start3A_946 : memref<1x1x1x8x128xf32, #tpu.memory_space<hbm>> -> memref<8x128xf32, #tpu.memory_space<hbm>>
      %dma_start3A_948 = arith.constant 40 : i32
      %dma_start3A_949 = arith.constant 0 : i32
      %dma_start3A_950 = tpu.memref_slice %arg12[%dma_start3A_948, %dma_start3A_949] : memref<64x129xf32, #tpu.memory_space<vmem>> -> memref<8x128xf32, #tpu.memory_space<vmem>>
      tpu.enqueue_dma source(%dma_start3A_950 : memref<8x128xf32, #tpu.memory_space<vmem>>) target(%dma_start3A_947 : memref<8x128xf32, #tpu.memory_space<hbm>>) target_semaphore(%arg22 : memref<!tpu.dma_semaphore, #tpu.memory_space<semaphore_mem>>)
      %dma_start3A_951 = arith.constant 6 : i32
      %dma_start3A_952 = arith.constant 48 : i32
      %dma_start3A_953 = arith.constant 0 : i32
      %dma_start3A_954 = tpu.memref_slice %arg12[%dma_start3A_952, %dma_start3A_953] : memref<64x129xf32, #tpu.memory_space<vmem>> -> memref<8x128xf32, #tpu.memory_space<vmem>>
      %dma_start3A_955 = arith.constant 0 : i32
      %dma_start3A_956 = arith.constant 0 : i32
      %dma_start3A_957 = tpu.memref_slice %arg4[%add3A_839, %dma_start3A_951, %add3A, %dma_start3A_955, %dma_start3A_956] : memref<50x8x32x8x128xf32, #tpu.memory_space<hbm>> -> memref<1x1x1x8x128xf32, #tpu.memory_space<hbm>>
      %dma_start3A_958 = tpu.memref_squeeze %dma_start3A_957 : memref<1x1x1x8x128xf32, #tpu.memory_space<hbm>> -> memref<8x128xf32, #tpu.memory_space<hbm>>
      %dma_start3A_959 = arith.constant 0 : i32
      %dma_start3A_960 = arith.constant 0 : i32
      %dma_start3A_961 = tpu.memref_slice %arg4[%add3A_839, %dma_start3A_951, %add3A, %dma_start3A_959, %dma_start3A_960] : memref<50x8x32x8x128xf32, #tpu.memory_space<hbm>> -> memref<1x1x1x8x128xf32, #tpu.memory_space<hbm>>
      %dma_start3A_962 = tpu.memref_squeeze %dma_start3A_961 : memref<1x1x1x8x128xf32, #tpu.memory_space<hbm>> -> memref<8x128xf32, #tpu.memory_space<hbm>>
      %dma_start3A_963 = arith.constant 48 : i32
      %dma_start3A_964 = arith.constant 0 : i32
      %dma_start3A_965 = tpu.memref_slice %arg12[%dma_start3A_963, %dma_start3A_964] : memref<64x129xf32, #tpu.memory_space<vmem>> -> memref<8x128xf32, #tpu.memory_space<vmem>>
      tpu.enqueue_dma source(%dma_start3A_965 : memref<8x128xf32, #tpu.memory_space<vmem>>) target(%dma_start3A_962 : memref<8x128xf32, #tpu.memory_space<hbm>>) target_semaphore(%arg22 : memref<!tpu.dma_semaphore, #tpu.memory_space<semaphore_mem>>)
      %dma_start3A_966 = arith.constant 7 : i32
      %dma_start3A_967 = arith.constant 56 : i32
      %dma_start3A_968 = arith.constant 0 : i32
      %dma_start3A_969 = tpu.memref_slice %arg12[%dma_start3A_967, %dma_start3A_968] : memref<64x129xf32, #tpu.memory_space<vmem>> -> memref<8x128xf32, #tpu.memory_space<vmem>>
      %dma_start3A_970 = arith.constant 0 : i32
      %dma_start3A_971 = arith.constant 0 : i32
      %dma_start3A_972 = tpu.memref_slice %arg4[%add3A_839, %dma_start3A_966, %add3A, %dma_start3A_970, %dma_start3A_971] : memref<50x8x32x8x128xf32, #tpu.memory_space<hbm>> -> memref<1x1x1x8x128xf32, #tpu.memory_space<hbm>>
      %dma_start3A_973 = tpu.memref_squeeze %dma_start3A_972 : memref<1x1x1x8x128xf32, #tpu.memory_space<hbm>> -> memref<8x128xf32, #tpu.memory_space<hbm>>
      %dma_start3A_974 = arith.constant 0 : i32
      %dma_start3A_975 = arith.constant 0 : i32
      %dma_start3A_976 = tpu.memref_slice %arg4[%add3A_839, %dma_start3A_966, %add3A, %dma_start3A_974, %dma_start3A_975] : memref<50x8x32x8x128xf32, #tpu.memory_space<hbm>> -> memref<1x1x1x8x128xf32, #tpu.memory_space<hbm>>
      %dma_start3A_977 = tpu.memref_squeeze %dma_start3A_976 : memref<1x1x1x8x128xf32, #tpu.memory_space<hbm>> -> memref<8x128xf32, #tpu.memory_space<hbm>>
      %dma_start3A_978 = arith.constant 56 : i32
      %dma_start3A_979 = arith.constant 0 : i32
      %dma_start3A_980 = tpu.memref_slice %arg12[%dma_start3A_978, %dma_start3A_979] : memref<64x129xf32, #tpu.memory_space<vmem>> -> memref<8x128xf32, #tpu.memory_space<vmem>>
      tpu.enqueue_dma source(%dma_start3A_980 : memref<8x128xf32, #tpu.memory_space<vmem>>) target(%dma_start3A_977 : memref<8x128xf32, #tpu.memory_space<hbm>>) target_semaphore(%arg22 : memref<!tpu.dma_semaphore, #tpu.memory_space<semaphore_mem>>)
      %add3A_981 = arith.constant 2 : i32
      %add3A_982 = arith.addi %add3A_699, %add3A_981 : i32
      %dma_wait3A_983 = arith.constant 0 : i32
      %dma_wait3A_984 = tpu.memref_slice %arg5[%add3A_982, %dma_wait3A_983] : memref<50x128xi32, #tpu.memory_space<vmem>> -> memref<1x128xi32, #tpu.memory_space<vmem>>
      %dma_wait3A_985 = tpu.memref_squeeze %dma_wait3A_984 : memref<1x128xi32, #tpu.memory_space<vmem>> -> memref<128xi32, #tpu.memory_space<vmem>>
      %dma_wait3A_986 = arith.constant 0 : i32
      %dma_wait3A_987 = arith.constant 0 : i32
      %dma_wait3A_988 = tpu.memref_slice %arg3[%dma_wait3A_986, %dma_wait3A_987] : memref<100000x64xf32, #tpu.memory_space<hbm>> -> memref<100000x64xf32, #tpu.memory_space<hbm>>
      tpu.wait_indirect_dma semaphore(%arg18 : memref<!tpu.dma_semaphore, #tpu.memory_space<semaphore_mem>>) src(%dma_wait3A_988 : memref<100000x64xf32, #tpu.memory_space<hbm>>) dst(%arg8 : memref<128x64xf32, #tpu.memory_space<vmem>>)
      %ge3A_989 = arith.constant 5 : i32
      %ge3A_990 = arith.cmpi sge, %add3A_982, %ge3A_989 : i32
      %convert_element_type3A_991 = arith.extui %ge3A_990 : i1 to i32
      %cond3A_992 = arith.constant 0 : i32
      %cond3A_993 = arith.cmpi ne, %convert_element_type3A_991, %cond3A_992 : i32
      scf.if %cond3A_993 {
        %sub3A = arith.constant 5 : i32
        %sub3A_1410 = arith.subi %add3A_982, %sub3A : i32
        %dma_wait3A_1411 = arith.constant 0 : i32
        %dma_wait3A_1412 = arith.constant 0 : i32
        %dma_wait3A_1413 = arith.constant 0 : i32
        %dma_wait3A_1414 = tpu.memref_slice %arg13[%dma_wait3A_1412, %dma_wait3A_1413] : memref<64x129xf32, #tpu.memory_space<vmem>> -> memref<8x128xf32, #tpu.memory_space<vmem>>
        %dma_wait3A_1415 = arith.constant 0 : i32
        %dma_wait3A_1416 = arith.constant 0 : i32
        %dma_wait3A_1417 = tpu.memref_slice %arg4[%sub3A_1410, %dma_wait3A_1411, %add3A, %dma_wait3A_1415, %dma_wait3A_1416] : memref<50x8x32x8x128xf32, #tpu.memory_space<hbm>> -> memref<1x1x1x8x128xf32, #tpu.memory_space<hbm>>
        %dma_wait3A_1418 = tpu.memref_squeeze %dma_wait3A_1417 : memref<1x1x1x8x128xf32, #tpu.memory_space<hbm>> -> memref<8x128xf32, #tpu.memory_space<hbm>>
        %dma_wait3A_1419 = arith.constant 0 : i32
        %dma_wait3A_1420 = arith.constant 0 : i32
        %dma_wait3A_1421 = tpu.memref_slice %arg4[%sub3A_1410, %dma_wait3A_1411, %add3A, %dma_wait3A_1419, %dma_wait3A_1420] : memref<50x8x32x8x128xf32, #tpu.memory_space<hbm>> -> memref<1x1x1x8x128xf32, #tpu.memory_space<hbm>>
        %dma_wait3A_1422 = tpu.memref_squeeze %dma_wait3A_1421 : memref<1x1x1x8x128xf32, #tpu.memory_space<hbm>> -> memref<8x128xf32, #tpu.memory_space<hbm>>
        %dma_wait3A_1423 = arith.constant 0 : i32
        %dma_wait3A_1424 = arith.constant 0 : i32
        %dma_wait3A_1425 = tpu.memref_slice %arg13[%dma_wait3A_1423, %dma_wait3A_1424] : memref<64x129xf32, #tpu.memory_space<vmem>> -> memref<8x128xf32, #tpu.memory_space<vmem>>
        tpu.wait_dma2 semaphore(%arg23 : memref<!tpu.dma_semaphore, #tpu.memory_space<semaphore_mem>>) src(%dma_wait3A_1425 : memref<8x128xf32, #tpu.memory_space<vmem>>) dst(%dma_wait3A_1422 : memref<8x128xf32, #tpu.memory_space<hbm>>)
        %dma_wait3A_1426 = arith.constant 1 : i32
        %dma_wait3A_1427 = arith.constant 8 : i32
        %dma_wait3A_1428 = arith.constant 0 : i32
        %dma_wait3A_1429 = tpu.memref_slice %arg13[%dma_wait3A_1427, %dma_wait3A_1428] : memref<64x129xf32, #tpu.memory_space<vmem>> -> memref<8x128xf32, #tpu.memory_space<vmem>>
        %dma_wait3A_1430 = arith.constant 0 : i32
        %dma_wait3A_1431 = arith.constant 0 : i32
        %dma_wait3A_1432 = tpu.memref_slice %arg4[%sub3A_1410, %dma_wait3A_1426, %add3A, %dma_wait3A_1430, %dma_wait3A_1431] : memref<50x8x32x8x128xf32, #tpu.memory_space<hbm>> -> memref<1x1x1x8x128xf32, #tpu.memory_space<hbm>>
        %dma_wait3A_1433 = tpu.memref_squeeze %dma_wait3A_1432 : memref<1x1x1x8x128xf32, #tpu.memory_space<hbm>> -> memref<8x128xf32, #tpu.memory_space<hbm>>
        %dma_wait3A_1434 = arith.constant 0 : i32
        %dma_wait3A_1435 = arith.constant 0 : i32
        %dma_wait3A_1436 = tpu.memref_slice %arg4[%sub3A_1410, %dma_wait3A_1426, %add3A, %dma_wait3A_1434, %dma_wait3A_1435] : memref<50x8x32x8x128xf32, #tpu.memory_space<hbm>> -> memref<1x1x1x8x128xf32, #tpu.memory_space<hbm>>
        %dma_wait3A_1437 = tpu.memref_squeeze %dma_wait3A_1436 : memref<1x1x1x8x128xf32, #tpu.memory_space<hbm>> -> memref<8x128xf32, #tpu.memory_space<hbm>>
        %dma_wait3A_1438 = arith.constant 8 : i32
        %dma_wait3A_1439 = arith.constant 0 : i32
        %dma_wait3A_1440 = tpu.memref_slice %arg13[%dma_wait3A_1438, %dma_wait3A_1439] : memref<64x129xf32, #tpu.memory_space<vmem>> -> memref<8x128xf32, #tpu.memory_space<vmem>>
        tpu.wait_dma2 semaphore(%arg23 : memref<!tpu.dma_semaphore, #tpu.memory_space<semaphore_mem>>) src(%dma_wait3A_1440 : memref<8x128xf32, #tpu.memory_space<vmem>>) dst(%dma_wait3A_1437 : memref<8x128xf32, #tpu.memory_space<hbm>>)
        %dma_wait3A_1441 = arith.constant 2 : i32
        %dma_wait3A_1442 = arith.constant 16 : i32
        %dma_wait3A_1443 = arith.constant 0 : i32
        %dma_wait3A_1444 = tpu.memref_slice %arg13[%dma_wait3A_1442, %dma_wait3A_1443] : memref<64x129xf32, #tpu.memory_space<vmem>> -> memref<8x128xf32, #tpu.memory_space<vmem>>
        %dma_wait3A_1445 = arith.constant 0 : i32
        %dma_wait3A_1446 = arith.constant 0 : i32
        %dma_wait3A_1447 = tpu.memref_slice %arg4[%sub3A_1410, %dma_wait3A_1441, %add3A, %dma_wait3A_1445, %dma_wait3A_1446] : memref<50x8x32x8x128xf32, #tpu.memory_space<hbm>> -> memref<1x1x1x8x128xf32, #tpu.memory_space<hbm>>
        %dma_wait3A_1448 = tpu.memref_squeeze %dma_wait3A_1447 : memref<1x1x1x8x128xf32, #tpu.memory_space<hbm>> -> memref<8x128xf32, #tpu.memory_space<hbm>>
        %dma_wait3A_1449 = arith.constant 0 : i32
        %dma_wait3A_1450 = arith.constant 0 : i32
        %dma_wait3A_1451 = tpu.memref_slice %arg4[%sub3A_1410, %dma_wait3A_1441, %add3A, %dma_wait3A_1449, %dma_wait3A_1450] : memref<50x8x32x8x128xf32, #tpu.memory_space<hbm>> -> memref<1x1x1x8x128xf32, #tpu.memory_space<hbm>>
        %dma_wait3A_1452 = tpu.memref_squeeze %dma_wait3A_1451 : memref<1x1x1x8x128xf32, #tpu.memory_space<hbm>> -> memref<8x128xf32, #tpu.memory_space<hbm>>
        %dma_wait3A_1453 = arith.constant 16 : i32
        %dma_wait3A_1454 = arith.constant 0 : i32
        %dma_wait3A_1455 = tpu.memref_slice %arg13[%dma_wait3A_1453, %dma_wait3A_1454] : memref<64x129xf32, #tpu.memory_space<vmem>> -> memref<8x128xf32, #tpu.memory_space<vmem>>
        tpu.wait_dma2 semaphore(%arg23 : memref<!tpu.dma_semaphore, #tpu.memory_space<semaphore_mem>>) src(%dma_wait3A_1455 : memref<8x128xf32, #tpu.memory_space<vmem>>) dst(%dma_wait3A_1452 : memref<8x128xf32, #tpu.memory_space<hbm>>)
        %dma_wait3A_1456 = arith.constant 3 : i32
        %dma_wait3A_1457 = arith.constant 24 : i32
        %dma_wait3A_1458 = arith.constant 0 : i32
        %dma_wait3A_1459 = tpu.memref_slice %arg13[%dma_wait3A_1457, %dma_wait3A_1458] : memref<64x129xf32, #tpu.memory_space<vmem>> -> memref<8x128xf32, #tpu.memory_space<vmem>>
        %dma_wait3A_1460 = arith.constant 0 : i32
        %dma_wait3A_1461 = arith.constant 0 : i32
        %dma_wait3A_1462 = tpu.memref_slice %arg4[%sub3A_1410, %dma_wait3A_1456, %add3A, %dma_wait3A_1460, %dma_wait3A_1461] : memref<50x8x32x8x128xf32, #tpu.memory_space<hbm>> -> memref<1x1x1x8x128xf32, #tpu.memory_space<hbm>>
        %dma_wait3A_1463 = tpu.memref_squeeze %dma_wait3A_1462 : memref<1x1x1x8x128xf32, #tpu.memory_space<hbm>> -> memref<8x128xf32, #tpu.memory_space<hbm>>
        %dma_wait3A_1464 = arith.constant 0 : i32
        %dma_wait3A_1465 = arith.constant 0 : i32
        %dma_wait3A_1466 = tpu.memref_slice %arg4[%sub3A_1410, %dma_wait3A_1456, %add3A, %dma_wait3A_1464, %dma_wait3A_1465] : memref<50x8x32x8x128xf32, #tpu.memory_space<hbm>> -> memref<1x1x1x8x128xf32, #tpu.memory_space<hbm>>
        %dma_wait3A_1467 = tpu.memref_squeeze %dma_wait3A_1466 : memref<1x1x1x8x128xf32, #tpu.memory_space<hbm>> -> memref<8x128xf32, #tpu.memory_space<hbm>>
        %dma_wait3A_1468 = arith.constant 24 : i32
        %dma_wait3A_1469 = arith.constant 0 : i32
        %dma_wait3A_1470 = tpu.memref_slice %arg13[%dma_wait3A_1468, %dma_wait3A_1469] : memref<64x129xf32, #tpu.memory_space<vmem>> -> memref<8x128xf32, #tpu.memory_space<vmem>>
        tpu.wait_dma2 semaphore(%arg23 : memref<!tpu.dma_semaphore, #tpu.memory_space<semaphore_mem>>) src(%dma_wait3A_1470 : memref<8x128xf32, #tpu.memory_space<vmem>>) dst(%dma_wait3A_1467 : memref<8x128xf32, #tpu.memory_space<hbm>>)
        %dma_wait3A_1471 = arith.constant 4 : i32
        %dma_wait3A_1472 = arith.constant 32 : i32
        %dma_wait3A_1473 = arith.constant 0 : i32
        %dma_wait3A_1474 = tpu.memref_slice %arg13[%dma_wait3A_1472, %dma_wait3A_1473] : memref<64x129xf32, #tpu.memory_space<vmem>> -> memref<8x128xf32, #tpu.memory_space<vmem>>
        %dma_wait3A_1475 = arith.constant 0 : i32
        %dma_wait3A_1476 = arith.constant 0 : i32
        %dma_wait3A_1477 = tpu.memref_slice %arg4[%sub3A_1410, %dma_wait3A_1471, %add3A, %dma_wait3A_1475, %dma_wait3A_1476] : memref<50x8x32x8x128xf32, #tpu.memory_space<hbm>> -> memref<1x1x1x8x128xf32, #tpu.memory_space<hbm>>
        %dma_wait3A_1478 = tpu.memref_squeeze %dma_wait3A_1477 : memref<1x1x1x8x128xf32, #tpu.memory_space<hbm>> -> memref<8x128xf32, #tpu.memory_space<hbm>>
        %dma_wait3A_1479 = arith.constant 0 : i32
        %dma_wait3A_1480 = arith.constant 0 : i32
        %dma_wait3A_1481 = tpu.memref_slice %arg4[%sub3A_1410, %dma_wait3A_1471, %add3A, %dma_wait3A_1479, %dma_wait3A_1480] : memref<50x8x32x8x128xf32, #tpu.memory_space<hbm>> -> memref<1x1x1x8x128xf32, #tpu.memory_space<hbm>>
        %dma_wait3A_1482 = tpu.memref_squeeze %dma_wait3A_1481 : memref<1x1x1x8x128xf32, #tpu.memory_space<hbm>> -> memref<8x128xf32, #tpu.memory_space<hbm>>
        %dma_wait3A_1483 = arith.constant 32 : i32
        %dma_wait3A_1484 = arith.constant 0 : i32
        %dma_wait3A_1485 = tpu.memref_slice %arg13[%dma_wait3A_1483, %dma_wait3A_1484] : memref<64x129xf32, #tpu.memory_space<vmem>> -> memref<8x128xf32, #tpu.memory_space<vmem>>
        tpu.wait_dma2 semaphore(%arg23 : memref<!tpu.dma_semaphore, #tpu.memory_space<semaphore_mem>>) src(%dma_wait3A_1485 : memref<8x128xf32, #tpu.memory_space<vmem>>) dst(%dma_wait3A_1482 : memref<8x128xf32, #tpu.memory_space<hbm>>)
        %dma_wait3A_1486 = arith.constant 5 : i32
        %dma_wait3A_1487 = arith.constant 40 : i32
        %dma_wait3A_1488 = arith.constant 0 : i32
        %dma_wait3A_1489 = tpu.memref_slice %arg13[%dma_wait3A_1487, %dma_wait3A_1488] : memref<64x129xf32, #tpu.memory_space<vmem>> -> memref<8x128xf32, #tpu.memory_space<vmem>>
        %dma_wait3A_1490 = arith.constant 0 : i32
        %dma_wait3A_1491 = arith.constant 0 : i32
        %dma_wait3A_1492 = tpu.memref_slice %arg4[%sub3A_1410, %dma_wait3A_1486, %add3A, %dma_wait3A_1490, %dma_wait3A_1491] : memref<50x8x32x8x128xf32, #tpu.memory_space<hbm>> -> memref<1x1x1x8x128xf32, #tpu.memory_space<hbm>>
        %dma_wait3A_1493 = tpu.memref_squeeze %dma_wait3A_1492 : memref<1x1x1x8x128xf32, #tpu.memory_space<hbm>> -> memref<8x128xf32, #tpu.memory_space<hbm>>
        %dma_wait3A_1494 = arith.constant 0 : i32
        %dma_wait3A_1495 = arith.constant 0 : i32
        %dma_wait3A_1496 = tpu.memref_slice %arg4[%sub3A_1410, %dma_wait3A_1486, %add3A, %dma_wait3A_1494, %dma_wait3A_1495] : memref<50x8x32x8x128xf32, #tpu.memory_space<hbm>> -> memref<1x1x1x8x128xf32, #tpu.memory_space<hbm>>
        %dma_wait3A_1497 = tpu.memref_squeeze %dma_wait3A_1496 : memref<1x1x1x8x128xf32, #tpu.memory_space<hbm>> -> memref<8x128xf32, #tpu.memory_space<hbm>>
        %dma_wait3A_1498 = arith.constant 40 : i32
        %dma_wait3A_1499 = arith.constant 0 : i32
        %dma_wait3A_1500 = tpu.memref_slice %arg13[%dma_wait3A_1498, %dma_wait3A_1499] : memref<64x129xf32, #tpu.memory_space<vmem>> -> memref<8x128xf32, #tpu.memory_space<vmem>>
        tpu.wait_dma2 semaphore(%arg23 : memref<!tpu.dma_semaphore, #tpu.memory_space<semaphore_mem>>) src(%dma_wait3A_1500 : memref<8x128xf32, #tpu.memory_space<vmem>>) dst(%dma_wait3A_1497 : memref<8x128xf32, #tpu.memory_space<hbm>>)
        %dma_wait3A_1501 = arith.constant 6 : i32
        %dma_wait3A_1502 = arith.constant 48 : i32
        %dma_wait3A_1503 = arith.constant 0 : i32
        %dma_wait3A_1504 = tpu.memref_slice %arg13[%dma_wait3A_1502, %dma_wait3A_1503] : memref<64x129xf32, #tpu.memory_space<vmem>> -> memref<8x128xf32, #tpu.memory_space<vmem>>
        %dma_wait3A_1505 = arith.constant 0 : i32
        %dma_wait3A_1506 = arith.constant 0 : i32
        %dma_wait3A_1507 = tpu.memref_slice %arg4[%sub3A_1410, %dma_wait3A_1501, %add3A, %dma_wait3A_1505, %dma_wait3A_1506] : memref<50x8x32x8x128xf32, #tpu.memory_space<hbm>> -> memref<1x1x1x8x128xf32, #tpu.memory_space<hbm>>
        %dma_wait3A_1508 = tpu.memref_squeeze %dma_wait3A_1507 : memref<1x1x1x8x128xf32, #tpu.memory_space<hbm>> -> memref<8x128xf32, #tpu.memory_space<hbm>>
        %dma_wait3A_1509 = arith.constant 0 : i32
        %dma_wait3A_1510 = arith.constant 0 : i32
        %dma_wait3A_1511 = tpu.memref_slice %arg4[%sub3A_1410, %dma_wait3A_1501, %add3A, %dma_wait3A_1509, %dma_wait3A_1510] : memref<50x8x32x8x128xf32, #tpu.memory_space<hbm>> -> memref<1x1x1x8x128xf32, #tpu.memory_space<hbm>>
        %dma_wait3A_1512 = tpu.memref_squeeze %dma_wait3A_1511 : memref<1x1x1x8x128xf32, #tpu.memory_space<hbm>> -> memref<8x128xf32, #tpu.memory_space<hbm>>
        %dma_wait3A_1513 = arith.constant 48 : i32
        %dma_wait3A_1514 = arith.constant 0 : i32
        %dma_wait3A_1515 = tpu.memref_slice %arg13[%dma_wait3A_1513, %dma_wait3A_1514] : memref<64x129xf32, #tpu.memory_space<vmem>> -> memref<8x128xf32, #tpu.memory_space<vmem>>
        tpu.wait_dma2 semaphore(%arg23 : memref<!tpu.dma_semaphore, #tpu.memory_space<semaphore_mem>>) src(%dma_wait3A_1515 : memref<8x128xf32, #tpu.memory_space<vmem>>) dst(%dma_wait3A_1512 : memref<8x128xf32, #tpu.memory_space<hbm>>)
        %dma_wait3A_1516 = arith.constant 7 : i32
        %dma_wait3A_1517 = arith.constant 56 : i32
        %dma_wait3A_1518 = arith.constant 0 : i32
        %dma_wait3A_1519 = tpu.memref_slice %arg13[%dma_wait3A_1517, %dma_wait3A_1518] : memref<64x129xf32, #tpu.memory_space<vmem>> -> memref<8x128xf32, #tpu.memory_space<vmem>>
        %dma_wait3A_1520 = arith.constant 0 : i32
        %dma_wait3A_1521 = arith.constant 0 : i32
        %dma_wait3A_1522 = tpu.memref_slice %arg4[%sub3A_1410, %dma_wait3A_1516, %add3A, %dma_wait3A_1520, %dma_wait3A_1521] : memref<50x8x32x8x128xf32, #tpu.memory_space<hbm>> -> memref<1x1x1x8x128xf32, #tpu.memory_space<hbm>>
        %dma_wait3A_1523 = tpu.memref_squeeze %dma_wait3A_1522 : memref<1x1x1x8x128xf32, #tpu.memory_space<hbm>> -> memref<8x128xf32, #tpu.memory_space<hbm>>
        %dma_wait3A_1524 = arith.constant 0 : i32
        %dma_wait3A_1525 = arith.constant 0 : i32
        %dma_wait3A_1526 = tpu.memref_slice %arg4[%sub3A_1410, %dma_wait3A_1516, %add3A, %dma_wait3A_1524, %dma_wait3A_1525] : memref<50x8x32x8x128xf32, #tpu.memory_space<hbm>> -> memref<1x1x1x8x128xf32, #tpu.memory_space<hbm>>
        %dma_wait3A_1527 = tpu.memref_squeeze %dma_wait3A_1526 : memref<1x1x1x8x128xf32, #tpu.memory_space<hbm>> -> memref<8x128xf32, #tpu.memory_space<hbm>>
        %dma_wait3A_1528 = arith.constant 56 : i32
        %dma_wait3A_1529 = arith.constant 0 : i32
        %dma_wait3A_1530 = tpu.memref_slice %arg13[%dma_wait3A_1528, %dma_wait3A_1529] : memref<64x129xf32, #tpu.memory_space<vmem>> -> memref<8x128xf32, #tpu.memory_space<vmem>>
        tpu.wait_dma2 semaphore(%arg23 : memref<!tpu.dma_semaphore, #tpu.memory_space<semaphore_mem>>) src(%dma_wait3A_1530 : memref<8x128xf32, #tpu.memory_space<vmem>>) dst(%dma_wait3A_1527 : memref<8x128xf32, #tpu.memory_space<hbm>>)
      } else {
      }
      %parallel_loop3A_994 = arith.constant 0 : i32
      %parallel_loop3A_995 = arith.constant 128 : i32
      %parallel_loop3A_996 = arith.constant 1 : i32
      scf.for %parallel_loop3A_1410 = %parallel_loop3A_994 to %parallel_loop3A_995 step %parallel_loop3A_996  : i32 {
        %parallel_loop3A_1411 = vector.broadcast %parallel_loop3A_1410 : i32 to vector<16xi32>
        %parallel_loop3A_1412 = arith.addi %mul3A_17, %parallel_loop3A_1411 : vector<16xi32>
        %parallel_loop3A_1413 = arith.index_cast %parallel_loop3A_1410 : i32 to index
        %parallel_loop3A_1414 = arith.constant 0 : index
        %parallel_loop3A_1415 = tpu.vector_load %arg8[%parallel_loop3A_1413, %parallel_loop3A_1414] {strides = array<i32>} : memref<128x64xf32, #tpu.memory_space<vmem>>, vector<16xf32>,
        tpu.vector_store_idx %arg13[%add3A_5, %parallel_loop3A_1412], %parallel_loop3A_1415 : memref<64x129xf32, #tpu.memory_space<vmem>>[vector<16xi32>, vector<16xi32>], vector<16xf32>,
        %parallel_loop3A_1416 = arith.index_cast %parallel_loop3A_1410 : i32 to index
        %parallel_loop3A_1417 = arith.constant 16 : index
        %parallel_loop3A_1418 = tpu.vector_load %arg8[%parallel_loop3A_1416, %parallel_loop3A_1417] {strides = array<i32>} : memref<128x64xf32, #tpu.memory_space<vmem>>, vector<16xf32>,
        tpu.vector_store_idx %arg13[%add3A_8, %parallel_loop3A_1412], %parallel_loop3A_1418 : memref<64x129xf32, #tpu.memory_space<vmem>>[vector<16xi32>, vector<16xi32>], vector<16xf32>,
        %parallel_loop3A_1419 = arith.index_cast %parallel_loop3A_1410 : i32 to index
        %parallel_loop3A_1420 = arith.constant 32 : index
        %parallel_loop3A_1421 = tpu.vector_load %arg8[%parallel_loop3A_1419, %parallel_loop3A_1420] {strides = array<i32>} : memref<128x64xf32, #tpu.memory_space<vmem>>, vector<16xf32>,
        tpu.vector_store_idx %arg13[%add3A_11, %parallel_loop3A_1412], %parallel_loop3A_1421 : memref<64x129xf32, #tpu.memory_space<vmem>>[vector<16xi32>, vector<16xi32>], vector<16xf32>,
        %parallel_loop3A_1422 = arith.index_cast %parallel_loop3A_1410 : i32 to index
        %parallel_loop3A_1423 = arith.constant 48 : index
        %parallel_loop3A_1424 = tpu.vector_load %arg8[%parallel_loop3A_1422, %parallel_loop3A_1423] {strides = array<i32>} : memref<128x64xf32, #tpu.memory_space<vmem>>, vector<16xf32>,
        tpu.vector_store_idx %arg13[%add3A_14, %parallel_loop3A_1412], %parallel_loop3A_1424 : memref<64x129xf32, #tpu.memory_space<vmem>>[vector<16xi32>, vector<16xi32>], vector<16xf32>,
      } {sc.loop_unroll_factor = 4 : i64, sc.parallel_access}
      %add3A_997 = arith.constant 5 : i32
      %add3A_998 = arith.addi %add3A_982, %add3A_997 : i32
      %lt3A_999 = arith.constant 50 : i32
      %lt3A_1000 = arith.cmpi slt, %add3A_998, %lt3A_999 : i32
      %convert_element_type3A_1001 = arith.extui %lt3A_1000 : i1 to i32
      %cond3A_1002 = arith.constant 0 : i32
      %cond3A_1003 = arith.cmpi ne, %convert_element_type3A_1001, %cond3A_1002 : i32
      scf.if %cond3A_1003 {
        %add3A_1410 = arith.constant 5 : i32
        %add3A_1411 = arith.addi %add3A_982, %add3A_1410 : i32
        %dma_start3A_1412 = arith.constant 0 : i32
        %dma_start3A_1413 = tpu.memref_slice %arg5[%add3A_1411, %dma_start3A_1412] : memref<50x128xi32, #tpu.memory_space<vmem>> -> memref<1x128xi32, #tpu.memory_space<vmem>>
        %dma_start3A_1414 = tpu.memref_squeeze %dma_start3A_1413 : memref<1x128xi32, #tpu.memory_space<vmem>> -> memref<128xi32, #tpu.memory_space<vmem>>
        %dma_start3A_1415 = arith.constant 0 : i32
        %dma_start3A_1416 = arith.constant 0 : i32
        %dma_start3A_1417 = tpu.memref_slice %arg3[%dma_start3A_1415, %dma_start3A_1416] : memref<100000x64xf32, #tpu.memory_space<hbm>> -> memref<100000x64xf32, #tpu.memory_space<hbm>>
        tpu.enqueue_indirect_dma source(%dma_start3A_1417 : memref<100000x64xf32, #tpu.memory_space<hbm>>) target(%arg8 : memref<128x64xf32, #tpu.memory_space<vmem>>) offsets(%dma_start3A_1414 : memref<128xi32, #tpu.memory_space<vmem>>) semaphore(%arg18 : memref<!tpu.dma_semaphore, #tpu.memory_space<semaphore_mem>>)
      } else {
      }
      %dma_start3A_1004 = arith.constant 0 : i32
      %dma_start3A_1005 = arith.constant 0 : i32
      %dma_start3A_1006 = arith.constant 0 : i32
      %dma_start3A_1007 = tpu.memref_slice %arg13[%dma_start3A_1005, %dma_start3A_1006] : memref<64x129xf32, #tpu.memory_space<vmem>> -> memref<8x128xf32, #tpu.memory_space<vmem>>
      %dma_start3A_1008 = arith.constant 0 : i32
      %dma_start3A_1009 = arith.constant 0 : i32
      %dma_start3A_1010 = tpu.memref_slice %arg4[%add3A_982, %dma_start3A_1004, %add3A, %dma_start3A_1008, %dma_start3A_1009] : memref<50x8x32x8x128xf32, #tpu.memory_space<hbm>> -> memref<1x1x1x8x128xf32, #tpu.memory_space<hbm>>
      %dma_start3A_1011 = tpu.memref_squeeze %dma_start3A_1010 : memref<1x1x1x8x128xf32, #tpu.memory_space<hbm>> -> memref<8x128xf32, #tpu.memory_space<hbm>>
      %dma_start3A_1012 = arith.constant 0 : i32
      %dma_start3A_1013 = arith.constant 0 : i32
      %dma_start3A_1014 = tpu.memref_slice %arg4[%add3A_982, %dma_start3A_1004, %add3A, %dma_start3A_1012, %dma_start3A_1013] : memref<50x8x32x8x128xf32, #tpu.memory_space<hbm>> -> memref<1x1x1x8x128xf32, #tpu.memory_space<hbm>>
      %dma_start3A_1015 = tpu.memref_squeeze %dma_start3A_1014 : memref<1x1x1x8x128xf32, #tpu.memory_space<hbm>> -> memref<8x128xf32, #tpu.memory_space<hbm>>
      %dma_start3A_1016 = arith.constant 0 : i32
      %dma_start3A_1017 = arith.constant 0 : i32
      %dma_start3A_1018 = tpu.memref_slice %arg13[%dma_start3A_1016, %dma_start3A_1017] : memref<64x129xf32, #tpu.memory_space<vmem>> -> memref<8x128xf32, #tpu.memory_space<vmem>>
      tpu.enqueue_dma source(%dma_start3A_1018 : memref<8x128xf32, #tpu.memory_space<vmem>>) target(%dma_start3A_1015 : memref<8x128xf32, #tpu.memory_space<hbm>>) target_semaphore(%arg23 : memref<!tpu.dma_semaphore, #tpu.memory_space<semaphore_mem>>)
      %dma_start3A_1019 = arith.constant 1 : i32
      %dma_start3A_1020 = arith.constant 8 : i32
      %dma_start3A_1021 = arith.constant 0 : i32
      %dma_start3A_1022 = tpu.memref_slice %arg13[%dma_start3A_1020, %dma_start3A_1021] : memref<64x129xf32, #tpu.memory_space<vmem>> -> memref<8x128xf32, #tpu.memory_space<vmem>>
      %dma_start3A_1023 = arith.constant 0 : i32
      %dma_start3A_1024 = arith.constant 0 : i32
      %dma_start3A_1025 = tpu.memref_slice %arg4[%add3A_982, %dma_start3A_1019, %add3A, %dma_start3A_1023, %dma_start3A_1024] : memref<50x8x32x8x128xf32, #tpu.memory_space<hbm>> -> memref<1x1x1x8x128xf32, #tpu.memory_space<hbm>>
      %dma_start3A_1026 = tpu.memref_squeeze %dma_start3A_1025 : memref<1x1x1x8x128xf32, #tpu.memory_space<hbm>> -> memref<8x128xf32, #tpu.memory_space<hbm>>
      %dma_start3A_1027 = arith.constant 0 : i32
      %dma_start3A_1028 = arith.constant 0 : i32
      %dma_start3A_1029 = tpu.memref_slice %arg4[%add3A_982, %dma_start3A_1019, %add3A, %dma_start3A_1027, %dma_start3A_1028] : memref<50x8x32x8x128xf32, #tpu.memory_space<hbm>> -> memref<1x1x1x8x128xf32, #tpu.memory_space<hbm>>
      %dma_start3A_1030 = tpu.memref_squeeze %dma_start3A_1029 : memref<1x1x1x8x128xf32, #tpu.memory_space<hbm>> -> memref<8x128xf32, #tpu.memory_space<hbm>>
      %dma_start3A_1031 = arith.constant 8 : i32
      %dma_start3A_1032 = arith.constant 0 : i32
      %dma_start3A_1033 = tpu.memref_slice %arg13[%dma_start3A_1031, %dma_start3A_1032] : memref<64x129xf32, #tpu.memory_space<vmem>> -> memref<8x128xf32, #tpu.memory_space<vmem>>
      tpu.enqueue_dma source(%dma_start3A_1033 : memref<8x128xf32, #tpu.memory_space<vmem>>) target(%dma_start3A_1030 : memref<8x128xf32, #tpu.memory_space<hbm>>) target_semaphore(%arg23 : memref<!tpu.dma_semaphore, #tpu.memory_space<semaphore_mem>>)
      %dma_start3A_1034 = arith.constant 2 : i32
      %dma_start3A_1035 = arith.constant 16 : i32
      %dma_start3A_1036 = arith.constant 0 : i32
      %dma_start3A_1037 = tpu.memref_slice %arg13[%dma_start3A_1035, %dma_start3A_1036] : memref<64x129xf32, #tpu.memory_space<vmem>> -> memref<8x128xf32, #tpu.memory_space<vmem>>
      %dma_start3A_1038 = arith.constant 0 : i32
      %dma_start3A_1039 = arith.constant 0 : i32
      %dma_start3A_1040 = tpu.memref_slice %arg4[%add3A_982, %dma_start3A_1034, %add3A, %dma_start3A_1038, %dma_start3A_1039] : memref<50x8x32x8x128xf32, #tpu.memory_space<hbm>> -> memref<1x1x1x8x128xf32, #tpu.memory_space<hbm>>
      %dma_start3A_1041 = tpu.memref_squeeze %dma_start3A_1040 : memref<1x1x1x8x128xf32, #tpu.memory_space<hbm>> -> memref<8x128xf32, #tpu.memory_space<hbm>>
      %dma_start3A_1042 = arith.constant 0 : i32
      %dma_start3A_1043 = arith.constant 0 : i32
      %dma_start3A_1044 = tpu.memref_slice %arg4[%add3A_982, %dma_start3A_1034, %add3A, %dma_start3A_1042, %dma_start3A_1043] : memref<50x8x32x8x128xf32, #tpu.memory_space<hbm>> -> memref<1x1x1x8x128xf32, #tpu.memory_space<hbm>>
      %dma_start3A_1045 = tpu.memref_squeeze %dma_start3A_1044 : memref<1x1x1x8x128xf32, #tpu.memory_space<hbm>> -> memref<8x128xf32, #tpu.memory_space<hbm>>
      %dma_start3A_1046 = arith.constant 16 : i32
      %dma_start3A_1047 = arith.constant 0 : i32
      %dma_start3A_1048 = tpu.memref_slice %arg13[%dma_start3A_1046, %dma_start3A_1047] : memref<64x129xf32, #tpu.memory_space<vmem>> -> memref<8x128xf32, #tpu.memory_space<vmem>>
      tpu.enqueue_dma source(%dma_start3A_1048 : memref<8x128xf32, #tpu.memory_space<vmem>>) target(%dma_start3A_1045 : memref<8x128xf32, #tpu.memory_space<hbm>>) target_semaphore(%arg23 : memref<!tpu.dma_semaphore, #tpu.memory_space<semaphore_mem>>)
      %dma_start3A_1049 = arith.constant 3 : i32
      %dma_start3A_1050 = arith.constant 24 : i32
      %dma_start3A_1051 = arith.constant 0 : i32
      %dma_start3A_1052 = tpu.memref_slice %arg13[%dma_start3A_1050, %dma_start3A_1051] : memref<64x129xf32, #tpu.memory_space<vmem>> -> memref<8x128xf32, #tpu.memory_space<vmem>>
      %dma_start3A_1053 = arith.constant 0 : i32
      %dma_start3A_1054 = arith.constant 0 : i32
      %dma_start3A_1055 = tpu.memref_slice %arg4[%add3A_982, %dma_start3A_1049, %add3A, %dma_start3A_1053, %dma_start3A_1054] : memref<50x8x32x8x128xf32, #tpu.memory_space<hbm>> -> memref<1x1x1x8x128xf32, #tpu.memory_space<hbm>>
      %dma_start3A_1056 = tpu.memref_squeeze %dma_start3A_1055 : memref<1x1x1x8x128xf32, #tpu.memory_space<hbm>> -> memref<8x128xf32, #tpu.memory_space<hbm>>
      %dma_start3A_1057 = arith.constant 0 : i32
      %dma_start3A_1058 = arith.constant 0 : i32
      %dma_start3A_1059 = tpu.memref_slice %arg4[%add3A_982, %dma_start3A_1049, %add3A, %dma_start3A_1057, %dma_start3A_1058] : memref<50x8x32x8x128xf32, #tpu.memory_space<hbm>> -> memref<1x1x1x8x128xf32, #tpu.memory_space<hbm>>
      %dma_start3A_1060 = tpu.memref_squeeze %dma_start3A_1059 : memref<1x1x1x8x128xf32, #tpu.memory_space<hbm>> -> memref<8x128xf32, #tpu.memory_space<hbm>>
      %dma_start3A_1061 = arith.constant 24 : i32
      %dma_start3A_1062 = arith.constant 0 : i32
      %dma_start3A_1063 = tpu.memref_slice %arg13[%dma_start3A_1061, %dma_start3A_1062] : memref<64x129xf32, #tpu.memory_space<vmem>> -> memref<8x128xf32, #tpu.memory_space<vmem>>
      tpu.enqueue_dma source(%dma_start3A_1063 : memref<8x128xf32, #tpu.memory_space<vmem>>) target(%dma_start3A_1060 : memref<8x128xf32, #tpu.memory_space<hbm>>) target_semaphore(%arg23 : memref<!tpu.dma_semaphore, #tpu.memory_space<semaphore_mem>>)
      %dma_start3A_1064 = arith.constant 4 : i32
      %dma_start3A_1065 = arith.constant 32 : i32
      %dma_start3A_1066 = arith.constant 0 : i32
      %dma_start3A_1067 = tpu.memref_slice %arg13[%dma_start3A_1065, %dma_start3A_1066] : memref<64x129xf32, #tpu.memory_space<vmem>> -> memref<8x128xf32, #tpu.memory_space<vmem>>
      %dma_start3A_1068 = arith.constant 0 : i32
      %dma_start3A_1069 = arith.constant 0 : i32
      %dma_start3A_1070 = tpu.memref_slice %arg4[%add3A_982, %dma_start3A_1064, %add3A, %dma_start3A_1068, %dma_start3A_1069] : memref<50x8x32x8x128xf32, #tpu.memory_space<hbm>> -> memref<1x1x1x8x128xf32, #tpu.memory_space<hbm>>
      %dma_start3A_1071 = tpu.memref_squeeze %dma_start3A_1070 : memref<1x1x1x8x128xf32, #tpu.memory_space<hbm>> -> memref<8x128xf32, #tpu.memory_space<hbm>>
      %dma_start3A_1072 = arith.constant 0 : i32
      %dma_start3A_1073 = arith.constant 0 : i32
      %dma_start3A_1074 = tpu.memref_slice %arg4[%add3A_982, %dma_start3A_1064, %add3A, %dma_start3A_1072, %dma_start3A_1073] : memref<50x8x32x8x128xf32, #tpu.memory_space<hbm>> -> memref<1x1x1x8x128xf32, #tpu.memory_space<hbm>>
      %dma_start3A_1075 = tpu.memref_squeeze %dma_start3A_1074 : memref<1x1x1x8x128xf32, #tpu.memory_space<hbm>> -> memref<8x128xf32, #tpu.memory_space<hbm>>
      %dma_start3A_1076 = arith.constant 32 : i32
      %dma_start3A_1077 = arith.constant 0 : i32
      %dma_start3A_1078 = tpu.memref_slice %arg13[%dma_start3A_1076, %dma_start3A_1077] : memref<64x129xf32, #tpu.memory_space<vmem>> -> memref<8x128xf32, #tpu.memory_space<vmem>>
      tpu.enqueue_dma source(%dma_start3A_1078 : memref<8x128xf32, #tpu.memory_space<vmem>>) target(%dma_start3A_1075 : memref<8x128xf32, #tpu.memory_space<hbm>>) target_semaphore(%arg23 : memref<!tpu.dma_semaphore, #tpu.memory_space<semaphore_mem>>)
      %dma_start3A_1079 = arith.constant 5 : i32
      %dma_start3A_1080 = arith.constant 40 : i32
      %dma_start3A_1081 = arith.constant 0 : i32
      %dma_start3A_1082 = tpu.memref_slice %arg13[%dma_start3A_1080, %dma_start3A_1081] : memref<64x129xf32, #tpu.memory_space<vmem>> -> memref<8x128xf32, #tpu.memory_space<vmem>>
      %dma_start3A_1083 = arith.constant 0 : i32
      %dma_start3A_1084 = arith.constant 0 : i32
      %dma_start3A_1085 = tpu.memref_slice %arg4[%add3A_982, %dma_start3A_1079, %add3A, %dma_start3A_1083, %dma_start3A_1084] : memref<50x8x32x8x128xf32, #tpu.memory_space<hbm>> -> memref<1x1x1x8x128xf32, #tpu.memory_space<hbm>>
      %dma_start3A_1086 = tpu.memref_squeeze %dma_start3A_1085 : memref<1x1x1x8x128xf32, #tpu.memory_space<hbm>> -> memref<8x128xf32, #tpu.memory_space<hbm>>
      %dma_start3A_1087 = arith.constant 0 : i32
      %dma_start3A_1088 = arith.constant 0 : i32
      %dma_start3A_1089 = tpu.memref_slice %arg4[%add3A_982, %dma_start3A_1079, %add3A, %dma_start3A_1087, %dma_start3A_1088] : memref<50x8x32x8x128xf32, #tpu.memory_space<hbm>> -> memref<1x1x1x8x128xf32, #tpu.memory_space<hbm>>
      %dma_start3A_1090 = tpu.memref_squeeze %dma_start3A_1089 : memref<1x1x1x8x128xf32, #tpu.memory_space<hbm>> -> memref<8x128xf32, #tpu.memory_space<hbm>>
      %dma_start3A_1091 = arith.constant 40 : i32
      %dma_start3A_1092 = arith.constant 0 : i32
      %dma_start3A_1093 = tpu.memref_slice %arg13[%dma_start3A_1091, %dma_start3A_1092] : memref<64x129xf32, #tpu.memory_space<vmem>> -> memref<8x128xf32, #tpu.memory_space<vmem>>
      tpu.enqueue_dma source(%dma_start3A_1093 : memref<8x128xf32, #tpu.memory_space<vmem>>) target(%dma_start3A_1090 : memref<8x128xf32, #tpu.memory_space<hbm>>) target_semaphore(%arg23 : memref<!tpu.dma_semaphore, #tpu.memory_space<semaphore_mem>>)
      %dma_start3A_1094 = arith.constant 6 : i32
      %dma_start3A_1095 = arith.constant 48 : i32
      %dma_start3A_1096 = arith.constant 0 : i32
      %dma_start3A_1097 = tpu.memref_slice %arg13[%dma_start3A_1095, %dma_start3A_1096] : memref<64x129xf32, #tpu.memory_space<vmem>> -> memref<8x128xf32, #tpu.memory_space<vmem>>
      %dma_start3A_1098 = arith.constant 0 : i32
      %dma_start3A_1099 = arith.constant 0 : i32
      %dma_start3A_1100 = tpu.memref_slice %arg4[%add3A_982, %dma_start3A_1094, %add3A, %dma_start3A_1098, %dma_start3A_1099] : memref<50x8x32x8x128xf32, #tpu.memory_space<hbm>> -> memref<1x1x1x8x128xf32, #tpu.memory_space<hbm>>
      %dma_start3A_1101 = tpu.memref_squeeze %dma_start3A_1100 : memref<1x1x1x8x128xf32, #tpu.memory_space<hbm>> -> memref<8x128xf32, #tpu.memory_space<hbm>>
      %dma_start3A_1102 = arith.constant 0 : i32
      %dma_start3A_1103 = arith.constant 0 : i32
      %dma_start3A_1104 = tpu.memref_slice %arg4[%add3A_982, %dma_start3A_1094, %add3A, %dma_start3A_1102, %dma_start3A_1103] : memref<50x8x32x8x128xf32, #tpu.memory_space<hbm>> -> memref<1x1x1x8x128xf32, #tpu.memory_space<hbm>>
      %dma_start3A_1105 = tpu.memref_squeeze %dma_start3A_1104 : memref<1x1x1x8x128xf32, #tpu.memory_space<hbm>> -> memref<8x128xf32, #tpu.memory_space<hbm>>
      %dma_start3A_1106 = arith.constant 48 : i32
      %dma_start3A_1107 = arith.constant 0 : i32
      %dma_start3A_1108 = tpu.memref_slice %arg13[%dma_start3A_1106, %dma_start3A_1107] : memref<64x129xf32, #tpu.memory_space<vmem>> -> memref<8x128xf32, #tpu.memory_space<vmem>>
      tpu.enqueue_dma source(%dma_start3A_1108 : memref<8x128xf32, #tpu.memory_space<vmem>>) target(%dma_start3A_1105 : memref<8x128xf32, #tpu.memory_space<hbm>>) target_semaphore(%arg23 : memref<!tpu.dma_semaphore, #tpu.memory_space<semaphore_mem>>)
      %dma_start3A_1109 = arith.constant 7 : i32
      %dma_start3A_1110 = arith.constant 56 : i32
      %dma_start3A_1111 = arith.constant 0 : i32
      %dma_start3A_1112 = tpu.memref_slice %arg13[%dma_start3A_1110, %dma_start3A_1111] : memref<64x129xf32, #tpu.memory_space<vmem>> -> memref<8x128xf32, #tpu.memory_space<vmem>>
      %dma_start3A_1113 = arith.constant 0 : i32
      %dma_start3A_1114 = arith.constant 0 : i32
      %dma_start3A_1115 = tpu.memref_slice %arg4[%add3A_982, %dma_start3A_1109, %add3A, %dma_start3A_1113, %dma_start3A_1114] : memref<50x8x32x8x128xf32, #tpu.memory_space<hbm>> -> memref<1x1x1x8x128xf32, #tpu.memory_space<hbm>>
      %dma_start3A_1116 = tpu.memref_squeeze %dma_start3A_1115 : memref<1x1x1x8x128xf32, #tpu.memory_space<hbm>> -> memref<8x128xf32, #tpu.memory_space<hbm>>
      %dma_start3A_1117 = arith.constant 0 : i32
      %dma_start3A_1118 = arith.constant 0 : i32
      %dma_start3A_1119 = tpu.memref_slice %arg4[%add3A_982, %dma_start3A_1109, %add3A, %dma_start3A_1117, %dma_start3A_1118] : memref<50x8x32x8x128xf32, #tpu.memory_space<hbm>> -> memref<1x1x1x8x128xf32, #tpu.memory_space<hbm>>
      %dma_start3A_1120 = tpu.memref_squeeze %dma_start3A_1119 : memref<1x1x1x8x128xf32, #tpu.memory_space<hbm>> -> memref<8x128xf32, #tpu.memory_space<hbm>>
      %dma_start3A_1121 = arith.constant 56 : i32
      %dma_start3A_1122 = arith.constant 0 : i32
      %dma_start3A_1123 = tpu.memref_slice %arg13[%dma_start3A_1121, %dma_start3A_1122] : memref<64x129xf32, #tpu.memory_space<vmem>> -> memref<8x128xf32, #tpu.memory_space<vmem>>
      tpu.enqueue_dma source(%dma_start3A_1123 : memref<8x128xf32, #tpu.memory_space<vmem>>) target(%dma_start3A_1120 : memref<8x128xf32, #tpu.memory_space<hbm>>) target_semaphore(%arg23 : memref<!tpu.dma_semaphore, #tpu.memory_space<semaphore_mem>>)
      %add3A_1124 = arith.constant 3 : i32
      %add3A_1125 = arith.addi %add3A_699, %add3A_1124 : i32
      %dma_wait3A_1126 = arith.constant 0 : i32
      %dma_wait3A_1127 = tpu.memref_slice %arg5[%add3A_1125, %dma_wait3A_1126] : memref<50x128xi32, #tpu.memory_space<vmem>> -> memref<1x128xi32, #tpu.memory_space<vmem>>
      %dma_wait3A_1128 = tpu.memref_squeeze %dma_wait3A_1127 : memref<1x128xi32, #tpu.memory_space<vmem>> -> memref<128xi32, #tpu.memory_space<vmem>>
      %dma_wait3A_1129 = arith.constant 0 : i32
      %dma_wait3A_1130 = arith.constant 0 : i32
      %dma_wait3A_1131 = tpu.memref_slice %arg3[%dma_wait3A_1129, %dma_wait3A_1130] : memref<100000x64xf32, #tpu.memory_space<hbm>> -> memref<100000x64xf32, #tpu.memory_space<hbm>>
      tpu.wait_indirect_dma semaphore(%arg19 : memref<!tpu.dma_semaphore, #tpu.memory_space<semaphore_mem>>) src(%dma_wait3A_1131 : memref<100000x64xf32, #tpu.memory_space<hbm>>) dst(%arg9 : memref<128x64xf32, #tpu.memory_space<vmem>>)
      %ge3A_1132 = arith.constant 5 : i32
      %ge3A_1133 = arith.cmpi sge, %add3A_1125, %ge3A_1132 : i32
      %convert_element_type3A_1134 = arith.extui %ge3A_1133 : i1 to i32
      %cond3A_1135 = arith.constant 0 : i32
      %cond3A_1136 = arith.cmpi ne, %convert_element_type3A_1134, %cond3A_1135 : i32
      scf.if %cond3A_1136 {
        %sub3A = arith.constant 5 : i32
        %sub3A_1410 = arith.subi %add3A_1125, %sub3A : i32
        %dma_wait3A_1411 = arith.constant 0 : i32
        %dma_wait3A_1412 = arith.constant 0 : i32
        %dma_wait3A_1413 = arith.constant 0 : i32
        %dma_wait3A_1414 = tpu.memref_slice %arg14[%dma_wait3A_1412, %dma_wait3A_1413] : memref<64x129xf32, #tpu.memory_space<vmem>> -> memref<8x128xf32, #tpu.memory_space<vmem>>
        %dma_wait3A_1415 = arith.constant 0 : i32
        %dma_wait3A_1416 = arith.constant 0 : i32
        %dma_wait3A_1417 = tpu.memref_slice %arg4[%sub3A_1410, %dma_wait3A_1411, %add3A, %dma_wait3A_1415, %dma_wait3A_1416] : memref<50x8x32x8x128xf32, #tpu.memory_space<hbm>> -> memref<1x1x1x8x128xf32, #tpu.memory_space<hbm>>
        %dma_wait3A_1418 = tpu.memref_squeeze %dma_wait3A_1417 : memref<1x1x1x8x128xf32, #tpu.memory_space<hbm>> -> memref<8x128xf32, #tpu.memory_space<hbm>>
        %dma_wait3A_1419 = arith.constant 0 : i32
        %dma_wait3A_1420 = arith.constant 0 : i32
        %dma_wait3A_1421 = tpu.memref_slice %arg4[%sub3A_1410, %dma_wait3A_1411, %add3A, %dma_wait3A_1419, %dma_wait3A_1420] : memref<50x8x32x8x128xf32, #tpu.memory_space<hbm>> -> memref<1x1x1x8x128xf32, #tpu.memory_space<hbm>>
        %dma_wait3A_1422 = tpu.memref_squeeze %dma_wait3A_1421 : memref<1x1x1x8x128xf32, #tpu.memory_space<hbm>> -> memref<8x128xf32, #tpu.memory_space<hbm>>
        %dma_wait3A_1423 = arith.constant 0 : i32
        %dma_wait3A_1424 = arith.constant 0 : i32
        %dma_wait3A_1425 = tpu.memref_slice %arg14[%dma_wait3A_1423, %dma_wait3A_1424] : memref<64x129xf32, #tpu.memory_space<vmem>> -> memref<8x128xf32, #tpu.memory_space<vmem>>
        tpu.wait_dma2 semaphore(%arg24 : memref<!tpu.dma_semaphore, #tpu.memory_space<semaphore_mem>>) src(%dma_wait3A_1425 : memref<8x128xf32, #tpu.memory_space<vmem>>) dst(%dma_wait3A_1422 : memref<8x128xf32, #tpu.memory_space<hbm>>)
        %dma_wait3A_1426 = arith.constant 1 : i32
        %dma_wait3A_1427 = arith.constant 8 : i32
        %dma_wait3A_1428 = arith.constant 0 : i32
        %dma_wait3A_1429 = tpu.memref_slice %arg14[%dma_wait3A_1427, %dma_wait3A_1428] : memref<64x129xf32, #tpu.memory_space<vmem>> -> memref<8x128xf32, #tpu.memory_space<vmem>>
        %dma_wait3A_1430 = arith.constant 0 : i32
        %dma_wait3A_1431 = arith.constant 0 : i32
        %dma_wait3A_1432 = tpu.memref_slice %arg4[%sub3A_1410, %dma_wait3A_1426, %add3A, %dma_wait3A_1430, %dma_wait3A_1431] : memref<50x8x32x8x128xf32, #tpu.memory_space<hbm>> -> memref<1x1x1x8x128xf32, #tpu.memory_space<hbm>>
        %dma_wait3A_1433 = tpu.memref_squeeze %dma_wait3A_1432 : memref<1x1x1x8x128xf32, #tpu.memory_space<hbm>> -> memref<8x128xf32, #tpu.memory_space<hbm>>
        %dma_wait3A_1434 = arith.constant 0 : i32
        %dma_wait3A_1435 = arith.constant 0 : i32
        %dma_wait3A_1436 = tpu.memref_slice %arg4[%sub3A_1410, %dma_wait3A_1426, %add3A, %dma_wait3A_1434, %dma_wait3A_1435] : memref<50x8x32x8x128xf32, #tpu.memory_space<hbm>> -> memref<1x1x1x8x128xf32, #tpu.memory_space<hbm>>
        %dma_wait3A_1437 = tpu.memref_squeeze %dma_wait3A_1436 : memref<1x1x1x8x128xf32, #tpu.memory_space<hbm>> -> memref<8x128xf32, #tpu.memory_space<hbm>>
        %dma_wait3A_1438 = arith.constant 8 : i32
        %dma_wait3A_1439 = arith.constant 0 : i32
        %dma_wait3A_1440 = tpu.memref_slice %arg14[%dma_wait3A_1438, %dma_wait3A_1439] : memref<64x129xf32, #tpu.memory_space<vmem>> -> memref<8x128xf32, #tpu.memory_space<vmem>>
        tpu.wait_dma2 semaphore(%arg24 : memref<!tpu.dma_semaphore, #tpu.memory_space<semaphore_mem>>) src(%dma_wait3A_1440 : memref<8x128xf32, #tpu.memory_space<vmem>>) dst(%dma_wait3A_1437 : memref<8x128xf32, #tpu.memory_space<hbm>>)
        %dma_wait3A_1441 = arith.constant 2 : i32
        %dma_wait3A_1442 = arith.constant 16 : i32
        %dma_wait3A_1443 = arith.constant 0 : i32
        %dma_wait3A_1444 = tpu.memref_slice %arg14[%dma_wait3A_1442, %dma_wait3A_1443] : memref<64x129xf32, #tpu.memory_space<vmem>> -> memref<8x128xf32, #tpu.memory_space<vmem>>
        %dma_wait3A_1445 = arith.constant 0 : i32
        %dma_wait3A_1446 = arith.constant 0 : i32
        %dma_wait3A_1447 = tpu.memref_slice %arg4[%sub3A_1410, %dma_wait3A_1441, %add3A, %dma_wait3A_1445, %dma_wait3A_1446] : memref<50x8x32x8x128xf32, #tpu.memory_space<hbm>> -> memref<1x1x1x8x128xf32, #tpu.memory_space<hbm>>
        %dma_wait3A_1448 = tpu.memref_squeeze %dma_wait3A_1447 : memref<1x1x1x8x128xf32, #tpu.memory_space<hbm>> -> memref<8x128xf32, #tpu.memory_space<hbm>>
        %dma_wait3A_1449 = arith.constant 0 : i32
        %dma_wait3A_1450 = arith.constant 0 : i32
        %dma_wait3A_1451 = tpu.memref_slice %arg4[%sub3A_1410, %dma_wait3A_1441, %add3A, %dma_wait3A_1449, %dma_wait3A_1450] : memref<50x8x32x8x128xf32, #tpu.memory_space<hbm>> -> memref<1x1x1x8x128xf32, #tpu.memory_space<hbm>>
        %dma_wait3A_1452 = tpu.memref_squeeze %dma_wait3A_1451 : memref<1x1x1x8x128xf32, #tpu.memory_space<hbm>> -> memref<8x128xf32, #tpu.memory_space<hbm>>
        %dma_wait3A_1453 = arith.constant 16 : i32
        %dma_wait3A_1454 = arith.constant 0 : i32
        %dma_wait3A_1455 = tpu.memref_slice %arg14[%dma_wait3A_1453, %dma_wait3A_1454] : memref<64x129xf32, #tpu.memory_space<vmem>> -> memref<8x128xf32, #tpu.memory_space<vmem>>
        tpu.wait_dma2 semaphore(%arg24 : memref<!tpu.dma_semaphore, #tpu.memory_space<semaphore_mem>>) src(%dma_wait3A_1455 : memref<8x128xf32, #tpu.memory_space<vmem>>) dst(%dma_wait3A_1452 : memref<8x128xf32, #tpu.memory_space<hbm>>)
        %dma_wait3A_1456 = arith.constant 3 : i32
        %dma_wait3A_1457 = arith.constant 24 : i32
        %dma_wait3A_1458 = arith.constant 0 : i32
        %dma_wait3A_1459 = tpu.memref_slice %arg14[%dma_wait3A_1457, %dma_wait3A_1458] : memref<64x129xf32, #tpu.memory_space<vmem>> -> memref<8x128xf32, #tpu.memory_space<vmem>>
        %dma_wait3A_1460 = arith.constant 0 : i32
        %dma_wait3A_1461 = arith.constant 0 : i32
        %dma_wait3A_1462 = tpu.memref_slice %arg4[%sub3A_1410, %dma_wait3A_1456, %add3A, %dma_wait3A_1460, %dma_wait3A_1461] : memref<50x8x32x8x128xf32, #tpu.memory_space<hbm>> -> memref<1x1x1x8x128xf32, #tpu.memory_space<hbm>>
        %dma_wait3A_1463 = tpu.memref_squeeze %dma_wait3A_1462 : memref<1x1x1x8x128xf32, #tpu.memory_space<hbm>> -> memref<8x128xf32, #tpu.memory_space<hbm>>
        %dma_wait3A_1464 = arith.constant 0 : i32
        %dma_wait3A_1465 = arith.constant 0 : i32
        %dma_wait3A_1466 = tpu.memref_slice %arg4[%sub3A_1410, %dma_wait3A_1456, %add3A, %dma_wait3A_1464, %dma_wait3A_1465] : memref<50x8x32x8x128xf32, #tpu.memory_space<hbm>> -> memref<1x1x1x8x128xf32, #tpu.memory_space<hbm>>
        %dma_wait3A_1467 = tpu.memref_squeeze %dma_wait3A_1466 : memref<1x1x1x8x128xf32, #tpu.memory_space<hbm>> -> memref<8x128xf32, #tpu.memory_space<hbm>>
        %dma_wait3A_1468 = arith.constant 24 : i32
        %dma_wait3A_1469 = arith.constant 0 : i32
        %dma_wait3A_1470 = tpu.memref_slice %arg14[%dma_wait3A_1468, %dma_wait3A_1469] : memref<64x129xf32, #tpu.memory_space<vmem>> -> memref<8x128xf32, #tpu.memory_space<vmem>>
        tpu.wait_dma2 semaphore(%arg24 : memref<!tpu.dma_semaphore, #tpu.memory_space<semaphore_mem>>) src(%dma_wait3A_1470 : memref<8x128xf32, #tpu.memory_space<vmem>>) dst(%dma_wait3A_1467 : memref<8x128xf32, #tpu.memory_space<hbm>>)
        %dma_wait3A_1471 = arith.constant 4 : i32
        %dma_wait3A_1472 = arith.constant 32 : i32
        %dma_wait3A_1473 = arith.constant 0 : i32
        %dma_wait3A_1474 = tpu.memref_slice %arg14[%dma_wait3A_1472, %dma_wait3A_1473] : memref<64x129xf32, #tpu.memory_space<vmem>> -> memref<8x128xf32, #tpu.memory_space<vmem>>
        %dma_wait3A_1475 = arith.constant 0 : i32
        %dma_wait3A_1476 = arith.constant 0 : i32
        %dma_wait3A_1477 = tpu.memref_slice %arg4[%sub3A_1410, %dma_wait3A_1471, %add3A, %dma_wait3A_1475, %dma_wait3A_1476] : memref<50x8x32x8x128xf32, #tpu.memory_space<hbm>> -> memref<1x1x1x8x128xf32, #tpu.memory_space<hbm>>
        %dma_wait3A_1478 = tpu.memref_squeeze %dma_wait3A_1477 : memref<1x1x1x8x128xf32, #tpu.memory_space<hbm>> -> memref<8x128xf32, #tpu.memory_space<hbm>>
        %dma_wait3A_1479 = arith.constant 0 : i32
        %dma_wait3A_1480 = arith.constant 0 : i32
        %dma_wait3A_1481 = tpu.memref_slice %arg4[%sub3A_1410, %dma_wait3A_1471, %add3A, %dma_wait3A_1479, %dma_wait3A_1480] : memref<50x8x32x8x128xf32, #tpu.memory_space<hbm>> -> memref<1x1x1x8x128xf32, #tpu.memory_space<hbm>>
        %dma_wait3A_1482 = tpu.memref_squeeze %dma_wait3A_1481 : memref<1x1x1x8x128xf32, #tpu.memory_space<hbm>> -> memref<8x128xf32, #tpu.memory_space<hbm>>
        %dma_wait3A_1483 = arith.constant 32 : i32
        %dma_wait3A_1484 = arith.constant 0 : i32
        %dma_wait3A_1485 = tpu.memref_slice %arg14[%dma_wait3A_1483, %dma_wait3A_1484] : memref<64x129xf32, #tpu.memory_space<vmem>> -> memref<8x128xf32, #tpu.memory_space<vmem>>
        tpu.wait_dma2 semaphore(%arg24 : memref<!tpu.dma_semaphore, #tpu.memory_space<semaphore_mem>>) src(%dma_wait3A_1485 : memref<8x128xf32, #tpu.memory_space<vmem>>) dst(%dma_wait3A_1482 : memref<8x128xf32, #tpu.memory_space<hbm>>)
        %dma_wait3A_1486 = arith.constant 5 : i32
        %dma_wait3A_1487 = arith.constant 40 : i32
        %dma_wait3A_1488 = arith.constant 0 : i32
        %dma_wait3A_1489 = tpu.memref_slice %arg14[%dma_wait3A_1487, %dma_wait3A_1488] : memref<64x129xf32, #tpu.memory_space<vmem>> -> memref<8x128xf32, #tpu.memory_space<vmem>>
        %dma_wait3A_1490 = arith.constant 0 : i32
        %dma_wait3A_1491 = arith.constant 0 : i32
        %dma_wait3A_1492 = tpu.memref_slice %arg4[%sub3A_1410, %dma_wait3A_1486, %add3A, %dma_wait3A_1490, %dma_wait3A_1491] : memref<50x8x32x8x128xf32, #tpu.memory_space<hbm>> -> memref<1x1x1x8x128xf32, #tpu.memory_space<hbm>>
        %dma_wait3A_1493 = tpu.memref_squeeze %dma_wait3A_1492 : memref<1x1x1x8x128xf32, #tpu.memory_space<hbm>> -> memref<8x128xf32, #tpu.memory_space<hbm>>
        %dma_wait3A_1494 = arith.constant 0 : i32
        %dma_wait3A_1495 = arith.constant 0 : i32
        %dma_wait3A_1496 = tpu.memref_slice %arg4[%sub3A_1410, %dma_wait3A_1486, %add3A, %dma_wait3A_1494, %dma_wait3A_1495] : memref<50x8x32x8x128xf32, #tpu.memory_space<hbm>> -> memref<1x1x1x8x128xf32, #tpu.memory_space<hbm>>
        %dma_wait3A_1497 = tpu.memref_squeeze %dma_wait3A_1496 : memref<1x1x1x8x128xf32, #tpu.memory_space<hbm>> -> memref<8x128xf32, #tpu.memory_space<hbm>>
        %dma_wait3A_1498 = arith.constant 40 : i32
        %dma_wait3A_1499 = arith.constant 0 : i32
        %dma_wait3A_1500 = tpu.memref_slice %arg14[%dma_wait3A_1498, %dma_wait3A_1499] : memref<64x129xf32, #tpu.memory_space<vmem>> -> memref<8x128xf32, #tpu.memory_space<vmem>>
        tpu.wait_dma2 semaphore(%arg24 : memref<!tpu.dma_semaphore, #tpu.memory_space<semaphore_mem>>) src(%dma_wait3A_1500 : memref<8x128xf32, #tpu.memory_space<vmem>>) dst(%dma_wait3A_1497 : memref<8x128xf32, #tpu.memory_space<hbm>>)
        %dma_wait3A_1501 = arith.constant 6 : i32
        %dma_wait3A_1502 = arith.constant 48 : i32
        %dma_wait3A_1503 = arith.constant 0 : i32
        %dma_wait3A_1504 = tpu.memref_slice %arg14[%dma_wait3A_1502, %dma_wait3A_1503] : memref<64x129xf32, #tpu.memory_space<vmem>> -> memref<8x128xf32, #tpu.memory_space<vmem>>
        %dma_wait3A_1505 = arith.constant 0 : i32
        %dma_wait3A_1506 = arith.constant 0 : i32
        %dma_wait3A_1507 = tpu.memref_slice %arg4[%sub3A_1410, %dma_wait3A_1501, %add3A, %dma_wait3A_1505, %dma_wait3A_1506] : memref<50x8x32x8x128xf32, #tpu.memory_space<hbm>> -> memref<1x1x1x8x128xf32, #tpu.memory_space<hbm>>
        %dma_wait3A_1508 = tpu.memref_squeeze %dma_wait3A_1507 : memref<1x1x1x8x128xf32, #tpu.memory_space<hbm>> -> memref<8x128xf32, #tpu.memory_space<hbm>>
        %dma_wait3A_1509 = arith.constant 0 : i32
        %dma_wait3A_1510 = arith.constant 0 : i32
        %dma_wait3A_1511 = tpu.memref_slice %arg4[%sub3A_1410, %dma_wait3A_1501, %add3A, %dma_wait3A_1509, %dma_wait3A_1510] : memref<50x8x32x8x128xf32, #tpu.memory_space<hbm>> -> memref<1x1x1x8x128xf32, #tpu.memory_space<hbm>>
        %dma_wait3A_1512 = tpu.memref_squeeze %dma_wait3A_1511 : memref<1x1x1x8x128xf32, #tpu.memory_space<hbm>> -> memref<8x128xf32, #tpu.memory_space<hbm>>
        %dma_wait3A_1513 = arith.constant 48 : i32
        %dma_wait3A_1514 = arith.constant 0 : i32
        %dma_wait3A_1515 = tpu.memref_slice %arg14[%dma_wait3A_1513, %dma_wait3A_1514] : memref<64x129xf32, #tpu.memory_space<vmem>> -> memref<8x128xf32, #tpu.memory_space<vmem>>
        tpu.wait_dma2 semaphore(%arg24 : memref<!tpu.dma_semaphore, #tpu.memory_space<semaphore_mem>>) src(%dma_wait3A_1515 : memref<8x128xf32, #tpu.memory_space<vmem>>) dst(%dma_wait3A_1512 : memref<8x128xf32, #tpu.memory_space<hbm>>)
        %dma_wait3A_1516 = arith.constant 7 : i32
        %dma_wait3A_1517 = arith.constant 56 : i32
        %dma_wait3A_1518 = arith.constant 0 : i32
        %dma_wait3A_1519 = tpu.memref_slice %arg14[%dma_wait3A_1517, %dma_wait3A_1518] : memref<64x129xf32, #tpu.memory_space<vmem>> -> memref<8x128xf32, #tpu.memory_space<vmem>>
        %dma_wait3A_1520 = arith.constant 0 : i32
        %dma_wait3A_1521 = arith.constant 0 : i32
        %dma_wait3A_1522 = tpu.memref_slice %arg4[%sub3A_1410, %dma_wait3A_1516, %add3A, %dma_wait3A_1520, %dma_wait3A_1521] : memref<50x8x32x8x128xf32, #tpu.memory_space<hbm>> -> memref<1x1x1x8x128xf32, #tpu.memory_space<hbm>>
        %dma_wait3A_1523 = tpu.memref_squeeze %dma_wait3A_1522 : memref<1x1x1x8x128xf32, #tpu.memory_space<hbm>> -> memref<8x128xf32, #tpu.memory_space<hbm>>
        %dma_wait3A_1524 = arith.constant 0 : i32
        %dma_wait3A_1525 = arith.constant 0 : i32
        %dma_wait3A_1526 = tpu.memref_slice %arg4[%sub3A_1410, %dma_wait3A_1516, %add3A, %dma_wait3A_1524, %dma_wait3A_1525] : memref<50x8x32x8x128xf32, #tpu.memory_space<hbm>> -> memref<1x1x1x8x128xf32, #tpu.memory_space<hbm>>
        %dma_wait3A_1527 = tpu.memref_squeeze %dma_wait3A_1526 : memref<1x1x1x8x128xf32, #tpu.memory_space<hbm>> -> memref<8x128xf32, #tpu.memory_space<hbm>>
        %dma_wait3A_1528 = arith.constant 56 : i32
        %dma_wait3A_1529 = arith.constant 0 : i32
        %dma_wait3A_1530 = tpu.memref_slice %arg14[%dma_wait3A_1528, %dma_wait3A_1529] : memref<64x129xf32, #tpu.memory_space<vmem>> -> memref<8x128xf32, #tpu.memory_space<vmem>>
        tpu.wait_dma2 semaphore(%arg24 : memref<!tpu.dma_semaphore, #tpu.memory_space<semaphore_mem>>) src(%dma_wait3A_1530 : memref<8x128xf32, #tpu.memory_space<vmem>>) dst(%dma_wait3A_1527 : memref<8x128xf32, #tpu.memory_space<hbm>>)
      } else {
      }
      %parallel_loop3A_1137 = arith.constant 0 : i32
      %parallel_loop3A_1138 = arith.constant 128 : i32
      %parallel_loop3A_1139 = arith.constant 1 : i32
      scf.for %parallel_loop3A_1410 = %parallel_loop3A_1137 to %parallel_loop3A_1138 step %parallel_loop3A_1139  : i32 {
        %parallel_loop3A_1411 = vector.broadcast %parallel_loop3A_1410 : i32 to vector<16xi32>
        %parallel_loop3A_1412 = arith.addi %mul3A_17, %parallel_loop3A_1411 : vector<16xi32>
        %parallel_loop3A_1413 = arith.index_cast %parallel_loop3A_1410 : i32 to index
        %parallel_loop3A_1414 = arith.constant 0 : index
        %parallel_loop3A_1415 = tpu.vector_load %arg9[%parallel_loop3A_1413, %parallel_loop3A_1414] {strides = array<i32>} : memref<128x64xf32, #tpu.memory_space<vmem>>, vector<16xf32>,
        tpu.vector_store_idx %arg14[%add3A_5, %parallel_loop3A_1412], %parallel_loop3A_1415 : memref<64x129xf32, #tpu.memory_space<vmem>>[vector<16xi32>, vector<16xi32>], vector<16xf32>,
        %parallel_loop3A_1416 = arith.index_cast %parallel_loop3A_1410 : i32 to index
        %parallel_loop3A_1417 = arith.constant 16 : index
        %parallel_loop3A_1418 = tpu.vector_load %arg9[%parallel_loop3A_1416, %parallel_loop3A_1417] {strides = array<i32>} : memref<128x64xf32, #tpu.memory_space<vmem>>, vector<16xf32>,
        tpu.vector_store_idx %arg14[%add3A_8, %parallel_loop3A_1412], %parallel_loop3A_1418 : memref<64x129xf32, #tpu.memory_space<vmem>>[vector<16xi32>, vector<16xi32>], vector<16xf32>,
        %parallel_loop3A_1419 = arith.index_cast %parallel_loop3A_1410 : i32 to index
        %parallel_loop3A_1420 = arith.constant 32 : index
        %parallel_loop3A_1421 = tpu.vector_load %arg9[%parallel_loop3A_1419, %parallel_loop3A_1420] {strides = array<i32>} : memref<128x64xf32, #tpu.memory_space<vmem>>, vector<16xf32>,
        tpu.vector_store_idx %arg14[%add3A_11, %parallel_loop3A_1412], %parallel_loop3A_1421 : memref<64x129xf32, #tpu.memory_space<vmem>>[vector<16xi32>, vector<16xi32>], vector<16xf32>,
        %parallel_loop3A_1422 = arith.index_cast %parallel_loop3A_1410 : i32 to index
        %parallel_loop3A_1423 = arith.constant 48 : index
        %parallel_loop3A_1424 = tpu.vector_load %arg9[%parallel_loop3A_1422, %parallel_loop3A_1423] {strides = array<i32>} : memref<128x64xf32, #tpu.memory_space<vmem>>, vector<16xf32>,
        tpu.vector_store_idx %arg14[%add3A_14, %parallel_loop3A_1412], %parallel_loop3A_1424 : memref<64x129xf32, #tpu.memory_space<vmem>>[vector<16xi32>, vector<16xi32>], vector<16xf32>,
      } {sc.loop_unroll_factor = 4 : i64, sc.parallel_access}
      %add3A_1140 = arith.constant 5 : i32
      %add3A_1141 = arith.addi %add3A_1125, %add3A_1140 : i32
      %lt3A_1142 = arith.constant 50 : i32
      %lt3A_1143 = arith.cmpi slt, %add3A_1141, %lt3A_1142 : i32
      %convert_element_type3A_1144 = arith.extui %lt3A_1143 : i1 to i32
      %cond3A_1145 = arith.constant 0 : i32
      %cond3A_1146 = arith.cmpi ne, %convert_element_type3A_1144, %cond3A_1145 : i32
      scf.if %cond3A_1146 {
        %add3A_1410 = arith.constant 5 : i32
        %add3A_1411 = arith.addi %add3A_1125, %add3A_1410 : i32
        %dma_start3A_1412 = arith.constant 0 : i32
        %dma_start3A_1413 = tpu.memref_slice %arg5[%add3A_1411, %dma_start3A_1412] : memref<50x128xi32, #tpu.memory_space<vmem>> -> memref<1x128xi32, #tpu.memory_space<vmem>>
        %dma_start3A_1414 = tpu.memref_squeeze %dma_start3A_1413 : memref<1x128xi32, #tpu.memory_space<vmem>> -> memref<128xi32, #tpu.memory_space<vmem>>
        %dma_start3A_1415 = arith.constant 0 : i32
        %dma_start3A_1416 = arith.constant 0 : i32
        %dma_start3A_1417 = tpu.memref_slice %arg3[%dma_start3A_1415, %dma_start3A_1416] : memref<100000x64xf32, #tpu.memory_space<hbm>> -> memref<100000x64xf32, #tpu.memory_space<hbm>>
        tpu.enqueue_indirect_dma source(%dma_start3A_1417 : memref<100000x64xf32, #tpu.memory_space<hbm>>) target(%arg9 : memref<128x64xf32, #tpu.memory_space<vmem>>) offsets(%dma_start3A_1414 : memref<128xi32, #tpu.memory_space<vmem>>) semaphore(%arg19 : memref<!tpu.dma_semaphore, #tpu.memory_space<semaphore_mem>>)
      } else {
      }
      %dma_start3A_1147 = arith.constant 0 : i32
      %dma_start3A_1148 = arith.constant 0 : i32
      %dma_start3A_1149 = arith.constant 0 : i32
      %dma_start3A_1150 = tpu.memref_slice %arg14[%dma_start3A_1148, %dma_start3A_1149] : memref<64x129xf32, #tpu.memory_space<vmem>> -> memref<8x128xf32, #tpu.memory_space<vmem>>
      %dma_start3A_1151 = arith.constant 0 : i32
      %dma_start3A_1152 = arith.constant 0 : i32
      %dma_start3A_1153 = tpu.memref_slice %arg4[%add3A_1125, %dma_start3A_1147, %add3A, %dma_start3A_1151, %dma_start3A_1152] : memref<50x8x32x8x128xf32, #tpu.memory_space<hbm>> -> memref<1x1x1x8x128xf32, #tpu.memory_space<hbm>>
      %dma_start3A_1154 = tpu.memref_squeeze %dma_start3A_1153 : memref<1x1x1x8x128xf32, #tpu.memory_space<hbm>> -> memref<8x128xf32, #tpu.memory_space<hbm>>
      %dma_start3A_1155 = arith.constant 0 : i32
      %dma_start3A_1156 = arith.constant 0 : i32
      %dma_start3A_1157 = tpu.memref_slice %arg4[%add3A_1125, %dma_start3A_1147, %add3A, %dma_start3A_1155, %dma_start3A_1156] : memref<50x8x32x8x128xf32, #tpu.memory_space<hbm>> -> memref<1x1x1x8x128xf32, #tpu.memory_space<hbm>>
      %dma_start3A_1158 = tpu.memref_squeeze %dma_start3A_1157 : memref<1x1x1x8x128xf32, #tpu.memory_space<hbm>> -> memref<8x128xf32, #tpu.memory_space<hbm>>
      %dma_start3A_1159 = arith.constant 0 : i32
      %dma_start3A_1160 = arith.constant 0 : i32
      %dma_start3A_1161 = tpu.memref_slice %arg14[%dma_start3A_1159, %dma_start3A_1160] : memref<64x129xf32, #tpu.memory_space<vmem>> -> memref<8x128xf32, #tpu.memory_space<vmem>>
      tpu.enqueue_dma source(%dma_start3A_1161 : memref<8x128xf32, #tpu.memory_space<vmem>>) target(%dma_start3A_1158 : memref<8x128xf32, #tpu.memory_space<hbm>>) target_semaphore(%arg24 : memref<!tpu.dma_semaphore, #tpu.memory_space<semaphore_mem>>)
      %dma_start3A_1162 = arith.constant 1 : i32
      %dma_start3A_1163 = arith.constant 8 : i32
      %dma_start3A_1164 = arith.constant 0 : i32
      %dma_start3A_1165 = tpu.memref_slice %arg14[%dma_start3A_1163, %dma_start3A_1164] : memref<64x129xf32, #tpu.memory_space<vmem>> -> memref<8x128xf32, #tpu.memory_space<vmem>>
      %dma_start3A_1166 = arith.constant 0 : i32
      %dma_start3A_1167 = arith.constant 0 : i32
      %dma_start3A_1168 = tpu.memref_slice %arg4[%add3A_1125, %dma_start3A_1162, %add3A, %dma_start3A_1166, %dma_start3A_1167] : memref<50x8x32x8x128xf32, #tpu.memory_space<hbm>> -> memref<1x1x1x8x128xf32, #tpu.memory_space<hbm>>
      %dma_start3A_1169 = tpu.memref_squeeze %dma_start3A_1168 : memref<1x1x1x8x128xf32, #tpu.memory_space<hbm>> -> memref<8x128xf32, #tpu.memory_space<hbm>>
      %dma_start3A_1170 = arith.constant 0 : i32
      %dma_start3A_1171 = arith.constant 0 : i32
      %dma_start3A_1172 = tpu.memref_slice %arg4[%add3A_1125, %dma_start3A_1162, %add3A, %dma_start3A_1170, %dma_start3A_1171] : memref<50x8x32x8x128xf32, #tpu.memory_space<hbm>> -> memref<1x1x1x8x128xf32, #tpu.memory_space<hbm>>
      %dma_start3A_1173 = tpu.memref_squeeze %dma_start3A_1172 : memref<1x1x1x8x128xf32, #tpu.memory_space<hbm>> -> memref<8x128xf32, #tpu.memory_space<hbm>>
      %dma_start3A_1174 = arith.constant 8 : i32
      %dma_start3A_1175 = arith.constant 0 : i32
      %dma_start3A_1176 = tpu.memref_slice %arg14[%dma_start3A_1174, %dma_start3A_1175] : memref<64x129xf32, #tpu.memory_space<vmem>> -> memref<8x128xf32, #tpu.memory_space<vmem>>
      tpu.enqueue_dma source(%dma_start3A_1176 : memref<8x128xf32, #tpu.memory_space<vmem>>) target(%dma_start3A_1173 : memref<8x128xf32, #tpu.memory_space<hbm>>) target_semaphore(%arg24 : memref<!tpu.dma_semaphore, #tpu.memory_space<semaphore_mem>>)
      %dma_start3A_1177 = arith.constant 2 : i32
      %dma_start3A_1178 = arith.constant 16 : i32
      %dma_start3A_1179 = arith.constant 0 : i32
      %dma_start3A_1180 = tpu.memref_slice %arg14[%dma_start3A_1178, %dma_start3A_1179] : memref<64x129xf32, #tpu.memory_space<vmem>> -> memref<8x128xf32, #tpu.memory_space<vmem>>
      %dma_start3A_1181 = arith.constant 0 : i32
      %dma_start3A_1182 = arith.constant 0 : i32
      %dma_start3A_1183 = tpu.memref_slice %arg4[%add3A_1125, %dma_start3A_1177, %add3A, %dma_start3A_1181, %dma_start3A_1182] : memref<50x8x32x8x128xf32, #tpu.memory_space<hbm>> -> memref<1x1x1x8x128xf32, #tpu.memory_space<hbm>>
      %dma_start3A_1184 = tpu.memref_squeeze %dma_start3A_1183 : memref<1x1x1x8x128xf32, #tpu.memory_space<hbm>> -> memref<8x128xf32, #tpu.memory_space<hbm>>
      %dma_start3A_1185 = arith.constant 0 : i32
      %dma_start3A_1186 = arith.constant 0 : i32
      %dma_start3A_1187 = tpu.memref_slice %arg4[%add3A_1125, %dma_start3A_1177, %add3A, %dma_start3A_1185, %dma_start3A_1186] : memref<50x8x32x8x128xf32, #tpu.memory_space<hbm>> -> memref<1x1x1x8x128xf32, #tpu.memory_space<hbm>>
      %dma_start3A_1188 = tpu.memref_squeeze %dma_start3A_1187 : memref<1x1x1x8x128xf32, #tpu.memory_space<hbm>> -> memref<8x128xf32, #tpu.memory_space<hbm>>
      %dma_start3A_1189 = arith.constant 16 : i32
      %dma_start3A_1190 = arith.constant 0 : i32
      %dma_start3A_1191 = tpu.memref_slice %arg14[%dma_start3A_1189, %dma_start3A_1190] : memref<64x129xf32, #tpu.memory_space<vmem>> -> memref<8x128xf32, #tpu.memory_space<vmem>>
      tpu.enqueue_dma source(%dma_start3A_1191 : memref<8x128xf32, #tpu.memory_space<vmem>>) target(%dma_start3A_1188 : memref<8x128xf32, #tpu.memory_space<hbm>>) target_semaphore(%arg24 : memref<!tpu.dma_semaphore, #tpu.memory_space<semaphore_mem>>)
      %dma_start3A_1192 = arith.constant 3 : i32
      %dma_start3A_1193 = arith.constant 24 : i32
      %dma_start3A_1194 = arith.constant 0 : i32
      %dma_start3A_1195 = tpu.memref_slice %arg14[%dma_start3A_1193, %dma_start3A_1194] : memref<64x129xf32, #tpu.memory_space<vmem>> -> memref<8x128xf32, #tpu.memory_space<vmem>>
      %dma_start3A_1196 = arith.constant 0 : i32
      %dma_start3A_1197 = arith.constant 0 : i32
      %dma_start3A_1198 = tpu.memref_slice %arg4[%add3A_1125, %dma_start3A_1192, %add3A, %dma_start3A_1196, %dma_start3A_1197] : memref<50x8x32x8x128xf32, #tpu.memory_space<hbm>> -> memref<1x1x1x8x128xf32, #tpu.memory_space<hbm>>
      %dma_start3A_1199 = tpu.memref_squeeze %dma_start3A_1198 : memref<1x1x1x8x128xf32, #tpu.memory_space<hbm>> -> memref<8x128xf32, #tpu.memory_space<hbm>>
      %dma_start3A_1200 = arith.constant 0 : i32
      %dma_start3A_1201 = arith.constant 0 : i32
      %dma_start3A_1202 = tpu.memref_slice %arg4[%add3A_1125, %dma_start3A_1192, %add3A, %dma_start3A_1200, %dma_start3A_1201] : memref<50x8x32x8x128xf32, #tpu.memory_space<hbm>> -> memref<1x1x1x8x128xf32, #tpu.memory_space<hbm>>
      %dma_start3A_1203 = tpu.memref_squeeze %dma_start3A_1202 : memref<1x1x1x8x128xf32, #tpu.memory_space<hbm>> -> memref<8x128xf32, #tpu.memory_space<hbm>>
      %dma_start3A_1204 = arith.constant 24 : i32
      %dma_start3A_1205 = arith.constant 0 : i32
      %dma_start3A_1206 = tpu.memref_slice %arg14[%dma_start3A_1204, %dma_start3A_1205] : memref<64x129xf32, #tpu.memory_space<vmem>> -> memref<8x128xf32, #tpu.memory_space<vmem>>
      tpu.enqueue_dma source(%dma_start3A_1206 : memref<8x128xf32, #tpu.memory_space<vmem>>) target(%dma_start3A_1203 : memref<8x128xf32, #tpu.memory_space<hbm>>) target_semaphore(%arg24 : memref<!tpu.dma_semaphore, #tpu.memory_space<semaphore_mem>>)
      %dma_start3A_1207 = arith.constant 4 : i32
      %dma_start3A_1208 = arith.constant 32 : i32
      %dma_start3A_1209 = arith.constant 0 : i32
      %dma_start3A_1210 = tpu.memref_slice %arg14[%dma_start3A_1208, %dma_start3A_1209] : memref<64x129xf32, #tpu.memory_space<vmem>> -> memref<8x128xf32, #tpu.memory_space<vmem>>
      %dma_start3A_1211 = arith.constant 0 : i32
      %dma_start3A_1212 = arith.constant 0 : i32
      %dma_start3A_1213 = tpu.memref_slice %arg4[%add3A_1125, %dma_start3A_1207, %add3A, %dma_start3A_1211, %dma_start3A_1212] : memref<50x8x32x8x128xf32, #tpu.memory_space<hbm>> -> memref<1x1x1x8x128xf32, #tpu.memory_space<hbm>>
      %dma_start3A_1214 = tpu.memref_squeeze %dma_start3A_1213 : memref<1x1x1x8x128xf32, #tpu.memory_space<hbm>> -> memref<8x128xf32, #tpu.memory_space<hbm>>
      %dma_start3A_1215 = arith.constant 0 : i32
      %dma_start3A_1216 = arith.constant 0 : i32
      %dma_start3A_1217 = tpu.memref_slice %arg4[%add3A_1125, %dma_start3A_1207, %add3A, %dma_start3A_1215, %dma_start3A_1216] : memref<50x8x32x8x128xf32, #tpu.memory_space<hbm>> -> memref<1x1x1x8x128xf32, #tpu.memory_space<hbm>>
      %dma_start3A_1218 = tpu.memref_squeeze %dma_start3A_1217 : memref<1x1x1x8x128xf32, #tpu.memory_space<hbm>> -> memref<8x128xf32, #tpu.memory_space<hbm>>
      %dma_start3A_1219 = arith.constant 32 : i32
      %dma_start3A_1220 = arith.constant 0 : i32
      %dma_start3A_1221 = tpu.memref_slice %arg14[%dma_start3A_1219, %dma_start3A_1220] : memref<64x129xf32, #tpu.memory_space<vmem>> -> memref<8x128xf32, #tpu.memory_space<vmem>>
      tpu.enqueue_dma source(%dma_start3A_1221 : memref<8x128xf32, #tpu.memory_space<vmem>>) target(%dma_start3A_1218 : memref<8x128xf32, #tpu.memory_space<hbm>>) target_semaphore(%arg24 : memref<!tpu.dma_semaphore, #tpu.memory_space<semaphore_mem>>)
      %dma_start3A_1222 = arith.constant 5 : i32
      %dma_start3A_1223 = arith.constant 40 : i32
      %dma_start3A_1224 = arith.constant 0 : i32
      %dma_start3A_1225 = tpu.memref_slice %arg14[%dma_start3A_1223, %dma_start3A_1224] : memref<64x129xf32, #tpu.memory_space<vmem>> -> memref<8x128xf32, #tpu.memory_space<vmem>>
      %dma_start3A_1226 = arith.constant 0 : i32
      %dma_start3A_1227 = arith.constant 0 : i32
      %dma_start3A_1228 = tpu.memref_slice %arg4[%add3A_1125, %dma_start3A_1222, %add3A, %dma_start3A_1226, %dma_start3A_1227] : memref<50x8x32x8x128xf32, #tpu.memory_space<hbm>> -> memref<1x1x1x8x128xf32, #tpu.memory_space<hbm>>
      %dma_start3A_1229 = tpu.memref_squeeze %dma_start3A_1228 : memref<1x1x1x8x128xf32, #tpu.memory_space<hbm>> -> memref<8x128xf32, #tpu.memory_space<hbm>>
      %dma_start3A_1230 = arith.constant 0 : i32
      %dma_start3A_1231 = arith.constant 0 : i32
      %dma_start3A_1232 = tpu.memref_slice %arg4[%add3A_1125, %dma_start3A_1222, %add3A, %dma_start3A_1230, %dma_start3A_1231] : memref<50x8x32x8x128xf32, #tpu.memory_space<hbm>> -> memref<1x1x1x8x128xf32, #tpu.memory_space<hbm>>
      %dma_start3A_1233 = tpu.memref_squeeze %dma_start3A_1232 : memref<1x1x1x8x128xf32, #tpu.memory_space<hbm>> -> memref<8x128xf32, #tpu.memory_space<hbm>>
      %dma_start3A_1234 = arith.constant 40 : i32
      %dma_start3A_1235 = arith.constant 0 : i32
      %dma_start3A_1236 = tpu.memref_slice %arg14[%dma_start3A_1234, %dma_start3A_1235] : memref<64x129xf32, #tpu.memory_space<vmem>> -> memref<8x128xf32, #tpu.memory_space<vmem>>
      tpu.enqueue_dma source(%dma_start3A_1236 : memref<8x128xf32, #tpu.memory_space<vmem>>) target(%dma_start3A_1233 : memref<8x128xf32, #tpu.memory_space<hbm>>) target_semaphore(%arg24 : memref<!tpu.dma_semaphore, #tpu.memory_space<semaphore_mem>>)
      %dma_start3A_1237 = arith.constant 6 : i32
      %dma_start3A_1238 = arith.constant 48 : i32
      %dma_start3A_1239 = arith.constant 0 : i32
      %dma_start3A_1240 = tpu.memref_slice %arg14[%dma_start3A_1238, %dma_start3A_1239] : memref<64x129xf32, #tpu.memory_space<vmem>> -> memref<8x128xf32, #tpu.memory_space<vmem>>
      %dma_start3A_1241 = arith.constant 0 : i32
      %dma_start3A_1242 = arith.constant 0 : i32
      %dma_start3A_1243 = tpu.memref_slice %arg4[%add3A_1125, %dma_start3A_1237, %add3A, %dma_start3A_1241, %dma_start3A_1242] : memref<50x8x32x8x128xf32, #tpu.memory_space<hbm>> -> memref<1x1x1x8x128xf32, #tpu.memory_space<hbm>>
      %dma_start3A_1244 = tpu.memref_squeeze %dma_start3A_1243 : memref<1x1x1x8x128xf32, #tpu.memory_space<hbm>> -> memref<8x128xf32, #tpu.memory_space<hbm>>
      %dma_start3A_1245 = arith.constant 0 : i32
      %dma_start3A_1246 = arith.constant 0 : i32
      %dma_start3A_1247 = tpu.memref_slice %arg4[%add3A_1125, %dma_start3A_1237, %add3A, %dma_start3A_1245, %dma_start3A_1246] : memref<50x8x32x8x128xf32, #tpu.memory_space<hbm>> -> memref<1x1x1x8x128xf32, #tpu.memory_space<hbm>>
      %dma_start3A_1248 = tpu.memref_squeeze %dma_start3A_1247 : memref<1x1x1x8x128xf32, #tpu.memory_space<hbm>> -> memref<8x128xf32, #tpu.memory_space<hbm>>
      %dma_start3A_1249 = arith.constant 48 : i32
      %dma_start3A_1250 = arith.constant 0 : i32
      %dma_start3A_1251 = tpu.memref_slice %arg14[%dma_start3A_1249, %dma_start3A_1250] : memref<64x129xf32, #tpu.memory_space<vmem>> -> memref<8x128xf32, #tpu.memory_space<vmem>>
      tpu.enqueue_dma source(%dma_start3A_1251 : memref<8x128xf32, #tpu.memory_space<vmem>>) target(%dma_start3A_1248 : memref<8x128xf32, #tpu.memory_space<hbm>>) target_semaphore(%arg24 : memref<!tpu.dma_semaphore, #tpu.memory_space<semaphore_mem>>)
      %dma_start3A_1252 = arith.constant 7 : i32
      %dma_start3A_1253 = arith.constant 56 : i32
      %dma_start3A_1254 = arith.constant 0 : i32
      %dma_start3A_1255 = tpu.memref_slice %arg14[%dma_start3A_1253, %dma_start3A_1254] : memref<64x129xf32, #tpu.memory_space<vmem>> -> memref<8x128xf32, #tpu.memory_space<vmem>>
      %dma_start3A_1256 = arith.constant 0 : i32
      %dma_start3A_1257 = arith.constant 0 : i32
      %dma_start3A_1258 = tpu.memref_slice %arg4[%add3A_1125, %dma_start3A_1252, %add3A, %dma_start3A_1256, %dma_start3A_1257] : memref<50x8x32x8x128xf32, #tpu.memory_space<hbm>> -> memref<1x1x1x8x128xf32, #tpu.memory_space<hbm>>
      %dma_start3A_1259 = tpu.memref_squeeze %dma_start3A_1258 : memref<1x1x1x8x128xf32, #tpu.memory_space<hbm>> -> memref<8x128xf32, #tpu.memory_space<hbm>>
      %dma_start3A_1260 = arith.constant 0 : i32
      %dma_start3A_1261 = arith.constant 0 : i32
      %dma_start3A_1262 = tpu.memref_slice %arg4[%add3A_1125, %dma_start3A_1252, %add3A, %dma_start3A_1260, %dma_start3A_1261] : memref<50x8x32x8x128xf32, #tpu.memory_space<hbm>> -> memref<1x1x1x8x128xf32, #tpu.memory_space<hbm>>
      %dma_start3A_1263 = tpu.memref_squeeze %dma_start3A_1262 : memref<1x1x1x8x128xf32, #tpu.memory_space<hbm>> -> memref<8x128xf32, #tpu.memory_space<hbm>>
      %dma_start3A_1264 = arith.constant 56 : i32
      %dma_start3A_1265 = arith.constant 0 : i32
      %dma_start3A_1266 = tpu.memref_slice %arg14[%dma_start3A_1264, %dma_start3A_1265] : memref<64x129xf32, #tpu.memory_space<vmem>> -> memref<8x128xf32, #tpu.memory_space<vmem>>
      tpu.enqueue_dma source(%dma_start3A_1266 : memref<8x128xf32, #tpu.memory_space<vmem>>) target(%dma_start3A_1263 : memref<8x128xf32, #tpu.memory_space<hbm>>) target_semaphore(%arg24 : memref<!tpu.dma_semaphore, #tpu.memory_space<semaphore_mem>>)
      %add3A_1267 = arith.constant 4 : i32
      %add3A_1268 = arith.addi %add3A_699, %add3A_1267 : i32
      %dma_wait3A_1269 = arith.constant 0 : i32
      %dma_wait3A_1270 = tpu.memref_slice %arg5[%add3A_1268, %dma_wait3A_1269] : memref<50x128xi32, #tpu.memory_space<vmem>> -> memref<1x128xi32, #tpu.memory_space<vmem>>
      %dma_wait3A_1271 = tpu.memref_squeeze %dma_wait3A_1270 : memref<1x128xi32, #tpu.memory_space<vmem>> -> memref<128xi32, #tpu.memory_space<vmem>>
      %dma_wait3A_1272 = arith.constant 0 : i32
      %dma_wait3A_1273 = arith.constant 0 : i32
      %dma_wait3A_1274 = tpu.memref_slice %arg3[%dma_wait3A_1272, %dma_wait3A_1273] : memref<100000x64xf32, #tpu.memory_space<hbm>> -> memref<100000x64xf32, #tpu.memory_space<hbm>>
      tpu.wait_indirect_dma semaphore(%arg20 : memref<!tpu.dma_semaphore, #tpu.memory_space<semaphore_mem>>) src(%dma_wait3A_1274 : memref<100000x64xf32, #tpu.memory_space<hbm>>) dst(%arg10 : memref<128x64xf32, #tpu.memory_space<vmem>>)
      %ge3A_1275 = arith.constant 5 : i32
      %ge3A_1276 = arith.cmpi sge, %add3A_1268, %ge3A_1275 : i32
      %convert_element_type3A_1277 = arith.extui %ge3A_1276 : i1 to i32
      %cond3A_1278 = arith.constant 0 : i32
      %cond3A_1279 = arith.cmpi ne, %convert_element_type3A_1277, %cond3A_1278 : i32
      scf.if %cond3A_1279 {
        %sub3A = arith.constant 5 : i32
        %sub3A_1410 = arith.subi %add3A_1268, %sub3A : i32
        %dma_wait3A_1411 = arith.constant 0 : i32
        %dma_wait3A_1412 = arith.constant 0 : i32
        %dma_wait3A_1413 = arith.constant 0 : i32
        %dma_wait3A_1414 = tpu.memref_slice %arg15[%dma_wait3A_1412, %dma_wait3A_1413] : memref<64x129xf32, #tpu.memory_space<vmem>> -> memref<8x128xf32, #tpu.memory_space<vmem>>
        %dma_wait3A_1415 = arith.constant 0 : i32
        %dma_wait3A_1416 = arith.constant 0 : i32
        %dma_wait3A_1417 = tpu.memref_slice %arg4[%sub3A_1410, %dma_wait3A_1411, %add3A, %dma_wait3A_1415, %dma_wait3A_1416] : memref<50x8x32x8x128xf32, #tpu.memory_space<hbm>> -> memref<1x1x1x8x128xf32, #tpu.memory_space<hbm>>
        %dma_wait3A_1418 = tpu.memref_squeeze %dma_wait3A_1417 : memref<1x1x1x8x128xf32, #tpu.memory_space<hbm>> -> memref<8x128xf32, #tpu.memory_space<hbm>>
        %dma_wait3A_1419 = arith.constant 0 : i32
        %dma_wait3A_1420 = arith.constant 0 : i32
        %dma_wait3A_1421 = tpu.memref_slice %arg4[%sub3A_1410, %dma_wait3A_1411, %add3A, %dma_wait3A_1419, %dma_wait3A_1420] : memref<50x8x32x8x128xf32, #tpu.memory_space<hbm>> -> memref<1x1x1x8x128xf32, #tpu.memory_space<hbm>>
        %dma_wait3A_1422 = tpu.memref_squeeze %dma_wait3A_1421 : memref<1x1x1x8x128xf32, #tpu.memory_space<hbm>> -> memref<8x128xf32, #tpu.memory_space<hbm>>
        %dma_wait3A_1423 = arith.constant 0 : i32
        %dma_wait3A_1424 = arith.constant 0 : i32
        %dma_wait3A_1425 = tpu.memref_slice %arg15[%dma_wait3A_1423, %dma_wait3A_1424] : memref<64x129xf32, #tpu.memory_space<vmem>> -> memref<8x128xf32, #tpu.memory_space<vmem>>
        tpu.wait_dma2 semaphore(%arg25 : memref<!tpu.dma_semaphore, #tpu.memory_space<semaphore_mem>>) src(%dma_wait3A_1425 : memref<8x128xf32, #tpu.memory_space<vmem>>) dst(%dma_wait3A_1422 : memref<8x128xf32, #tpu.memory_space<hbm>>)
        %dma_wait3A_1426 = arith.constant 1 : i32
        %dma_wait3A_1427 = arith.constant 8 : i32
        %dma_wait3A_1428 = arith.constant 0 : i32
        %dma_wait3A_1429 = tpu.memref_slice %arg15[%dma_wait3A_1427, %dma_wait3A_1428] : memref<64x129xf32, #tpu.memory_space<vmem>> -> memref<8x128xf32, #tpu.memory_space<vmem>>
        %dma_wait3A_1430 = arith.constant 0 : i32
        %dma_wait3A_1431 = arith.constant 0 : i32
        %dma_wait3A_1432 = tpu.memref_slice %arg4[%sub3A_1410, %dma_wait3A_1426, %add3A, %dma_wait3A_1430, %dma_wait3A_1431] : memref<50x8x32x8x128xf32, #tpu.memory_space<hbm>> -> memref<1x1x1x8x128xf32, #tpu.memory_space<hbm>>
        %dma_wait3A_1433 = tpu.memref_squeeze %dma_wait3A_1432 : memref<1x1x1x8x128xf32, #tpu.memory_space<hbm>> -> memref<8x128xf32, #tpu.memory_space<hbm>>
        %dma_wait3A_1434 = arith.constant 0 : i32
        %dma_wait3A_1435 = arith.constant 0 : i32
        %dma_wait3A_1436 = tpu.memref_slice %arg4[%sub3A_1410, %dma_wait3A_1426, %add3A, %dma_wait3A_1434, %dma_wait3A_1435] : memref<50x8x32x8x128xf32, #tpu.memory_space<hbm>> -> memref<1x1x1x8x128xf32, #tpu.memory_space<hbm>>
        %dma_wait3A_1437 = tpu.memref_squeeze %dma_wait3A_1436 : memref<1x1x1x8x128xf32, #tpu.memory_space<hbm>> -> memref<8x128xf32, #tpu.memory_space<hbm>>
        %dma_wait3A_1438 = arith.constant 8 : i32
        %dma_wait3A_1439 = arith.constant 0 : i32
        %dma_wait3A_1440 = tpu.memref_slice %arg15[%dma_wait3A_1438, %dma_wait3A_1439] : memref<64x129xf32, #tpu.memory_space<vmem>> -> memref<8x128xf32, #tpu.memory_space<vmem>>
        tpu.wait_dma2 semaphore(%arg25 : memref<!tpu.dma_semaphore, #tpu.memory_space<semaphore_mem>>) src(%dma_wait3A_1440 : memref<8x128xf32, #tpu.memory_space<vmem>>) dst(%dma_wait3A_1437 : memref<8x128xf32, #tpu.memory_space<hbm>>)
        %dma_wait3A_1441 = arith.constant 2 : i32
        %dma_wait3A_1442 = arith.constant 16 : i32
        %dma_wait3A_1443 = arith.constant 0 : i32
        %dma_wait3A_1444 = tpu.memref_slice %arg15[%dma_wait3A_1442, %dma_wait3A_1443] : memref<64x129xf32, #tpu.memory_space<vmem>> -> memref<8x128xf32, #tpu.memory_space<vmem>>
        %dma_wait3A_1445 = arith.constant 0 : i32
        %dma_wait3A_1446 = arith.constant 0 : i32
        %dma_wait3A_1447 = tpu.memref_slice %arg4[%sub3A_1410, %dma_wait3A_1441, %add3A, %dma_wait3A_1445, %dma_wait3A_1446] : memref<50x8x32x8x128xf32, #tpu.memory_space<hbm>> -> memref<1x1x1x8x128xf32, #tpu.memory_space<hbm>>
        %dma_wait3A_1448 = tpu.memref_squeeze %dma_wait3A_1447 : memref<1x1x1x8x128xf32, #tpu.memory_space<hbm>> -> memref<8x128xf32, #tpu.memory_space<hbm>>
        %dma_wait3A_1449 = arith.constant 0 : i32
        %dma_wait3A_1450 = arith.constant 0 : i32
        %dma_wait3A_1451 = tpu.memref_slice %arg4[%sub3A_1410, %dma_wait3A_1441, %add3A, %dma_wait3A_1449, %dma_wait3A_1450] : memref<50x8x32x8x128xf32, #tpu.memory_space<hbm>> -> memref<1x1x1x8x128xf32, #tpu.memory_space<hbm>>
        %dma_wait3A_1452 = tpu.memref_squeeze %dma_wait3A_1451 : memref<1x1x1x8x128xf32, #tpu.memory_space<hbm>> -> memref<8x128xf32, #tpu.memory_space<hbm>>
        %dma_wait3A_1453 = arith.constant 16 : i32
        %dma_wait3A_1454 = arith.constant 0 : i32
        %dma_wait3A_1455 = tpu.memref_slice %arg15[%dma_wait3A_1453, %dma_wait3A_1454] : memref<64x129xf32, #tpu.memory_space<vmem>> -> memref<8x128xf32, #tpu.memory_space<vmem>>
        tpu.wait_dma2 semaphore(%arg25 : memref<!tpu.dma_semaphore, #tpu.memory_space<semaphore_mem>>) src(%dma_wait3A_1455 : memref<8x128xf32, #tpu.memory_space<vmem>>) dst(%dma_wait3A_1452 : memref<8x128xf32, #tpu.memory_space<hbm>>)
        %dma_wait3A_1456 = arith.constant 3 : i32
        %dma_wait3A_1457 = arith.constant 24 : i32
        %dma_wait3A_1458 = arith.constant 0 : i32
        %dma_wait3A_1459 = tpu.memref_slice %arg15[%dma_wait3A_1457, %dma_wait3A_1458] : memref<64x129xf32, #tpu.memory_space<vmem>> -> memref<8x128xf32, #tpu.memory_space<vmem>>
        %dma_wait3A_1460 = arith.constant 0 : i32
        %dma_wait3A_1461 = arith.constant 0 : i32
        %dma_wait3A_1462 = tpu.memref_slice %arg4[%sub3A_1410, %dma_wait3A_1456, %add3A, %dma_wait3A_1460, %dma_wait3A_1461] : memref<50x8x32x8x128xf32, #tpu.memory_space<hbm>> -> memref<1x1x1x8x128xf32, #tpu.memory_space<hbm>>
        %dma_wait3A_1463 = tpu.memref_squeeze %dma_wait3A_1462 : memref<1x1x1x8x128xf32, #tpu.memory_space<hbm>> -> memref<8x128xf32, #tpu.memory_space<hbm>>
        %dma_wait3A_1464 = arith.constant 0 : i32
        %dma_wait3A_1465 = arith.constant 0 : i32
        %dma_wait3A_1466 = tpu.memref_slice %arg4[%sub3A_1410, %dma_wait3A_1456, %add3A, %dma_wait3A_1464, %dma_wait3A_1465] : memref<50x8x32x8x128xf32, #tpu.memory_space<hbm>> -> memref<1x1x1x8x128xf32, #tpu.memory_space<hbm>>
        %dma_wait3A_1467 = tpu.memref_squeeze %dma_wait3A_1466 : memref<1x1x1x8x128xf32, #tpu.memory_space<hbm>> -> memref<8x128xf32, #tpu.memory_space<hbm>>
        %dma_wait3A_1468 = arith.constant 24 : i32
        %dma_wait3A_1469 = arith.constant 0 : i32
        %dma_wait3A_1470 = tpu.memref_slice %arg15[%dma_wait3A_1468, %dma_wait3A_1469] : memref<64x129xf32, #tpu.memory_space<vmem>> -> memref<8x128xf32, #tpu.memory_space<vmem>>
        tpu.wait_dma2 semaphore(%arg25 : memref<!tpu.dma_semaphore, #tpu.memory_space<semaphore_mem>>) src(%dma_wait3A_1470 : memref<8x128xf32, #tpu.memory_space<vmem>>) dst(%dma_wait3A_1467 : memref<8x128xf32, #tpu.memory_space<hbm>>)
        %dma_wait3A_1471 = arith.constant 4 : i32
        %dma_wait3A_1472 = arith.constant 32 : i32
        %dma_wait3A_1473 = arith.constant 0 : i32
        %dma_wait3A_1474 = tpu.memref_slice %arg15[%dma_wait3A_1472, %dma_wait3A_1473] : memref<64x129xf32, #tpu.memory_space<vmem>> -> memref<8x128xf32, #tpu.memory_space<vmem>>
        %dma_wait3A_1475 = arith.constant 0 : i32
        %dma_wait3A_1476 = arith.constant 0 : i32
        %dma_wait3A_1477 = tpu.memref_slice %arg4[%sub3A_1410, %dma_wait3A_1471, %add3A, %dma_wait3A_1475, %dma_wait3A_1476] : memref<50x8x32x8x128xf32, #tpu.memory_space<hbm>> -> memref<1x1x1x8x128xf32, #tpu.memory_space<hbm>>
        %dma_wait3A_1478 = tpu.memref_squeeze %dma_wait3A_1477 : memref<1x1x1x8x128xf32, #tpu.memory_space<hbm>> -> memref<8x128xf32, #tpu.memory_space<hbm>>
        %dma_wait3A_1479 = arith.constant 0 : i32
        %dma_wait3A_1480 = arith.constant 0 : i32
        %dma_wait3A_1481 = tpu.memref_slice %arg4[%sub3A_1410, %dma_wait3A_1471, %add3A, %dma_wait3A_1479, %dma_wait3A_1480] : memref<50x8x32x8x128xf32, #tpu.memory_space<hbm>> -> memref<1x1x1x8x128xf32, #tpu.memory_space<hbm>>
        %dma_wait3A_1482 = tpu.memref_squeeze %dma_wait3A_1481 : memref<1x1x1x8x128xf32, #tpu.memory_space<hbm>> -> memref<8x128xf32, #tpu.memory_space<hbm>>
        %dma_wait3A_1483 = arith.constant 32 : i32
        %dma_wait3A_1484 = arith.constant 0 : i32
        %dma_wait3A_1485 = tpu.memref_slice %arg15[%dma_wait3A_1483, %dma_wait3A_1484] : memref<64x129xf32, #tpu.memory_space<vmem>> -> memref<8x128xf32, #tpu.memory_space<vmem>>
        tpu.wait_dma2 semaphore(%arg25 : memref<!tpu.dma_semaphore, #tpu.memory_space<semaphore_mem>>) src(%dma_wait3A_1485 : memref<8x128xf32, #tpu.memory_space<vmem>>) dst(%dma_wait3A_1482 : memref<8x128xf32, #tpu.memory_space<hbm>>)
        %dma_wait3A_1486 = arith.constant 5 : i32
        %dma_wait3A_1487 = arith.constant 40 : i32
        %dma_wait3A_1488 = arith.constant 0 : i32
        %dma_wait3A_1489 = tpu.memref_slice %arg15[%dma_wait3A_1487, %dma_wait3A_1488] : memref<64x129xf32, #tpu.memory_space<vmem>> -> memref<8x128xf32, #tpu.memory_space<vmem>>
        %dma_wait3A_1490 = arith.constant 0 : i32
        %dma_wait3A_1491 = arith.constant 0 : i32
        %dma_wait3A_1492 = tpu.memref_slice %arg4[%sub3A_1410, %dma_wait3A_1486, %add3A, %dma_wait3A_1490, %dma_wait3A_1491] : memref<50x8x32x8x128xf32, #tpu.memory_space<hbm>> -> memref<1x1x1x8x128xf32, #tpu.memory_space<hbm>>
        %dma_wait3A_1493 = tpu.memref_squeeze %dma_wait3A_1492 : memref<1x1x1x8x128xf32, #tpu.memory_space<hbm>> -> memref<8x128xf32, #tpu.memory_space<hbm>>
        %dma_wait3A_1494 = arith.constant 0 : i32
        %dma_wait3A_1495 = arith.constant 0 : i32
        %dma_wait3A_1496 = tpu.memref_slice %arg4[%sub3A_1410, %dma_wait3A_1486, %add3A, %dma_wait3A_1494, %dma_wait3A_1495] : memref<50x8x32x8x128xf32, #tpu.memory_space<hbm>> -> memref<1x1x1x8x128xf32, #tpu.memory_space<hbm>>
        %dma_wait3A_1497 = tpu.memref_squeeze %dma_wait3A_1496 : memref<1x1x1x8x128xf32, #tpu.memory_space<hbm>> -> memref<8x128xf32, #tpu.memory_space<hbm>>
        %dma_wait3A_1498 = arith.constant 40 : i32
        %dma_wait3A_1499 = arith.constant 0 : i32
        %dma_wait3A_1500 = tpu.memref_slice %arg15[%dma_wait3A_1498, %dma_wait3A_1499] : memref<64x129xf32, #tpu.memory_space<vmem>> -> memref<8x128xf32, #tpu.memory_space<vmem>>
        tpu.wait_dma2 semaphore(%arg25 : memref<!tpu.dma_semaphore, #tpu.memory_space<semaphore_mem>>) src(%dma_wait3A_1500 : memref<8x128xf32, #tpu.memory_space<vmem>>) dst(%dma_wait3A_1497 : memref<8x128xf32, #tpu.memory_space<hbm>>)
        %dma_wait3A_1501 = arith.constant 6 : i32
        %dma_wait3A_1502 = arith.constant 48 : i32
        %dma_wait3A_1503 = arith.constant 0 : i32
        %dma_wait3A_1504 = tpu.memref_slice %arg15[%dma_wait3A_1502, %dma_wait3A_1503] : memref<64x129xf32, #tpu.memory_space<vmem>> -> memref<8x128xf32, #tpu.memory_space<vmem>>
        %dma_wait3A_1505 = arith.constant 0 : i32
        %dma_wait3A_1506 = arith.constant 0 : i32
        %dma_wait3A_1507 = tpu.memref_slice %arg4[%sub3A_1410, %dma_wait3A_1501, %add3A, %dma_wait3A_1505, %dma_wait3A_1506] : memref<50x8x32x8x128xf32, #tpu.memory_space<hbm>> -> memref<1x1x1x8x128xf32, #tpu.memory_space<hbm>>
        %dma_wait3A_1508 = tpu.memref_squeeze %dma_wait3A_1507 : memref<1x1x1x8x128xf32, #tpu.memory_space<hbm>> -> memref<8x128xf32, #tpu.memory_space<hbm>>
        %dma_wait3A_1509 = arith.constant 0 : i32
        %dma_wait3A_1510 = arith.constant 0 : i32
        %dma_wait3A_1511 = tpu.memref_slice %arg4[%sub3A_1410, %dma_wait3A_1501, %add3A, %dma_wait3A_1509, %dma_wait3A_1510] : memref<50x8x32x8x128xf32, #tpu.memory_space<hbm>> -> memref<1x1x1x8x128xf32, #tpu.memory_space<hbm>>
        %dma_wait3A_1512 = tpu.memref_squeeze %dma_wait3A_1511 : memref<1x1x1x8x128xf32, #tpu.memory_space<hbm>> -> memref<8x128xf32, #tpu.memory_space<hbm>>
        %dma_wait3A_1513 = arith.constant 48 : i32
        %dma_wait3A_1514 = arith.constant 0 : i32
        %dma_wait3A_1515 = tpu.memref_slice %arg15[%dma_wait3A_1513, %dma_wait3A_1514] : memref<64x129xf32, #tpu.memory_space<vmem>> -> memref<8x128xf32, #tpu.memory_space<vmem>>
        tpu.wait_dma2 semaphore(%arg25 : memref<!tpu.dma_semaphore, #tpu.memory_space<semaphore_mem>>) src(%dma_wait3A_1515 : memref<8x128xf32, #tpu.memory_space<vmem>>) dst(%dma_wait3A_1512 : memref<8x128xf32, #tpu.memory_space<hbm>>)
        %dma_wait3A_1516 = arith.constant 7 : i32
        %dma_wait3A_1517 = arith.constant 56 : i32
        %dma_wait3A_1518 = arith.constant 0 : i32
        %dma_wait3A_1519 = tpu.memref_slice %arg15[%dma_wait3A_1517, %dma_wait3A_1518] : memref<64x129xf32, #tpu.memory_space<vmem>> -> memref<8x128xf32, #tpu.memory_space<vmem>>
        %dma_wait3A_1520 = arith.constant 0 : i32
        %dma_wait3A_1521 = arith.constant 0 : i32
        %dma_wait3A_1522 = tpu.memref_slice %arg4[%sub3A_1410, %dma_wait3A_1516, %add3A, %dma_wait3A_1520, %dma_wait3A_1521] : memref<50x8x32x8x128xf32, #tpu.memory_space<hbm>> -> memref<1x1x1x8x128xf32, #tpu.memory_space<hbm>>
        %dma_wait3A_1523 = tpu.memref_squeeze %dma_wait3A_1522 : memref<1x1x1x8x128xf32, #tpu.memory_space<hbm>> -> memref<8x128xf32, #tpu.memory_space<hbm>>
        %dma_wait3A_1524 = arith.constant 0 : i32
        %dma_wait3A_1525 = arith.constant 0 : i32
        %dma_wait3A_1526 = tpu.memref_slice %arg4[%sub3A_1410, %dma_wait3A_1516, %add3A, %dma_wait3A_1524, %dma_wait3A_1525] : memref<50x8x32x8x128xf32, #tpu.memory_space<hbm>> -> memref<1x1x1x8x128xf32, #tpu.memory_space<hbm>>
        %dma_wait3A_1527 = tpu.memref_squeeze %dma_wait3A_1526 : memref<1x1x1x8x128xf32, #tpu.memory_space<hbm>> -> memref<8x128xf32, #tpu.memory_space<hbm>>
        %dma_wait3A_1528 = arith.constant 56 : i32
        %dma_wait3A_1529 = arith.constant 0 : i32
        %dma_wait3A_1530 = tpu.memref_slice %arg15[%dma_wait3A_1528, %dma_wait3A_1529] : memref<64x129xf32, #tpu.memory_space<vmem>> -> memref<8x128xf32, #tpu.memory_space<vmem>>
        tpu.wait_dma2 semaphore(%arg25 : memref<!tpu.dma_semaphore, #tpu.memory_space<semaphore_mem>>) src(%dma_wait3A_1530 : memref<8x128xf32, #tpu.memory_space<vmem>>) dst(%dma_wait3A_1527 : memref<8x128xf32, #tpu.memory_space<hbm>>)
      } else {
      }
      %parallel_loop3A_1280 = arith.constant 0 : i32
      %parallel_loop3A_1281 = arith.constant 128 : i32
      %parallel_loop3A_1282 = arith.constant 1 : i32
      scf.for %parallel_loop3A_1410 = %parallel_loop3A_1280 to %parallel_loop3A_1281 step %parallel_loop3A_1282  : i32 {
        %parallel_loop3A_1411 = vector.broadcast %parallel_loop3A_1410 : i32 to vector<16xi32>
        %parallel_loop3A_1412 = arith.addi %mul3A_17, %parallel_loop3A_1411 : vector<16xi32>
        %parallel_loop3A_1413 = arith.index_cast %parallel_loop3A_1410 : i32 to index
        %parallel_loop3A_1414 = arith.constant 0 : index
        %parallel_loop3A_1415 = tpu.vector_load %arg10[%parallel_loop3A_1413, %parallel_loop3A_1414] {strides = array<i32>} : memref<128x64xf32, #tpu.memory_space<vmem>>, vector<16xf32>,
        tpu.vector_store_idx %arg15[%add3A_5, %parallel_loop3A_1412], %parallel_loop3A_1415 : memref<64x129xf32, #tpu.memory_space<vmem>>[vector<16xi32>, vector<16xi32>], vector<16xf32>,
        %parallel_loop3A_1416 = arith.index_cast %parallel_loop3A_1410 : i32 to index
        %parallel_loop3A_1417 = arith.constant 16 : index
        %parallel_loop3A_1418 = tpu.vector_load %arg10[%parallel_loop3A_1416, %parallel_loop3A_1417] {strides = array<i32>} : memref<128x64xf32, #tpu.memory_space<vmem>>, vector<16xf32>,
        tpu.vector_store_idx %arg15[%add3A_8, %parallel_loop3A_1412], %parallel_loop3A_1418 : memref<64x129xf32, #tpu.memory_space<vmem>>[vector<16xi32>, vector<16xi32>], vector<16xf32>,
        %parallel_loop3A_1419 = arith.index_cast %parallel_loop3A_1410 : i32 to index
        %parallel_loop3A_1420 = arith.constant 32 : index
        %parallel_loop3A_1421 = tpu.vector_load %arg10[%parallel_loop3A_1419, %parallel_loop3A_1420] {strides = array<i32>} : memref<128x64xf32, #tpu.memory_space<vmem>>, vector<16xf32>,
        tpu.vector_store_idx %arg15[%add3A_11, %parallel_loop3A_1412], %parallel_loop3A_1421 : memref<64x129xf32, #tpu.memory_space<vmem>>[vector<16xi32>, vector<16xi32>], vector<16xf32>,
        %parallel_loop3A_1422 = arith.index_cast %parallel_loop3A_1410 : i32 to index
        %parallel_loop3A_1423 = arith.constant 48 : index
        %parallel_loop3A_1424 = tpu.vector_load %arg10[%parallel_loop3A_1422, %parallel_loop3A_1423] {strides = array<i32>} : memref<128x64xf32, #tpu.memory_space<vmem>>, vector<16xf32>,
        tpu.vector_store_idx %arg15[%add3A_14, %parallel_loop3A_1412], %parallel_loop3A_1424 : memref<64x129xf32, #tpu.memory_space<vmem>>[vector<16xi32>, vector<16xi32>], vector<16xf32>,
      } {sc.loop_unroll_factor = 4 : i64, sc.parallel_access}
      %add3A_1283 = arith.constant 5 : i32
      %add3A_1284 = arith.addi %add3A_1268, %add3A_1283 : i32
      %lt3A_1285 = arith.constant 50 : i32
      %lt3A_1286 = arith.cmpi slt, %add3A_1284, %lt3A_1285 : i32
      %convert_element_type3A_1287 = arith.extui %lt3A_1286 : i1 to i32
      %cond3A_1288 = arith.constant 0 : i32
      %cond3A_1289 = arith.cmpi ne, %convert_element_type3A_1287, %cond3A_1288 : i32
      scf.if %cond3A_1289 {
        %add3A_1410 = arith.constant 5 : i32
        %add3A_1411 = arith.addi %add3A_1268, %add3A_1410 : i32
        %dma_start3A_1412 = arith.constant 0 : i32
        %dma_start3A_1413 = tpu.memref_slice %arg5[%add3A_1411, %dma_start3A_1412] : memref<50x128xi32, #tpu.memory_space<vmem>> -> memref<1x128xi32, #tpu.memory_space<vmem>>
        %dma_start3A_1414 = tpu.memref_squeeze %dma_start3A_1413 : memref<1x128xi32, #tpu.memory_space<vmem>> -> memref<128xi32, #tpu.memory_space<vmem>>
        %dma_start3A_1415 = arith.constant 0 : i32
        %dma_start3A_1416 = arith.constant 0 : i32
        %dma_start3A_1417 = tpu.memref_slice %arg3[%dma_start3A_1415, %dma_start3A_1416] : memref<100000x64xf32, #tpu.memory_space<hbm>> -> memref<100000x64xf32, #tpu.memory_space<hbm>>
        tpu.enqueue_indirect_dma source(%dma_start3A_1417 : memref<100000x64xf32, #tpu.memory_space<hbm>>) target(%arg10 : memref<128x64xf32, #tpu.memory_space<vmem>>) offsets(%dma_start3A_1414 : memref<128xi32, #tpu.memory_space<vmem>>) semaphore(%arg20 : memref<!tpu.dma_semaphore, #tpu.memory_space<semaphore_mem>>)
      } else {
      }
      %dma_start3A_1290 = arith.constant 0 : i32
      %dma_start3A_1291 = arith.constant 0 : i32
      %dma_start3A_1292 = arith.constant 0 : i32
      %dma_start3A_1293 = tpu.memref_slice %arg15[%dma_start3A_1291, %dma_start3A_1292] : memref<64x129xf32, #tpu.memory_space<vmem>> -> memref<8x128xf32, #tpu.memory_space<vmem>>
      %dma_start3A_1294 = arith.constant 0 : i32
      %dma_start3A_1295 = arith.constant 0 : i32
      %dma_start3A_1296 = tpu.memref_slice %arg4[%add3A_1268, %dma_start3A_1290, %add3A, %dma_start3A_1294, %dma_start3A_1295] : memref<50x8x32x8x128xf32, #tpu.memory_space<hbm>> -> memref<1x1x1x8x128xf32, #tpu.memory_space<hbm>>
      %dma_start3A_1297 = tpu.memref_squeeze %dma_start3A_1296 : memref<1x1x1x8x128xf32, #tpu.memory_space<hbm>> -> memref<8x128xf32, #tpu.memory_space<hbm>>
      %dma_start3A_1298 = arith.constant 0 : i32
      %dma_start3A_1299 = arith.constant 0 : i32
      %dma_start3A_1300 = tpu.memref_slice %arg4[%add3A_1268, %dma_start3A_1290, %add3A, %dma_start3A_1298, %dma_start3A_1299] : memref<50x8x32x8x128xf32, #tpu.memory_space<hbm>> -> memref<1x1x1x8x128xf32, #tpu.memory_space<hbm>>
      %dma_start3A_1301 = tpu.memref_squeeze %dma_start3A_1300 : memref<1x1x1x8x128xf32, #tpu.memory_space<hbm>> -> memref<8x128xf32, #tpu.memory_space<hbm>>
      %dma_start3A_1302 = arith.constant 0 : i32
      %dma_start3A_1303 = arith.constant 0 : i32
      %dma_start3A_1304 = tpu.memref_slice %arg15[%dma_start3A_1302, %dma_start3A_1303] : memref<64x129xf32, #tpu.memory_space<vmem>> -> memref<8x128xf32, #tpu.memory_space<vmem>>
      tpu.enqueue_dma source(%dma_start3A_1304 : memref<8x128xf32, #tpu.memory_space<vmem>>) target(%dma_start3A_1301 : memref<8x128xf32, #tpu.memory_space<hbm>>) target_semaphore(%arg25 : memref<!tpu.dma_semaphore, #tpu.memory_space<semaphore_mem>>)
      %dma_start3A_1305 = arith.constant 1 : i32
      %dma_start3A_1306 = arith.constant 8 : i32
      %dma_start3A_1307 = arith.constant 0 : i32
      %dma_start3A_1308 = tpu.memref_slice %arg15[%dma_start3A_1306, %dma_start3A_1307] : memref<64x129xf32, #tpu.memory_space<vmem>> -> memref<8x128xf32, #tpu.memory_space<vmem>>
      %dma_start3A_1309 = arith.constant 0 : i32
      %dma_start3A_1310 = arith.constant 0 : i32
      %dma_start3A_1311 = tpu.memref_slice %arg4[%add3A_1268, %dma_start3A_1305, %add3A, %dma_start3A_1309, %dma_start3A_1310] : memref<50x8x32x8x128xf32, #tpu.memory_space<hbm>> -> memref<1x1x1x8x128xf32, #tpu.memory_space<hbm>>
      %dma_start3A_1312 = tpu.memref_squeeze %dma_start3A_1311 : memref<1x1x1x8x128xf32, #tpu.memory_space<hbm>> -> memref<8x128xf32, #tpu.memory_space<hbm>>
      %dma_start3A_1313 = arith.constant 0 : i32
      %dma_start3A_1314 = arith.constant 0 : i32
      %dma_start3A_1315 = tpu.memref_slice %arg4[%add3A_1268, %dma_start3A_1305, %add3A, %dma_start3A_1313, %dma_start3A_1314] : memref<50x8x32x8x128xf32, #tpu.memory_space<hbm>> -> memref<1x1x1x8x128xf32, #tpu.memory_space<hbm>>
      %dma_start3A_1316 = tpu.memref_squeeze %dma_start3A_1315 : memref<1x1x1x8x128xf32, #tpu.memory_space<hbm>> -> memref<8x128xf32, #tpu.memory_space<hbm>>
      %dma_start3A_1317 = arith.constant 8 : i32
      %dma_start3A_1318 = arith.constant 0 : i32
      %dma_start3A_1319 = tpu.memref_slice %arg15[%dma_start3A_1317, %dma_start3A_1318] : memref<64x129xf32, #tpu.memory_space<vmem>> -> memref<8x128xf32, #tpu.memory_space<vmem>>
      tpu.enqueue_dma source(%dma_start3A_1319 : memref<8x128xf32, #tpu.memory_space<vmem>>) target(%dma_start3A_1316 : memref<8x128xf32, #tpu.memory_space<hbm>>) target_semaphore(%arg25 : memref<!tpu.dma_semaphore, #tpu.memory_space<semaphore_mem>>)
      %dma_start3A_1320 = arith.constant 2 : i32
      %dma_start3A_1321 = arith.constant 16 : i32
      %dma_start3A_1322 = arith.constant 0 : i32
      %dma_start3A_1323 = tpu.memref_slice %arg15[%dma_start3A_1321, %dma_start3A_1322] : memref<64x129xf32, #tpu.memory_space<vmem>> -> memref<8x128xf32, #tpu.memory_space<vmem>>
      %dma_start3A_1324 = arith.constant 0 : i32
      %dma_start3A_1325 = arith.constant 0 : i32
      %dma_start3A_1326 = tpu.memref_slice %arg4[%add3A_1268, %dma_start3A_1320, %add3A, %dma_start3A_1324, %dma_start3A_1325] : memref<50x8x32x8x128xf32, #tpu.memory_space<hbm>> -> memref<1x1x1x8x128xf32, #tpu.memory_space<hbm>>
      %dma_start3A_1327 = tpu.memref_squeeze %dma_start3A_1326 : memref<1x1x1x8x128xf32, #tpu.memory_space<hbm>> -> memref<8x128xf32, #tpu.memory_space<hbm>>
      %dma_start3A_1328 = arith.constant 0 : i32
      %dma_start3A_1329 = arith.constant 0 : i32
      %dma_start3A_1330 = tpu.memref_slice %arg4[%add3A_1268, %dma_start3A_1320, %add3A, %dma_start3A_1328, %dma_start3A_1329] : memref<50x8x32x8x128xf32, #tpu.memory_space<hbm>> -> memref<1x1x1x8x128xf32, #tpu.memory_space<hbm>>
      %dma_start3A_1331 = tpu.memref_squeeze %dma_start3A_1330 : memref<1x1x1x8x128xf32, #tpu.memory_space<hbm>> -> memref<8x128xf32, #tpu.memory_space<hbm>>
      %dma_start3A_1332 = arith.constant 16 : i32
      %dma_start3A_1333 = arith.constant 0 : i32
      %dma_start3A_1334 = tpu.memref_slice %arg15[%dma_start3A_1332, %dma_start3A_1333] : memref<64x129xf32, #tpu.memory_space<vmem>> -> memref<8x128xf32, #tpu.memory_space<vmem>>
      tpu.enqueue_dma source(%dma_start3A_1334 : memref<8x128xf32, #tpu.memory_space<vmem>>) target(%dma_start3A_1331 : memref<8x128xf32, #tpu.memory_space<hbm>>) target_semaphore(%arg25 : memref<!tpu.dma_semaphore, #tpu.memory_space<semaphore_mem>>)
      %dma_start3A_1335 = arith.constant 3 : i32
      %dma_start3A_1336 = arith.constant 24 : i32
      %dma_start3A_1337 = arith.constant 0 : i32
      %dma_start3A_1338 = tpu.memref_slice %arg15[%dma_start3A_1336, %dma_start3A_1337] : memref<64x129xf32, #tpu.memory_space<vmem>> -> memref<8x128xf32, #tpu.memory_space<vmem>>
      %dma_start3A_1339 = arith.constant 0 : i32
      %dma_start3A_1340 = arith.constant 0 : i32
      %dma_start3A_1341 = tpu.memref_slice %arg4[%add3A_1268, %dma_start3A_1335, %add3A, %dma_start3A_1339, %dma_start3A_1340] : memref<50x8x32x8x128xf32, #tpu.memory_space<hbm>> -> memref<1x1x1x8x128xf32, #tpu.memory_space<hbm>>
      %dma_start3A_1342 = tpu.memref_squeeze %dma_start3A_1341 : memref<1x1x1x8x128xf32, #tpu.memory_space<hbm>> -> memref<8x128xf32, #tpu.memory_space<hbm>>
      %dma_start3A_1343 = arith.constant 0 : i32
      %dma_start3A_1344 = arith.constant 0 : i32
      %dma_start3A_1345 = tpu.memref_slice %arg4[%add3A_1268, %dma_start3A_1335, %add3A, %dma_start3A_1343, %dma_start3A_1344] : memref<50x8x32x8x128xf32, #tpu.memory_space<hbm>> -> memref<1x1x1x8x128xf32, #tpu.memory_space<hbm>>
      %dma_start3A_1346 = tpu.memref_squeeze %dma_start3A_1345 : memref<1x1x1x8x128xf32, #tpu.memory_space<hbm>> -> memref<8x128xf32, #tpu.memory_space<hbm>>
      %dma_start3A_1347 = arith.constant 24 : i32
      %dma_start3A_1348 = arith.constant 0 : i32
      %dma_start3A_1349 = tpu.memref_slice %arg15[%dma_start3A_1347, %dma_start3A_1348] : memref<64x129xf32, #tpu.memory_space<vmem>> -> memref<8x128xf32, #tpu.memory_space<vmem>>
      tpu.enqueue_dma source(%dma_start3A_1349 : memref<8x128xf32, #tpu.memory_space<vmem>>) target(%dma_start3A_1346 : memref<8x128xf32, #tpu.memory_space<hbm>>) target_semaphore(%arg25 : memref<!tpu.dma_semaphore, #tpu.memory_space<semaphore_mem>>)
      %dma_start3A_1350 = arith.constant 4 : i32
      %dma_start3A_1351 = arith.constant 32 : i32
      %dma_start3A_1352 = arith.constant 0 : i32
      %dma_start3A_1353 = tpu.memref_slice %arg15[%dma_start3A_1351, %dma_start3A_1352] : memref<64x129xf32, #tpu.memory_space<vmem>> -> memref<8x128xf32, #tpu.memory_space<vmem>>
      %dma_start3A_1354 = arith.constant 0 : i32
      %dma_start3A_1355 = arith.constant 0 : i32
      %dma_start3A_1356 = tpu.memref_slice %arg4[%add3A_1268, %dma_start3A_1350, %add3A, %dma_start3A_1354, %dma_start3A_1355] : memref<50x8x32x8x128xf32, #tpu.memory_space<hbm>> -> memref<1x1x1x8x128xf32, #tpu.memory_space<hbm>>
      %dma_start3A_1357 = tpu.memref_squeeze %dma_start3A_1356 : memref<1x1x1x8x128xf32, #tpu.memory_space<hbm>> -> memref<8x128xf32, #tpu.memory_space<hbm>>
      %dma_start3A_1358 = arith.constant 0 : i32
      %dma_start3A_1359 = arith.constant 0 : i32
      %dma_start3A_1360 = tpu.memref_slice %arg4[%add3A_1268, %dma_start3A_1350, %add3A, %dma_start3A_1358, %dma_start3A_1359] : memref<50x8x32x8x128xf32, #tpu.memory_space<hbm>> -> memref<1x1x1x8x128xf32, #tpu.memory_space<hbm>>
      %dma_start3A_1361 = tpu.memref_squeeze %dma_start3A_1360 : memref<1x1x1x8x128xf32, #tpu.memory_space<hbm>> -> memref<8x128xf32, #tpu.memory_space<hbm>>
      %dma_start3A_1362 = arith.constant 32 : i32
      %dma_start3A_1363 = arith.constant 0 : i32
      %dma_start3A_1364 = tpu.memref_slice %arg15[%dma_start3A_1362, %dma_start3A_1363] : memref<64x129xf32, #tpu.memory_space<vmem>> -> memref<8x128xf32, #tpu.memory_space<vmem>>
      tpu.enqueue_dma source(%dma_start3A_1364 : memref<8x128xf32, #tpu.memory_space<vmem>>) target(%dma_start3A_1361 : memref<8x128xf32, #tpu.memory_space<hbm>>) target_semaphore(%arg25 : memref<!tpu.dma_semaphore, #tpu.memory_space<semaphore_mem>>)
      %dma_start3A_1365 = arith.constant 5 : i32
      %dma_start3A_1366 = arith.constant 40 : i32
      %dma_start3A_1367 = arith.constant 0 : i32
      %dma_start3A_1368 = tpu.memref_slice %arg15[%dma_start3A_1366, %dma_start3A_1367] : memref<64x129xf32, #tpu.memory_space<vmem>> -> memref<8x128xf32, #tpu.memory_space<vmem>>
      %dma_start3A_1369 = arith.constant 0 : i32
      %dma_start3A_1370 = arith.constant 0 : i32
      %dma_start3A_1371 = tpu.memref_slice %arg4[%add3A_1268, %dma_start3A_1365, %add3A, %dma_start3A_1369, %dma_start3A_1370] : memref<50x8x32x8x128xf32, #tpu.memory_space<hbm>> -> memref<1x1x1x8x128xf32, #tpu.memory_space<hbm>>
      %dma_start3A_1372 = tpu.memref_squeeze %dma_start3A_1371 : memref<1x1x1x8x128xf32, #tpu.memory_space<hbm>> -> memref<8x128xf32, #tpu.memory_space<hbm>>
      %dma_start3A_1373 = arith.constant 0 : i32
      %dma_start3A_1374 = arith.constant 0 : i32
      %dma_start3A_1375 = tpu.memref_slice %arg4[%add3A_1268, %dma_start3A_1365, %add3A, %dma_start3A_1373, %dma_start3A_1374] : memref<50x8x32x8x128xf32, #tpu.memory_space<hbm>> -> memref<1x1x1x8x128xf32, #tpu.memory_space<hbm>>
      %dma_start3A_1376 = tpu.memref_squeeze %dma_start3A_1375 : memref<1x1x1x8x128xf32, #tpu.memory_space<hbm>> -> memref<8x128xf32, #tpu.memory_space<hbm>>
      %dma_start3A_1377 = arith.constant 40 : i32
      %dma_start3A_1378 = arith.constant 0 : i32
      %dma_start3A_1379 = tpu.memref_slice %arg15[%dma_start3A_1377, %dma_start3A_1378] : memref<64x129xf32, #tpu.memory_space<vmem>> -> memref<8x128xf32, #tpu.memory_space<vmem>>
      tpu.enqueue_dma source(%dma_start3A_1379 : memref<8x128xf32, #tpu.memory_space<vmem>>) target(%dma_start3A_1376 : memref<8x128xf32, #tpu.memory_space<hbm>>) target_semaphore(%arg25 : memref<!tpu.dma_semaphore, #tpu.memory_space<semaphore_mem>>)
      %dma_start3A_1380 = arith.constant 6 : i32
      %dma_start3A_1381 = arith.constant 48 : i32
      %dma_start3A_1382 = arith.constant 0 : i32
      %dma_start3A_1383 = tpu.memref_slice %arg15[%dma_start3A_1381, %dma_start3A_1382] : memref<64x129xf32, #tpu.memory_space<vmem>> -> memref<8x128xf32, #tpu.memory_space<vmem>>
      %dma_start3A_1384 = arith.constant 0 : i32
      %dma_start3A_1385 = arith.constant 0 : i32
      %dma_start3A_1386 = tpu.memref_slice %arg4[%add3A_1268, %dma_start3A_1380, %add3A, %dma_start3A_1384, %dma_start3A_1385] : memref<50x8x32x8x128xf32, #tpu.memory_space<hbm>> -> memref<1x1x1x8x128xf32, #tpu.memory_space<hbm>>
      %dma_start3A_1387 = tpu.memref_squeeze %dma_start3A_1386 : memref<1x1x1x8x128xf32, #tpu.memory_space<hbm>> -> memref<8x128xf32, #tpu.memory_space<hbm>>
      %dma_start3A_1388 = arith.constant 0 : i32
      %dma_start3A_1389 = arith.constant 0 : i32
      %dma_start3A_1390 = tpu.memref_slice %arg4[%add3A_1268, %dma_start3A_1380, %add3A, %dma_start3A_1388, %dma_start3A_1389] : memref<50x8x32x8x128xf32, #tpu.memory_space<hbm>> -> memref<1x1x1x8x128xf32, #tpu.memory_space<hbm>>
      %dma_start3A_1391 = tpu.memref_squeeze %dma_start3A_1390 : memref<1x1x1x8x128xf32, #tpu.memory_space<hbm>> -> memref<8x128xf32, #tpu.memory_space<hbm>>
      %dma_start3A_1392 = arith.constant 48 : i32
      %dma_start3A_1393 = arith.constant 0 : i32
      %dma_start3A_1394 = tpu.memref_slice %arg15[%dma_start3A_1392, %dma_start3A_1393] : memref<64x129xf32, #tpu.memory_space<vmem>> -> memref<8x128xf32, #tpu.memory_space<vmem>>
      tpu.enqueue_dma source(%dma_start3A_1394 : memref<8x128xf32, #tpu.memory_space<vmem>>) target(%dma_start3A_1391 : memref<8x128xf32, #tpu.memory_space<hbm>>) target_semaphore(%arg25 : memref<!tpu.dma_semaphore, #tpu.memory_space<semaphore_mem>>)
      %dma_start3A_1395 = arith.constant 7 : i32
      %dma_start3A_1396 = arith.constant 56 : i32
      %dma_start3A_1397 = arith.constant 0 : i32
      %dma_start3A_1398 = tpu.memref_slice %arg15[%dma_start3A_1396, %dma_start3A_1397] : memref<64x129xf32, #tpu.memory_space<vmem>> -> memref<8x128xf32, #tpu.memory_space<vmem>>
      %dma_start3A_1399 = arith.constant 0 : i32
      %dma_start3A_1400 = arith.constant 0 : i32
      %dma_start3A_1401 = tpu.memref_slice %arg4[%add3A_1268, %dma_start3A_1395, %add3A, %dma_start3A_1399, %dma_start3A_1400] : memref<50x8x32x8x128xf32, #tpu.memory_space<hbm>> -> memref<1x1x1x8x128xf32, #tpu.memory_space<hbm>>
      %dma_start3A_1402 = tpu.memref_squeeze %dma_start3A_1401 : memref<1x1x1x8x128xf32, #tpu.memory_space<hbm>> -> memref<8x128xf32, #tpu.memory_space<hbm>>
      %dma_start3A_1403 = arith.constant 0 : i32
      %dma_start3A_1404 = arith.constant 0 : i32
      %dma_start3A_1405 = tpu.memref_slice %arg4[%add3A_1268, %dma_start3A_1395, %add3A, %dma_start3A_1403, %dma_start3A_1404] : memref<50x8x32x8x128xf32, #tpu.memory_space<hbm>> -> memref<1x1x1x8x128xf32, #tpu.memory_space<hbm>>
      %dma_start3A_1406 = tpu.memref_squeeze %dma_start3A_1405 : memref<1x1x1x8x128xf32, #tpu.memory_space<hbm>> -> memref<8x128xf32, #tpu.memory_space<hbm>>
      %dma_start3A_1407 = arith.constant 56 : i32
      %dma_start3A_1408 = arith.constant 0 : i32
      %dma_start3A_1409 = tpu.memref_slice %arg15[%dma_start3A_1407, %dma_start3A_1408] : memref<64x129xf32, #tpu.memory_space<vmem>> -> memref<8x128xf32, #tpu.memory_space<vmem>>
      tpu.enqueue_dma source(%dma_start3A_1409 : memref<8x128xf32, #tpu.memory_space<vmem>>) target(%dma_start3A_1406 : memref<8x128xf32, #tpu.memory_space<hbm>>) target_semaphore(%arg25 : memref<!tpu.dma_semaphore, #tpu.memory_space<semaphore_mem>>)
    }
    %scan3A_55 = arith.constant 10 : i32
    %dma_wait3A = arith.constant 45 : i32
    %dma_wait3A_56 = arith.constant 0 : i32
    %dma_wait3A_57 = arith.constant 0 : i32
    %dma_wait3A_58 = arith.constant 0 : i32
    %dma_wait3A_59 = tpu.memref_slice %arg11[%dma_wait3A_57, %dma_wait3A_58] : memref<64x129xf32, #tpu.memory_space<vmem>> -> memref<8x128xf32, #tpu.memory_space<vmem>>
    %dma_wait3A_60 = arith.constant 0 : i32
    %dma_wait3A_61 = arith.constant 0 : i32
    %dma_wait3A_62 = tpu.memref_slice %arg4[%dma_wait3A, %dma_wait3A_56, %add3A, %dma_wait3A_60, %dma_wait3A_61] : memref<50x8x32x8x128xf32, #tpu.memory_space<hbm>> -> memref<1x1x1x8x128xf32, #tpu.memory_space<hbm>>
    %dma_wait3A_63 = tpu.memref_squeeze %dma_wait3A_62 : memref<1x1x1x8x128xf32, #tpu.memory_space<hbm>> -> memref<8x128xf32, #tpu.memory_space<hbm>>
    %dma_wait3A_64 = arith.constant 0 : i32
    %dma_wait3A_65 = arith.constant 0 : i32
    %dma_wait3A_66 = tpu.memref_slice %arg4[%dma_wait3A, %dma_wait3A_56, %add3A, %dma_wait3A_64, %dma_wait3A_65] : memref<50x8x32x8x128xf32, #tpu.memory_space<hbm>> -> memref<1x1x1x8x128xf32, #tpu.memory_space<hbm>>
    %dma_wait3A_67 = tpu.memref_squeeze %dma_wait3A_66 : memref<1x1x1x8x128xf32, #tpu.memory_space<hbm>> -> memref<8x128xf32, #tpu.memory_space<hbm>>
    %dma_wait3A_68 = arith.constant 0 : i32
    %dma_wait3A_69 = arith.constant 0 : i32
    %dma_wait3A_70 = tpu.memref_slice %arg11[%dma_wait3A_68, %dma_wait3A_69] : memref<64x129xf32, #tpu.memory_space<vmem>> -> memref<8x128xf32, #tpu.memory_space<vmem>>
    tpu.wait_dma2 semaphore(%arg21 : memref<!tpu.dma_semaphore, #tpu.memory_space<semaphore_mem>>) src(%dma_wait3A_70 : memref<8x128xf32, #tpu.memory_space<vmem>>) dst(%dma_wait3A_67 : memref<8x128xf32, #tpu.memory_space<hbm>>)
    %dma_wait3A_71 = arith.constant 45 : i32
    %dma_wait3A_72 = arith.constant 1 : i32
    %dma_wait3A_73 = arith.constant 8 : i32
    %dma_wait3A_74 = arith.constant 0 : i32
    %dma_wait3A_75 = tpu.memref_slice %arg11[%dma_wait3A_73, %dma_wait3A_74] : memref<64x129xf32, #tpu.memory_space<vmem>> -> memref<8x128xf32, #tpu.memory_space<vmem>>
    %dma_wait3A_76 = arith.constant 0 : i32
    %dma_wait3A_77 = arith.constant 0 : i32
    %dma_wait3A_78 = tpu.memref_slice %arg4[%dma_wait3A_71, %dma_wait3A_72, %add3A, %dma_wait3A_76, %dma_wait3A_77] : memref<50x8x32x8x128xf32, #tpu.memory_space<hbm>> -> memref<1x1x1x8x128xf32, #tpu.memory_space<hbm>>
    %dma_wait3A_79 = tpu.memref_squeeze %dma_wait3A_78 : memref<1x1x1x8x128xf32, #tpu.memory_space<hbm>> -> memref<8x128xf32, #tpu.memory_space<hbm>>
    %dma_wait3A_80 = arith.constant 0 : i32
    %dma_wait3A_81 = arith.constant 0 : i32
    %dma_wait3A_82 = tpu.memref_slice %arg4[%dma_wait3A_71, %dma_wait3A_72, %add3A, %dma_wait3A_80, %dma_wait3A_81] : memref<50x8x32x8x128xf32, #tpu.memory_space<hbm>> -> memref<1x1x1x8x128xf32, #tpu.memory_space<hbm>>
    %dma_wait3A_83 = tpu.memref_squeeze %dma_wait3A_82 : memref<1x1x1x8x128xf32, #tpu.memory_space<hbm>> -> memref<8x128xf32, #tpu.memory_space<hbm>>
    %dma_wait3A_84 = arith.constant 8 : i32
    %dma_wait3A_85 = arith.constant 0 : i32
    %dma_wait3A_86 = tpu.memref_slice %arg11[%dma_wait3A_84, %dma_wait3A_85] : memref<64x129xf32, #tpu.memory_space<vmem>> -> memref<8x128xf32, #tpu.memory_space<vmem>>
    tpu.wait_dma2 semaphore(%arg21 : memref<!tpu.dma_semaphore, #tpu.memory_space<semaphore_mem>>) src(%dma_wait3A_86 : memref<8x128xf32, #tpu.memory_space<vmem>>) dst(%dma_wait3A_83 : memref<8x128xf32, #tpu.memory_space<hbm>>)
    %dma_wait3A_87 = arith.constant 45 : i32
    %dma_wait3A_88 = arith.constant 2 : i32
    %dma_wait3A_89 = arith.constant 16 : i32
    %dma_wait3A_90 = arith.constant 0 : i32
    %dma_wait3A_91 = tpu.memref_slice %arg11[%dma_wait3A_89, %dma_wait3A_90] : memref<64x129xf32, #tpu.memory_space<vmem>> -> memref<8x128xf32, #tpu.memory_space<vmem>>
    %dma_wait3A_92 = arith.constant 0 : i32
    %dma_wait3A_93 = arith.constant 0 : i32
    %dma_wait3A_94 = tpu.memref_slice %arg4[%dma_wait3A_87, %dma_wait3A_88, %add3A, %dma_wait3A_92, %dma_wait3A_93] : memref<50x8x32x8x128xf32, #tpu.memory_space<hbm>> -> memref<1x1x1x8x128xf32, #tpu.memory_space<hbm>>
    %dma_wait3A_95 = tpu.memref_squeeze %dma_wait3A_94 : memref<1x1x1x8x128xf32, #tpu.memory_space<hbm>> -> memref<8x128xf32, #tpu.memory_space<hbm>>
    %dma_wait3A_96 = arith.constant 0 : i32
    %dma_wait3A_97 = arith.constant 0 : i32
    %dma_wait3A_98 = tpu.memref_slice %arg4[%dma_wait3A_87, %dma_wait3A_88, %add3A, %dma_wait3A_96, %dma_wait3A_97] : memref<50x8x32x8x128xf32, #tpu.memory_space<hbm>> -> memref<1x1x1x8x128xf32, #tpu.memory_space<hbm>>
    %dma_wait3A_99 = tpu.memref_squeeze %dma_wait3A_98 : memref<1x1x1x8x128xf32, #tpu.memory_space<hbm>> -> memref<8x128xf32, #tpu.memory_space<hbm>>
    %dma_wait3A_100 = arith.constant 16 : i32
    %dma_wait3A_101 = arith.constant 0 : i32
    %dma_wait3A_102 = tpu.memref_slice %arg11[%dma_wait3A_100, %dma_wait3A_101] : memref<64x129xf32, #tpu.memory_space<vmem>> -> memref<8x128xf32, #tpu.memory_space<vmem>>
    tpu.wait_dma2 semaphore(%arg21 : memref<!tpu.dma_semaphore, #tpu.memory_space<semaphore_mem>>) src(%dma_wait3A_102 : memref<8x128xf32, #tpu.memory_space<vmem>>) dst(%dma_wait3A_99 : memref<8x128xf32, #tpu.memory_space<hbm>>)
    %dma_wait3A_103 = arith.constant 45 : i32
    %dma_wait3A_104 = arith.constant 3 : i32
    %dma_wait3A_105 = arith.constant 24 : i32
    %dma_wait3A_106 = arith.constant 0 : i32
    %dma_wait3A_107 = tpu.memref_slice %arg11[%dma_wait3A_105, %dma_wait3A_106] : memref<64x129xf32, #tpu.memory_space<vmem>> -> memref<8x128xf32, #tpu.memory_space<vmem>>
    %dma_wait3A_108 = arith.constant 0 : i32
    %dma_wait3A_109 = arith.constant 0 : i32
    %dma_wait3A_110 = tpu.memref_slice %arg4[%dma_wait3A_103, %dma_wait3A_104, %add3A, %dma_wait3A_108, %dma_wait3A_109] : memref<50x8x32x8x128xf32, #tpu.memory_space<hbm>> -> memref<1x1x1x8x128xf32, #tpu.memory_space<hbm>>
    %dma_wait3A_111 = tpu.memref_squeeze %dma_wait3A_110 : memref<1x1x1x8x128xf32, #tpu.memory_space<hbm>> -> memref<8x128xf32, #tpu.memory_space<hbm>>
    %dma_wait3A_112 = arith.constant 0 : i32
    %dma_wait3A_113 = arith.constant 0 : i32
    %dma_wait3A_114 = tpu.memref_slice %arg4[%dma_wait3A_103, %dma_wait3A_104, %add3A, %dma_wait3A_112, %dma_wait3A_113] : memref<50x8x32x8x128xf32, #tpu.memory_space<hbm>> -> memref<1x1x1x8x128xf32, #tpu.memory_space<hbm>>
    %dma_wait3A_115 = tpu.memref_squeeze %dma_wait3A_114 : memref<1x1x1x8x128xf32, #tpu.memory_space<hbm>> -> memref<8x128xf32, #tpu.memory_space<hbm>>
    %dma_wait3A_116 = arith.constant 24 : i32
    %dma_wait3A_117 = arith.constant 0 : i32
    %dma_wait3A_118 = tpu.memref_slice %arg11[%dma_wait3A_116, %dma_wait3A_117] : memref<64x129xf32, #tpu.memory_space<vmem>> -> memref<8x128xf32, #tpu.memory_space<vmem>>
    tpu.wait_dma2 semaphore(%arg21 : memref<!tpu.dma_semaphore, #tpu.memory_space<semaphore_mem>>) src(%dma_wait3A_118 : memref<8x128xf32, #tpu.memory_space<vmem>>) dst(%dma_wait3A_115 : memref<8x128xf32, #tpu.memory_space<hbm>>)
    %dma_wait3A_119 = arith.constant 45 : i32
    %dma_wait3A_120 = arith.constant 4 : i32
    %dma_wait3A_121 = arith.constant 32 : i32
    %dma_wait3A_122 = arith.constant 0 : i32
    %dma_wait3A_123 = tpu.memref_slice %arg11[%dma_wait3A_121, %dma_wait3A_122] : memref<64x129xf32, #tpu.memory_space<vmem>> -> memref<8x128xf32, #tpu.memory_space<vmem>>
    %dma_wait3A_124 = arith.constant 0 : i32
    %dma_wait3A_125 = arith.constant 0 : i32
    %dma_wait3A_126 = tpu.memref_slice %arg4[%dma_wait3A_119, %dma_wait3A_120, %add3A, %dma_wait3A_124, %dma_wait3A_125] : memref<50x8x32x8x128xf32, #tpu.memory_space<hbm>> -> memref<1x1x1x8x128xf32, #tpu.memory_space<hbm>>
    %dma_wait3A_127 = tpu.memref_squeeze %dma_wait3A_126 : memref<1x1x1x8x128xf32, #tpu.memory_space<hbm>> -> memref<8x128xf32, #tpu.memory_space<hbm>>
    %dma_wait3A_128 = arith.constant 0 : i32
    %dma_wait3A_129 = arith.constant 0 : i32
    %dma_wait3A_130 = tpu.memref_slice %arg4[%dma_wait3A_119, %dma_wait3A_120, %add3A, %dma_wait3A_128, %dma_wait3A_129] : memref<50x8x32x8x128xf32, #tpu.memory_space<hbm>> -> memref<1x1x1x8x128xf32, #tpu.memory_space<hbm>>
    %dma_wait3A_131 = tpu.memref_squeeze %dma_wait3A_130 : memref<1x1x1x8x128xf32, #tpu.memory_space<hbm>> -> memref<8x128xf32, #tpu.memory_space<hbm>>
    %dma_wait3A_132 = arith.constant 32 : i32
    %dma_wait3A_133 = arith.constant 0 : i32
    %dma_wait3A_134 = tpu.memref_slice %arg11[%dma_wait3A_132, %dma_wait3A_133] : memref<64x129xf32, #tpu.memory_space<vmem>> -> memref<8x128xf32, #tpu.memory_space<vmem>>
    tpu.wait_dma2 semaphore(%arg21 : memref<!tpu.dma_semaphore, #tpu.memory_space<semaphore_mem>>) src(%dma_wait3A_134 : memref<8x128xf32, #tpu.memory_space<vmem>>) dst(%dma_wait3A_131 : memref<8x128xf32, #tpu.memory_space<hbm>>)
    %dma_wait3A_135 = arith.constant 45 : i32
    %dma_wait3A_136 = arith.constant 5 : i32
    %dma_wait3A_137 = arith.constant 40 : i32
    %dma_wait3A_138 = arith.constant 0 : i32
    %dma_wait3A_139 = tpu.memref_slice %arg11[%dma_wait3A_137, %dma_wait3A_138] : memref<64x129xf32, #tpu.memory_space<vmem>> -> memref<8x128xf32, #tpu.memory_space<vmem>>
    %dma_wait3A_140 = arith.constant 0 : i32
    %dma_wait3A_141 = arith.constant 0 : i32
    %dma_wait3A_142 = tpu.memref_slice %arg4[%dma_wait3A_135, %dma_wait3A_136, %add3A, %dma_wait3A_140, %dma_wait3A_141] : memref<50x8x32x8x128xf32, #tpu.memory_space<hbm>> -> memref<1x1x1x8x128xf32, #tpu.memory_space<hbm>>
    %dma_wait3A_143 = tpu.memref_squeeze %dma_wait3A_142 : memref<1x1x1x8x128xf32, #tpu.memory_space<hbm>> -> memref<8x128xf32, #tpu.memory_space<hbm>>
    %dma_wait3A_144 = arith.constant 0 : i32
    %dma_wait3A_145 = arith.constant 0 : i32
    %dma_wait3A_146 = tpu.memref_slice %arg4[%dma_wait3A_135, %dma_wait3A_136, %add3A, %dma_wait3A_144, %dma_wait3A_145] : memref<50x8x32x8x128xf32, #tpu.memory_space<hbm>> -> memref<1x1x1x8x128xf32, #tpu.memory_space<hbm>>
    %dma_wait3A_147 = tpu.memref_squeeze %dma_wait3A_146 : memref<1x1x1x8x128xf32, #tpu.memory_space<hbm>> -> memref<8x128xf32, #tpu.memory_space<hbm>>
    %dma_wait3A_148 = arith.constant 40 : i32
    %dma_wait3A_149 = arith.constant 0 : i32
    %dma_wait3A_150 = tpu.memref_slice %arg11[%dma_wait3A_148, %dma_wait3A_149] : memref<64x129xf32, #tpu.memory_space<vmem>> -> memref<8x128xf32, #tpu.memory_space<vmem>>
    tpu.wait_dma2 semaphore(%arg21 : memref<!tpu.dma_semaphore, #tpu.memory_space<semaphore_mem>>) src(%dma_wait3A_150 : memref<8x128xf32, #tpu.memory_space<vmem>>) dst(%dma_wait3A_147 : memref<8x128xf32, #tpu.memory_space<hbm>>)
    %dma_wait3A_151 = arith.constant 45 : i32
    %dma_wait3A_152 = arith.constant 6 : i32
    %dma_wait3A_153 = arith.constant 48 : i32
    %dma_wait3A_154 = arith.constant 0 : i32
    %dma_wait3A_155 = tpu.memref_slice %arg11[%dma_wait3A_153, %dma_wait3A_154] : memref<64x129xf32, #tpu.memory_space<vmem>> -> memref<8x128xf32, #tpu.memory_space<vmem>>
    %dma_wait3A_156 = arith.constant 0 : i32
    %dma_wait3A_157 = arith.constant 0 : i32
    %dma_wait3A_158 = tpu.memref_slice %arg4[%dma_wait3A_151, %dma_wait3A_152, %add3A, %dma_wait3A_156, %dma_wait3A_157] : memref<50x8x32x8x128xf32, #tpu.memory_space<hbm>> -> memref<1x1x1x8x128xf32, #tpu.memory_space<hbm>>
    %dma_wait3A_159 = tpu.memref_squeeze %dma_wait3A_158 : memref<1x1x1x8x128xf32, #tpu.memory_space<hbm>> -> memref<8x128xf32, #tpu.memory_space<hbm>>
    %dma_wait3A_160 = arith.constant 0 : i32
    %dma_wait3A_161 = arith.constant 0 : i32
    %dma_wait3A_162 = tpu.memref_slice %arg4[%dma_wait3A_151, %dma_wait3A_152, %add3A, %dma_wait3A_160, %dma_wait3A_161] : memref<50x8x32x8x128xf32, #tpu.memory_space<hbm>> -> memref<1x1x1x8x128xf32, #tpu.memory_space<hbm>>
    %dma_wait3A_163 = tpu.memref_squeeze %dma_wait3A_162 : memref<1x1x1x8x128xf32, #tpu.memory_space<hbm>> -> memref<8x128xf32, #tpu.memory_space<hbm>>
    %dma_wait3A_164 = arith.constant 48 : i32
    %dma_wait3A_165 = arith.constant 0 : i32
    %dma_wait3A_166 = tpu.memref_slice %arg11[%dma_wait3A_164, %dma_wait3A_165] : memref<64x129xf32, #tpu.memory_space<vmem>> -> memref<8x128xf32, #tpu.memory_space<vmem>>
    tpu.wait_dma2 semaphore(%arg21 : memref<!tpu.dma_semaphore, #tpu.memory_space<semaphore_mem>>) src(%dma_wait3A_166 : memref<8x128xf32, #tpu.memory_space<vmem>>) dst(%dma_wait3A_163 : memref<8x128xf32, #tpu.memory_space<hbm>>)
    %dma_wait3A_167 = arith.constant 45 : i32
    %dma_wait3A_168 = arith.constant 7 : i32
    %dma_wait3A_169 = arith.constant 56 : i32
    %dma_wait3A_170 = arith.constant 0 : i32
    %dma_wait3A_171 = tpu.memref_slice %arg11[%dma_wait3A_169, %dma_wait3A_170] : memref<64x129xf32, #tpu.memory_space<vmem>> -> memref<8x128xf32, #tpu.memory_space<vmem>>
    %dma_wait3A_172 = arith.constant 0 : i32
    %dma_wait3A_173 = arith.constant 0 : i32
    %dma_wait3A_174 = tpu.memref_slice %arg4[%dma_wait3A_167, %dma_wait3A_168, %add3A, %dma_wait3A_172, %dma_wait3A_173] : memref<50x8x32x8x128xf32, #tpu.memory_space<hbm>> -> memref<1x1x1x8x128xf32, #tpu.memory_space<hbm>>
    %dma_wait3A_175 = tpu.memref_squeeze %dma_wait3A_174 : memref<1x1x1x8x128xf32, #tpu.memory_space<hbm>> -> memref<8x128xf32, #tpu.memory_space<hbm>>
    %dma_wait3A_176 = arith.constant 0 : i32
    %dma_wait3A_177 = arith.constant 0 : i32
    %dma_wait3A_178 = tpu.memref_slice %arg4[%dma_wait3A_167, %dma_wait3A_168, %add3A, %dma_wait3A_176, %dma_wait3A_177] : memref<50x8x32x8x128xf32, #tpu.memory_space<hbm>> -> memref<1x1x1x8x128xf32, #tpu.memory_space<hbm>>
    %dma_wait3A_179 = tpu.memref_squeeze %dma_wait3A_178 : memref<1x1x1x8x128xf32, #tpu.memory_space<hbm>> -> memref<8x128xf32, #tpu.memory_space<hbm>>
    %dma_wait3A_180 = arith.constant 56 : i32
    %dma_wait3A_181 = arith.constant 0 : i32
    %dma_wait3A_182 = tpu.memref_slice %arg11[%dma_wait3A_180, %dma_wait3A_181] : memref<64x129xf32, #tpu.memory_space<vmem>> -> memref<8x128xf32, #tpu.memory_space<vmem>>
    tpu.wait_dma2 semaphore(%arg21 : memref<!tpu.dma_semaphore, #tpu.memory_space<semaphore_mem>>) src(%dma_wait3A_182 : memref<8x128xf32, #tpu.memory_space<vmem>>) dst(%dma_wait3A_179 : memref<8x128xf32, #tpu.memory_space<hbm>>)
    %dma_wait3A_183 = arith.constant 46 : i32
    %dma_wait3A_184 = arith.constant 0 : i32
    %dma_wait3A_185 = arith.constant 0 : i32
    %dma_wait3A_186 = arith.constant 0 : i32
    %dma_wait3A_187 = tpu.memref_slice %arg12[%dma_wait3A_185, %dma_wait3A_186] : memref<64x129xf32, #tpu.memory_space<vmem>> -> memref<8x128xf32, #tpu.memory_space<vmem>>
    %dma_wait3A_188 = arith.constant 0 : i32
    %dma_wait3A_189 = arith.constant 0 : i32
    %dma_wait3A_190 = tpu.memref_slice %arg4[%dma_wait3A_183, %dma_wait3A_184, %add3A, %dma_wait3A_188, %dma_wait3A_189] : memref<50x8x32x8x128xf32, #tpu.memory_space<hbm>> -> memref<1x1x1x8x128xf32, #tpu.memory_space<hbm>>
    %dma_wait3A_191 = tpu.memref_squeeze %dma_wait3A_190 : memref<1x1x1x8x128xf32, #tpu.memory_space<hbm>> -> memref<8x128xf32, #tpu.memory_space<hbm>>
    %dma_wait3A_192 = arith.constant 0 : i32
    %dma_wait3A_193 = arith.constant 0 : i32
    %dma_wait3A_194 = tpu.memref_slice %arg4[%dma_wait3A_183, %dma_wait3A_184, %add3A, %dma_wait3A_192, %dma_wait3A_193] : memref<50x8x32x8x128xf32, #tpu.memory_space<hbm>> -> memref<1x1x1x8x128xf32, #tpu.memory_space<hbm>>
    %dma_wait3A_195 = tpu.memref_squeeze %dma_wait3A_194 : memref<1x1x1x8x128xf32, #tpu.memory_space<hbm>> -> memref<8x128xf32, #tpu.memory_space<hbm>>
    %dma_wait3A_196 = arith.constant 0 : i32
    %dma_wait3A_197 = arith.constant 0 : i32
    %dma_wait3A_198 = tpu.memref_slice %arg12[%dma_wait3A_196, %dma_wait3A_197] : memref<64x129xf32, #tpu.memory_space<vmem>> -> memref<8x128xf32, #tpu.memory_space<vmem>>
    tpu.wait_dma2 semaphore(%arg22 : memref<!tpu.dma_semaphore, #tpu.memory_space<semaphore_mem>>) src(%dma_wait3A_198 : memref<8x128xf32, #tpu.memory_space<vmem>>) dst(%dma_wait3A_195 : memref<8x128xf32, #tpu.memory_space<hbm>>)
    %dma_wait3A_199 = arith.constant 46 : i32
    %dma_wait3A_200 = arith.constant 1 : i32
    %dma_wait3A_201 = arith.constant 8 : i32
    %dma_wait3A_202 = arith.constant 0 : i32
    %dma_wait3A_203 = tpu.memref_slice %arg12[%dma_wait3A_201, %dma_wait3A_202] : memref<64x129xf32, #tpu.memory_space<vmem>> -> memref<8x128xf32, #tpu.memory_space<vmem>>
    %dma_wait3A_204 = arith.constant 0 : i32
    %dma_wait3A_205 = arith.constant 0 : i32
    %dma_wait3A_206 = tpu.memref_slice %arg4[%dma_wait3A_199, %dma_wait3A_200, %add3A, %dma_wait3A_204, %dma_wait3A_205] : memref<50x8x32x8x128xf32, #tpu.memory_space<hbm>> -> memref<1x1x1x8x128xf32, #tpu.memory_space<hbm>>
    %dma_wait3A_207 = tpu.memref_squeeze %dma_wait3A_206 : memref<1x1x1x8x128xf32, #tpu.memory_space<hbm>> -> memref<8x128xf32, #tpu.memory_space<hbm>>
    %dma_wait3A_208 = arith.constant 0 : i32
    %dma_wait3A_209 = arith.constant 0 : i32
    %dma_wait3A_210 = tpu.memref_slice %arg4[%dma_wait3A_199, %dma_wait3A_200, %add3A, %dma_wait3A_208, %dma_wait3A_209] : memref<50x8x32x8x128xf32, #tpu.memory_space<hbm>> -> memref<1x1x1x8x128xf32, #tpu.memory_space<hbm>>
    %dma_wait3A_211 = tpu.memref_squeeze %dma_wait3A_210 : memref<1x1x1x8x128xf32, #tpu.memory_space<hbm>> -> memref<8x128xf32, #tpu.memory_space<hbm>>
    %dma_wait3A_212 = arith.constant 8 : i32
    %dma_wait3A_213 = arith.constant 0 : i32
    %dma_wait3A_214 = tpu.memref_slice %arg12[%dma_wait3A_212, %dma_wait3A_213] : memref<64x129xf32, #tpu.memory_space<vmem>> -> memref<8x128xf32, #tpu.memory_space<vmem>>
    tpu.wait_dma2 semaphore(%arg22 : memref<!tpu.dma_semaphore, #tpu.memory_space<semaphore_mem>>) src(%dma_wait3A_214 : memref<8x128xf32, #tpu.memory_space<vmem>>) dst(%dma_wait3A_211 : memref<8x128xf32, #tpu.memory_space<hbm>>)
    %dma_wait3A_215 = arith.constant 46 : i32
    %dma_wait3A_216 = arith.constant 2 : i32
    %dma_wait3A_217 = arith.constant 16 : i32
    %dma_wait3A_218 = arith.constant 0 : i32
    %dma_wait3A_219 = tpu.memref_slice %arg12[%dma_wait3A_217, %dma_wait3A_218] : memref<64x129xf32, #tpu.memory_space<vmem>> -> memref<8x128xf32, #tpu.memory_space<vmem>>
    %dma_wait3A_220 = arith.constant 0 : i32
    %dma_wait3A_221 = arith.constant 0 : i32
    %dma_wait3A_222 = tpu.memref_slice %arg4[%dma_wait3A_215, %dma_wait3A_216, %add3A, %dma_wait3A_220, %dma_wait3A_221] : memref<50x8x32x8x128xf32, #tpu.memory_space<hbm>> -> memref<1x1x1x8x128xf32, #tpu.memory_space<hbm>>
    %dma_wait3A_223 = tpu.memref_squeeze %dma_wait3A_222 : memref<1x1x1x8x128xf32, #tpu.memory_space<hbm>> -> memref<8x128xf32, #tpu.memory_space<hbm>>
    %dma_wait3A_224 = arith.constant 0 : i32
    %dma_wait3A_225 = arith.constant 0 : i32
    %dma_wait3A_226 = tpu.memref_slice %arg4[%dma_wait3A_215, %dma_wait3A_216, %add3A, %dma_wait3A_224, %dma_wait3A_225] : memref<50x8x32x8x128xf32, #tpu.memory_space<hbm>> -> memref<1x1x1x8x128xf32, #tpu.memory_space<hbm>>
    %dma_wait3A_227 = tpu.memref_squeeze %dma_wait3A_226 : memref<1x1x1x8x128xf32, #tpu.memory_space<hbm>> -> memref<8x128xf32, #tpu.memory_space<hbm>>
    %dma_wait3A_228 = arith.constant 16 : i32
    %dma_wait3A_229 = arith.constant 0 : i32
    %dma_wait3A_230 = tpu.memref_slice %arg12[%dma_wait3A_228, %dma_wait3A_229] : memref<64x129xf32, #tpu.memory_space<vmem>> -> memref<8x128xf32, #tpu.memory_space<vmem>>
    tpu.wait_dma2 semaphore(%arg22 : memref<!tpu.dma_semaphore, #tpu.memory_space<semaphore_mem>>) src(%dma_wait3A_230 : memref<8x128xf32, #tpu.memory_space<vmem>>) dst(%dma_wait3A_227 : memref<8x128xf32, #tpu.memory_space<hbm>>)
    %dma_wait3A_231 = arith.constant 46 : i32
    %dma_wait3A_232 = arith.constant 3 : i32
    %dma_wait3A_233 = arith.constant 24 : i32
    %dma_wait3A_234 = arith.constant 0 : i32
    %dma_wait3A_235 = tpu.memref_slice %arg12[%dma_wait3A_233, %dma_wait3A_234] : memref<64x129xf32, #tpu.memory_space<vmem>> -> memref<8x128xf32, #tpu.memory_space<vmem>>
    %dma_wait3A_236 = arith.constant 0 : i32
    %dma_wait3A_237 = arith.constant 0 : i32
    %dma_wait3A_238 = tpu.memref_slice %arg4[%dma_wait3A_231, %dma_wait3A_232, %add3A, %dma_wait3A_236, %dma_wait3A_237] : memref<50x8x32x8x128xf32, #tpu.memory_space<hbm>> -> memref<1x1x1x8x128xf32, #tpu.memory_space<hbm>>
    %dma_wait3A_239 = tpu.memref_squeeze %dma_wait3A_238 : memref<1x1x1x8x128xf32, #tpu.memory_space<hbm>> -> memref<8x128xf32, #tpu.memory_space<hbm>>
    %dma_wait3A_240 = arith.constant 0 : i32
    %dma_wait3A_241 = arith.constant 0 : i32
    %dma_wait3A_242 = tpu.memref_slice %arg4[%dma_wait3A_231, %dma_wait3A_232, %add3A, %dma_wait3A_240, %dma_wait3A_241] : memref<50x8x32x8x128xf32, #tpu.memory_space<hbm>> -> memref<1x1x1x8x128xf32, #tpu.memory_space<hbm>>
    %dma_wait3A_243 = tpu.memref_squeeze %dma_wait3A_242 : memref<1x1x1x8x128xf32, #tpu.memory_space<hbm>> -> memref<8x128xf32, #tpu.memory_space<hbm>>
    %dma_wait3A_244 = arith.constant 24 : i32
    %dma_wait3A_245 = arith.constant 0 : i32
    %dma_wait3A_246 = tpu.memref_slice %arg12[%dma_wait3A_244, %dma_wait3A_245] : memref<64x129xf32, #tpu.memory_space<vmem>> -> memref<8x128xf32, #tpu.memory_space<vmem>>
    tpu.wait_dma2 semaphore(%arg22 : memref<!tpu.dma_semaphore, #tpu.memory_space<semaphore_mem>>) src(%dma_wait3A_246 : memref<8x128xf32, #tpu.memory_space<vmem>>) dst(%dma_wait3A_243 : memref<8x128xf32, #tpu.memory_space<hbm>>)
    %dma_wait3A_247 = arith.constant 46 : i32
    %dma_wait3A_248 = arith.constant 4 : i32
    %dma_wait3A_249 = arith.constant 32 : i32
    %dma_wait3A_250 = arith.constant 0 : i32
    %dma_wait3A_251 = tpu.memref_slice %arg12[%dma_wait3A_249, %dma_wait3A_250] : memref<64x129xf32, #tpu.memory_space<vmem>> -> memref<8x128xf32, #tpu.memory_space<vmem>>
    %dma_wait3A_252 = arith.constant 0 : i32
    %dma_wait3A_253 = arith.constant 0 : i32
    %dma_wait3A_254 = tpu.memref_slice %arg4[%dma_wait3A_247, %dma_wait3A_248, %add3A, %dma_wait3A_252, %dma_wait3A_253] : memref<50x8x32x8x128xf32, #tpu.memory_space<hbm>> -> memref<1x1x1x8x128xf32, #tpu.memory_space<hbm>>
    %dma_wait3A_255 = tpu.memref_squeeze %dma_wait3A_254 : memref<1x1x1x8x128xf32, #tpu.memory_space<hbm>> -> memref<8x128xf32, #tpu.memory_space<hbm>>
    %dma_wait3A_256 = arith.constant 0 : i32
    %dma_wait3A_257 = arith.constant 0 : i32
    %dma_wait3A_258 = tpu.memref_slice %arg4[%dma_wait3A_247, %dma_wait3A_248, %add3A, %dma_wait3A_256, %dma_wait3A_257] : memref<50x8x32x8x128xf32, #tpu.memory_space<hbm>> -> memref<1x1x1x8x128xf32, #tpu.memory_space<hbm>>
    %dma_wait3A_259 = tpu.memref_squeeze %dma_wait3A_258 : memref<1x1x1x8x128xf32, #tpu.memory_space<hbm>> -> memref<8x128xf32, #tpu.memory_space<hbm>>
    %dma_wait3A_260 = arith.constant 32 : i32
    %dma_wait3A_261 = arith.constant 0 : i32
    %dma_wait3A_262 = tpu.memref_slice %arg12[%dma_wait3A_260, %dma_wait3A_261] : memref<64x129xf32, #tpu.memory_space<vmem>> -> memref<8x128xf32, #tpu.memory_space<vmem>>
    tpu.wait_dma2 semaphore(%arg22 : memref<!tpu.dma_semaphore, #tpu.memory_space<semaphore_mem>>) src(%dma_wait3A_262 : memref<8x128xf32, #tpu.memory_space<vmem>>) dst(%dma_wait3A_259 : memref<8x128xf32, #tpu.memory_space<hbm>>)
    %dma_wait3A_263 = arith.constant 46 : i32
    %dma_wait3A_264 = arith.constant 5 : i32
    %dma_wait3A_265 = arith.constant 40 : i32
    %dma_wait3A_266 = arith.constant 0 : i32
    %dma_wait3A_267 = tpu.memref_slice %arg12[%dma_wait3A_265, %dma_wait3A_266] : memref<64x129xf32, #tpu.memory_space<vmem>> -> memref<8x128xf32, #tpu.memory_space<vmem>>
    %dma_wait3A_268 = arith.constant 0 : i32
    %dma_wait3A_269 = arith.constant 0 : i32
    %dma_wait3A_270 = tpu.memref_slice %arg4[%dma_wait3A_263, %dma_wait3A_264, %add3A, %dma_wait3A_268, %dma_wait3A_269] : memref<50x8x32x8x128xf32, #tpu.memory_space<hbm>> -> memref<1x1x1x8x128xf32, #tpu.memory_space<hbm>>
    %dma_wait3A_271 = tpu.memref_squeeze %dma_wait3A_270 : memref<1x1x1x8x128xf32, #tpu.memory_space<hbm>> -> memref<8x128xf32, #tpu.memory_space<hbm>>
    %dma_wait3A_272 = arith.constant 0 : i32
    %dma_wait3A_273 = arith.constant 0 : i32
    %dma_wait3A_274 = tpu.memref_slice %arg4[%dma_wait3A_263, %dma_wait3A_264, %add3A, %dma_wait3A_272, %dma_wait3A_273] : memref<50x8x32x8x128xf32, #tpu.memory_space<hbm>> -> memref<1x1x1x8x128xf32, #tpu.memory_space<hbm>>
    %dma_wait3A_275 = tpu.memref_squeeze %dma_wait3A_274 : memref<1x1x1x8x128xf32, #tpu.memory_space<hbm>> -> memref<8x128xf32, #tpu.memory_space<hbm>>
    %dma_wait3A_276 = arith.constant 40 : i32
    %dma_wait3A_277 = arith.constant 0 : i32
    %dma_wait3A_278 = tpu.memref_slice %arg12[%dma_wait3A_276, %dma_wait3A_277] : memref<64x129xf32, #tpu.memory_space<vmem>> -> memref<8x128xf32, #tpu.memory_space<vmem>>
    tpu.wait_dma2 semaphore(%arg22 : memref<!tpu.dma_semaphore, #tpu.memory_space<semaphore_mem>>) src(%dma_wait3A_278 : memref<8x128xf32, #tpu.memory_space<vmem>>) dst(%dma_wait3A_275 : memref<8x128xf32, #tpu.memory_space<hbm>>)
    %dma_wait3A_279 = arith.constant 46 : i32
    %dma_wait3A_280 = arith.constant 6 : i32
    %dma_wait3A_281 = arith.constant 48 : i32
    %dma_wait3A_282 = arith.constant 0 : i32
    %dma_wait3A_283 = tpu.memref_slice %arg12[%dma_wait3A_281, %dma_wait3A_282] : memref<64x129xf32, #tpu.memory_space<vmem>> -> memref<8x128xf32, #tpu.memory_space<vmem>>
    %dma_wait3A_284 = arith.constant 0 : i32
    %dma_wait3A_285 = arith.constant 0 : i32
    %dma_wait3A_286 = tpu.memref_slice %arg4[%dma_wait3A_279, %dma_wait3A_280, %add3A, %dma_wait3A_284, %dma_wait3A_285] : memref<50x8x32x8x128xf32, #tpu.memory_space<hbm>> -> memref<1x1x1x8x128xf32, #tpu.memory_space<hbm>>
    %dma_wait3A_287 = tpu.memref_squeeze %dma_wait3A_286 : memref<1x1x1x8x128xf32, #tpu.memory_space<hbm>> -> memref<8x128xf32, #tpu.memory_space<hbm>>
    %dma_wait3A_288 = arith.constant 0 : i32
    %dma_wait3A_289 = arith.constant 0 : i32
    %dma_wait3A_290 = tpu.memref_slice %arg4[%dma_wait3A_279, %dma_wait3A_280, %add3A, %dma_wait3A_288, %dma_wait3A_289] : memref<50x8x32x8x128xf32, #tpu.memory_space<hbm>> -> memref<1x1x1x8x128xf32, #tpu.memory_space<hbm>>
    %dma_wait3A_291 = tpu.memref_squeeze %dma_wait3A_290 : memref<1x1x1x8x128xf32, #tpu.memory_space<hbm>> -> memref<8x128xf32, #tpu.memory_space<hbm>>
    %dma_wait3A_292 = arith.constant 48 : i32
    %dma_wait3A_293 = arith.constant 0 : i32
    %dma_wait3A_294 = tpu.memref_slice %arg12[%dma_wait3A_292, %dma_wait3A_293] : memref<64x129xf32, #tpu.memory_space<vmem>> -> memref<8x128xf32, #tpu.memory_space<vmem>>
    tpu.wait_dma2 semaphore(%arg22 : memref<!tpu.dma_semaphore, #tpu.memory_space<semaphore_mem>>) src(%dma_wait3A_294 : memref<8x128xf32, #tpu.memory_space<vmem>>) dst(%dma_wait3A_291 : memref<8x128xf32, #tpu.memory_space<hbm>>)
    %dma_wait3A_295 = arith.constant 46 : i32
    %dma_wait3A_296 = arith.constant 7 : i32
    %dma_wait3A_297 = arith.constant 56 : i32
    %dma_wait3A_298 = arith.constant 0 : i32
    %dma_wait3A_299 = tpu.memref_slice %arg12[%dma_wait3A_297, %dma_wait3A_298] : memref<64x129xf32, #tpu.memory_space<vmem>> -> memref<8x128xf32, #tpu.memory_space<vmem>>
    %dma_wait3A_300 = arith.constant 0 : i32
    %dma_wait3A_301 = arith.constant 0 : i32
    %dma_wait3A_302 = tpu.memref_slice %arg4[%dma_wait3A_295, %dma_wait3A_296, %add3A, %dma_wait3A_300, %dma_wait3A_301] : memref<50x8x32x8x128xf32, #tpu.memory_space<hbm>> -> memref<1x1x1x8x128xf32, #tpu.memory_space<hbm>>
    %dma_wait3A_303 = tpu.memref_squeeze %dma_wait3A_302 : memref<1x1x1x8x128xf32, #tpu.memory_space<hbm>> -> memref<8x128xf32, #tpu.memory_space<hbm>>
    %dma_wait3A_304 = arith.constant 0 : i32
    %dma_wait3A_305 = arith.constant 0 : i32
    %dma_wait3A_306 = tpu.memref_slice %arg4[%dma_wait3A_295, %dma_wait3A_296, %add3A, %dma_wait3A_304, %dma_wait3A_305] : memref<50x8x32x8x128xf32, #tpu.memory_space<hbm>> -> memref<1x1x1x8x128xf32, #tpu.memory_space<hbm>>
    %dma_wait3A_307 = tpu.memref_squeeze %dma_wait3A_306 : memref<1x1x1x8x128xf32, #tpu.memory_space<hbm>> -> memref<8x128xf32, #tpu.memory_space<hbm>>
    %dma_wait3A_308 = arith.constant 56 : i32
    %dma_wait3A_309 = arith.constant 0 : i32
    %dma_wait3A_310 = tpu.memref_slice %arg12[%dma_wait3A_308, %dma_wait3A_309] : memref<64x129xf32, #tpu.memory_space<vmem>> -> memref<8x128xf32, #tpu.memory_space<vmem>>
    tpu.wait_dma2 semaphore(%arg22 : memref<!tpu.dma_semaphore, #tpu.memory_space<semaphore_mem>>) src(%dma_wait3A_310 : memref<8x128xf32, #tpu.memory_space<vmem>>) dst(%dma_wait3A_307 : memref<8x128xf32, #tpu.memory_space<hbm>>)
    %dma_wait3A_311 = arith.constant 47 : i32
    %dma_wait3A_312 = arith.constant 0 : i32
    %dma_wait3A_313 = arith.constant 0 : i32
    %dma_wait3A_314 = arith.constant 0 : i32
    %dma_wait3A_315 = tpu.memref_slice %arg13[%dma_wait3A_313, %dma_wait3A_314] : memref<64x129xf32, #tpu.memory_space<vmem>> -> memref<8x128xf32, #tpu.memory_space<vmem>>
    %dma_wait3A_316 = arith.constant 0 : i32
    %dma_wait3A_317 = arith.constant 0 : i32
    %dma_wait3A_318 = tpu.memref_slice %arg4[%dma_wait3A_311, %dma_wait3A_312, %add3A, %dma_wait3A_316, %dma_wait3A_317] : memref<50x8x32x8x128xf32, #tpu.memory_space<hbm>> -> memref<1x1x1x8x128xf32, #tpu.memory_space<hbm>>
    %dma_wait3A_319 = tpu.memref_squeeze %dma_wait3A_318 : memref<1x1x1x8x128xf32, #tpu.memory_space<hbm>> -> memref<8x128xf32, #tpu.memory_space<hbm>>
    %dma_wait3A_320 = arith.constant 0 : i32
    %dma_wait3A_321 = arith.constant 0 : i32
    %dma_wait3A_322 = tpu.memref_slice %arg4[%dma_wait3A_311, %dma_wait3A_312, %add3A, %dma_wait3A_320, %dma_wait3A_321] : memref<50x8x32x8x128xf32, #tpu.memory_space<hbm>> -> memref<1x1x1x8x128xf32, #tpu.memory_space<hbm>>
    %dma_wait3A_323 = tpu.memref_squeeze %dma_wait3A_322 : memref<1x1x1x8x128xf32, #tpu.memory_space<hbm>> -> memref<8x128xf32, #tpu.memory_space<hbm>>
    %dma_wait3A_324 = arith.constant 0 : i32
    %dma_wait3A_325 = arith.constant 0 : i32
    %dma_wait3A_326 = tpu.memref_slice %arg13[%dma_wait3A_324, %dma_wait3A_325] : memref<64x129xf32, #tpu.memory_space<vmem>> -> memref<8x128xf32, #tpu.memory_space<vmem>>
    tpu.wait_dma2 semaphore(%arg23 : memref<!tpu.dma_semaphore, #tpu.memory_space<semaphore_mem>>) src(%dma_wait3A_326 : memref<8x128xf32, #tpu.memory_space<vmem>>) dst(%dma_wait3A_323 : memref<8x128xf32, #tpu.memory_space<hbm>>)
    %dma_wait3A_327 = arith.constant 47 : i32
    %dma_wait3A_328 = arith.constant 1 : i32
    %dma_wait3A_329 = arith.constant 8 : i32
    %dma_wait3A_330 = arith.constant 0 : i32
    %dma_wait3A_331 = tpu.memref_slice %arg13[%dma_wait3A_329, %dma_wait3A_330] : memref<64x129xf32, #tpu.memory_space<vmem>> -> memref<8x128xf32, #tpu.memory_space<vmem>>
    %dma_wait3A_332 = arith.constant 0 : i32
    %dma_wait3A_333 = arith.constant 0 : i32
    %dma_wait3A_334 = tpu.memref_slice %arg4[%dma_wait3A_327, %dma_wait3A_328, %add3A, %dma_wait3A_332, %dma_wait3A_333] : memref<50x8x32x8x128xf32, #tpu.memory_space<hbm>> -> memref<1x1x1x8x128xf32, #tpu.memory_space<hbm>>
    %dma_wait3A_335 = tpu.memref_squeeze %dma_wait3A_334 : memref<1x1x1x8x128xf32, #tpu.memory_space<hbm>> -> memref<8x128xf32, #tpu.memory_space<hbm>>
    %dma_wait3A_336 = arith.constant 0 : i32
    %dma_wait3A_337 = arith.constant 0 : i32
    %dma_wait3A_338 = tpu.memref_slice %arg4[%dma_wait3A_327, %dma_wait3A_328, %add3A, %dma_wait3A_336, %dma_wait3A_337] : memref<50x8x32x8x128xf32, #tpu.memory_space<hbm>> -> memref<1x1x1x8x128xf32, #tpu.memory_space<hbm>>
    %dma_wait3A_339 = tpu.memref_squeeze %dma_wait3A_338 : memref<1x1x1x8x128xf32, #tpu.memory_space<hbm>> -> memref<8x128xf32, #tpu.memory_space<hbm>>
    %dma_wait3A_340 = arith.constant 8 : i32
    %dma_wait3A_341 = arith.constant 0 : i32
    %dma_wait3A_342 = tpu.memref_slice %arg13[%dma_wait3A_340, %dma_wait3A_341] : memref<64x129xf32, #tpu.memory_space<vmem>> -> memref<8x128xf32, #tpu.memory_space<vmem>>
    tpu.wait_dma2 semaphore(%arg23 : memref<!tpu.dma_semaphore, #tpu.memory_space<semaphore_mem>>) src(%dma_wait3A_342 : memref<8x128xf32, #tpu.memory_space<vmem>>) dst(%dma_wait3A_339 : memref<8x128xf32, #tpu.memory_space<hbm>>)
    %dma_wait3A_343 = arith.constant 47 : i32
    %dma_wait3A_344 = arith.constant 2 : i32
    %dma_wait3A_345 = arith.constant 16 : i32
    %dma_wait3A_346 = arith.constant 0 : i32
    %dma_wait3A_347 = tpu.memref_slice %arg13[%dma_wait3A_345, %dma_wait3A_346] : memref<64x129xf32, #tpu.memory_space<vmem>> -> memref<8x128xf32, #tpu.memory_space<vmem>>
    %dma_wait3A_348 = arith.constant 0 : i32
    %dma_wait3A_349 = arith.constant 0 : i32
    %dma_wait3A_350 = tpu.memref_slice %arg4[%dma_wait3A_343, %dma_wait3A_344, %add3A, %dma_wait3A_348, %dma_wait3A_349] : memref<50x8x32x8x128xf32, #tpu.memory_space<hbm>> -> memref<1x1x1x8x128xf32, #tpu.memory_space<hbm>>
    %dma_wait3A_351 = tpu.memref_squeeze %dma_wait3A_350 : memref<1x1x1x8x128xf32, #tpu.memory_space<hbm>> -> memref<8x128xf32, #tpu.memory_space<hbm>>
    %dma_wait3A_352 = arith.constant 0 : i32
    %dma_wait3A_353 = arith.constant 0 : i32
    %dma_wait3A_354 = tpu.memref_slice %arg4[%dma_wait3A_343, %dma_wait3A_344, %add3A, %dma_wait3A_352, %dma_wait3A_353] : memref<50x8x32x8x128xf32, #tpu.memory_space<hbm>> -> memref<1x1x1x8x128xf32, #tpu.memory_space<hbm>>
    %dma_wait3A_355 = tpu.memref_squeeze %dma_wait3A_354 : memref<1x1x1x8x128xf32, #tpu.memory_space<hbm>> -> memref<8x128xf32, #tpu.memory_space<hbm>>
    %dma_wait3A_356 = arith.constant 16 : i32
    %dma_wait3A_357 = arith.constant 0 : i32
    %dma_wait3A_358 = tpu.memref_slice %arg13[%dma_wait3A_356, %dma_wait3A_357] : memref<64x129xf32, #tpu.memory_space<vmem>> -> memref<8x128xf32, #tpu.memory_space<vmem>>
    tpu.wait_dma2 semaphore(%arg23 : memref<!tpu.dma_semaphore, #tpu.memory_space<semaphore_mem>>) src(%dma_wait3A_358 : memref<8x128xf32, #tpu.memory_space<vmem>>) dst(%dma_wait3A_355 : memref<8x128xf32, #tpu.memory_space<hbm>>)
    %dma_wait3A_359 = arith.constant 47 : i32
    %dma_wait3A_360 = arith.constant 3 : i32
    %dma_wait3A_361 = arith.constant 24 : i32
    %dma_wait3A_362 = arith.constant 0 : i32
    %dma_wait3A_363 = tpu.memref_slice %arg13[%dma_wait3A_361, %dma_wait3A_362] : memref<64x129xf32, #tpu.memory_space<vmem>> -> memref<8x128xf32, #tpu.memory_space<vmem>>
    %dma_wait3A_364 = arith.constant 0 : i32
    %dma_wait3A_365 = arith.constant 0 : i32
    %dma_wait3A_366 = tpu.memref_slice %arg4[%dma_wait3A_359, %dma_wait3A_360, %add3A, %dma_wait3A_364, %dma_wait3A_365] : memref<50x8x32x8x128xf32, #tpu.memory_space<hbm>> -> memref<1x1x1x8x128xf32, #tpu.memory_space<hbm>>
    %dma_wait3A_367 = tpu.memref_squeeze %dma_wait3A_366 : memref<1x1x1x8x128xf32, #tpu.memory_space<hbm>> -> memref<8x128xf32, #tpu.memory_space<hbm>>
    %dma_wait3A_368 = arith.constant 0 : i32
    %dma_wait3A_369 = arith.constant 0 : i32
    %dma_wait3A_370 = tpu.memref_slice %arg4[%dma_wait3A_359, %dma_wait3A_360, %add3A, %dma_wait3A_368, %dma_wait3A_369] : memref<50x8x32x8x128xf32, #tpu.memory_space<hbm>> -> memref<1x1x1x8x128xf32, #tpu.memory_space<hbm>>
    %dma_wait3A_371 = tpu.memref_squeeze %dma_wait3A_370 : memref<1x1x1x8x128xf32, #tpu.memory_space<hbm>> -> memref<8x128xf32, #tpu.memory_space<hbm>>
    %dma_wait3A_372 = arith.constant 24 : i32
    %dma_wait3A_373 = arith.constant 0 : i32
    %dma_wait3A_374 = tpu.memref_slice %arg13[%dma_wait3A_372, %dma_wait3A_373] : memref<64x129xf32, #tpu.memory_space<vmem>> -> memref<8x128xf32, #tpu.memory_space<vmem>>
    tpu.wait_dma2 semaphore(%arg23 : memref<!tpu.dma_semaphore, #tpu.memory_space<semaphore_mem>>) src(%dma_wait3A_374 : memref<8x128xf32, #tpu.memory_space<vmem>>) dst(%dma_wait3A_371 : memref<8x128xf32, #tpu.memory_space<hbm>>)
    %dma_wait3A_375 = arith.constant 47 : i32
    %dma_wait3A_376 = arith.constant 4 : i32
    %dma_wait3A_377 = arith.constant 32 : i32
    %dma_wait3A_378 = arith.constant 0 : i32
    %dma_wait3A_379 = tpu.memref_slice %arg13[%dma_wait3A_377, %dma_wait3A_378] : memref<64x129xf32, #tpu.memory_space<vmem>> -> memref<8x128xf32, #tpu.memory_space<vmem>>
    %dma_wait3A_380 = arith.constant 0 : i32
    %dma_wait3A_381 = arith.constant 0 : i32
    %dma_wait3A_382 = tpu.memref_slice %arg4[%dma_wait3A_375, %dma_wait3A_376, %add3A, %dma_wait3A_380, %dma_wait3A_381] : memref<50x8x32x8x128xf32, #tpu.memory_space<hbm>> -> memref<1x1x1x8x128xf32, #tpu.memory_space<hbm>>
    %dma_wait3A_383 = tpu.memref_squeeze %dma_wait3A_382 : memref<1x1x1x8x128xf32, #tpu.memory_space<hbm>> -> memref<8x128xf32, #tpu.memory_space<hbm>>
    %dma_wait3A_384 = arith.constant 0 : i32
    %dma_wait3A_385 = arith.constant 0 : i32
    %dma_wait3A_386 = tpu.memref_slice %arg4[%dma_wait3A_375, %dma_wait3A_376, %add3A, %dma_wait3A_384, %dma_wait3A_385] : memref<50x8x32x8x128xf32, #tpu.memory_space<hbm>> -> memref<1x1x1x8x128xf32, #tpu.memory_space<hbm>>
    %dma_wait3A_387 = tpu.memref_squeeze %dma_wait3A_386 : memref<1x1x1x8x128xf32, #tpu.memory_space<hbm>> -> memref<8x128xf32, #tpu.memory_space<hbm>>
    %dma_wait3A_388 = arith.constant 32 : i32
    %dma_wait3A_389 = arith.constant 0 : i32
    %dma_wait3A_390 = tpu.memref_slice %arg13[%dma_wait3A_388, %dma_wait3A_389] : memref<64x129xf32, #tpu.memory_space<vmem>> -> memref<8x128xf32, #tpu.memory_space<vmem>>
    tpu.wait_dma2 semaphore(%arg23 : memref<!tpu.dma_semaphore, #tpu.memory_space<semaphore_mem>>) src(%dma_wait3A_390 : memref<8x128xf32, #tpu.memory_space<vmem>>) dst(%dma_wait3A_387 : memref<8x128xf32, #tpu.memory_space<hbm>>)
    %dma_wait3A_391 = arith.constant 47 : i32
    %dma_wait3A_392 = arith.constant 5 : i32
    %dma_wait3A_393 = arith.constant 40 : i32
    %dma_wait3A_394 = arith.constant 0 : i32
    %dma_wait3A_395 = tpu.memref_slice %arg13[%dma_wait3A_393, %dma_wait3A_394] : memref<64x129xf32, #tpu.memory_space<vmem>> -> memref<8x128xf32, #tpu.memory_space<vmem>>
    %dma_wait3A_396 = arith.constant 0 : i32
    %dma_wait3A_397 = arith.constant 0 : i32
    %dma_wait3A_398 = tpu.memref_slice %arg4[%dma_wait3A_391, %dma_wait3A_392, %add3A, %dma_wait3A_396, %dma_wait3A_397] : memref<50x8x32x8x128xf32, #tpu.memory_space<hbm>> -> memref<1x1x1x8x128xf32, #tpu.memory_space<hbm>>
    %dma_wait3A_399 = tpu.memref_squeeze %dma_wait3A_398 : memref<1x1x1x8x128xf32, #tpu.memory_space<hbm>> -> memref<8x128xf32, #tpu.memory_space<hbm>>
    %dma_wait3A_400 = arith.constant 0 : i32
    %dma_wait3A_401 = arith.constant 0 : i32
    %dma_wait3A_402 = tpu.memref_slice %arg4[%dma_wait3A_391, %dma_wait3A_392, %add3A, %dma_wait3A_400, %dma_wait3A_401] : memref<50x8x32x8x128xf32, #tpu.memory_space<hbm>> -> memref<1x1x1x8x128xf32, #tpu.memory_space<hbm>>
    %dma_wait3A_403 = tpu.memref_squeeze %dma_wait3A_402 : memref<1x1x1x8x128xf32, #tpu.memory_space<hbm>> -> memref<8x128xf32, #tpu.memory_space<hbm>>
    %dma_wait3A_404 = arith.constant 40 : i32
    %dma_wait3A_405 = arith.constant 0 : i32
    %dma_wait3A_406 = tpu.memref_slice %arg13[%dma_wait3A_404, %dma_wait3A_405] : memref<64x129xf32, #tpu.memory_space<vmem>> -> memref<8x128xf32, #tpu.memory_space<vmem>>
    tpu.wait_dma2 semaphore(%arg23 : memref<!tpu.dma_semaphore, #tpu.memory_space<semaphore_mem>>) src(%dma_wait3A_406 : memref<8x128xf32, #tpu.memory_space<vmem>>) dst(%dma_wait3A_403 : memref<8x128xf32, #tpu.memory_space<hbm>>)
    %dma_wait3A_407 = arith.constant 47 : i32
    %dma_wait3A_408 = arith.constant 6 : i32
    %dma_wait3A_409 = arith.constant 48 : i32
    %dma_wait3A_410 = arith.constant 0 : i32
    %dma_wait3A_411 = tpu.memref_slice %arg13[%dma_wait3A_409, %dma_wait3A_410] : memref<64x129xf32, #tpu.memory_space<vmem>> -> memref<8x128xf32, #tpu.memory_space<vmem>>
    %dma_wait3A_412 = arith.constant 0 : i32
    %dma_wait3A_413 = arith.constant 0 : i32
    %dma_wait3A_414 = tpu.memref_slice %arg4[%dma_wait3A_407, %dma_wait3A_408, %add3A, %dma_wait3A_412, %dma_wait3A_413] : memref<50x8x32x8x128xf32, #tpu.memory_space<hbm>> -> memref<1x1x1x8x128xf32, #tpu.memory_space<hbm>>
    %dma_wait3A_415 = tpu.memref_squeeze %dma_wait3A_414 : memref<1x1x1x8x128xf32, #tpu.memory_space<hbm>> -> memref<8x128xf32, #tpu.memory_space<hbm>>
    %dma_wait3A_416 = arith.constant 0 : i32
    %dma_wait3A_417 = arith.constant 0 : i32
    %dma_wait3A_418 = tpu.memref_slice %arg4[%dma_wait3A_407, %dma_wait3A_408, %add3A, %dma_wait3A_416, %dma_wait3A_417] : memref<50x8x32x8x128xf32, #tpu.memory_space<hbm>> -> memref<1x1x1x8x128xf32, #tpu.memory_space<hbm>>
    %dma_wait3A_419 = tpu.memref_squeeze %dma_wait3A_418 : memref<1x1x1x8x128xf32, #tpu.memory_space<hbm>> -> memref<8x128xf32, #tpu.memory_space<hbm>>
    %dma_wait3A_420 = arith.constant 48 : i32
    %dma_wait3A_421 = arith.constant 0 : i32
    %dma_wait3A_422 = tpu.memref_slice %arg13[%dma_wait3A_420, %dma_wait3A_421] : memref<64x129xf32, #tpu.memory_space<vmem>> -> memref<8x128xf32, #tpu.memory_space<vmem>>
    tpu.wait_dma2 semaphore(%arg23 : memref<!tpu.dma_semaphore, #tpu.memory_space<semaphore_mem>>) src(%dma_wait3A_422 : memref<8x128xf32, #tpu.memory_space<vmem>>) dst(%dma_wait3A_419 : memref<8x128xf32, #tpu.memory_space<hbm>>)
    %dma_wait3A_423 = arith.constant 47 : i32
    %dma_wait3A_424 = arith.constant 7 : i32
    %dma_wait3A_425 = arith.constant 56 : i32
    %dma_wait3A_426 = arith.constant 0 : i32
    %dma_wait3A_427 = tpu.memref_slice %arg13[%dma_wait3A_425, %dma_wait3A_426] : memref<64x129xf32, #tpu.memory_space<vmem>> -> memref<8x128xf32, #tpu.memory_space<vmem>>
    %dma_wait3A_428 = arith.constant 0 : i32
    %dma_wait3A_429 = arith.constant 0 : i32
    %dma_wait3A_430 = tpu.memref_slice %arg4[%dma_wait3A_423, %dma_wait3A_424, %add3A, %dma_wait3A_428, %dma_wait3A_429] : memref<50x8x32x8x128xf32, #tpu.memory_space<hbm>> -> memref<1x1x1x8x128xf32, #tpu.memory_space<hbm>>
    %dma_wait3A_431 = tpu.memref_squeeze %dma_wait3A_430 : memref<1x1x1x8x128xf32, #tpu.memory_space<hbm>> -> memref<8x128xf32, #tpu.memory_space<hbm>>
    %dma_wait3A_432 = arith.constant 0 : i32
    %dma_wait3A_433 = arith.constant 0 : i32
    %dma_wait3A_434 = tpu.memref_slice %arg4[%dma_wait3A_423, %dma_wait3A_424, %add3A, %dma_wait3A_432, %dma_wait3A_433] : memref<50x8x32x8x128xf32, #tpu.memory_space<hbm>> -> memref<1x1x1x8x128xf32, #tpu.memory_space<hbm>>
    %dma_wait3A_435 = tpu.memref_squeeze %dma_wait3A_434 : memref<1x1x1x8x128xf32, #tpu.memory_space<hbm>> -> memref<8x128xf32, #tpu.memory_space<hbm>>
    %dma_wait3A_436 = arith.constant 56 : i32
    %dma_wait3A_437 = arith.constant 0 : i32
    %dma_wait3A_438 = tpu.memref_slice %arg13[%dma_wait3A_436, %dma_wait3A_437] : memref<64x129xf32, #tpu.memory_space<vmem>> -> memref<8x128xf32, #tpu.memory_space<vmem>>
    tpu.wait_dma2 semaphore(%arg23 : memref<!tpu.dma_semaphore, #tpu.memory_space<semaphore_mem>>) src(%dma_wait3A_438 : memref<8x128xf32, #tpu.memory_space<vmem>>) dst(%dma_wait3A_435 : memref<8x128xf32, #tpu.memory_space<hbm>>)
    %dma_wait3A_439 = arith.constant 48 : i32
    %dma_wait3A_440 = arith.constant 0 : i32
    %dma_wait3A_441 = arith.constant 0 : i32
    %dma_wait3A_442 = arith.constant 0 : i32
    %dma_wait3A_443 = tpu.memref_slice %arg14[%dma_wait3A_441, %dma_wait3A_442] : memref<64x129xf32, #tpu.memory_space<vmem>> -> memref<8x128xf32, #tpu.memory_space<vmem>>
    %dma_wait3A_444 = arith.constant 0 : i32
    %dma_wait3A_445 = arith.constant 0 : i32
    %dma_wait3A_446 = tpu.memref_slice %arg4[%dma_wait3A_439, %dma_wait3A_440, %add3A, %dma_wait3A_444, %dma_wait3A_445] : memref<50x8x32x8x128xf32, #tpu.memory_space<hbm>> -> memref<1x1x1x8x128xf32, #tpu.memory_space<hbm>>
    %dma_wait3A_447 = tpu.memref_squeeze %dma_wait3A_446 : memref<1x1x1x8x128xf32, #tpu.memory_space<hbm>> -> memref<8x128xf32, #tpu.memory_space<hbm>>
    %dma_wait3A_448 = arith.constant 0 : i32
    %dma_wait3A_449 = arith.constant 0 : i32
    %dma_wait3A_450 = tpu.memref_slice %arg4[%dma_wait3A_439, %dma_wait3A_440, %add3A, %dma_wait3A_448, %dma_wait3A_449] : memref<50x8x32x8x128xf32, #tpu.memory_space<hbm>> -> memref<1x1x1x8x128xf32, #tpu.memory_space<hbm>>
    %dma_wait3A_451 = tpu.memref_squeeze %dma_wait3A_450 : memref<1x1x1x8x128xf32, #tpu.memory_space<hbm>> -> memref<8x128xf32, #tpu.memory_space<hbm>>
    %dma_wait3A_452 = arith.constant 0 : i32
    %dma_wait3A_453 = arith.constant 0 : i32
    %dma_wait3A_454 = tpu.memref_slice %arg14[%dma_wait3A_452, %dma_wait3A_453] : memref<64x129xf32, #tpu.memory_space<vmem>> -> memref<8x128xf32, #tpu.memory_space<vmem>>
    tpu.wait_dma2 semaphore(%arg24 : memref<!tpu.dma_semaphore, #tpu.memory_space<semaphore_mem>>) src(%dma_wait3A_454 : memref<8x128xf32, #tpu.memory_space<vmem>>) dst(%dma_wait3A_451 : memref<8x128xf32, #tpu.memory_space<hbm>>)
    %dma_wait3A_455 = arith.constant 48 : i32
    %dma_wait3A_456 = arith.constant 1 : i32
    %dma_wait3A_457 = arith.constant 8 : i32
    %dma_wait3A_458 = arith.constant 0 : i32
    %dma_wait3A_459 = tpu.memref_slice %arg14[%dma_wait3A_457, %dma_wait3A_458] : memref<64x129xf32, #tpu.memory_space<vmem>> -> memref<8x128xf32, #tpu.memory_space<vmem>>
    %dma_wait3A_460 = arith.constant 0 : i32
    %dma_wait3A_461 = arith.constant 0 : i32
    %dma_wait3A_462 = tpu.memref_slice %arg4[%dma_wait3A_455, %dma_wait3A_456, %add3A, %dma_wait3A_460, %dma_wait3A_461] : memref<50x8x32x8x128xf32, #tpu.memory_space<hbm>> -> memref<1x1x1x8x128xf32, #tpu.memory_space<hbm>>
    %dma_wait3A_463 = tpu.memref_squeeze %dma_wait3A_462 : memref<1x1x1x8x128xf32, #tpu.memory_space<hbm>> -> memref<8x128xf32, #tpu.memory_space<hbm>>
    %dma_wait3A_464 = arith.constant 0 : i32
    %dma_wait3A_465 = arith.constant 0 : i32
    %dma_wait3A_466 = tpu.memref_slice %arg4[%dma_wait3A_455, %dma_wait3A_456, %add3A, %dma_wait3A_464, %dma_wait3A_465] : memref<50x8x32x8x128xf32, #tpu.memory_space<hbm>> -> memref<1x1x1x8x128xf32, #tpu.memory_space<hbm>>
    %dma_wait3A_467 = tpu.memref_squeeze %dma_wait3A_466 : memref<1x1x1x8x128xf32, #tpu.memory_space<hbm>> -> memref<8x128xf32, #tpu.memory_space<hbm>>
    %dma_wait3A_468 = arith.constant 8 : i32
    %dma_wait3A_469 = arith.constant 0 : i32
    %dma_wait3A_470 = tpu.memref_slice %arg14[%dma_wait3A_468, %dma_wait3A_469] : memref<64x129xf32, #tpu.memory_space<vmem>> -> memref<8x128xf32, #tpu.memory_space<vmem>>
    tpu.wait_dma2 semaphore(%arg24 : memref<!tpu.dma_semaphore, #tpu.memory_space<semaphore_mem>>) src(%dma_wait3A_470 : memref<8x128xf32, #tpu.memory_space<vmem>>) dst(%dma_wait3A_467 : memref<8x128xf32, #tpu.memory_space<hbm>>)
    %dma_wait3A_471 = arith.constant 48 : i32
    %dma_wait3A_472 = arith.constant 2 : i32
    %dma_wait3A_473 = arith.constant 16 : i32
    %dma_wait3A_474 = arith.constant 0 : i32
    %dma_wait3A_475 = tpu.memref_slice %arg14[%dma_wait3A_473, %dma_wait3A_474] : memref<64x129xf32, #tpu.memory_space<vmem>> -> memref<8x128xf32, #tpu.memory_space<vmem>>
    %dma_wait3A_476 = arith.constant 0 : i32
    %dma_wait3A_477 = arith.constant 0 : i32
    %dma_wait3A_478 = tpu.memref_slice %arg4[%dma_wait3A_471, %dma_wait3A_472, %add3A, %dma_wait3A_476, %dma_wait3A_477] : memref<50x8x32x8x128xf32, #tpu.memory_space<hbm>> -> memref<1x1x1x8x128xf32, #tpu.memory_space<hbm>>
    %dma_wait3A_479 = tpu.memref_squeeze %dma_wait3A_478 : memref<1x1x1x8x128xf32, #tpu.memory_space<hbm>> -> memref<8x128xf32, #tpu.memory_space<hbm>>
    %dma_wait3A_480 = arith.constant 0 : i32
    %dma_wait3A_481 = arith.constant 0 : i32
    %dma_wait3A_482 = tpu.memref_slice %arg4[%dma_wait3A_471, %dma_wait3A_472, %add3A, %dma_wait3A_480, %dma_wait3A_481] : memref<50x8x32x8x128xf32, #tpu.memory_space<hbm>> -> memref<1x1x1x8x128xf32, #tpu.memory_space<hbm>>
    %dma_wait3A_483 = tpu.memref_squeeze %dma_wait3A_482 : memref<1x1x1x8x128xf32, #tpu.memory_space<hbm>> -> memref<8x128xf32, #tpu.memory_space<hbm>>
    %dma_wait3A_484 = arith.constant 16 : i32
    %dma_wait3A_485 = arith.constant 0 : i32
    %dma_wait3A_486 = tpu.memref_slice %arg14[%dma_wait3A_484, %dma_wait3A_485] : memref<64x129xf32, #tpu.memory_space<vmem>> -> memref<8x128xf32, #tpu.memory_space<vmem>>
    tpu.wait_dma2 semaphore(%arg24 : memref<!tpu.dma_semaphore, #tpu.memory_space<semaphore_mem>>) src(%dma_wait3A_486 : memref<8x128xf32, #tpu.memory_space<vmem>>) dst(%dma_wait3A_483 : memref<8x128xf32, #tpu.memory_space<hbm>>)
    %dma_wait3A_487 = arith.constant 48 : i32
    %dma_wait3A_488 = arith.constant 3 : i32
    %dma_wait3A_489 = arith.constant 24 : i32
    %dma_wait3A_490 = arith.constant 0 : i32
    %dma_wait3A_491 = tpu.memref_slice %arg14[%dma_wait3A_489, %dma_wait3A_490] : memref<64x129xf32, #tpu.memory_space<vmem>> -> memref<8x128xf32, #tpu.memory_space<vmem>>
    %dma_wait3A_492 = arith.constant 0 : i32
    %dma_wait3A_493 = arith.constant 0 : i32
    %dma_wait3A_494 = tpu.memref_slice %arg4[%dma_wait3A_487, %dma_wait3A_488, %add3A, %dma_wait3A_492, %dma_wait3A_493] : memref<50x8x32x8x128xf32, #tpu.memory_space<hbm>> -> memref<1x1x1x8x128xf32, #tpu.memory_space<hbm>>
    %dma_wait3A_495 = tpu.memref_squeeze %dma_wait3A_494 : memref<1x1x1x8x128xf32, #tpu.memory_space<hbm>> -> memref<8x128xf32, #tpu.memory_space<hbm>>
    %dma_wait3A_496 = arith.constant 0 : i32
    %dma_wait3A_497 = arith.constant 0 : i32
    %dma_wait3A_498 = tpu.memref_slice %arg4[%dma_wait3A_487, %dma_wait3A_488, %add3A, %dma_wait3A_496, %dma_wait3A_497] : memref<50x8x32x8x128xf32, #tpu.memory_space<hbm>> -> memref<1x1x1x8x128xf32, #tpu.memory_space<hbm>>
    %dma_wait3A_499 = tpu.memref_squeeze %dma_wait3A_498 : memref<1x1x1x8x128xf32, #tpu.memory_space<hbm>> -> memref<8x128xf32, #tpu.memory_space<hbm>>
    %dma_wait3A_500 = arith.constant 24 : i32
    %dma_wait3A_501 = arith.constant 0 : i32
    %dma_wait3A_502 = tpu.memref_slice %arg14[%dma_wait3A_500, %dma_wait3A_501] : memref<64x129xf32, #tpu.memory_space<vmem>> -> memref<8x128xf32, #tpu.memory_space<vmem>>
    tpu.wait_dma2 semaphore(%arg24 : memref<!tpu.dma_semaphore, #tpu.memory_space<semaphore_mem>>) src(%dma_wait3A_502 : memref<8x128xf32, #tpu.memory_space<vmem>>) dst(%dma_wait3A_499 : memref<8x128xf32, #tpu.memory_space<hbm>>)
    %dma_wait3A_503 = arith.constant 48 : i32
    %dma_wait3A_504 = arith.constant 4 : i32
    %dma_wait3A_505 = arith.constant 32 : i32
    %dma_wait3A_506 = arith.constant 0 : i32
    %dma_wait3A_507 = tpu.memref_slice %arg14[%dma_wait3A_505, %dma_wait3A_506] : memref<64x129xf32, #tpu.memory_space<vmem>> -> memref<8x128xf32, #tpu.memory_space<vmem>>
    %dma_wait3A_508 = arith.constant 0 : i32
    %dma_wait3A_509 = arith.constant 0 : i32
    %dma_wait3A_510 = tpu.memref_slice %arg4[%dma_wait3A_503, %dma_wait3A_504, %add3A, %dma_wait3A_508, %dma_wait3A_509] : memref<50x8x32x8x128xf32, #tpu.memory_space<hbm>> -> memref<1x1x1x8x128xf32, #tpu.memory_space<hbm>>
    %dma_wait3A_511 = tpu.memref_squeeze %dma_wait3A_510 : memref<1x1x1x8x128xf32, #tpu.memory_space<hbm>> -> memref<8x128xf32, #tpu.memory_space<hbm>>
    %dma_wait3A_512 = arith.constant 0 : i32
    %dma_wait3A_513 = arith.constant 0 : i32
    %dma_wait3A_514 = tpu.memref_slice %arg4[%dma_wait3A_503, %dma_wait3A_504, %add3A, %dma_wait3A_512, %dma_wait3A_513] : memref<50x8x32x8x128xf32, #tpu.memory_space<hbm>> -> memref<1x1x1x8x128xf32, #tpu.memory_space<hbm>>
    %dma_wait3A_515 = tpu.memref_squeeze %dma_wait3A_514 : memref<1x1x1x8x128xf32, #tpu.memory_space<hbm>> -> memref<8x128xf32, #tpu.memory_space<hbm>>
    %dma_wait3A_516 = arith.constant 32 : i32
    %dma_wait3A_517 = arith.constant 0 : i32
    %dma_wait3A_518 = tpu.memref_slice %arg14[%dma_wait3A_516, %dma_wait3A_517] : memref<64x129xf32, #tpu.memory_space<vmem>> -> memref<8x128xf32, #tpu.memory_space<vmem>>
    tpu.wait_dma2 semaphore(%arg24 : memref<!tpu.dma_semaphore, #tpu.memory_space<semaphore_mem>>) src(%dma_wait3A_518 : memref<8x128xf32, #tpu.memory_space<vmem>>) dst(%dma_wait3A_515 : memref<8x128xf32, #tpu.memory_space<hbm>>)
    %dma_wait3A_519 = arith.constant 48 : i32
    %dma_wait3A_520 = arith.constant 5 : i32
    %dma_wait3A_521 = arith.constant 40 : i32
    %dma_wait3A_522 = arith.constant 0 : i32
    %dma_wait3A_523 = tpu.memref_slice %arg14[%dma_wait3A_521, %dma_wait3A_522] : memref<64x129xf32, #tpu.memory_space<vmem>> -> memref<8x128xf32, #tpu.memory_space<vmem>>
    %dma_wait3A_524 = arith.constant 0 : i32
    %dma_wait3A_525 = arith.constant 0 : i32
    %dma_wait3A_526 = tpu.memref_slice %arg4[%dma_wait3A_519, %dma_wait3A_520, %add3A, %dma_wait3A_524, %dma_wait3A_525] : memref<50x8x32x8x128xf32, #tpu.memory_space<hbm>> -> memref<1x1x1x8x128xf32, #tpu.memory_space<hbm>>
    %dma_wait3A_527 = tpu.memref_squeeze %dma_wait3A_526 : memref<1x1x1x8x128xf32, #tpu.memory_space<hbm>> -> memref<8x128xf32, #tpu.memory_space<hbm>>
    %dma_wait3A_528 = arith.constant 0 : i32
    %dma_wait3A_529 = arith.constant 0 : i32
    %dma_wait3A_530 = tpu.memref_slice %arg4[%dma_wait3A_519, %dma_wait3A_520, %add3A, %dma_wait3A_528, %dma_wait3A_529] : memref<50x8x32x8x128xf32, #tpu.memory_space<hbm>> -> memref<1x1x1x8x128xf32, #tpu.memory_space<hbm>>
    %dma_wait3A_531 = tpu.memref_squeeze %dma_wait3A_530 : memref<1x1x1x8x128xf32, #tpu.memory_space<hbm>> -> memref<8x128xf32, #tpu.memory_space<hbm>>
    %dma_wait3A_532 = arith.constant 40 : i32
    %dma_wait3A_533 = arith.constant 0 : i32
    %dma_wait3A_534 = tpu.memref_slice %arg14[%dma_wait3A_532, %dma_wait3A_533] : memref<64x129xf32, #tpu.memory_space<vmem>> -> memref<8x128xf32, #tpu.memory_space<vmem>>
    tpu.wait_dma2 semaphore(%arg24 : memref<!tpu.dma_semaphore, #tpu.memory_space<semaphore_mem>>) src(%dma_wait3A_534 : memref<8x128xf32, #tpu.memory_space<vmem>>) dst(%dma_wait3A_531 : memref<8x128xf32, #tpu.memory_space<hbm>>)
    %dma_wait3A_535 = arith.constant 48 : i32
    %dma_wait3A_536 = arith.constant 6 : i32
    %dma_wait3A_537 = arith.constant 48 : i32
    %dma_wait3A_538 = arith.constant 0 : i32
    %dma_wait3A_539 = tpu.memref_slice %arg14[%dma_wait3A_537, %dma_wait3A_538] : memref<64x129xf32, #tpu.memory_space<vmem>> -> memref<8x128xf32, #tpu.memory_space<vmem>>
    %dma_wait3A_540 = arith.constant 0 : i32
    %dma_wait3A_541 = arith.constant 0 : i32
    %dma_wait3A_542 = tpu.memref_slice %arg4[%dma_wait3A_535, %dma_wait3A_536, %add3A, %dma_wait3A_540, %dma_wait3A_541] : memref<50x8x32x8x128xf32, #tpu.memory_space<hbm>> -> memref<1x1x1x8x128xf32, #tpu.memory_space<hbm>>
    %dma_wait3A_543 = tpu.memref_squeeze %dma_wait3A_542 : memref<1x1x1x8x128xf32, #tpu.memory_space<hbm>> -> memref<8x128xf32, #tpu.memory_space<hbm>>
    %dma_wait3A_544 = arith.constant 0 : i32
    %dma_wait3A_545 = arith.constant 0 : i32
    %dma_wait3A_546 = tpu.memref_slice %arg4[%dma_wait3A_535, %dma_wait3A_536, %add3A, %dma_wait3A_544, %dma_wait3A_545] : memref<50x8x32x8x128xf32, #tpu.memory_space<hbm>> -> memref<1x1x1x8x128xf32, #tpu.memory_space<hbm>>
    %dma_wait3A_547 = tpu.memref_squeeze %dma_wait3A_546 : memref<1x1x1x8x128xf32, #tpu.memory_space<hbm>> -> memref<8x128xf32, #tpu.memory_space<hbm>>
    %dma_wait3A_548 = arith.constant 48 : i32
    %dma_wait3A_549 = arith.constant 0 : i32
    %dma_wait3A_550 = tpu.memref_slice %arg14[%dma_wait3A_548, %dma_wait3A_549] : memref<64x129xf32, #tpu.memory_space<vmem>> -> memref<8x128xf32, #tpu.memory_space<vmem>>
    tpu.wait_dma2 semaphore(%arg24 : memref<!tpu.dma_semaphore, #tpu.memory_space<semaphore_mem>>) src(%dma_wait3A_550 : memref<8x128xf32, #tpu.memory_space<vmem>>) dst(%dma_wait3A_547 : memref<8x128xf32, #tpu.memory_space<hbm>>)
    %dma_wait3A_551 = arith.constant 48 : i32
    %dma_wait3A_552 = arith.constant 7 : i32
    %dma_wait3A_553 = arith.constant 56 : i32
    %dma_wait3A_554 = arith.constant 0 : i32
    %dma_wait3A_555 = tpu.memref_slice %arg14[%dma_wait3A_553, %dma_wait3A_554] : memref<64x129xf32, #tpu.memory_space<vmem>> -> memref<8x128xf32, #tpu.memory_space<vmem>>
    %dma_wait3A_556 = arith.constant 0 : i32
    %dma_wait3A_557 = arith.constant 0 : i32
    %dma_wait3A_558 = tpu.memref_slice %arg4[%dma_wait3A_551, %dma_wait3A_552, %add3A, %dma_wait3A_556, %dma_wait3A_557] : memref<50x8x32x8x128xf32, #tpu.memory_space<hbm>> -> memref<1x1x1x8x128xf32, #tpu.memory_space<hbm>>
    %dma_wait3A_559 = tpu.memref_squeeze %dma_wait3A_558 : memref<1x1x1x8x128xf32, #tpu.memory_space<hbm>> -> memref<8x128xf32, #tpu.memory_space<hbm>>
    %dma_wait3A_560 = arith.constant 0 : i32
    %dma_wait3A_561 = arith.constant 0 : i32
    %dma_wait3A_562 = tpu.memref_slice %arg4[%dma_wait3A_551, %dma_wait3A_552, %add3A, %dma_wait3A_560, %dma_wait3A_561] : memref<50x8x32x8x128xf32, #tpu.memory_space<hbm>> -> memref<1x1x1x8x128xf32, #tpu.memory_space<hbm>>
    %dma_wait3A_563 = tpu.memref_squeeze %dma_wait3A_562 : memref<1x1x1x8x128xf32, #tpu.memory_space<hbm>> -> memref<8x128xf32, #tpu.memory_space<hbm>>
    %dma_wait3A_564 = arith.constant 56 : i32
    %dma_wait3A_565 = arith.constant 0 : i32
    %dma_wait3A_566 = tpu.memref_slice %arg14[%dma_wait3A_564, %dma_wait3A_565] : memref<64x129xf32, #tpu.memory_space<vmem>> -> memref<8x128xf32, #tpu.memory_space<vmem>>
    tpu.wait_dma2 semaphore(%arg24 : memref<!tpu.dma_semaphore, #tpu.memory_space<semaphore_mem>>) src(%dma_wait3A_566 : memref<8x128xf32, #tpu.memory_space<vmem>>) dst(%dma_wait3A_563 : memref<8x128xf32, #tpu.memory_space<hbm>>)
    %dma_wait3A_567 = arith.constant 49 : i32
    %dma_wait3A_568 = arith.constant 0 : i32
    %dma_wait3A_569 = arith.constant 0 : i32
    %dma_wait3A_570 = arith.constant 0 : i32
    %dma_wait3A_571 = tpu.memref_slice %arg15[%dma_wait3A_569, %dma_wait3A_570] : memref<64x129xf32, #tpu.memory_space<vmem>> -> memref<8x128xf32, #tpu.memory_space<vmem>>
    %dma_wait3A_572 = arith.constant 0 : i32
    %dma_wait3A_573 = arith.constant 0 : i32
    %dma_wait3A_574 = tpu.memref_slice %arg4[%dma_wait3A_567, %dma_wait3A_568, %add3A, %dma_wait3A_572, %dma_wait3A_573] : memref<50x8x32x8x128xf32, #tpu.memory_space<hbm>> -> memref<1x1x1x8x128xf32, #tpu.memory_space<hbm>>
    %dma_wait3A_575 = tpu.memref_squeeze %dma_wait3A_574 : memref<1x1x1x8x128xf32, #tpu.memory_space<hbm>> -> memref<8x128xf32, #tpu.memory_space<hbm>>
    %dma_wait3A_576 = arith.constant 0 : i32
    %dma_wait3A_577 = arith.constant 0 : i32
    %dma_wait3A_578 = tpu.memref_slice %arg4[%dma_wait3A_567, %dma_wait3A_568, %add3A, %dma_wait3A_576, %dma_wait3A_577] : memref<50x8x32x8x128xf32, #tpu.memory_space<hbm>> -> memref<1x1x1x8x128xf32, #tpu.memory_space<hbm>>
    %dma_wait3A_579 = tpu.memref_squeeze %dma_wait3A_578 : memref<1x1x1x8x128xf32, #tpu.memory_space<hbm>> -> memref<8x128xf32, #tpu.memory_space<hbm>>
    %dma_wait3A_580 = arith.constant 0 : i32
    %dma_wait3A_581 = arith.constant 0 : i32
    %dma_wait3A_582 = tpu.memref_slice %arg15[%dma_wait3A_580, %dma_wait3A_581] : memref<64x129xf32, #tpu.memory_space<vmem>> -> memref<8x128xf32, #tpu.memory_space<vmem>>
    tpu.wait_dma2 semaphore(%arg25 : memref<!tpu.dma_semaphore, #tpu.memory_space<semaphore_mem>>) src(%dma_wait3A_582 : memref<8x128xf32, #tpu.memory_space<vmem>>) dst(%dma_wait3A_579 : memref<8x128xf32, #tpu.memory_space<hbm>>)
    %dma_wait3A_583 = arith.constant 49 : i32
    %dma_wait3A_584 = arith.constant 1 : i32
    %dma_wait3A_585 = arith.constant 8 : i32
    %dma_wait3A_586 = arith.constant 0 : i32
    %dma_wait3A_587 = tpu.memref_slice %arg15[%dma_wait3A_585, %dma_wait3A_586] : memref<64x129xf32, #tpu.memory_space<vmem>> -> memref<8x128xf32, #tpu.memory_space<vmem>>
    %dma_wait3A_588 = arith.constant 0 : i32
    %dma_wait3A_589 = arith.constant 0 : i32
    %dma_wait3A_590 = tpu.memref_slice %arg4[%dma_wait3A_583, %dma_wait3A_584, %add3A, %dma_wait3A_588, %dma_wait3A_589] : memref<50x8x32x8x128xf32, #tpu.memory_space<hbm>> -> memref<1x1x1x8x128xf32, #tpu.memory_space<hbm>>
    %dma_wait3A_591 = tpu.memref_squeeze %dma_wait3A_590 : memref<1x1x1x8x128xf32, #tpu.memory_space<hbm>> -> memref<8x128xf32, #tpu.memory_space<hbm>>
    %dma_wait3A_592 = arith.constant 0 : i32
    %dma_wait3A_593 = arith.constant 0 : i32
    %dma_wait3A_594 = tpu.memref_slice %arg4[%dma_wait3A_583, %dma_wait3A_584, %add3A, %dma_wait3A_592, %dma_wait3A_593] : memref<50x8x32x8x128xf32, #tpu.memory_space<hbm>> -> memref<1x1x1x8x128xf32, #tpu.memory_space<hbm>>
    %dma_wait3A_595 = tpu.memref_squeeze %dma_wait3A_594 : memref<1x1x1x8x128xf32, #tpu.memory_space<hbm>> -> memref<8x128xf32, #tpu.memory_space<hbm>>
    %dma_wait3A_596 = arith.constant 8 : i32
    %dma_wait3A_597 = arith.constant 0 : i32
    %dma_wait3A_598 = tpu.memref_slice %arg15[%dma_wait3A_596, %dma_wait3A_597] : memref<64x129xf32, #tpu.memory_space<vmem>> -> memref<8x128xf32, #tpu.memory_space<vmem>>
    tpu.wait_dma2 semaphore(%arg25 : memref<!tpu.dma_semaphore, #tpu.memory_space<semaphore_mem>>) src(%dma_wait3A_598 : memref<8x128xf32, #tpu.memory_space<vmem>>) dst(%dma_wait3A_595 : memref<8x128xf32, #tpu.memory_space<hbm>>)
    %dma_wait3A_599 = arith.constant 49 : i32
    %dma_wait3A_600 = arith.constant 2 : i32
    %dma_wait3A_601 = arith.constant 16 : i32
    %dma_wait3A_602 = arith.constant 0 : i32
    %dma_wait3A_603 = tpu.memref_slice %arg15[%dma_wait3A_601, %dma_wait3A_602] : memref<64x129xf32, #tpu.memory_space<vmem>> -> memref<8x128xf32, #tpu.memory_space<vmem>>
    %dma_wait3A_604 = arith.constant 0 : i32
    %dma_wait3A_605 = arith.constant 0 : i32
    %dma_wait3A_606 = tpu.memref_slice %arg4[%dma_wait3A_599, %dma_wait3A_600, %add3A, %dma_wait3A_604, %dma_wait3A_605] : memref<50x8x32x8x128xf32, #tpu.memory_space<hbm>> -> memref<1x1x1x8x128xf32, #tpu.memory_space<hbm>>
    %dma_wait3A_607 = tpu.memref_squeeze %dma_wait3A_606 : memref<1x1x1x8x128xf32, #tpu.memory_space<hbm>> -> memref<8x128xf32, #tpu.memory_space<hbm>>
    %dma_wait3A_608 = arith.constant 0 : i32
    %dma_wait3A_609 = arith.constant 0 : i32
    %dma_wait3A_610 = tpu.memref_slice %arg4[%dma_wait3A_599, %dma_wait3A_600, %add3A, %dma_wait3A_608, %dma_wait3A_609] : memref<50x8x32x8x128xf32, #tpu.memory_space<hbm>> -> memref<1x1x1x8x128xf32, #tpu.memory_space<hbm>>
    %dma_wait3A_611 = tpu.memref_squeeze %dma_wait3A_610 : memref<1x1x1x8x128xf32, #tpu.memory_space<hbm>> -> memref<8x128xf32, #tpu.memory_space<hbm>>
    %dma_wait3A_612 = arith.constant 16 : i32
    %dma_wait3A_613 = arith.constant 0 : i32
    %dma_wait3A_614 = tpu.memref_slice %arg15[%dma_wait3A_612, %dma_wait3A_613] : memref<64x129xf32, #tpu.memory_space<vmem>> -> memref<8x128xf32, #tpu.memory_space<vmem>>
    tpu.wait_dma2 semaphore(%arg25 : memref<!tpu.dma_semaphore, #tpu.memory_space<semaphore_mem>>) src(%dma_wait3A_614 : memref<8x128xf32, #tpu.memory_space<vmem>>) dst(%dma_wait3A_611 : memref<8x128xf32, #tpu.memory_space<hbm>>)
    %dma_wait3A_615 = arith.constant 49 : i32
    %dma_wait3A_616 = arith.constant 3 : i32
    %dma_wait3A_617 = arith.constant 24 : i32
    %dma_wait3A_618 = arith.constant 0 : i32
    %dma_wait3A_619 = tpu.memref_slice %arg15[%dma_wait3A_617, %dma_wait3A_618] : memref<64x129xf32, #tpu.memory_space<vmem>> -> memref<8x128xf32, #tpu.memory_space<vmem>>
    %dma_wait3A_620 = arith.constant 0 : i32
    %dma_wait3A_621 = arith.constant 0 : i32
    %dma_wait3A_622 = tpu.memref_slice %arg4[%dma_wait3A_615, %dma_wait3A_616, %add3A, %dma_wait3A_620, %dma_wait3A_621] : memref<50x8x32x8x128xf32, #tpu.memory_space<hbm>> -> memref<1x1x1x8x128xf32, #tpu.memory_space<hbm>>
    %dma_wait3A_623 = tpu.memref_squeeze %dma_wait3A_622 : memref<1x1x1x8x128xf32, #tpu.memory_space<hbm>> -> memref<8x128xf32, #tpu.memory_space<hbm>>
    %dma_wait3A_624 = arith.constant 0 : i32
    %dma_wait3A_625 = arith.constant 0 : i32
    %dma_wait3A_626 = tpu.memref_slice %arg4[%dma_wait3A_615, %dma_wait3A_616, %add3A, %dma_wait3A_624, %dma_wait3A_625] : memref<50x8x32x8x128xf32, #tpu.memory_space<hbm>> -> memref<1x1x1x8x128xf32, #tpu.memory_space<hbm>>
    %dma_wait3A_627 = tpu.memref_squeeze %dma_wait3A_626 : memref<1x1x1x8x128xf32, #tpu.memory_space<hbm>> -> memref<8x128xf32, #tpu.memory_space<hbm>>
    %dma_wait3A_628 = arith.constant 24 : i32
    %dma_wait3A_629 = arith.constant 0 : i32
    %dma_wait3A_630 = tpu.memref_slice %arg15[%dma_wait3A_628, %dma_wait3A_629] : memref<64x129xf32, #tpu.memory_space<vmem>> -> memref<8x128xf32, #tpu.memory_space<vmem>>
    tpu.wait_dma2 semaphore(%arg25 : memref<!tpu.dma_semaphore, #tpu.memory_space<semaphore_mem>>) src(%dma_wait3A_630 : memref<8x128xf32, #tpu.memory_space<vmem>>) dst(%dma_wait3A_627 : memref<8x128xf32, #tpu.memory_space<hbm>>)
    %dma_wait3A_631 = arith.constant 49 : i32
    %dma_wait3A_632 = arith.constant 4 : i32
    %dma_wait3A_633 = arith.constant 32 : i32
    %dma_wait3A_634 = arith.constant 0 : i32
    %dma_wait3A_635 = tpu.memref_slice %arg15[%dma_wait3A_633, %dma_wait3A_634] : memref<64x129xf32, #tpu.memory_space<vmem>> -> memref<8x128xf32, #tpu.memory_space<vmem>>
    %dma_wait3A_636 = arith.constant 0 : i32
    %dma_wait3A_637 = arith.constant 0 : i32
    %dma_wait3A_638 = tpu.memref_slice %arg4[%dma_wait3A_631, %dma_wait3A_632, %add3A, %dma_wait3A_636, %dma_wait3A_637] : memref<50x8x32x8x128xf32, #tpu.memory_space<hbm>> -> memref<1x1x1x8x128xf32, #tpu.memory_space<hbm>>
    %dma_wait3A_639 = tpu.memref_squeeze %dma_wait3A_638 : memref<1x1x1x8x128xf32, #tpu.memory_space<hbm>> -> memref<8x128xf32, #tpu.memory_space<hbm>>
    %dma_wait3A_640 = arith.constant 0 : i32
    %dma_wait3A_641 = arith.constant 0 : i32
    %dma_wait3A_642 = tpu.memref_slice %arg4[%dma_wait3A_631, %dma_wait3A_632, %add3A, %dma_wait3A_640, %dma_wait3A_641] : memref<50x8x32x8x128xf32, #tpu.memory_space<hbm>> -> memref<1x1x1x8x128xf32, #tpu.memory_space<hbm>>
    %dma_wait3A_643 = tpu.memref_squeeze %dma_wait3A_642 : memref<1x1x1x8x128xf32, #tpu.memory_space<hbm>> -> memref<8x128xf32, #tpu.memory_space<hbm>>
    %dma_wait3A_644 = arith.constant 32 : i32
    %dma_wait3A_645 = arith.constant 0 : i32
    %dma_wait3A_646 = tpu.memref_slice %arg15[%dma_wait3A_644, %dma_wait3A_645] : memref<64x129xf32, #tpu.memory_space<vmem>> -> memref<8x128xf32, #tpu.memory_space<vmem>>
    tpu.wait_dma2 semaphore(%arg25 : memref<!tpu.dma_semaphore, #tpu.memory_space<semaphore_mem>>) src(%dma_wait3A_646 : memref<8x128xf32, #tpu.memory_space<vmem>>) dst(%dma_wait3A_643 : memref<8x128xf32, #tpu.memory_space<hbm>>)
    %dma_wait3A_647 = arith.constant 49 : i32
    %dma_wait3A_648 = arith.constant 5 : i32
    %dma_wait3A_649 = arith.constant 40 : i32
    %dma_wait3A_650 = arith.constant 0 : i32
    %dma_wait3A_651 = tpu.memref_slice %arg15[%dma_wait3A_649, %dma_wait3A_650] : memref<64x129xf32, #tpu.memory_space<vmem>> -> memref<8x128xf32, #tpu.memory_space<vmem>>
    %dma_wait3A_652 = arith.constant 0 : i32
    %dma_wait3A_653 = arith.constant 0 : i32
    %dma_wait3A_654 = tpu.memref_slice %arg4[%dma_wait3A_647, %dma_wait3A_648, %add3A, %dma_wait3A_652, %dma_wait3A_653] : memref<50x8x32x8x128xf32, #tpu.memory_space<hbm>> -> memref<1x1x1x8x128xf32, #tpu.memory_space<hbm>>
    %dma_wait3A_655 = tpu.memref_squeeze %dma_wait3A_654 : memref<1x1x1x8x128xf32, #tpu.memory_space<hbm>> -> memref<8x128xf32, #tpu.memory_space<hbm>>
    %dma_wait3A_656 = arith.constant 0 : i32
    %dma_wait3A_657 = arith.constant 0 : i32
    %dma_wait3A_658 = tpu.memref_slice %arg4[%dma_wait3A_647, %dma_wait3A_648, %add3A, %dma_wait3A_656, %dma_wait3A_657] : memref<50x8x32x8x128xf32, #tpu.memory_space<hbm>> -> memref<1x1x1x8x128xf32, #tpu.memory_space<hbm>>
    %dma_wait3A_659 = tpu.memref_squeeze %dma_wait3A_658 : memref<1x1x1x8x128xf32, #tpu.memory_space<hbm>> -> memref<8x128xf32, #tpu.memory_space<hbm>>
    %dma_wait3A_660 = arith.constant 40 : i32
    %dma_wait3A_661 = arith.constant 0 : i32
    %dma_wait3A_662 = tpu.memref_slice %arg15[%dma_wait3A_660, %dma_wait3A_661] : memref<64x129xf32, #tpu.memory_space<vmem>> -> memref<8x128xf32, #tpu.memory_space<vmem>>
    tpu.wait_dma2 semaphore(%arg25 : memref<!tpu.dma_semaphore, #tpu.memory_space<semaphore_mem>>) src(%dma_wait3A_662 : memref<8x128xf32, #tpu.memory_space<vmem>>) dst(%dma_wait3A_659 : memref<8x128xf32, #tpu.memory_space<hbm>>)
    %dma_wait3A_663 = arith.constant 49 : i32
    %dma_wait3A_664 = arith.constant 6 : i32
    %dma_wait3A_665 = arith.constant 48 : i32
    %dma_wait3A_666 = arith.constant 0 : i32
    %dma_wait3A_667 = tpu.memref_slice %arg15[%dma_wait3A_665, %dma_wait3A_666] : memref<64x129xf32, #tpu.memory_space<vmem>> -> memref<8x128xf32, #tpu.memory_space<vmem>>
    %dma_wait3A_668 = arith.constant 0 : i32
    %dma_wait3A_669 = arith.constant 0 : i32
    %dma_wait3A_670 = tpu.memref_slice %arg4[%dma_wait3A_663, %dma_wait3A_664, %add3A, %dma_wait3A_668, %dma_wait3A_669] : memref<50x8x32x8x128xf32, #tpu.memory_space<hbm>> -> memref<1x1x1x8x128xf32, #tpu.memory_space<hbm>>
    %dma_wait3A_671 = tpu.memref_squeeze %dma_wait3A_670 : memref<1x1x1x8x128xf32, #tpu.memory_space<hbm>> -> memref<8x128xf32, #tpu.memory_space<hbm>>
    %dma_wait3A_672 = arith.constant 0 : i32
    %dma_wait3A_673 = arith.constant 0 : i32
    %dma_wait3A_674 = tpu.memref_slice %arg4[%dma_wait3A_663, %dma_wait3A_664, %add3A, %dma_wait3A_672, %dma_wait3A_673] : memref<50x8x32x8x128xf32, #tpu.memory_space<hbm>> -> memref<1x1x1x8x128xf32, #tpu.memory_space<hbm>>
    %dma_wait3A_675 = tpu.memref_squeeze %dma_wait3A_674 : memref<1x1x1x8x128xf32, #tpu.memory_space<hbm>> -> memref<8x128xf32, #tpu.memory_space<hbm>>
    %dma_wait3A_676 = arith.constant 48 : i32
    %dma_wait3A_677 = arith.constant 0 : i32
    %dma_wait3A_678 = tpu.memref_slice %arg15[%dma_wait3A_676, %dma_wait3A_677] : memref<64x129xf32, #tpu.memory_space<vmem>> -> memref<8x128xf32, #tpu.memory_space<vmem>>
    tpu.wait_dma2 semaphore(%arg25 : memref<!tpu.dma_semaphore, #tpu.memory_space<semaphore_mem>>) src(%dma_wait3A_678 : memref<8x128xf32, #tpu.memory_space<vmem>>) dst(%dma_wait3A_675 : memref<8x128xf32, #tpu.memory_space<hbm>>)
    %dma_wait3A_679 = arith.constant 49 : i32
    %dma_wait3A_680 = arith.constant 7 : i32
    %dma_wait3A_681 = arith.constant 56 : i32
    %dma_wait3A_682 = arith.constant 0 : i32
    %dma_wait3A_683 = tpu.memref_slice %arg15[%dma_wait3A_681, %dma_wait3A_682] : memref<64x129xf32, #tpu.memory_space<vmem>> -> memref<8x128xf32, #tpu.memory_space<vmem>>
    %dma_wait3A_684 = arith.constant 0 : i32
    %dma_wait3A_685 = arith.constant 0 : i32
    %dma_wait3A_686 = tpu.memref_slice %arg4[%dma_wait3A_679, %dma_wait3A_680, %add3A, %dma_wait3A_684, %dma_wait3A_685] : memref<50x8x32x8x128xf32, #tpu.memory_space<hbm>> -> memref<1x1x1x8x128xf32, #tpu.memory_space<hbm>>
    %dma_wait3A_687 = tpu.memref_squeeze %dma_wait3A_686 : memref<1x1x1x8x128xf32, #tpu.memory_space<hbm>> -> memref<8x128xf32, #tpu.memory_space<hbm>>
    %dma_wait3A_688 = arith.constant 0 : i32
    %dma_wait3A_689 = arith.constant 0 : i32
    %dma_wait3A_690 = tpu.memref_slice %arg4[%dma_wait3A_679, %dma_wait3A_680, %add3A, %dma_wait3A_688, %dma_wait3A_689] : memref<50x8x32x8x128xf32, #tpu.memory_space<hbm>> -> memref<1x1x1x8x128xf32, #tpu.memory_space<hbm>>
    %dma_wait3A_691 = tpu.memref_squeeze %dma_wait3A_690 : memref<1x1x1x8x128xf32, #tpu.memory_space<hbm>> -> memref<8x128xf32, #tpu.memory_space<hbm>>
    %dma_wait3A_692 = arith.constant 56 : i32
    %dma_wait3A_693 = arith.constant 0 : i32
    %dma_wait3A_694 = tpu.memref_slice %arg15[%dma_wait3A_692, %dma_wait3A_693] : memref<64x129xf32, #tpu.memory_space<vmem>> -> memref<8x128xf32, #tpu.memory_space<vmem>>
    tpu.wait_dma2 semaphore(%arg25 : memref<!tpu.dma_semaphore, #tpu.memory_space<semaphore_mem>>) src(%dma_wait3A_694 : memref<8x128xf32, #tpu.memory_space<vmem>>) dst(%dma_wait3A_691 : memref<8x128xf32, #tpu.memory_space<hbm>>)
    return
  }
}

</mosaic_0001>

<sc_bundles>
// kernel: kernel.3.cloned.1.call-start
scs
__scs_entry_jumppad:
0x0: {  	(pc) =	sbr.rel $0x88, $3  }
0x1: {  	(tag) =	ssettag $0x0;
	lr =	simm.s32 $0x1  }
0x2: {  	[smem:$0x3F9F] =	sst lr;
	_ =	strace $0xD0000000  }
0x3: {  	_ = 	snop  }
0x4: {  	_ = 	snop  }
0x5: {  	_ = 	snop  }
0x6: {  	_ = 	snop  }
0x7: {  	_ = 	snop  }
__scs_overlays_trampoline_lowered:
0x8: {  	[smem:$0x3FAE] =	sst s0  }
0x9: {  	[smem:$0x3FAF] =	sst s1  }
0xa: {  	[smem:$0x3FB0] =	sst s2  }
0xb: {  	[smem:$0x3FB1] =	sst s3  }
0xc: {  	[smem:$0x3FB2] =	sst s4  }
0xd: {  	[smem:$0x3FB3] =	sst s5  }
0xe: {  	[smem:$0x3FB4] =	sst s6  }
0xf: {  	[smem:$0x3FB5] =	sst s7  }
0x10: {  	[smem:$0x3FB6] =	sst s8  }
0x11: {  	[smem:$0x3FB7] =	sst s9;
	s0 =	simm.s32 @!p0 $0x0  }
0x12: {  	s1 =	sld [smem:$0x3F9D];
	s0 =	simm.s32 @p0 $0x1  }
0x13: {  	[smem:$0x3FB8] =	sst s0;
	s0 =	simm.s32 @!p1 $0x0  }
0x14: {  	s2 =	sld [smem:$0x3F9C];
	s0 =	simm.s32 @p1 $0x1  }
0x15: {  	[smem:$0x3FB9] =	sst s0;
	s0 =	simm.s32 @!p2 $0x0  }
0x16: {  	s3 =	sld [smem:$0x3FDB];
	s0 =	simm.s32 @p2 $0x1  }
0x17: {  	s4 =	simm.s32 $0x1BF5;
	[smem:$0x3FBB] =	sst s0  }
0x18: {  	s0 =	sld [smem:$0x3F9E];
	_ =	swait.ge [sflag:s4], $0x0  }
0x19: {  	s7 =	sld [smem:$0x3F9F]  }
0x1a: {  	s8 =	sadd.s32 $0xFFFFE003, lr  }
0x1b: {  	s9 =	sadd.s32 $0xFFFFFEF7, lr;
	s5 =	simm.s32 $0xFFFFFFFF;
	p2 =	slt.u32 s8, $0xFFFFF086  }
0x1c: {  	p1 =	slt.u32 s9, $0xF7A;
	s5 =	simm.s32 @!p2 $0x0  }
0x1d: {  	s5 =	simm.s32 @p1 $0x1;
	p0 =	seq.s32 s7, s2  }
0x1e: {  	s7 =	smul.u32 @!p0 $0xF7A, s2;
	p2 =	seq.s32 @!p0 s5, $0x0  }
0x1f: {  	s9 =	smul.u32 $0xF7A, s1;
	s8 =	simm.s32 @!p0 $0x1BF5;
	p2 =	por !p2, p0  }
0x20: {  	[sflag:s8] =	ssyncset.s32 @!p0 $0xFFFFF086;
	s6 =	sadd.s32 @!p0 s3, s7;
	s7 =	simm.s32 @!p0 $0x108  }
0x21: {  	s3 =	sadd.s32 s3, s9;
	s6 =	sadd.s32 @!p0 $0x88, s6;
	s7 =	simm.s32 @p2 $0x1082  }
0x22: {  	[simem:s7], [sflag:s8] =	dma.local @!p0 [hbm:s6], $0xF7A  }
0x23: {  	s9 =	sor.u32 $0xD0000000, s2;
	s6 =	simm.s32 $0x108;
	_ =	swait.ge @!p0 [sflag:s8], $0x0  }
0x24: {  	s3 =	sadd.s32 $0x88, s3;
	s6 =	simm.s32 @!p1 $0x1082;
	[sflag:s4] =	ssyncset.s32 $0xFFFFF086  }
0x25: {  	[simem:s6], [sflag:s4] =	dma.local [hbm:s3], $0xF7A  }
0x26: {  	[smem:$0x3F9F] =	sst s1;
	(tag) =	ssettag s2;
	_ =	strace s9  }
0x27: {  	s1 =	sld [smem:$0x3FAF]  }
0x28: {  	s2 =	sld [smem:$0x3FB0]  }
0x29: {  	s4 =	sld [smem:$0x3FB2]  }
0x2a: {  	p0 =	seq.s32 s5, $0x0;
	s5 =	sld [smem:$0x3FB3]  }
0x2b: {  	s6 =	sld [smem:$0x3FB4]  }
0x2c: {  	s7 =	sld [smem:$0x3FB5]  }
0x2d: {  	s3 =	simm.s32 $0x108;
	s8 =	sld [smem:$0x3FB6]  }
0x2e: {  	s3 =	simm.s32 @!p0 $0x1082;
	s9 =	sld [smem:$0x3FB7]  }
0x2f: {  	lr =	sadd.s32 s0, s3;
	s0 =	sld [smem:$0x3FAE]  }
0x30: {  	s3 =	sld [smem:$0x3FB1]  }
0x31: {  	[smem:$0x3FBA] =	sst s10  }
0x32: {  	s10 =	sld [smem:$0x3FB8];
	_ =	sdelay $0x3  }
0x33: {  	p0 =	seq.s32 s10, $0x1;
	s10 =	sld [smem:$0x3FBA];
	_ =	sdelay $0x3  }
0x34: {  	[smem:$0x3FBA] =	sst s10  }
0x35: {  	s10 =	sld [smem:$0x3FB9];
	_ =	sdelay $0x3  }
0x36: {  	p1 =	seq.s32 s10, $0x1;
	s10 =	sld [smem:$0x3FBA];
	_ =	sdelay $0x3  }
0x37: {  	[smem:$0x3FBA] =	sst s10  }
0x38: {  	s10 =	sld [smem:$0x3FBB]  }
0x39: {  	_ = 	snop;
	(pc) =	sbr.ind lr, $3  }
0x3a: {  	_ = 	snop  }
0x3b: {  	_ = 	snop  }
0x3c: {  	p2 =	seq.s32 s10, $0x1;
	s10 =	sld [smem:$0x3FBA]  }
0x3d: {  	_ =	shalt  }
0x3e: {  	_ =	shalt  }
0x3f: {  	_ =	shalt  }
0x40: {  	_ =	shalt  }
0x41: {  	_ =	shalt  }
0x42: {  	_ =	shalt  }
0x43: {  	_ =	shalt  }
0x44: {  	_ =	shalt  }
0x45: {  	_ =	shalt  }
0x46: {  	_ =	shalt  }
0x47: {  	_ =	shalt  }
0x48: {  	_ =	shalt  }
0x49: {  	_ =	shalt  }
0x4a: {  	_ =	shalt  }
0x4b: {  	_ =	shalt  }
0x4c: {  	_ =	shalt  }
0x4d: {  	_ =	shalt  }
0x4e: {  	_ =	shalt  }
0x4f: {  	_ =	shalt  }
0x50: {  	_ =	shalt  }
0x51: {  	_ =	shalt  }
0x52: {  	_ =	shalt  }
0x53: {  	_ =	shalt  }
0x54: {  	_ =	shalt  }
0x55: {  	_ =	shalt  }
0x56: {  	_ =	shalt  }
0x57: {  	_ =	shalt  }
0x58: {  	_ =	shalt  }
0x59: {  	_ =	shalt  }
0x5a: {  	_ =	shalt  }
0x5b: {  	_ =	shalt  }
0x5c: {  	_ =	shalt  }
0x5d: {  	_ =	shalt  }
0x5e: {  	_ =	shalt  }
0x5f: {  	_ =	shalt  }
0x60: {  	_ =	shalt  }
0x61: {  	_ =	shalt  }
0x62: {  	_ =	shalt  }
0x63: {  	_ =	shalt  }
0x64: {  	_ =	shalt  }
0x65: {  	_ =	shalt  }
0x66: {  	_ =	shalt  }
0x67: {  	_ =	shalt  }
0x68: {  	_ =	shalt  }
0x69: {  	_ =	shalt  }
0x6a: {  	_ =	shalt  }
0x6b: {  	_ =	shalt  }
0x6c: {  	_ =	shalt  }
0x6d: {  	_ =	shalt  }
0x6e: {  	_ =	shalt  }
0x6f: {  	_ =	shalt  }
0x70: {  	_ =	shalt  }
0x71: {  	_ =	shalt  }
0x72: {  	_ =	shalt  }
0x73: {  	_ =	shalt  }
0x74: {  	_ =	shalt  }
0x75: {  	_ =	shalt  }
0x76: {  	_ =	shalt  }
0x77: {  	_ =	shalt  }
0x78: {  	_ =	shalt  }
0x79: {  	_ =	shalt  }
0x7a: {  	_ =	shalt  }
0x7b: {  	_ =	shalt  }
0x7c: {  	_ =	shalt  }
0x7d: {  	_ =	shalt  }
0x7e: {  	_ =	shalt  }
0x7f: {  	_ =	shalt  }
0x80: {  	_ =	shalt  }
0x81: {  	_ =	shalt  }
0x82: {  	_ =	shalt  }
0x83: {  	_ =	shalt  }
0x84: {  	_ =	shalt  }
0x85: {  	_ =	shalt  }
0x86: {  	_ =	shalt  }
0x87: {  	_ =	shalt  }
.Lfunc_end0:
.L_simem_size_0:
called_computation_lowered:
.L_overlay_start_0:
0x88: {  	s2 =	sld [smem:$0x3FD9]  }
0x89: {  	s3 =	sld [smem:$0x3FFE];
	_ =	sdelay $0x1  }
0x8a: {  	s1 =	srdreg.scid  }
0x8b: {  	s0 =	sand.u32 $0x1, s1  }
0x8c: {  	s17 =	sshll.u32 s0, $0xA;
	s2 =	sadd.s32 s3, s2  }
0x8d: {  	s2 =	sadd.s32 s2, s17  }
0x8e: {  	[smem:$0x3FC6] =	sst s2  }
0x8f: {  	_ = 	snop  }
0x90: {  	s2 =	sld [smem:$0x3FD0];
	(tm) =	ssettm $0x1  }
0x91: {  	s18 =	sld [smem:$0x3FFB];
	_ =	sdelay $0x3  }
0x92: {  	_ =	strace s18  }
0x93: {  	s3 =	sld [smem:$0x3FFC];
	_ =	sdelay $0x3  }
0x94: {  	_ =	strace s3  }
0x95: {  	s3 =	sld [smem:$0x3FFD];
	_ =	sdelay $0x3  }
0x96: {  	_ =	strace s3  }
0x97: {  	_ =	strace $0x8FFFFFFF  }
0x98: {  	s19 =	sld [smem:$0x3FDB];
	_ =	sdelay $0x1  }
0x99: {  	s4 =	simm.s32 $_scs_section_size  }
0x9a: {  	s5 =	simm.s32 $_size__tile_overlayer_lowered;
	s6 =	simm.s32 $_tile_overlayer_lowered  }
0x9b: {  	s22 =	simm.s32 $0x1BFF;
	s21 =	sshll.u32 s6, $0x1;
	s3 =	sadd.s32 s4, s19  }
0x9c: {  	s7 =	simm.s32 $0x0;
	s20 =	sshll.u32 s5, $0x1;
	s5 =	sadd.s32 s21, s3  }
0x9d: {  	[timem:s7], [sflag:s22] =	dma.local [hbm:s5], s20  }
0x9e: {  	_ =	swait.ge [sflag:s22], s20  }
0x9f: {  	s4 =	ssub.s32 $0x0, s20;
	[sflag:s22] =	ssyncset.done $0x0  }
0xa0: {  	[sflag:s22] =	ssyncadd.s32 s4;
	_ =	sdelay $0x1  }
0xa1: {  	s23 =	simm.s32 $0x1B8B  }
0xa2: {  	_ =	swait.ge [sflag:s23], $0x1  }
0xa3: {  	[sflag:s23] =	ssyncset.done $0x0  }
0xa4: {  	s25 =	simm.s32 $0x1B8E;
	s24 =	sld [smem:$0x3FFE];
	[sflag:s23] =	ssyncadd.s32 $0xFFFFFFFF  }
0xa5: {  	s26 =	simm.s32 $execute0_lowered;
	[smem:$0x3FD2] =	sst s25  }
0xa6: {  	s5 =	sshll.u32 s26, $0x1;
	_ =	strace $0x80000046;
	[dreg:$0x1] =	wrdreg $0xFFFFFFFF  }
0xa7: {  	s28 =	simm.s32 $_size_execute0_lowered;
	s3 =	sadd.s32 s3, s5;
	[dreg:$0x0] =	wrdreg $0x0  }
0xa8: {  	s5 =	sshll.u32 s28, $0x1;
	[dreg:$0x2] =	wrdreg s3  }
0xa9: {  	[dreg:$0x3] =	wrdreg s5  }
0xaa: {  	[dreg:$0x4] =	wrdreg $0xC0  }
0xab: {  	_ =	task [dreg:s7], $0x5FFFF  }
0xac: {  	[dreg:$0x1] =	wrdreg $0xFFFFFFFF  }
0xad: {  	[dreg:$0x0] =	wrdreg $0x60  }
0xae: {  	[dreg:$0x2] =	wrdreg s24  }
0xaf: {  	[dreg:$0x3] =	wrdreg s2  }
0xb0: {  	[dreg:$0x4] =	wrdreg $0x9  }
0xb1: {  	_ =	task.clear_ibuf [dreg:s7], $0x5FFFF;
	_ =	strace $0x90000046  }
0xb2: {  	s29 =	simm.s32 $0x9;
	_ =	strace $0x80000048  }
0xb3: {  	_ =	swait.ge [sflag:s29], $0x1  }
0xb4: {  	[sflag:s29] =	ssyncadd.s32 $0xFFFFFFFF  }
0xb5: {  	_ =	strace $0x90000048  }
0xb6: {  	_ =	sfence  }
0xb7: {  	s30 =	sld [smem:$0x0];
	_ =	sdelay $0x2  }
0xb8: {  	s31 =	sshll.u32 s1, $0xD;
	s1 =	sshrl.u32 s1, $0x2  }
0xb9: {  	s3 =	sand.u32 $0x4000, s31;
	s1 =	sadd.s32 s1, s30  }
0xba: {  	s0 =	sor.u32 s3, s0;
	s1 =	sshll.u32 s1, $0x11  }
0xbb: {  	s0 =	sor.u32 s1, s0  }
0xbc: {  	s0 =	sadd.s32 $0x8F2B, s0  }
0xbd: {  	[sflag:s0] =	ssyncadd.remote.s32 $0x1  }
0xbe: {  	_ =	sfence.sel $0xFFFF  }
0xbf: {  	[dreg:$0x0] =	wrdreg $0xFFFFFFFF;
	(pc) =	sbr.abs _section_cstart, $3  }
0xc0: {  	[dreg:$0x1] =	wrdreg $0xFFFFFFFF  }
0xc1: {  	_ =	task.clear_ibuf [dreg:s7], $0x2FFFF;
	_ =	strace $0x9FFFFFFF  }
0xc2: {  	(tm) =	ssettm $0x7FFFFFFF  }
0xc3: {  	_ =	shalt  }
tec
execute0_lowered:
.L_overlay_start_1:
0x0: {  	(tag) =	ssettag $0x1  }
0x1: {  	s0 =	rddreg [dreg:$0x0]  }
0x2: {  	s2 =	rddreg [dreg:$0x1];
	s1 =	srdreg.scid  }
0x3: {  	s4 =	stileid.u32;
	s3 =	simm.s32 $0x0;
	s31 =	simm.s32 $0x1  }
0x4: {  	s28 =	simm.s32 $0x2;
	s29 =	simm.s32 $0xDB00;
	s21 =	simm.s32 $0x3  }
0x5: {  	s19 =	simm.s32 $0xFD00;
	s23 =	simm.s32 $0x4;
	s22 =	simm.s32 $0x5  }
0x6: {  	s14 =	simm.s32 $0x0;
	s1 =	sand.u32 $0x1, s1;
	s4 =	sshll.u32 s4, $0x1  }
0x7: {  	[smem:$0x7FF] =	sst s3;
	s7 =	sadd.s32 $0x1000, s2;
	s8 =	sadd.s32 $0x2000, s2  }
0x8: {  	s9 =	sadd.s32 $0x3000, s2;
	s10 =	sadd.s32 $0x4000, s2;
	s11 =	sadd.s32 $0x5000, s2  }
0x9: {  	s12 =	sadd.s32 $0x6000, s2;
	s13 =	sadd.s32 $0x7000, s2;
	s5 =	sor.u32 s1, s4  }
0xa: {  	_ =	strace $0x80000047;
	s1 =	ssub.s32 $0x2, s1;
	s4 =	sshll.u32 s5, $0x4  }
0xb: {  	s24 =	sshrl.u32 s1, $0x1;
	s6 =	sadd.s32 s4, s0;
	s4 =	sadd.s32 $0x6800, s0  }
0xc: {  	s0 =	ssub.s32 s1, s24;
	s24 =	simm.s32 $0x11F00;
	s25 =	sadd.s32 $0x400, s6  }
0xd: {  	v0 =	vlaneseq.u32;
	s6 =	sshll.u32 s5, $0xA;
	s0 =	smax.u32 s0, $0x1;
	[dreg:$0x3] =	wrdreg s25  }
0xe: {  	v0 =	vmul.u32 $0x88, v0;
	s26 =	sor.u32 $0x40000, s6;
	s30 =	sor.u32 $0x80000, s6;
	[dreg:$0x6] =	wrdreg s0  }
0xf: {  	s16 =	sor.u32 $0xC0000, s6;
	s17 =	sor.u32 $0x100000, s6;
	[dreg:$0x4] =	wrdreg s26  }
0x10: {  	v1 =	vadd.s32 $0x880, v0;
	v2 =	vadd.s32 $0x1100, v0;
	v3 =	vadd.s32 $0x1980, v0;
	s0 =	simm.s32 $0xB900;
	s25 =	simm.s32 $0x14100;
	[dreg:$0x5] =	wrdreg s30  }
.LBB2_1:
0x11: {  	[dreg:$0x7] =	wrdreg s14  }
0x12: {  	s1 =	rddreg [dreg:$0x3]  }
0x13: {  	s5 =	simm.s32 $0x80;
	s18 =	simm.s32 $0x1000;
	s20 =	simm.s32 $0xB  }
0x14: {  	[tilespmem:s3], [sflag:$0xB] =	stream.strided.gather [hbm4b:s1+s5], $0x1900, s18, s5, $0x38;
	[tilespmem:$0x16300] =	vst v63  }
0x15: {  	_ =	swait.ge [sflag:s20], $0x1900  }
0x16: {  	[sflag:s20] =	ssyncset.done $0x0  }
0x17: {  	s26 =	simm.s32 $0x1900;
	[sflag:s20] =	ssyncadd.s32 $0xFFFFE700  }
0x18: {  	[tilespmem:s26], [sflag:$0x1] =	stream.indirect.gather [hbm4b:s4+s5], $0x40, s3, s5, $0xb8;
	[tilespmem:$0x16300] =	vst v63  }
0x19: {  	s30 =	simm.s32 $0x3900  }
0x1a: {  	[tilespmem:s30], [sflag:$0x2] =	stream.indirect.gather [hbm4b:s4+s5], $0x40, s5, s5, $0xb8;
	[tilespmem:$0x16300] =	vst v63  }
0x1b: {  	s14 =	simm.s32 $0x100;
	s15 =	simm.s32 $0x5900  }
0x1c: {  	[tilespmem:s15], [sflag:$0x3] =	stream.indirect.gather [hbm4b:s4+s5], $0x40, s14, s5, $0xb8;
	[tilespmem:$0x16300] =	vst v63  }
0x1d: {  	s18 =	simm.s32 $0x180;
	s20 =	simm.s32 $0x7900  }
0x1e: {  	[tilespmem:s20], [sflag:$0x4] =	stream.indirect.gather [hbm4b:s4+s5], $0x40, s18, s5, $0xb8;
	[tilespmem:$0x16300] =	vst v63  }
0x1f: {  	s26 =	simm.s32 $0x200;
	s30 =	simm.s32 $0x9900;
	s18 =	simm.s32 $0x0  }
0x20: {  	[tilespmem:s30], [sflag:$0x5] =	stream.indirect.gather [hbm4b:s4+s5], $0x40, s26, s5, $0xb8;
	[tilespmem:$0x16300] =	vst v63  }
.LBB2_2:
0x21: {  	_ =	swait.ge [sflag:s31], $0x2000  }
0x22: {  	p0 =	seq.s32 s18, $0x0;
	[sflag:s31] =	ssyncset.done $0x0  }
0x23: {  	s1 =	simm.s32 @!p0 $0x6;
	[sflag:s31] =	ssyncadd.s32 $0xFFFFE000  }
0x24: {  	_ =	swait.ge @!p0 [sflag:s1], $0x400  }
0x25: {  	[sflag:s1] =	ssyncset.done @!p0 $0x0  }
0x26: {  	[sflag:s1] =	ssyncadd.s32 @!p0 $0xFFFFFC00  }
0x27: {  	_ =	swait.ge @!p0 [sflag:s1], $0x400  }
0x28: {  	[sflag:s1] =	ssyncset.done @!p0 $0x0  }
0x29: {  	[sflag:s1] =	ssyncadd.s32 @!p0 $0xFFFFFC00  }
0x2a: {  	_ =	swait.ge @!p0 [sflag:s1], $0x400  }
0x2b: {  	[sflag:s1] =	ssyncset.done @!p0 $0x0  }
0x2c: {  	[sflag:s1] =	ssyncadd.s32 @!p0 $0xFFFFFC00  }
0x2d: {  	_ =	swait.ge @!p0 [sflag:s1], $0x400  }
0x2e: {  	[sflag:s1] =	ssyncset.done @!p0 $0x0  }
0x2f: {  	[sflag:s1] =	ssyncadd.s32 @!p0 $0xFFFFFC00  }
0x30: {  	_ =	swait.ge @!p0 [sflag:s1], $0x400  }
0x31: {  	[sflag:s1] =	ssyncset.done @!p0 $0x0  }
0x32: {  	[sflag:s1] =	ssyncadd.s32 @!p0 $0xFFFFFC00  }
0x33: {  	_ =	swait.ge @!p0 [sflag:s1], $0x400  }
0x34: {  	[sflag:s1] =	ssyncset.done @!p0 $0x0  }
0x35: {  	[sflag:s1] =	ssyncadd.s32 @!p0 $0xFFFFFC00  }
0x36: {  	_ =	swait.ge @!p0 [sflag:s1], $0x400  }
0x37: {  	[sflag:s1] =	ssyncset.done @!p0 $0x0  }
0x38: {  	[sflag:s1] =	ssyncadd.s32 @!p0 $0xFFFFFC00  }
0x39: {  	s5 =	simm.s32 $0x3;
	_ =	swait.ge @!p0 [sflag:s1], $0x400  }
0x3a: {  	s26 =	simm.s32 $0x0;
	v4 =	vmov s5;
	[sflag:s1] =	ssyncset.done @!p0 $0x0  }
0x3b: {  	s20 =	simm.s32 $0x1980;
	s30 =	simm.s32 $0x1;
	v5 =	vand.u32 $0x7F, v4;
	v4 =	vmov s26;
	[sflag:s1] =	ssyncadd.s32 @!p0 $0xFFFFFC00  }
0x3c: {  	v8 =	vadd.s32 v0, v5;
	v6 =	vand.u32 $0x7C, v4;
	v4 =	vmov s30;
	v7 =	vld [tilespmem:s20+$0x40]  }
0x3d: {  	v10 =	vadd.s32 v0, v6;
	v11 =	vand.u32 $0x7D, v4;
	v9 =	vld [tilespmem:s20+$0xFFFFFF80]  }
0x3e: {  	s5 =	simm.s32 $0x2;
	v12 =	vadd.s32 v0, v11;
	v4 =	vld [tilespmem:s20+$0xFFFFFFC0]  }
0x3f: {  	v13 =	vmov s5  }
0x40: {  	v13 =	vand.u32 $0x7E, v13  }
0x41: {  	v15 =	vadd.s32 v0, v13;
	v14 =	vld [tilespmem:s20+$0x0];
	[tilespmem:v8+s0+$0x0] =	vst.idx.msk $0xffff, v7  }
0x42: {  	v8 =	vadd.s32 v1, v5;
	[tilespmem:v10+s0+$0x0] =	vst.idx.msk $0xffff, v9;
	v7 =	vld [tilespmem:s20+$0x50]  }
0x43: {  	v10 =	vadd.s32 v1, v6;
	[tilespmem:v12+s0+$0x0] =	vst.idx.msk $0xffff, v4;
	v9 =	vld [tilespmem:s20+$0xFFFFFF90]  }
0x44: {  	v12 =	vadd.s32 v1, v11;
	v4 =	vld [tilespmem:s20+$0xFFFFFFD0];
	_ =	sdelay $0x1  }
0x45: {  	[tilespmem:v15+s0+$0x0] =	vst.idx.msk $0xffff, v14  }
0x46: {  	v16 =	vadd.s32 v1, v13;
	v15 =	vld [tilespmem:s20+$0x10];
	[tilespmem:v8+s0+$0x0] =	vst.idx.msk $0xffff, v7  }
0x47: {  	s14 =	simm.s32 $0x7;
	v14 =	vadd.s32 v2, v5;
	[tilespmem:v10+s0+$0x0] =	vst.idx.msk $0xffff, v9;
	v7 =	vld [tilespmem:s20+$0x60]  }
0x48: {  	v10 =	vadd.s32 v2, v6;
	v8 =	vmov s14;
	[tilespmem:v12+s0+$0x0] =	vst.idx.msk $0xffff, v4;
	v9 =	vld [tilespmem:s20+$0xFFFFFFA0]  }
0x49: {  	v17 =	vadd.s32 v2, v11;
	s1 =	simm.s32 $0x1A80;
	v8 =	vand.u32 $0x7F, v8;
	v12 =	vld [tilespmem:s20+$0xFFFFFFE0]  }
0x4a: {  	s15 =	simm.s32 $0x4;
	v18 =	vld [tilespmem:s1+$0x40];
	v19 =	vadd.s32 v0, v8  }
0x4b: {  	s26 =	simm.s32 $0x5;
	v4 =	vmov s15;
	[tilespmem:v16+s0+$0x0] =	vst.idx.msk $0xffff, v15  }
0x4c: {  	v22 =	vmov s26;
	v4 =	vand.u32 $0x7C, v4;
	[tilespmem:v14+s0+$0x0] =	vst.idx.msk $0xffff, v7  }
0x4d: {  	s30 =	simm.s32 $0x6;
	v20 =	vld [tilespmem:s1+$0xFFFFFF80];
	v21 =	vadd.s32 v0, v4;
	v7 =	vand.u32 $0x7D, v22;
	[tilespmem:v10+s0+$0x0] =	vst.idx.msk $0xffff, v9  }
0x4e: {  	v14 =	vmov s30;
	v9 =	vld [tilespmem:s1+$0xFFFFFFC0];
	[tilespmem:v17+s0+$0x0] =	vst.idx.msk $0xffff, v12;
	v10 =	vadd.s32 v0, v7  }
0x4f: {  	v16 =	vadd.s32 v3, v5;
	v12 =	vld [tilespmem:s20+$0x20];
	v5 =	vand.u32 $0x7E, v14;
	[tilespmem:v19+s0+$0x0] =	vst.idx.msk $0xffff, v18;
	v18 =	vadd.s32 v2, v13  }
0x50: {  	v14 =	vld [tilespmem:s1+$0x0];
	v63 =	vadd.s32 v0, v5  }
0x51: {  	v15 =	vld [tilespmem:s20+$0x70]  }
0x52: {  	[tilespmem:v21+s0+$0x0] =	vst.idx.msk $0xffff, v20;
	v20 =	vadd.s32 v1, v8;
	v19 =	vld [tilespmem:s1+$0x50]  }
0x53: {  	v23 =	vadd.s32 v1, v4;
	v21 =	vld [tilespmem:s1+$0xFFFFFF90];
	[tilespmem:v10+s0+$0x0] =	vst.idx.msk $0xffff, v9  }
0x54: {  	v25 =	vadd.s32 v3, v11;
	v24 =	vld [tilespmem:s20+$0xFFFFFFF0];
	[tilespmem:v18+s0+$0x0] =	vst.idx.msk $0xffff, v12  }
0x55: {  	v18 =	vadd.s32 v1, v7;
	v17 =	vld [tilespmem:s1+$0xFFFFFFD0];
	[tilespmem:v63+s0+$0x0] =	vst.idx.msk $0xffff, v14  }
0x56: {  	[tilespmem:v16+s0+$0x0] =	vst.idx.msk $0xffff, v15;
	v16 =	vadd.s32 v1, v5;
	v15 =	vld [tilespmem:s1+$0x10]  }
0x57: {  	[tilespmem:v20+s0+$0x0] =	vst.idx.msk $0xffff, v19;
	v11 =	vld [tilespmem:s20+$0x30];
	v14 =	vadd.s32 v3, v13  }
0x58: {  	v12 =	vadd.s32 v2, v8;
	[tilespmem:v23+s0+$0x0] =	vst.idx.msk $0xffff, v21;
	v9 =	vld [tilespmem:s1+$0x60]  }
0x59: {  	s5 =	simm.s32 $0xC;
	s26 =	simm.s32 $0x8;
	s14 =	simm.s32 $0xB;
	[tilespmem:v25+s0+$0x0] =	vst.idx.msk $0xffff, v24;
	v13 =	vadd.s32 v2, v4;
	v10 =	vld [tilespmem:s1+$0xFFFFFFA0]  }
.LBB2_3:
0x5a: {  	p1 =	slt.u32 s5, $0x7C;
	v19 =	vmov s14;
	[tilespmem:v18+s0+$0x0] =	vst.idx.msk $0xffff, v17;
	v17 =	vld [tilespmem:s20+$0xFFFFFFB0];
	v18 =	vadd.s32 v3, v6;
	v6 =	vmov v4;
	s20 =	smov.u32 s1  }
0x5b: {  	v4 =	vmov s26;
	v21 =	vadd.s32 v2, v7;
	s1 =	sadd.s32 $0x100, s1;
	v19 =	vand.u32 $0x7F, v19;
	v20 =	vld [tilespmem:s20+$0xFFFFFFE0];
	[tilespmem:v16+s0+$0x0] =	vst.idx.msk $0xffff, v15  }
0x5c: {  	s14 =	sadd.s32 $0x1, s26;
	v4 =	vand.u32 $0x7C, v4;
	v15 =	vld [tilespmem:s1+$0x40];
	v16 =	vadd.s32 v0, v19;
	[tilespmem:v14+s0+$0x0] =	vst.idx.msk $0xffff, v11  }
0x5d: {  	v22 =	vmov s14;
	s14 =	sadd.s32 $0x2, s26;
	s26 =	smov.u32 s5;
	v14 =	vadd.s32 v0, v4;
	v11 =	vld [tilespmem:s1+$0xFFFFFF80];
	[tilespmem:v12+s0+$0x0] =	vst.idx.msk $0xffff, v9  }
0x5e: {  	v9 =	vand.u32 $0x7D, v22;
	v12 =	vmov s14;
	[tilespmem:v13+s0+$0x0] =	vst.idx.msk $0xffff, v10;
	v10 =	vld [tilespmem:s20+$0x70];
	v13 =	vadd.s32 v3, v8;
	v8 =	vmovc v19  }
0x5f: {  	v22 =	vadd.s32 v0, v9;
	v12 =	vand.u32 $0x7E, v12;
	v19 =	vld [tilespmem:s1+$0xFFFFFFC0];
	[tilespmem:v18+s0+$0x0] =	vst.idx.msk $0xffff, v17  }
0x60: {  	v24 =	vadd.s32 v0, v12;
	v23 =	vld [tilespmem:s1+$0x0];
	[tilespmem:v21+s0+$0x0] =	vst.idx.msk $0xffff, v20  }
0x61: {  	v21 =	vadd.s32 v2, v5;
	[tilespmem:v16+s0+$0x0] =	vst.idx.msk $0xffff, v15;
	v20 =	vld [tilespmem:s20+$0x20]  }
0x62: {  	[tilespmem:v14+s0+$0x0] =	vst.idx.msk $0xffff, v11;
	v11 =	vld [tilespmem:s1+$0x50];
	v14 =	vadd.s32 v1, v8  }
0x63: {  	v26 =	vadd.s32 v1, v4;
	v25 =	vld [tilespmem:s1+$0xFFFFFF90];
	[tilespmem:v13+s0+$0x0] =	vst.idx.msk $0xffff, v10  }
0x64: {  	[tilespmem:v22+s0+$0x0] =	vst.idx.msk $0xffff, v19;
	v19 =	vld [tilespmem:s20+$0xFFFFFFF0];
	v22 =	vadd.s32 v3, v7;
	v7 =	vmov v9  }
.Ltmp0:
0x65: {  	v17 =	vld [tilespmem:s1+$0xFFFFFFD0];
	v18 =	vadd.s32 v1, v7;
	[tilespmem:v24+s0+$0x0] =	vst.idx.msk $0xffff, v23;
	(pc) =	sbr.rel @p1 .LBB2_3-.Ltmp0, $4  }
0x66: {  	v16 =	vadd.s32 v1, v12;
	v15 =	vld [tilespmem:s1+$0x10];
	[tilespmem:v21+s0+$0x0] =	vst.idx.msk $0xffff, v20  }
0x67: {  	[tilespmem:v14+s0+$0x0] =	vst.idx.msk $0xffff, v11;
	v11 =	vld [tilespmem:s20+$0x30];
	v14 =	vadd.s32 v3, v5;
	v5 =	vmov v12  }
0x68: {  	v12 =	vadd.s32 v2, v8;
	[tilespmem:v26+s0+$0x0] =	vst.idx.msk $0xffff, v25;
	v9 =	vld [tilespmem:s1+$0x60]  }
0x69: {  	s5 =	sadd.s32 $0x4, s5;
	s14 =	sadd.s32 $0x3, s26;
	v13 =	vadd.s32 v2, v4;
	v10 =	vld [tilespmem:s1+$0xFFFFFFA0];
	[tilespmem:v22+s0+$0x0] =	vst.idx.msk $0xffff, v19  }
0x6a: {  	_ =	sdelay $0x2  }
0x6b: {  	v19 =	vmov s14;
	s15 =	sadd.s32 $0x1, s26  }
0x6c: {  	[tilespmem:v18+s0+$0x0] =	vst.idx.msk $0xffff, v17;
	v17 =	vld [tilespmem:s20+$0xFFFFFFB0];
	v6 =	vadd.s32 v3, v6;
	s5 =	sadd.s32 $0x100, s1;
	s20 =	sadd.s32 $0x2, s26;
	v18 =	vand.u32 $0x7F, v19;
	v19 =	vmov s15  }
0x6d: {  	[tilespmem:v16+s0+$0x0] =	vst.idx.msk $0xffff, v15;
	v15 =	vld [tilespmem:s5+$0x40];
	v20 =	vmov s20;
	v16 =	vadd.s32 v0, v18;
	v19 =	vand.u32 $0x7D, v19  }
0x6e: {  	v21 =	vmov s26;
	[tilespmem:v14+s0+$0x0] =	vst.idx.msk $0xffff, v11;
	v11 =	vld [tilespmem:s5+$0xFFFFFFC0];
	v20 =	vand.u32 $0x7E, v20;
	v14 =	vadd.s32 v0, v19  }
0x6f: {  	v21 =	vand.u32 $0x7C, v21;
	[tilespmem:v12+s0+$0x0] =	vst.idx.msk $0xffff, v9;
	v9 =	vld [tilespmem:s5+$0x0];
	v12 =	vadd.s32 v0, v20  }
0x70: {  	v22 =	vld [tilespmem:s5+$0xFFFFFF80];
	[tilespmem:v13+s0+$0x0] =	vst.idx.msk $0xffff, v10;
	v10 =	vadd.s32 v0, v21  }
0x71: {  	v13 =	vld [tilespmem:s1+$0xFFFFFFE0];
	[tilespmem:v6+s0+$0x0] =	vst.idx.msk $0xffff, v17;
	v6 =	vadd.s32 v2, v7  }
0x72: {  	v8 =	vadd.s32 v3, v8;
	v17 =	vld [tilespmem:s1+$0x70];
	[tilespmem:v16+s0+$0x0] =	vst.idx.msk $0xffff, v15  }
0x73: {  	v16 =	vadd.s32 v1, v18;
	v15 =	vld [tilespmem:s5+$0x50];
	[tilespmem:v14+s0+$0x0] =	vst.idx.msk $0xffff, v11  }
0x74: {  	v14 =	vadd.s32 v1, v19;
	[tilespmem:v12+s0+$0x0] =	vst.idx.msk $0xffff, v9;
	v11 =	vld [tilespmem:s5+$0xFFFFFFD0]  }
0x75: {  	[tilespmem:v10+s0+$0x0] =	vst.idx.msk $0xffff, v22;
	v9 =	vld [tilespmem:s5+$0x10];
	v10 =	vadd.s32 v1, v20  }
0x76: {  	v12 =	vadd.s32 v1, v21;
	[tilespmem:v6+s0+$0x0] =	vst.idx.msk $0xffff, v13;
	v6 =	vld [tilespmem:s5+$0xFFFFFF90]  }
0x77: {  	v60 =	vadd.s32 v2, v5;
	v13 =	vld [tilespmem:s1+$0x20];
	[tilespmem:v8+s0+$0x0] =	vst.idx.msk $0xffff, v17  }
0x78: {  	v7 =	vadd.s32 v3, v7;
	v8 =	vld [tilespmem:s1+$0xFFFFFFF0];
	[tilespmem:v16+s0+$0x0] =	vst.idx.msk $0xffff, v15  }
0x79: {  	v16 =	vadd.s32 v2, v18;
	v15 =	vld [tilespmem:s5+$0x60];
	[tilespmem:v14+s0+$0x0] =	vst.idx.msk $0xffff, v11  }
0x7a: {  	v14 =	vadd.s32 v2, v19;
	[tilespmem:v10+s0+$0x0] =	vst.idx.msk $0xffff, v9;
	v11 =	vld [tilespmem:s5+$0xFFFFFFE0]  }
0x7b: {  	v9 =	vadd.s32 v2, v20;
	[tilespmem:v12+s0+$0x0] =	vst.idx.msk $0xffff, v6;
	v6 =	vld [tilespmem:s5+$0x20]  }
0x7c: {  	[tilespmem:v60+s0+$0x0] =	vst.idx.msk $0xffff, v13;
	v12 =	vadd.s32 v2, v21;
	v10 =	vld [tilespmem:s5+$0xFFFFFFA0]  }
0x7d: {  	v5 =	vadd.s32 v3, v5;
	v13 =	vld [tilespmem:s1+$0x30];
	[tilespmem:v7+s0+$0x0] =	vst.idx.msk $0xffff, v8  }
0x7e: {  	v4 =	vadd.s32 v3, v4;
	v7 =	vld [tilespmem:s1+$0xFFFFFFB0];
	[tilespmem:v16+s0+$0x0] =	vst.idx.msk $0xffff, v15  }
0x7f: {  	v15 =	vadd.s32 v3, v18;
	v8 =	vld [tilespmem:s5+$0x70];
	[tilespmem:v14+s0+$0x0] =	vst.idx.msk $0xffff, v11  }
0x80: {  	v14 =	vadd.s32 v3, v19;
	[tilespmem:v9+s0+$0x0] =	vst.idx.msk $0xffff, v6;
	v11 =	vld [tilespmem:s5+$0xFFFFFFF0]  }
0x81: {  	v9 =	vadd.s32 v3, v20;
	[tilespmem:v12+s0+$0x0] =	vst.idx.msk $0xffff, v10;
	v6 =	vld [tilespmem:s5+$0x30]  }
0x82: {  	[tilespmem:v5+s0+$0x0] =	vst.idx.msk $0xffff, v13;
	v10 =	vadd.s32 v3, v21;
	v5 =	vld [tilespmem:s5+$0xFFFFFFB0]  }
0x83: {  	p1 =	seq.s32 s18, $0x9;
	[tilespmem:v4+s0+$0x0] =	vst.idx.msk $0xffff, v7  }
0x84: {  	s1 =	smul.u32 @!p1 $0xA00, s18;
	[tilespmem:v15+s0+$0x0] =	vst.idx.msk $0xffff, v8  }
0x85: {  	[tilespmem:v14+s0+$0x0] =	vst.idx.msk $0xffff, v11  }
0x86: {  	s14 =	simm.s32 @!p1 $0x80;
	s1 =	sshra.s32 @!p1 s1, $0x2;
	[tilespmem:v9+s0+$0x0] =	vst.idx.msk $0xffff, v6  }
0x87: {  	s15 =	simm.s32 @!p1 $0x1900;
	s20 =	smul.u32 $0x140000, s18;
	s5 =	sadd.s32 @!p1 $0x280, s1;
	[tilespmem:v10+s0+$0x0] =	vst.idx.msk $0xffff, v5  }
0x88: {  	[tilespmem:s15], [sflag:$0x1] =	stream.indirect.gather @!p1 [hbm4b:s4+s14], $0x40, s5, s14, $0xb8;
	[tilespmem:$0x16300] =	vst v63  }
0x89: {  	s14 =	sor.u32 s6, s20  }
0x8a: {  	s26 =	sshrl.u32 s14, $0x3  }
0x8b: {  	s5 =	sadd.s32 s2, s26  }
0x8c: {  	[hbm4b:s5+s3] =	stream.linear.scatter [tilespmem:s0], [sflag:$0x6], $0x80, $0x38;
	[tilespmem:$0x16300] =	vst v63  }
0x8d: {  	s15 =	simm.s32 $0xB988;
	s14 =	sadd.s32 $0x10, s5  }
0x8e: {  	[hbm4b:s14+s3] =	stream.linear.scatter [tilespmem:s15], [sflag:$0x6], $0x80, $0x38;
	[tilespmem:$0x16300] =	vst v63  }
0x8f: {  	s14 =	sadd.s32 $0x20, s5;
	s15 =	simm.s32 $0xBA10  }
0x90: {  	[hbm4b:s14+s3] =	stream.linear.scatter [tilespmem:s15], [sflag:$0x6], $0x80, $0x38;
	[tilespmem:$0x16300] =	vst v63  }
0x91: {  	s14 =	sadd.s32 $0x30, s5;
	s15 =	simm.s32 $0xBA98  }
0x92: {  	[hbm4b:s14+s3] =	stream.linear.scatter [tilespmem:s15], [sflag:$0x6], $0x80, $0x38;
	[tilespmem:$0x16300] =	vst v63  }
0x93: {  	s14 =	sadd.s32 $0x40, s5;
	s15 =	simm.s32 $0xBB20  }
0x94: {  	[hbm4b:s14+s3] =	stream.linear.scatter [tilespmem:s15], [sflag:$0x6], $0x80, $0x38;
	[tilespmem:$0x16300] =	vst v63  }
0x95: {  	s14 =	sadd.s32 $0x50, s5;
	s15 =	simm.s32 $0xBBA8  }
0x96: {  	[hbm4b:s14+s3] =	stream.linear.scatter [tilespmem:s15], [sflag:$0x6], $0x80, $0x38;
	[tilespmem:$0x16300] =	vst v63  }
0x97: {  	s14 =	sadd.s32 $0x60, s5;
	s15 =	simm.s32 $0xBC30  }
0x98: {  	[hbm4b:s14+s3] =	stream.linear.scatter [tilespmem:s15], [sflag:$0x6], $0x80, $0x38;
	[tilespmem:$0x16300] =	vst v63  }
0x99: {  	s5 =	sadd.s32 $0x70, s5;
	s15 =	simm.s32 $0xBCB8  }
0x9a: {  	[hbm4b:s5+s3] =	stream.linear.scatter [tilespmem:s15], [sflag:$0x6], $0x80, $0x38;
	[tilespmem:$0x16300] =	vst v63  }
0x9b: {  	s5 =	sadd.s32 s26, s7;
	s15 =	simm.s32 $0xBD40  }
0x9c: {  	[hbm4b:s5+s3] =	stream.linear.scatter [tilespmem:s15], [sflag:$0x6], $0x80, $0x38;
	[tilespmem:$0x16300] =	vst v63  }
0x9d: {  	s14 =	sadd.s32 $0x10, s5;
	s15 =	simm.s32 $0xBDC8  }
0x9e: {  	[hbm4b:s14+s3] =	stream.linear.scatter [tilespmem:s15], [sflag:$0x6], $0x80, $0x38;
	[tilespmem:$0x16300] =	vst v63  }
0x9f: {  	s14 =	sadd.s32 $0x20, s5;
	s15 =	simm.s32 $0xBE50  }
0xa0: {  	[hbm4b:s14+s3] =	stream.linear.scatter [tilespmem:s15], [sflag:$0x6], $0x80, $0x38;
	[tilespmem:$0x16300] =	vst v63  }
0xa1: {  	s14 =	sadd.s32 $0x30, s5;
	s15 =	simm.s32 $0xBED8  }
0xa2: {  	[hbm4b:s14+s3] =	stream.linear.scatter [tilespmem:s15], [sflag:$0x6], $0x80, $0x38;
	[tilespmem:$0x16300] =	vst v63  }
0xa3: {  	s14 =	sadd.s32 $0x40, s5;
	s15 =	simm.s32 $0xBF60  }
0xa4: {  	[hbm4b:s14+s3] =	stream.linear.scatter [tilespmem:s15], [sflag:$0x6], $0x80, $0x38;
	[tilespmem:$0x16300] =	vst v63  }
0xa5: {  	s14 =	sadd.s32 $0x50, s5;
	s15 =	simm.s32 $0xBFE8  }
0xa6: {  	[hbm4b:s14+s3] =	stream.linear.scatter [tilespmem:s15], [sflag:$0x6], $0x80, $0x38;
	[tilespmem:$0x16300] =	vst v63  }
0xa7: {  	s14 =	sadd.s32 $0x60, s5;
	s15 =	simm.s32 $0xC070  }
0xa8: {  	[hbm4b:s14+s3] =	stream.linear.scatter [tilespmem:s15], [sflag:$0x6], $0x80, $0x38;
	[tilespmem:$0x16300] =	vst v63  }
0xa9: {  	s5 =	sadd.s32 $0x70, s5;
	s15 =	simm.s32 $0xC0F8  }
0xaa: {  	[hbm4b:s5+s3] =	stream.linear.scatter [tilespmem:s15], [sflag:$0x6], $0x80, $0x38;
	[tilespmem:$0x16300] =	vst v63  }
0xab: {  	s5 =	sadd.s32 s26, s8;
	s15 =	simm.s32 $0xC180  }
0xac: {  	[hbm4b:s5+s3] =	stream.linear.scatter [tilespmem:s15], [sflag:$0x6], $0x80, $0x38;
	[tilespmem:$0x16300] =	vst v63  }
0xad: {  	s14 =	sadd.s32 $0x10, s5;
	s15 =	simm.s32 $0xC208  }
0xae: {  	[hbm4b:s14+s3] =	stream.linear.scatter [tilespmem:s15], [sflag:$0x6], $0x80, $0x38;
	[tilespmem:$0x16300] =	vst v63  }
0xaf: {  	s14 =	sadd.s32 $0x20, s5;
	s15 =	simm.s32 $0xC290  }
0xb0: {  	[hbm4b:s14+s3] =	stream.linear.scatter [tilespmem:s15], [sflag:$0x6], $0x80, $0x38;
	[tilespmem:$0x16300] =	vst v63  }
0xb1: {  	s14 =	sadd.s32 $0x30, s5;
	s15 =	simm.s32 $0xC318  }
0xb2: {  	[hbm4b:s14+s3] =	stream.linear.scatter [tilespmem:s15], [sflag:$0x6], $0x80, $0x38;
	[tilespmem:$0x16300] =	vst v63  }
0xb3: {  	s14 =	sadd.s32 $0x40, s5;
	s15 =	simm.s32 $0xC3A0  }
0xb4: {  	[hbm4b:s14+s3] =	stream.linear.scatter [tilespmem:s15], [sflag:$0x6], $0x80, $0x38;
	[tilespmem:$0x16300] =	vst v63  }
0xb5: {  	s14 =	sadd.s32 $0x50, s5;
	s15 =	simm.s32 $0xC428  }
0xb6: {  	[hbm4b:s14+s3] =	stream.linear.scatter [tilespmem:s15], [sflag:$0x6], $0x80, $0x38;
	[tilespmem:$0x16300] =	vst v63  }
0xb7: {  	s14 =	sadd.s32 $0x60, s5;
	s15 =	simm.s32 $0xC4B0  }
0xb8: {  	[hbm4b:s14+s3] =	stream.linear.scatter [tilespmem:s15], [sflag:$0x6], $0x80, $0x38;
	[tilespmem:$0x16300] =	vst v63  }
0xb9: {  	s5 =	sadd.s32 $0x70, s5;
	s15 =	simm.s32 $0xC538  }
0xba: {  	[hbm4b:s5+s3] =	stream.linear.scatter [tilespmem:s15], [sflag:$0x6], $0x80, $0x38;
	[tilespmem:$0x16300] =	vst v63  }
0xbb: {  	s5 =	sadd.s32 s26, s9;
	s15 =	simm.s32 $0xC5C0  }
0xbc: {  	[hbm4b:s5+s3] =	stream.linear.scatter [tilespmem:s15], [sflag:$0x6], $0x80, $0x38;
	[tilespmem:$0x16300] =	vst v63  }
0xbd: {  	s14 =	sadd.s32 $0x10, s5;
	s15 =	simm.s32 $0xC648  }
0xbe: {  	[hbm4b:s14+s3] =	stream.linear.scatter [tilespmem:s15], [sflag:$0x6], $0x80, $0x38;
	[tilespmem:$0x16300] =	vst v63  }
0xbf: {  	s14 =	sadd.s32 $0x20, s5;
	s15 =	simm.s32 $0xC6D0  }
0xc0: {  	[hbm4b:s14+s3] =	stream.linear.scatter [tilespmem:s15], [sflag:$0x6], $0x80, $0x38;
	[tilespmem:$0x16300] =	vst v63  }
0xc1: {  	s14 =	sadd.s32 $0x30, s5;
	s15 =	simm.s32 $0xC758  }
0xc2: {  	[hbm4b:s14+s3] =	stream.linear.scatter [tilespmem:s15], [sflag:$0x6], $0x80, $0x38;
	[tilespmem:$0x16300] =	vst v63  }
0xc3: {  	s14 =	sadd.s32 $0x40, s5;
	s15 =	simm.s32 $0xC7E0  }
0xc4: {  	[hbm4b:s14+s3] =	stream.linear.scatter [tilespmem:s15], [sflag:$0x6], $0x80, $0x38;
	[tilespmem:$0x16300] =	vst v63  }
0xc5: {  	s14 =	sadd.s32 $0x50, s5;
	s15 =	simm.s32 $0xC868  }
0xc6: {  	[hbm4b:s14+s3] =	stream.linear.scatter [tilespmem:s15], [sflag:$0x6], $0x80, $0x38;
	[tilespmem:$0x16300] =	vst v63  }
0xc7: {  	s14 =	sadd.s32 $0x60, s5;
	s15 =	simm.s32 $0xC8F0  }
0xc8: {  	[hbm4b:s14+s3] =	stream.linear.scatter [tilespmem:s15], [sflag:$0x6], $0x80, $0x38;
	[tilespmem:$0x16300] =	vst v63  }
0xc9: {  	s5 =	sadd.s32 $0x70, s5;
	s15 =	simm.s32 $0xC978  }
0xca: {  	[hbm4b:s5+s3] =	stream.linear.scatter [tilespmem:s15], [sflag:$0x6], $0x80, $0x38;
	[tilespmem:$0x16300] =	vst v63  }
0xcb: {  	s5 =	sadd.s32 s26, s10;
	s15 =	simm.s32 $0xCA00  }
0xcc: {  	[hbm4b:s5+s3] =	stream.linear.scatter [tilespmem:s15], [sflag:$0x6], $0x80, $0x38;
	[tilespmem:$0x16300] =	vst v63  }
0xcd: {  	s14 =	sadd.s32 $0x10, s5;
	s15 =	simm.s32 $0xCA88  }
0xce: {  	[hbm4b:s14+s3] =	stream.linear.scatter [tilespmem:s15], [sflag:$0x6], $0x80, $0x38;
	[tilespmem:$0x16300] =	vst v63  }
0xcf: {  	s14 =	sadd.s32 $0x20, s5;
	s15 =	simm.s32 $0xCB10  }
0xd0: {  	[hbm4b:s14+s3] =	stream.linear.scatter [tilespmem:s15], [sflag:$0x6], $0x80, $0x38;
	[tilespmem:$0x16300] =	vst v63  }
0xd1: {  	s14 =	sadd.s32 $0x30, s5;
	s15 =	simm.s32 $0xCB98  }
0xd2: {  	[hbm4b:s14+s3] =	stream.linear.scatter [tilespmem:s15], [sflag:$0x6], $0x80, $0x38;
	[tilespmem:$0x16300] =	vst v63  }
0xd3: {  	s14 =	sadd.s32 $0x40, s5;
	s15 =	simm.s32 $0xCC20  }
0xd4: {  	[hbm4b:s14+s3] =	stream.linear.scatter [tilespmem:s15], [sflag:$0x6], $0x80, $0x38;
	[tilespmem:$0x16300] =	vst v63  }
0xd5: {  	s14 =	sadd.s32 $0x50, s5;
	s15 =	simm.s32 $0xCCA8  }
0xd6: {  	[hbm4b:s14+s3] =	stream.linear.scatter [tilespmem:s15], [sflag:$0x6], $0x80, $0x38;
	[tilespmem:$0x16300] =	vst v63  }
0xd7: {  	s14 =	sadd.s32 $0x60, s5;
	s15 =	simm.s32 $0xCD30  }
0xd8: {  	[hbm4b:s14+s3] =	stream.linear.scatter [tilespmem:s15], [sflag:$0x6], $0x80, $0x38;
	[tilespmem:$0x16300] =	vst v63  }
0xd9: {  	s5 =	sadd.s32 $0x70, s5;
	s15 =	simm.s32 $0xCDB8  }
0xda: {  	[hbm4b:s5+s3] =	stream.linear.scatter [tilespmem:s15], [sflag:$0x6], $0x80, $0x38;
	[tilespmem:$0x16300] =	vst v63  }
0xdb: {  	s5 =	sadd.s32 s26, s11;
	s15 =	simm.s32 $0xCE40  }
0xdc: {  	[hbm4b:s5+s3] =	stream.linear.scatter [tilespmem:s15], [sflag:$0x6], $0x80, $0x38;
	[tilespmem:$0x16300] =	vst v63  }
0xdd: {  	s14 =	sadd.s32 $0x10, s5;
	s15 =	simm.s32 $0xCEC8  }
0xde: {  	[hbm4b:s14+s3] =	stream.linear.scatter [tilespmem:s15], [sflag:$0x6], $0x80, $0x38;
	[tilespmem:$0x16300] =	vst v63  }
0xdf: {  	s14 =	sadd.s32 $0x20, s5;
	s15 =	simm.s32 $0xCF50  }
0xe0: {  	[hbm4b:s14+s3] =	stream.linear.scatter [tilespmem:s15], [sflag:$0x6], $0x80, $0x38;
	[tilespmem:$0x16300] =	vst v63  }
0xe1: {  	s14 =	sadd.s32 $0x30, s5;
	s15 =	simm.s32 $0xCFD8  }
0xe2: {  	[hbm4b:s14+s3] =	stream.linear.scatter [tilespmem:s15], [sflag:$0x6], $0x80, $0x38;
	[tilespmem:$0x16300] =	vst v63  }
0xe3: {  	s14 =	sadd.s32 $0x40, s5;
	s15 =	simm.s32 $0xD060  }
0xe4: {  	[hbm4b:s14+s3] =	stream.linear.scatter [tilespmem:s15], [sflag:$0x6], $0x80, $0x38;
	[tilespmem:$0x16300] =	vst v63  }
0xe5: {  	s14 =	sadd.s32 $0x50, s5;
	s15 =	simm.s32 $0xD0E8  }
0xe6: {  	[hbm4b:s14+s3] =	stream.linear.scatter [tilespmem:s15], [sflag:$0x6], $0x80, $0x38;
	[tilespmem:$0x16300] =	vst v63  }
0xe7: {  	s14 =	sadd.s32 $0x60, s5;
	s15 =	simm.s32 $0xD170  }
0xe8: {  	[hbm4b:s14+s3] =	stream.linear.scatter [tilespmem:s15], [sflag:$0x6], $0x80, $0x38;
	[tilespmem:$0x16300] =	vst v63  }
0xe9: {  	s5 =	sadd.s32 $0x70, s5;
	s15 =	simm.s32 $0xD1F8  }
0xea: {  	[hbm4b:s5+s3] =	stream.linear.scatter [tilespmem:s15], [sflag:$0x6], $0x80, $0x38;
	[tilespmem:$0x16300] =	vst v63  }
0xeb: {  	s5 =	sadd.s32 s26, s12;
	s15 =	simm.s32 $0xD280  }
0xec: {  	[hbm4b:s5+s3] =	stream.linear.scatter [tilespmem:s15], [sflag:$0x6], $0x80, $0x38;
	[tilespmem:$0x16300] =	vst v63  }
0xed: {  	s14 =	sadd.s32 $0x10, s5;
	s15 =	simm.s32 $0xD308  }
0xee: {  	[hbm4b:s14+s3] =	stream.linear.scatter [tilespmem:s15], [sflag:$0x6], $0x80, $0x38;
	[tilespmem:$0x16300] =	vst v63  }
0xef: {  	s14 =	sadd.s32 $0x20, s5;
	s15 =	simm.s32 $0xD390  }
0xf0: {  	[hbm4b:s14+s3] =	stream.linear.scatter [tilespmem:s15], [sflag:$0x6], $0x80, $0x38;
	[tilespmem:$0x16300] =	vst v63  }
0xf1: {  	s14 =	sadd.s32 $0x30, s5;
	s15 =	simm.s32 $0xD418  }
0xf2: {  	[hbm4b:s14+s3] =	stream.linear.scatter [tilespmem:s15], [sflag:$0x6], $0x80, $0x38;
	[tilespmem:$0x16300] =	vst v63  }
0xf3: {  	s14 =	sadd.s32 $0x40, s5;
	s15 =	simm.s32 $0xD4A0  }
0xf4: {  	[hbm4b:s14+s3] =	stream.linear.scatter [tilespmem:s15], [sflag:$0x6], $0x80, $0x38;
	[tilespmem:$0x16300] =	vst v63  }
0xf5: {  	s14 =	sadd.s32 $0x50, s5;
	s15 =	simm.s32 $0xD528  }
0xf6: {  	[hbm4b:s14+s3] =	stream.linear.scatter [tilespmem:s15], [sflag:$0x6], $0x80, $0x38;
	[tilespmem:$0x16300] =	vst v63  }
0xf7: {  	s14 =	sadd.s32 $0x60, s5;
	s15 =	simm.s32 $0xD5B0  }
0xf8: {  	[hbm4b:s14+s3] =	stream.linear.scatter [tilespmem:s15], [sflag:$0x6], $0x80, $0x38;
	[tilespmem:$0x16300] =	vst v63  }
0xf9: {  	s5 =	sadd.s32 $0x70, s5;
	s15 =	simm.s32 $0xD638  }
0xfa: {  	[hbm4b:s5+s3] =	stream.linear.scatter [tilespmem:s15], [sflag:$0x6], $0x80, $0x38;
	[tilespmem:$0x16300] =	vst v63  }
0xfb: {  	s5 =	sadd.s32 s26, s13;
	s26 =	simm.s32 $0xD6C0  }
0xfc: {  	[hbm4b:s5+s3] =	stream.linear.scatter [tilespmem:s26], [sflag:$0x6], $0x80, $0x38;
	[tilespmem:$0x16300] =	vst v63  }
0xfd: {  	s15 =	sadd.s32 $0x10, s5;
	s26 =	simm.s32 $0xD748  }
0xfe: {  	[hbm4b:s15+s3] =	stream.linear.scatter [tilespmem:s26], [sflag:$0x6], $0x80, $0x38;
	[tilespmem:$0x16300] =	vst v63  }
0xff: {  	s15 =	sadd.s32 $0x20, s5;
	s26 =	simm.s32 $0xD7D0  }
0x100: {  	[hbm4b:s15+s3] =	stream.linear.scatter [tilespmem:s26], [sflag:$0x6], $0x80, $0x38;
	[tilespmem:$0x16300] =	vst v63  }
0x101: {  	s15 =	sadd.s32 $0x30, s5;
	s26 =	simm.s32 $0xD858  }
0x102: {  	[hbm4b:s15+s3] =	stream.linear.scatter [tilespmem:s26], [sflag:$0x6], $0x80, $0x38;
	[tilespmem:$0x16300] =	vst v63  }
0x103: {  	s15 =	sadd.s32 $0x40, s5;
	s26 =	simm.s32 $0xD8E0  }
0x104: {  	[hbm4b:s15+s3] =	stream.linear.scatter [tilespmem:s26], [sflag:$0x6], $0x80, $0x38;
	[tilespmem:$0x16300] =	vst v63  }
0x105: {  	s15 =	sadd.s32 $0x50, s5;
	s26 =	simm.s32 $0xD968  }
0x106: {  	[hbm4b:s15+s3] =	stream.linear.scatter [tilespmem:s26], [sflag:$0x6], $0x80, $0x38;
	[tilespmem:$0x16300] =	vst v63  }
0x107: {  	s15 =	sadd.s32 $0x60, s5;
	s26 =	simm.s32 $0xD9F0  }
0x108: {  	[hbm4b:s15+s3] =	stream.linear.scatter [tilespmem:s26], [sflag:$0x6], $0x80, $0x38;
	[tilespmem:$0x16300] =	vst v63  }
0x109: {  	s5 =	sadd.s32 $0x70, s5;
	s15 =	simm.s32 $0xDA78  }
0x10a: {  	[hbm4b:s5+s3] =	stream.linear.scatter [tilespmem:s15], [sflag:$0x6], $0x80, $0x38;
	[tilespmem:$0x16300] =	vst v63  }
0x10b: {  	_ =	swait.ge [sflag:s28], $0x2000  }
0x10c: {  	[sflag:s28] =	ssyncset.done $0x0  }
0x10d: {  	s5 =	simm.s32 @!p0 $0x7;
	[sflag:s28] =	ssyncadd.s32 $0xFFFFE000  }
0x10e: {  	_ =	swait.ge @!p0 [sflag:s5], $0x400  }
0x10f: {  	[sflag:s5] =	ssyncset.done @!p0 $0x0  }
0x110: {  	[sflag:s5] =	ssyncadd.s32 @!p0 $0xFFFFFC00  }
0x111: {  	_ =	swait.ge @!p0 [sflag:s5], $0x400  }
0x112: {  	[sflag:s5] =	ssyncset.done @!p0 $0x0  }
0x113: {  	[sflag:s5] =	ssyncadd.s32 @!p0 $0xFFFFFC00  }
0x114: {  	_ =	swait.ge @!p0 [sflag:s5], $0x400  }
0x115: {  	[sflag:s5] =	ssyncset.done @!p0 $0x0  }
0x116: {  	[sflag:s5] =	ssyncadd.s32 @!p0 $0xFFFFFC00  }
0x117: {  	_ =	swait.ge @!p0 [sflag:s5], $0x400  }
0x118: {  	[sflag:s5] =	ssyncset.done @!p0 $0x0  }
0x119: {  	[sflag:s5] =	ssyncadd.s32 @!p0 $0xFFFFFC00  }
0x11a: {  	_ =	swait.ge @!p0 [sflag:s5], $0x400  }
0x11b: {  	[sflag:s5] =	ssyncset.done @!p0 $0x0  }
0x11c: {  	[sflag:s5] =	ssyncadd.s32 @!p0 $0xFFFFFC00  }
0x11d: {  	_ =	swait.ge @!p0 [sflag:s5], $0x400  }
0x11e: {  	[sflag:s5] =	ssyncset.done @!p0 $0x0  }
0x11f: {  	[sflag:s5] =	ssyncadd.s32 @!p0 $0xFFFFFC00  }
0x120: {  	_ =	swait.ge @!p0 [sflag:s5], $0x400  }
0x121: {  	[sflag:s5] =	ssyncset.done @!p0 $0x0  }
0x122: {  	[sflag:s5] =	ssyncadd.s32 @!p0 $0xFFFFFC00  }
0x123: {  	s26 =	simm.s32 $0x3;
	_ =	swait.ge @!p0 [sflag:s5], $0x400  }
0x124: {  	v4 =	vmov s26;
	s15 =	simm.s32 $0x0;
	[sflag:s5] =	ssyncset.done @!p0 $0x0  }
0x125: {  	s30 =	simm.s32 $0x3980;
	s26 =	simm.s32 $0x1;
	v5 =	vand.u32 $0x7F, v4;
	v4 =	vmov s15;
	[sflag:s5] =	ssyncadd.s32 @!p0 $0xFFFFFC00  }
0x126: {  	v8 =	vadd.s32 v0, v5;
	v6 =	vand.u32 $0x7C, v4;
	v4 =	vmov s26;
	v7 =	vld [tilespmem:s30+$0x40]  }
0x127: {  	v10 =	vadd.s32 v0, v6;
	v11 =	vand.u32 $0x7D, v4;
	v9 =	vld [tilespmem:s30+$0xFFFFFF80]  }
0x128: {  	s14 =	simm.s32 $0x2;
	v12 =	vadd.s32 v0, v11;
	v4 =	vld [tilespmem:s30+$0xFFFFFFC0]  }
0x129: {  	v13 =	vmov s14  }
0x12a: {  	v13 =	vand.u32 $0x7E, v13  }
0x12b: {  	v15 =	vadd.s32 v0, v13;
	v14 =	vld [tilespmem:s30+$0x0];
	[tilespmem:v8+s29+$0x0] =	vst.idx.msk $0xffff, v7  }
0x12c: {  	v8 =	vadd.s32 v1, v5;
	[tilespmem:v10+s29+$0x0] =	vst.idx.msk $0xffff, v9;
	v7 =	vld [tilespmem:s30+$0x50]  }
0x12d: {  	v10 =	vadd.s32 v1, v6;
	[tilespmem:v12+s29+$0x0] =	vst.idx.msk $0xffff, v4;
	v9 =	vld [tilespmem:s30+$0xFFFFFF90]  }
0x12e: {  	v12 =	vadd.s32 v1, v11;
	v4 =	vld [tilespmem:s30+$0xFFFFFFD0];
	_ =	sdelay $0x1  }
0x12f: {  	[tilespmem:v15+s29+$0x0] =	vst.idx.msk $0xffff, v14  }
0x130: {  	v16 =	vadd.s32 v1, v13;
	v15 =	vld [tilespmem:s30+$0x10];
	[tilespmem:v8+s29+$0x0] =	vst.idx.msk $0xffff, v7  }
0x131: {  	s15 =	simm.s32 $0x7;
	v14 =	vadd.s32 v2, v5;
	[tilespmem:v10+s29+$0x0] =	vst.idx.msk $0xffff, v9;
	v7 =	vld [tilespmem:s30+$0x60]  }
0x132: {  	s26 =	simm.s32 $0x4;
	v10 =	vadd.s32 v2, v6;
	v8 =	vmov s15;
	[tilespmem:v12+s29+$0x0] =	vst.idx.msk $0xffff, v4;
	v9 =	vld [tilespmem:s30+$0xFFFFFFA0]  }
0x133: {  	v17 =	vadd.s32 v2, v11;
	v4 =	vmov s26;
	s26 =	simm.s32 $0x3A80;
	v8 =	vand.u32 $0x7F, v8;
	v12 =	vld [tilespmem:s30+$0xFFFFFFE0]  }
0x134: {  	v18 =	vld [tilespmem:s26+$0x40];
	v19 =	vadd.s32 v0, v8  }
0x135: {  	s14 =	simm.s32 $0x5;
	[tilespmem:v16+s29+$0x0] =	vst.idx.msk $0xffff, v15  }
0x136: {  	v62 =	vmov s14;
	v4 =	vand.u32 $0x7C, v4;
	[tilespmem:v14+s29+$0x0] =	vst.idx.msk $0xffff, v7  }
0x137: {  	s15 =	simm.s32 $0x6;
	v20 =	vld [tilespmem:s26+$0xFFFFFF80];
	v61 =	vadd.s32 v0, v4;
	v7 =	vand.u32 $0x7D, v62;
	[tilespmem:v10+s29+$0x0] =	vst.idx.msk $0xffff, v9  }
0x138: {  	v14 =	vmov s15;
	v9 =	vld [tilespmem:s26+$0xFFFFFFC0];
	[tilespmem:v17+s29+$0x0] =	vst.idx.msk $0xffff, v12;
	v10 =	vadd.s32 v0, v7  }
0x139: {  	v16 =	vadd.s32 v3, v5;
	v12 =	vld [tilespmem:s30+$0x20];
	v5 =	vand.u32 $0x7E, v14;
	[tilespmem:v19+s29+$0x0] =	vst.idx.msk $0xffff, v18;
	v18 =	vadd.s32 v2, v13  }
0x13a: {  	v14 =	vld [tilespmem:s26+$0x0];
	v63 =	vadd.s32 v0, v5  }
0x13b: {  	v15 =	vld [tilespmem:s30+$0x70]  }
0x13c: {  	[tilespmem:v61+s29+$0x0] =	vst.idx.msk $0xffff, v20;
	v20 =	vadd.s32 v1, v8;
	v19 =	vld [tilespmem:s26+$0x50]  }
0x13d: {  	v23 =	vadd.s32 v1, v4;
	v21 =	vld [tilespmem:s26+$0xFFFFFF90];
	[tilespmem:v10+s29+$0x0] =	vst.idx.msk $0xffff, v9  }
0x13e: {  	v25 =	vadd.s32 v3, v11;
	v24 =	vld [tilespmem:s30+$0xFFFFFFF0];
	[tilespmem:v18+s29+$0x0] =	vst.idx.msk $0xffff, v12  }
0x13f: {  	v18 =	vadd.s32 v1, v7;
	v17 =	vld [tilespmem:s26+$0xFFFFFFD0];
	[tilespmem:v63+s29+$0x0] =	vst.idx.msk $0xffff, v14  }
0x140: {  	[tilespmem:v16+s29+$0x0] =	vst.idx.msk $0xffff, v15;
	v16 =	vadd.s32 v1, v5;
	v15 =	vld [tilespmem:s26+$0x10]  }
0x141: {  	[tilespmem:v20+s29+$0x0] =	vst.idx.msk $0xffff, v19;
	v11 =	vld [tilespmem:s30+$0x30];
	v14 =	vadd.s32 v3, v13  }
0x142: {  	v12 =	vadd.s32 v2, v8;
	[tilespmem:v23+s29+$0x0] =	vst.idx.msk $0xffff, v21;
	v9 =	vld [tilespmem:s26+$0x60]  }
0x143: {  	s14 =	simm.s32 $0xC;
	s5 =	simm.s32 $0x8;
	s15 =	simm.s32 $0xB;
	[tilespmem:v25+s29+$0x0] =	vst.idx.msk $0xffff, v24;
	v13 =	vadd.s32 v2, v4;
	v10 =	vld [tilespmem:s26+$0xFFFFFFA0]  }
.LBB2_5:
0x144: {  	p2 =	slt.u32 s14, $0x7C;
	v19 =	vmov s15;
	[tilespmem:v18+s29+$0x0] =	vst.idx.msk $0xffff, v17;
	v17 =	vld [tilespmem:s30+$0xFFFFFFB0];
	v18 =	vadd.s32 v3, v6;
	v6 =	vmov v4;
	s30 =	smov.u32 s26  }
0x145: {  	v4 =	vmov s5;
	v21 =	vadd.s32 v2, v7;
	s26 =	sadd.s32 $0x100, s26;
	v19 =	vand.u32 $0x7F, v19;
	v20 =	vld [tilespmem:s30+$0xFFFFFFE0];
	[tilespmem:v16+s29+$0x0] =	vst.idx.msk $0xffff, v15  }
0x146: {  	s15 =	sadd.s32 $0x1, s5;
	v4 =	vand.u32 $0x7C, v4;
	v15 =	vld [tilespmem:s26+$0x40];
	v16 =	vadd.s32 v0, v19;
	[tilespmem:v14+s29+$0x0] =	vst.idx.msk $0xffff, v11  }
0x147: {  	v22 =	vmov s15;
	s15 =	sadd.s32 $0x2, s5;
	s5 =	smov.u32 s14;
	v14 =	vadd.s32 v0, v4;
	v11 =	vld [tilespmem:s26+$0xFFFFFF80];
	[tilespmem:v12+s29+$0x0] =	vst.idx.msk $0xffff, v9  }
0x148: {  	v9 =	vand.u32 $0x7D, v22;
	v12 =	vmov s15;
	[tilespmem:v13+s29+$0x0] =	vst.idx.msk $0xffff, v10;
	v10 =	vld [tilespmem:s30+$0x70];
	v13 =	vadd.s32 v3, v8;
	v8 =	vmovc v19  }
0x149: {  	v22 =	vadd.s32 v0, v9;
	v12 =	vand.u32 $0x7E, v12;
	v19 =	vld [tilespmem:s26+$0xFFFFFFC0];
	[tilespmem:v18+s29+$0x0] =	vst.idx.msk $0xffff, v17  }
0x14a: {  	v24 =	vadd.s32 v0, v12;
	v23 =	vld [tilespmem:s26+$0x0];
	[tilespmem:v21+s29+$0x0] =	vst.idx.msk $0xffff, v20  }
0x14b: {  	v21 =	vadd.s32 v2, v5;
	[tilespmem:v16+s29+$0x0] =	vst.idx.msk $0xffff, v15;
	v20 =	vld [tilespmem:s30+$0x20]  }
0x14c: {  	[tilespmem:v14+s29+$0x0] =	vst.idx.msk $0xffff, v11;
	v11 =	vld [tilespmem:s26+$0x50];
	v14 =	vadd.s32 v1, v8  }
0x14d: {  	v26 =	vadd.s32 v1, v4;
	v25 =	vld [tilespmem:s26+$0xFFFFFF90];
	[tilespmem:v13+s29+$0x0] =	vst.idx.msk $0xffff, v10  }
0x14e: {  	[tilespmem:v22+s29+$0x0] =	vst.idx.msk $0xffff, v19;
	v19 =	vld [tilespmem:s30+$0xFFFFFFF0];
	v22 =	vadd.s32 v3, v7;
	v7 =	vmov v9  }
.Ltmp1:
0x14f: {  	v17 =	vld [tilespmem:s26+$0xFFFFFFD0];
	v18 =	vadd.s32 v1, v7;
	[tilespmem:v24+s29+$0x0] =	vst.idx.msk $0xffff, v23;
	(pc) =	sbr.rel @p2 .LBB2_5-.Ltmp1, $4  }
0x150: {  	v16 =	vadd.s32 v1, v12;
	v15 =	vld [tilespmem:s26+$0x10];
	[tilespmem:v21+s29+$0x0] =	vst.idx.msk $0xffff, v20  }
0x151: {  	[tilespmem:v14+s29+$0x0] =	vst.idx.msk $0xffff, v11;
	v11 =	vld [tilespmem:s30+$0x30];
	v14 =	vadd.s32 v3, v5;
	v5 =	vmov v12  }
0x152: {  	v12 =	vadd.s32 v2, v8;
	[tilespmem:v26+s29+$0x0] =	vst.idx.msk $0xffff, v25;
	v9 =	vld [tilespmem:s26+$0x60]  }
0x153: {  	s14 =	sadd.s32 $0x4, s14;
	s15 =	sadd.s32 $0x3, s5;
	v13 =	vadd.s32 v2, v4;
	v10 =	vld [tilespmem:s26+$0xFFFFFFA0];
	[tilespmem:v22+s29+$0x0] =	vst.idx.msk $0xffff, v19  }
0x154: {  	_ =	sdelay $0x2  }
0x155: {  	v19 =	vmov s15;
	s15 =	sadd.s32 $0x1, s5  }
0x156: {  	[tilespmem:v18+s29+$0x0] =	vst.idx.msk $0xffff, v17;
	v17 =	vld [tilespmem:s30+$0xFFFFFFB0];
	v6 =	vadd.s32 v3, v6;
	s14 =	sadd.s32 $0x100, s26;
	v18 =	vand.u32 $0x7F, v19;
	v19 =	vmov s15;
	s15 =	sadd.s32 $0x2, s5  }
0x157: {  	[tilespmem:v16+s29+$0x0] =	vst.idx.msk $0xffff, v15;
	v15 =	vld [tilespmem:s14+$0x40];
	v16 =	vadd.s32 v0, v18;
	v19 =	vand.u32 $0x7D, v19;
	v20 =	vmov s15  }
0x158: {  	v21 =	vmov s5;
	[tilespmem:v14+s29+$0x0] =	vst.idx.msk $0xffff, v11;
	v11 =	vld [tilespmem:s14+$0xFFFFFFC0];
	v14 =	vadd.s32 v0, v19;
	v20 =	vand.u32 $0x7E, v20  }
0x159: {  	v21 =	vand.u32 $0x7C, v21;
	[tilespmem:v12+s29+$0x0] =	vst.idx.msk $0xffff, v9;
	v9 =	vld [tilespmem:s14+$0x0];
	v12 =	vadd.s32 v0, v20  }
0x15a: {  	v22 =	vld [tilespmem:s14+$0xFFFFFF80];
	[tilespmem:v13+s29+$0x0] =	vst.idx.msk $0xffff, v10;
	v10 =	vadd.s32 v0, v21  }
0x15b: {  	v13 =	vld [tilespmem:s26+$0xFFFFFFE0];
	[tilespmem:v6+s29+$0x0] =	vst.idx.msk $0xffff, v17;
	v6 =	vadd.s32 v2, v7  }
0x15c: {  	v8 =	vadd.s32 v3, v8;
	v17 =	vld [tilespmem:s26+$0x70];
	[tilespmem:v16+s29+$0x0] =	vst.idx.msk $0xffff, v15  }
0x15d: {  	v16 =	vadd.s32 v1, v18;
	v15 =	vld [tilespmem:s14+$0x50];
	[tilespmem:v14+s29+$0x0] =	vst.idx.msk $0xffff, v11  }
0x15e: {  	v14 =	vadd.s32 v1, v19;
	v11 =	vld [tilespmem:s14+$0xFFFFFFD0];
	[tilespmem:v12+s29+$0x0] =	vst.idx.msk $0xffff, v9  }
0x15f: {  	[tilespmem:v10+s29+$0x0] =	vst.idx.msk $0xffff, v22;
	v10 =	vadd.s32 v1, v20;
	v9 =	vld [tilespmem:s14+$0x10]  }
0x160: {  	v12 =	vadd.s32 v1, v21;
	[tilespmem:v6+s29+$0x0] =	vst.idx.msk $0xffff, v13;
	v6 =	vld [tilespmem:s14+$0xFFFFFF90]  }
0x161: {  	v60 =	vadd.s32 v2, v5;
	v13 =	vld [tilespmem:s26+$0x20];
	[tilespmem:v8+s29+$0x0] =	vst.idx.msk $0xffff, v17  }
0x162: {  	v7 =	vadd.s32 v3, v7;
	v8 =	vld [tilespmem:s26+$0xFFFFFFF0];
	[tilespmem:v16+s29+$0x0] =	vst.idx.msk $0xffff, v15  }
0x163: {  	v16 =	vadd.s32 v2, v18;
	v15 =	vld [tilespmem:s14+$0x60];
	[tilespmem:v14+s29+$0x0] =	vst.idx.msk $0xffff, v11  }
0x164: {  	v14 =	vadd.s32 v2, v19;
	v11 =	vld [tilespmem:s14+$0xFFFFFFE0];
	[tilespmem:v10+s29+$0x0] =	vst.idx.msk $0xffff, v9  }
0x165: {  	[tilespmem:v12+s29+$0x0] =	vst.idx.msk $0xffff, v6;
	v9 =	vadd.s32 v2, v20;
	v6 =	vld [tilespmem:s14+$0x20]  }
0x166: {  	[tilespmem:v60+s29+$0x0] =	vst.idx.msk $0xffff, v13;
	v12 =	vadd.s32 v2, v21;
	v10 =	vld [tilespmem:s14+$0xFFFFFFA0]  }
0x167: {  	v5 =	vadd.s32 v3, v5;
	v13 =	vld [tilespmem:s26+$0x30];
	[tilespmem:v7+s29+$0x0] =	vst.idx.msk $0xffff, v8  }
0x168: {  	v4 =	vadd.s32 v3, v4;
	v7 =	vld [tilespmem:s26+$0xFFFFFFB0];
	[tilespmem:v16+s29+$0x0] =	vst.idx.msk $0xffff, v15  }
0x169: {  	v15 =	vadd.s32 v3, v18;
	v8 =	vld [tilespmem:s14+$0x70];
	[tilespmem:v14+s29+$0x0] =	vst.idx.msk $0xffff, v11  }
0x16a: {  	v14 =	vadd.s32 v3, v19;
	v11 =	vld [tilespmem:s14+$0xFFFFFFF0];
	[tilespmem:v9+s29+$0x0] =	vst.idx.msk $0xffff, v6  }
0x16b: {  	[tilespmem:v12+s29+$0x0] =	vst.idx.msk $0xffff, v10;
	v9 =	vadd.s32 v3, v20;
	v6 =	vld [tilespmem:s14+$0x30]  }
0x16c: {  	[tilespmem:v5+s29+$0x0] =	vst.idx.msk $0xffff, v13;
	v10 =	vadd.s32 v3, v21;
	v5 =	vld [tilespmem:s14+$0xFFFFFFB0]  }
0x16d: {  	[tilespmem:v4+s29+$0x0] =	vst.idx.msk $0xffff, v7  }
0x16e: {  	[tilespmem:v15+s29+$0x0] =	vst.idx.msk $0xffff, v8  }
0x16f: {  	[tilespmem:v14+s29+$0x0] =	vst.idx.msk $0xffff, v11  }
0x170: {  	[tilespmem:v9+s29+$0x0] =	vst.idx.msk $0xffff, v6  }
0x171: {  	s5 =	sadd.s32 @!p1 $0x300, s1;
	s15 =	simm.s32 @!p1 $0x3900;
	s14 =	simm.s32 @!p1 $0x80;
	[tilespmem:v10+s29+$0x0] =	vst.idx.msk $0xffff, v5  }
0x172: {  	[tilespmem:s15], [sflag:$0x2] =	stream.indirect.gather @!p1 [hbm4b:s4+s14], $0x40, s5, s14, $0xb8;
	[tilespmem:$0x16300] =	vst v63  }
0x173: {  	s14 =	rddreg [dreg:$0x4]  }
0x174: {  	s5 =	sadd.s32 s14, s20  }
0x175: {  	s26 =	sshrl.u32 s5, $0x3  }
0x176: {  	s5 =	sadd.s32 s2, s26  }
0x177: {  	[hbm4b:s5+s3] =	stream.linear.scatter [tilespmem:s29], [sflag:$0x7], $0x80, $0x38;
	[tilespmem:$0x16300] =	vst v63  }
0x178: {  	s15 =	simm.s32 $0xDB88;
	s14 =	sadd.s32 $0x10, s5  }
0x179: {  	[hbm4b:s14+s3] =	stream.linear.scatter [tilespmem:s15], [sflag:$0x7], $0x80, $0x38;
	[tilespmem:$0x16300] =	vst v63  }
0x17a: {  	s14 =	sadd.s32 $0x20, s5;
	s15 =	simm.s32 $0xDC10  }
0x17b: {  	[hbm4b:s14+s3] =	stream.linear.scatter [tilespmem:s15], [sflag:$0x7], $0x80, $0x38;
	[tilespmem:$0x16300] =	vst v63  }
0x17c: {  	s14 =	sadd.s32 $0x30, s5;
	s15 =	simm.s32 $0xDC98  }
0x17d: {  	[hbm4b:s14+s3] =	stream.linear.scatter [tilespmem:s15], [sflag:$0x7], $0x80, $0x38;
	[tilespmem:$0x16300] =	vst v63  }
0x17e: {  	s14 =	sadd.s32 $0x40, s5;
	s15 =	simm.s32 $0xDD20  }
0x17f: {  	[hbm4b:s14+s3] =	stream.linear.scatter [tilespmem:s15], [sflag:$0x7], $0x80, $0x38;
	[tilespmem:$0x16300] =	vst v63  }
0x180: {  	s14 =	sadd.s32 $0x50, s5;
	s15 =	simm.s32 $0xDDA8  }
0x181: {  	[hbm4b:s14+s3] =	stream.linear.scatter [tilespmem:s15], [sflag:$0x7], $0x80, $0x38;
	[tilespmem:$0x16300] =	vst v63  }
0x182: {  	s14 =	sadd.s32 $0x60, s5;
	s15 =	simm.s32 $0xDE30  }
0x183: {  	[hbm4b:s14+s3] =	stream.linear.scatter [tilespmem:s15], [sflag:$0x7], $0x80, $0x38;
	[tilespmem:$0x16300] =	vst v63  }
0x184: {  	s5 =	sadd.s32 $0x70, s5;
	s15 =	simm.s32 $0xDEB8  }
0x185: {  	[hbm4b:s5+s3] =	stream.linear.scatter [tilespmem:s15], [sflag:$0x7], $0x80, $0x38;
	[tilespmem:$0x16300] =	vst v63  }
0x186: {  	s5 =	sadd.s32 s26, s7;
	s15 =	simm.s32 $0xDF40  }
0x187: {  	[hbm4b:s5+s3] =	stream.linear.scatter [tilespmem:s15], [sflag:$0x7], $0x80, $0x38;
	[tilespmem:$0x16300] =	vst v63  }
0x188: {  	s14 =	sadd.s32 $0x10, s5;
	s15 =	simm.s32 $0xDFC8  }
0x189: {  	[hbm4b:s14+s3] =	stream.linear.scatter [tilespmem:s15], [sflag:$0x7], $0x80, $0x38;
	[tilespmem:$0x16300] =	vst v63  }
0x18a: {  	s14 =	sadd.s32 $0x20, s5;
	s15 =	simm.s32 $0xE050  }
0x18b: {  	[hbm4b:s14+s3] =	stream.linear.scatter [tilespmem:s15], [sflag:$0x7], $0x80, $0x38;
	[tilespmem:$0x16300] =	vst v63  }
0x18c: {  	s14 =	sadd.s32 $0x30, s5;
	s15 =	simm.s32 $0xE0D8  }
0x18d: {  	[hbm4b:s14+s3] =	stream.linear.scatter [tilespmem:s15], [sflag:$0x7], $0x80, $0x38;
	[tilespmem:$0x16300] =	vst v63  }
0x18e: {  	s14 =	sadd.s32 $0x40, s5;
	s15 =	simm.s32 $0xE160  }
0x18f: {  	[hbm4b:s14+s3] =	stream.linear.scatter [tilespmem:s15], [sflag:$0x7], $0x80, $0x38;
	[tilespmem:$0x16300] =	vst v63  }
0x190: {  	s14 =	sadd.s32 $0x50, s5;
	s15 =	simm.s32 $0xE1E8  }
0x191: {  	[hbm4b:s14+s3] =	stream.linear.scatter [tilespmem:s15], [sflag:$0x7], $0x80, $0x38;
	[tilespmem:$0x16300] =	vst v63  }
0x192: {  	s14 =	sadd.s32 $0x60, s5;
	s15 =	simm.s32 $0xE270  }
0x193: {  	[hbm4b:s14+s3] =	stream.linear.scatter [tilespmem:s15], [sflag:$0x7], $0x80, $0x38;
	[tilespmem:$0x16300] =	vst v63  }
0x194: {  	s5 =	sadd.s32 $0x70, s5;
	s15 =	simm.s32 $0xE2F8  }
0x195: {  	[hbm4b:s5+s3] =	stream.linear.scatter [tilespmem:s15], [sflag:$0x7], $0x80, $0x38;
	[tilespmem:$0x16300] =	vst v63  }
0x196: {  	s5 =	sadd.s32 s26, s8;
	s15 =	simm.s32 $0xE380  }
0x197: {  	[hbm4b:s5+s3] =	stream.linear.scatter [tilespmem:s15], [sflag:$0x7], $0x80, $0x38;
	[tilespmem:$0x16300] =	vst v63  }
0x198: {  	s14 =	sadd.s32 $0x10, s5;
	s15 =	simm.s32 $0xE408  }
0x199: {  	[hbm4b:s14+s3] =	stream.linear.scatter [tilespmem:s15], [sflag:$0x7], $0x80, $0x38;
	[tilespmem:$0x16300] =	vst v63  }
0x19a: {  	s14 =	sadd.s32 $0x20, s5;
	s15 =	simm.s32 $0xE490  }
0x19b: {  	[hbm4b:s14+s3] =	stream.linear.scatter [tilespmem:s15], [sflag:$0x7], $0x80, $0x38;
	[tilespmem:$0x16300] =	vst v63  }
0x19c: {  	s14 =	sadd.s32 $0x30, s5;
	s15 =	simm.s32 $0xE518  }
0x19d: {  	[hbm4b:s14+s3] =	stream.linear.scatter [tilespmem:s15], [sflag:$0x7], $0x80, $0x38;
	[tilespmem:$0x16300] =	vst v63  }
0x19e: {  	s14 =	sadd.s32 $0x40, s5;
	s15 =	simm.s32 $0xE5A0  }
0x19f: {  	[hbm4b:s14+s3] =	stream.linear.scatter [tilespmem:s15], [sflag:$0x7], $0x80, $0x38;
	[tilespmem:$0x16300] =	vst v63  }
0x1a0: {  	s14 =	sadd.s32 $0x50, s5;
	s15 =	simm.s32 $0xE628  }
0x1a1: {  	[hbm4b:s14+s3] =	stream.linear.scatter [tilespmem:s15], [sflag:$0x7], $0x80, $0x38;
	[tilespmem:$0x16300] =	vst v63  }
0x1a2: {  	s14 =	sadd.s32 $0x60, s5;
	s15 =	simm.s32 $0xE6B0  }
0x1a3: {  	[hbm4b:s14+s3] =	stream.linear.scatter [tilespmem:s15], [sflag:$0x7], $0x80, $0x38;
	[tilespmem:$0x16300] =	vst v63  }
0x1a4: {  	s5 =	sadd.s32 $0x70, s5;
	s15 =	simm.s32 $0xE738  }
0x1a5: {  	[hbm4b:s5+s3] =	stream.linear.scatter [tilespmem:s15], [sflag:$0x7], $0x80, $0x38;
	[tilespmem:$0x16300] =	vst v63  }
0x1a6: {  	s5 =	sadd.s32 s26, s9;
	s15 =	simm.s32 $0xE7C0  }
0x1a7: {  	[hbm4b:s5+s3] =	stream.linear.scatter [tilespmem:s15], [sflag:$0x7], $0x80, $0x38;
	[tilespmem:$0x16300] =	vst v63  }
0x1a8: {  	s14 =	sadd.s32 $0x10, s5;
	s15 =	simm.s32 $0xE848  }
0x1a9: {  	[hbm4b:s14+s3] =	stream.linear.scatter [tilespmem:s15], [sflag:$0x7], $0x80, $0x38;
	[tilespmem:$0x16300] =	vst v63  }
0x1aa: {  	s14 =	sadd.s32 $0x20, s5;
	s15 =	simm.s32 $0xE8D0  }
0x1ab: {  	[hbm4b:s14+s3] =	stream.linear.scatter [tilespmem:s15], [sflag:$0x7], $0x80, $0x38;
	[tilespmem:$0x16300] =	vst v63  }
0x1ac: {  	s14 =	sadd.s32 $0x30, s5;
	s15 =	simm.s32 $0xE958  }
0x1ad: {  	[hbm4b:s14+s3] =	stream.linear.scatter [tilespmem:s15], [sflag:$0x7], $0x80, $0x38;
	[tilespmem:$0x16300] =	vst v63  }
0x1ae: {  	s14 =	sadd.s32 $0x40, s5;
	s15 =	simm.s32 $0xE9E0  }
0x1af: {  	[hbm4b:s14+s3] =	stream.linear.scatter [tilespmem:s15], [sflag:$0x7], $0x80, $0x38;
	[tilespmem:$0x16300] =	vst v63  }
0x1b0: {  	s14 =	sadd.s32 $0x50, s5;
	s15 =	simm.s32 $0xEA68  }
0x1b1: {  	[hbm4b:s14+s3] =	stream.linear.scatter [tilespmem:s15], [sflag:$0x7], $0x80, $0x38;
	[tilespmem:$0x16300] =	vst v63  }
0x1b2: {  	s14 =	sadd.s32 $0x60, s5;
	s15 =	simm.s32 $0xEAF0  }
0x1b3: {  	[hbm4b:s14+s3] =	stream.linear.scatter [tilespmem:s15], [sflag:$0x7], $0x80, $0x38;
	[tilespmem:$0x16300] =	vst v63  }
0x1b4: {  	s5 =	sadd.s32 $0x70, s5;
	s15 =	simm.s32 $0xEB78  }
0x1b5: {  	[hbm4b:s5+s3] =	stream.linear.scatter [tilespmem:s15], [sflag:$0x7], $0x80, $0x38;
	[tilespmem:$0x16300] =	vst v63  }
0x1b6: {  	s5 =	sadd.s32 s26, s10;
	s15 =	simm.s32 $0xEC00  }
0x1b7: {  	[hbm4b:s5+s3] =	stream.linear.scatter [tilespmem:s15], [sflag:$0x7], $0x80, $0x38;
	[tilespmem:$0x16300] =	vst v63  }
0x1b8: {  	s14 =	sadd.s32 $0x10, s5;
	s15 =	simm.s32 $0xEC88  }
0x1b9: {  	[hbm4b:s14+s3] =	stream.linear.scatter [tilespmem:s15], [sflag:$0x7], $0x80, $0x38;
	[tilespmem:$0x16300] =	vst v63  }
0x1ba: {  	s14 =	sadd.s32 $0x20, s5;
	s15 =	simm.s32 $0xED10  }
0x1bb: {  	[hbm4b:s14+s3] =	stream.linear.scatter [tilespmem:s15], [sflag:$0x7], $0x80, $0x38;
	[tilespmem:$0x16300] =	vst v63  }
0x1bc: {  	s14 =	sadd.s32 $0x30, s5;
	s15 =	simm.s32 $0xED98  }
0x1bd: {  	[hbm4b:s14+s3] =	stream.linear.scatter [tilespmem:s15], [sflag:$0x7], $0x80, $0x38;
	[tilespmem:$0x16300] =	vst v63  }
0x1be: {  	s14 =	sadd.s32 $0x40, s5;
	s15 =	simm.s32 $0xEE20  }
0x1bf: {  	[hbm4b:s14+s3] =	stream.linear.scatter [tilespmem:s15], [sflag:$0x7], $0x80, $0x38;
	[tilespmem:$0x16300] =	vst v63  }
0x1c0: {  	s14 =	sadd.s32 $0x50, s5;
	s15 =	simm.s32 $0xEEA8  }
0x1c1: {  	[hbm4b:s14+s3] =	stream.linear.scatter [tilespmem:s15], [sflag:$0x7], $0x80, $0x38;
	[tilespmem:$0x16300] =	vst v63  }
0x1c2: {  	s14 =	sadd.s32 $0x60, s5;
	s15 =	simm.s32 $0xEF30  }
0x1c3: {  	[hbm4b:s14+s3] =	stream.linear.scatter [tilespmem:s15], [sflag:$0x7], $0x80, $0x38;
	[tilespmem:$0x16300] =	vst v63  }
0x1c4: {  	s5 =	sadd.s32 $0x70, s5;
	s15 =	simm.s32 $0xEFB8  }
0x1c5: {  	[hbm4b:s5+s3] =	stream.linear.scatter [tilespmem:s15], [sflag:$0x7], $0x80, $0x38;
	[tilespmem:$0x16300] =	vst v63  }
0x1c6: {  	s5 =	sadd.s32 s26, s11;
	s15 =	simm.s32 $0xF040  }
0x1c7: {  	[hbm4b:s5+s3] =	stream.linear.scatter [tilespmem:s15], [sflag:$0x7], $0x80, $0x38;
	[tilespmem:$0x16300] =	vst v63  }
0x1c8: {  	s14 =	sadd.s32 $0x10, s5;
	s15 =	simm.s32 $0xF0C8  }
0x1c9: {  	[hbm4b:s14+s3] =	stream.linear.scatter [tilespmem:s15], [sflag:$0x7], $0x80, $0x38;
	[tilespmem:$0x16300] =	vst v63  }
0x1ca: {  	s14 =	sadd.s32 $0x20, s5;
	s15 =	simm.s32 $0xF150  }
0x1cb: {  	[hbm4b:s14+s3] =	stream.linear.scatter [tilespmem:s15], [sflag:$0x7], $0x80, $0x38;
	[tilespmem:$0x16300] =	vst v63  }
0x1cc: {  	s14 =	sadd.s32 $0x30, s5;
	s15 =	simm.s32 $0xF1D8  }
0x1cd: {  	[hbm4b:s14+s3] =	stream.linear.scatter [tilespmem:s15], [sflag:$0x7], $0x80, $0x38;
	[tilespmem:$0x16300] =	vst v63  }
0x1ce: {  	s14 =	sadd.s32 $0x40, s5;
	s15 =	simm.s32 $0xF260  }
0x1cf: {  	[hbm4b:s14+s3] =	stream.linear.scatter [tilespmem:s15], [sflag:$0x7], $0x80, $0x38;
	[tilespmem:$0x16300] =	vst v63  }
0x1d0: {  	s14 =	sadd.s32 $0x50, s5;
	s15 =	simm.s32 $0xF2E8  }
0x1d1: {  	[hbm4b:s14+s3] =	stream.linear.scatter [tilespmem:s15], [sflag:$0x7], $0x80, $0x38;
	[tilespmem:$0x16300] =	vst v63  }
0x1d2: {  	s14 =	sadd.s32 $0x60, s5;
	s15 =	simm.s32 $0xF370  }
0x1d3: {  	[hbm4b:s14+s3] =	stream.linear.scatter [tilespmem:s15], [sflag:$0x7], $0x80, $0x38;
	[tilespmem:$0x16300] =	vst v63  }
0x1d4: {  	s5 =	sadd.s32 $0x70, s5;
	s15 =	simm.s32 $0xF3F8  }
0x1d5: {  	[hbm4b:s5+s3] =	stream.linear.scatter [tilespmem:s15], [sflag:$0x7], $0x80, $0x38;
	[tilespmem:$0x16300] =	vst v63  }
0x1d6: {  	s5 =	sadd.s32 s26, s12;
	s15 =	simm.s32 $0xF480  }
0x1d7: {  	[hbm4b:s5+s3] =	stream.linear.scatter [tilespmem:s15], [sflag:$0x7], $0x80, $0x38;
	[tilespmem:$0x16300] =	vst v63  }
0x1d8: {  	s14 =	sadd.s32 $0x10, s5;
	s15 =	simm.s32 $0xF508  }
0x1d9: {  	[hbm4b:s14+s3] =	stream.linear.scatter [tilespmem:s15], [sflag:$0x7], $0x80, $0x38;
	[tilespmem:$0x16300] =	vst v63  }
0x1da: {  	s14 =	sadd.s32 $0x20, s5;
	s15 =	simm.s32 $0xF590  }
0x1db: {  	[hbm4b:s14+s3] =	stream.linear.scatter [tilespmem:s15], [sflag:$0x7], $0x80, $0x38;
	[tilespmem:$0x16300] =	vst v63  }
0x1dc: {  	s14 =	sadd.s32 $0x30, s5;
	s15 =	simm.s32 $0xF618  }
0x1dd: {  	[hbm4b:s14+s3] =	stream.linear.scatter [tilespmem:s15], [sflag:$0x7], $0x80, $0x38;
	[tilespmem:$0x16300] =	vst v63  }
0x1de: {  	s14 =	sadd.s32 $0x40, s5;
	s15 =	simm.s32 $0xF6A0  }
0x1df: {  	[hbm4b:s14+s3] =	stream.linear.scatter [tilespmem:s15], [sflag:$0x7], $0x80, $0x38;
	[tilespmem:$0x16300] =	vst v63  }
0x1e0: {  	s14 =	sadd.s32 $0x50, s5;
	s15 =	simm.s32 $0xF728  }
0x1e1: {  	[hbm4b:s14+s3] =	stream.linear.scatter [tilespmem:s15], [sflag:$0x7], $0x80, $0x38;
	[tilespmem:$0x16300] =	vst v63  }
0x1e2: {  	s14 =	sadd.s32 $0x60, s5;
	s15 =	simm.s32 $0xF7B0  }
0x1e3: {  	[hbm4b:s14+s3] =	stream.linear.scatter [tilespmem:s15], [sflag:$0x7], $0x80, $0x38;
	[tilespmem:$0x16300] =	vst v63  }
0x1e4: {  	s5 =	sadd.s32 $0x70, s5;
	s15 =	simm.s32 $0xF838  }
0x1e5: {  	[hbm4b:s5+s3] =	stream.linear.scatter [tilespmem:s15], [sflag:$0x7], $0x80, $0x38;
	[tilespmem:$0x16300] =	vst v63  }
0x1e6: {  	s5 =	sadd.s32 s26, s13;
	s26 =	simm.s32 $0xF8C0  }
0x1e7: {  	[hbm4b:s5+s3] =	stream.linear.scatter [tilespmem:s26], [sflag:$0x7], $0x80, $0x38;
	[tilespmem:$0x16300] =	vst v63  }
0x1e8: {  	s15 =	sadd.s32 $0x10, s5;
	s26 =	simm.s32 $0xF948  }
0x1e9: {  	[hbm4b:s15+s3] =	stream.linear.scatter [tilespmem:s26], [sflag:$0x7], $0x80, $0x38;
	[tilespmem:$0x16300] =	vst v63  }
0x1ea: {  	s15 =	sadd.s32 $0x20, s5;
	s26 =	simm.s32 $0xF9D0  }
0x1eb: {  	[hbm4b:s15+s3] =	stream.linear.scatter [tilespmem:s26], [sflag:$0x7], $0x80, $0x38;
	[tilespmem:$0x16300] =	vst v63  }
0x1ec: {  	s15 =	sadd.s32 $0x30, s5;
	s26 =	simm.s32 $0xFA58  }
0x1ed: {  	[hbm4b:s15+s3] =	stream.linear.scatter [tilespmem:s26], [sflag:$0x7], $0x80, $0x38;
	[tilespmem:$0x16300] =	vst v63  }
0x1ee: {  	s15 =	sadd.s32 $0x40, s5;
	s26 =	simm.s32 $0xFAE0  }
0x1ef: {  	[hbm4b:s15+s3] =	stream.linear.scatter [tilespmem:s26], [sflag:$0x7], $0x80, $0x38;
	[tilespmem:$0x16300] =	vst v63  }
0x1f0: {  	s15 =	sadd.s32 $0x50, s5;
	s26 =	simm.s32 $0xFB68  }
0x1f1: {  	[hbm4b:s15+s3] =	stream.linear.scatter [tilespmem:s26], [sflag:$0x7], $0x80, $0x38;
	[tilespmem:$0x16300] =	vst v63  }
0x1f2: {  	s15 =	sadd.s32 $0x60, s5;
	s26 =	simm.s32 $0xFBF0  }
0x1f3: {  	[hbm4b:s15+s3] =	stream.linear.scatter [tilespmem:s26], [sflag:$0x7], $0x80, $0x38;
	[tilespmem:$0x16300] =	vst v63  }
0x1f4: {  	s5 =	sadd.s32 $0x70, s5;
	s15 =	simm.s32 $0xFC78  }
0x1f5: {  	[hbm4b:s5+s3] =	stream.linear.scatter [tilespmem:s15], [sflag:$0x7], $0x80, $0x38;
	[tilespmem:$0x16300] =	vst v63  }
0x1f6: {  	_ =	swait.ge [sflag:s21], $0x2000  }
0x1f7: {  	[sflag:s21] =	ssyncset.done $0x0  }
0x1f8: {  	s5 =	simm.s32 @!p0 $0x8;
	[sflag:s21] =	ssyncadd.s32 $0xFFFFE000  }
0x1f9: {  	_ =	swait.ge @!p0 [sflag:s5], $0x400  }
0x1fa: {  	[sflag:s5] =	ssyncset.done @!p0 $0x0  }
0x1fb: {  	[sflag:s5] =	ssyncadd.s32 @!p0 $0xFFFFFC00  }
0x1fc: {  	_ =	swait.ge @!p0 [sflag:s5], $0x400  }
0x1fd: {  	[sflag:s5] =	ssyncset.done @!p0 $0x0  }
0x1fe: {  	[sflag:s5] =	ssyncadd.s32 @!p0 $0xFFFFFC00  }
0x1ff: {  	_ =	swait.ge @!p0 [sflag:s5], $0x400  }
0x200: {  	[sflag:s5] =	ssyncset.done @!p0 $0x0  }
0x201: {  	[sflag:s5] =	ssyncadd.s32 @!p0 $0xFFFFFC00  }
0x202: {  	_ =	swait.ge @!p0 [sflag:s5], $0x400  }
0x203: {  	[sflag:s5] =	ssyncset.done @!p0 $0x0  }
0x204: {  	[sflag:s5] =	ssyncadd.s32 @!p0 $0xFFFFFC00  }
0x205: {  	_ =	swait.ge @!p0 [sflag:s5], $0x400  }
0x206: {  	[sflag:s5] =	ssyncset.done @!p0 $0x0  }
0x207: {  	[sflag:s5] =	ssyncadd.s32 @!p0 $0xFFFFFC00  }
0x208: {  	_ =	swait.ge @!p0 [sflag:s5], $0x400  }
0x209: {  	[sflag:s5] =	ssyncset.done @!p0 $0x0  }
0x20a: {  	[sflag:s5] =	ssyncadd.s32 @!p0 $0xFFFFFC00  }
0x20b: {  	_ =	swait.ge @!p0 [sflag:s5], $0x400  }
0x20c: {  	[sflag:s5] =	ssyncset.done @!p0 $0x0  }
0x20d: {  	[sflag:s5] =	ssyncadd.s32 @!p0 $0xFFFFFC00  }
0x20e: {  	s26 =	simm.s32 $0x3;
	_ =	swait.ge @!p0 [sflag:s5], $0x400  }
0x20f: {  	v4 =	vmov s26;
	s15 =	simm.s32 $0x0;
	[sflag:s5] =	ssyncset.done @!p0 $0x0  }
0x210: {  	s30 =	simm.s32 $0x5980;
	s26 =	simm.s32 $0x1;
	v5 =	vand.u32 $0x7F, v4;
	v4 =	vmov s15;
	[sflag:s5] =	ssyncadd.s32 @!p0 $0xFFFFFC00  }
0x211: {  	v8 =	vadd.s32 v0, v5;
	v6 =	vand.u32 $0x7C, v4;
	v4 =	vmov s26;
	v7 =	vld [tilespmem:s30+$0x40]  }
0x212: {  	v10 =	vadd.s32 v0, v6;
	v11 =	vand.u32 $0x7D, v4;
	v9 =	vld [tilespmem:s30+$0xFFFFFF80]  }
0x213: {  	s14 =	simm.s32 $0x2;
	v12 =	vadd.s32 v0, v11;
	v4 =	vld [tilespmem:s30+$0xFFFFFFC0]  }
0x214: {  	v13 =	vmov s14  }
0x215: {  	v13 =	vand.u32 $0x7E, v13  }
0x216: {  	v15 =	vadd.s32 v0, v13;
	v14 =	vld [tilespmem:s30+$0x0];
	[tilespmem:v8+s19+$0x0] =	vst.idx.msk $0xffff, v7  }
0x217: {  	v8 =	vadd.s32 v1, v5;
	[tilespmem:v10+s19+$0x0] =	vst.idx.msk $0xffff, v9;
	v7 =	vld [tilespmem:s30+$0x50]  }
0x218: {  	v10 =	vadd.s32 v1, v6;
	[tilespmem:v12+s19+$0x0] =	vst.idx.msk $0xffff, v4;
	v9 =	vld [tilespmem:s30+$0xFFFFFF90]  }
0x219: {  	v12 =	vadd.s32 v1, v11;
	v4 =	vld [tilespmem:s30+$0xFFFFFFD0];
	_ =	sdelay $0x1  }
0x21a: {  	[tilespmem:v15+s19+$0x0] =	vst.idx.msk $0xffff, v14  }
0x21b: {  	v16 =	vadd.s32 v1, v13;
	v15 =	vld [tilespmem:s30+$0x10];
	[tilespmem:v8+s19+$0x0] =	vst.idx.msk $0xffff, v7  }
0x21c: {  	s15 =	simm.s32 $0x7;
	v14 =	vadd.s32 v2, v5;
	[tilespmem:v10+s19+$0x0] =	vst.idx.msk $0xffff, v9;
	v7 =	vld [tilespmem:s30+$0x60]  }
0x21d: {  	s26 =	simm.s32 $0x4;
	v10 =	vadd.s32 v2, v6;
	v8 =	vmov s15;
	[tilespmem:v12+s19+$0x0] =	vst.idx.msk $0xffff, v4;
	v9 =	vld [tilespmem:s30+$0xFFFFFFA0]  }
0x21e: {  	v17 =	vadd.s32 v2, v11;
	v4 =	vmov s26;
	s26 =	simm.s32 $0x5A80;
	v8 =	vand.u32 $0x7F, v8;
	v12 =	vld [tilespmem:s30+$0xFFFFFFE0]  }
0x21f: {  	v18 =	vld [tilespmem:s26+$0x40];
	v19 =	vadd.s32 v0, v8  }
0x220: {  	s14 =	simm.s32 $0x5;
	[tilespmem:v16+s19+$0x0] =	vst.idx.msk $0xffff, v15  }
0x221: {  	v62 =	vmov s14;
	v4 =	vand.u32 $0x7C, v4;
	[tilespmem:v14+s19+$0x0] =	vst.idx.msk $0xffff, v7  }
0x222: {  	s15 =	simm.s32 $0x6;
	v20 =	vld [tilespmem:s26+$0xFFFFFF80];
	v61 =	vadd.s32 v0, v4;
	v7 =	vand.u32 $0x7D, v62;
	[tilespmem:v10+s19+$0x0] =	vst.idx.msk $0xffff, v9  }
0x223: {  	v14 =	vmov s15;
	v9 =	vld [tilespmem:s26+$0xFFFFFFC0];
	[tilespmem:v17+s19+$0x0] =	vst.idx.msk $0xffff, v12;
	v10 =	vadd.s32 v0, v7  }
0x224: {  	v16 =	vadd.s32 v3, v5;
	v12 =	vld [tilespmem:s30+$0x20];
	v5 =	vand.u32 $0x7E, v14;
	[tilespmem:v19+s19+$0x0] =	vst.idx.msk $0xffff, v18;
	v18 =	vadd.s32 v2, v13  }
0x225: {  	v14 =	vld [tilespmem:s26+$0x0];
	v63 =	vadd.s32 v0, v5  }
0x226: {  	v15 =	vld [tilespmem:s30+$0x70]  }
0x227: {  	[tilespmem:v61+s19+$0x0] =	vst.idx.msk $0xffff, v20;
	v20 =	vadd.s32 v1, v8;
	v19 =	vld [tilespmem:s26+$0x50]  }
0x228: {  	v23 =	vadd.s32 v1, v4;
	v21 =	vld [tilespmem:s26+$0xFFFFFF90];
	[tilespmem:v10+s19+$0x0] =	vst.idx.msk $0xffff, v9  }
0x229: {  	v25 =	vadd.s32 v3, v11;
	v24 =	vld [tilespmem:s30+$0xFFFFFFF0];
	[tilespmem:v18+s19+$0x0] =	vst.idx.msk $0xffff, v12  }
0x22a: {  	v18 =	vadd.s32 v1, v7;
	v17 =	vld [tilespmem:s26+$0xFFFFFFD0];
	[tilespmem:v63+s19+$0x0] =	vst.idx.msk $0xffff, v14  }
0x22b: {  	[tilespmem:v16+s19+$0x0] =	vst.idx.msk $0xffff, v15;
	v16 =	vadd.s32 v1, v5;
	v15 =	vld [tilespmem:s26+$0x10]  }
0x22c: {  	[tilespmem:v20+s19+$0x0] =	vst.idx.msk $0xffff, v19;
	v11 =	vld [tilespmem:s30+$0x30];
	v14 =	vadd.s32 v3, v13  }
0x22d: {  	v12 =	vadd.s32 v2, v8;
	[tilespmem:v23+s19+$0x0] =	vst.idx.msk $0xffff, v21;
	v9 =	vld [tilespmem:s26+$0x60]  }
0x22e: {  	s14 =	simm.s32 $0xC;
	s5 =	simm.s32 $0x8;
	s15 =	simm.s32 $0xB;
	[tilespmem:v25+s19+$0x0] =	vst.idx.msk $0xffff, v24;
	v13 =	vadd.s32 v2, v4;
	v10 =	vld [tilespmem:s26+$0xFFFFFFA0]  }
.LBB2_7:
0x22f: {  	p2 =	slt.u32 s14, $0x7C;
	v19 =	vmov s15;
	[tilespmem:v18+s19+$0x0] =	vst.idx.msk $0xffff, v17;
	v17 =	vld [tilespmem:s30+$0xFFFFFFB0];
	v18 =	vadd.s32 v3, v6;
	v6 =	vmov v4;
	s30 =	smov.u32 s26  }
0x230: {  	v4 =	vmov s5;
	v21 =	vadd.s32 v2, v7;
	s26 =	sadd.s32 $0x100, s26;
	v19 =	vand.u32 $0x7F, v19;
	v20 =	vld [tilespmem:s30+$0xFFFFFFE0];
	[tilespmem:v16+s19+$0x0] =	vst.idx.msk $0xffff, v15  }
0x231: {  	s15 =	sadd.s32 $0x1, s5;
	v4 =	vand.u32 $0x7C, v4;
	v15 =	vld [tilespmem:s26+$0x40];
	v16 =	vadd.s32 v0, v19;
	[tilespmem:v14+s19+$0x0] =	vst.idx.msk $0xffff, v11  }
0x232: {  	v22 =	vmov s15;
	s15 =	sadd.s32 $0x2, s5;
	s5 =	smov.u32 s14;
	v14 =	vadd.s32 v0, v4;
	v11 =	vld [tilespmem:s26+$0xFFFFFF80];
	[tilespmem:v12+s19+$0x0] =	vst.idx.msk $0xffff, v9  }
0x233: {  	v9 =	vand.u32 $0x7D, v22;
	v12 =	vmov s15;
	[tilespmem:v13+s19+$0x0] =	vst.idx.msk $0xffff, v10;
	v10 =	vld [tilespmem:s30+$0x70];
	v13 =	vadd.s32 v3, v8;
	v8 =	vmovc v19  }
0x234: {  	v22 =	vadd.s32 v0, v9;
	v12 =	vand.u32 $0x7E, v12;
	v19 =	vld [tilespmem:s26+$0xFFFFFFC0];
	[tilespmem:v18+s19+$0x0] =	vst.idx.msk $0xffff, v17  }
0x235: {  	v24 =	vadd.s32 v0, v12;
	v23 =	vld [tilespmem:s26+$0x0];
	[tilespmem:v21+s19+$0x0] =	vst.idx.msk $0xffff, v20  }
0x236: {  	v21 =	vadd.s32 v2, v5;
	[tilespmem:v16+s19+$0x0] =	vst.idx.msk $0xffff, v15;
	v20 =	vld [tilespmem:s30+$0x20]  }
0x237: {  	[tilespmem:v14+s19+$0x0] =	vst.idx.msk $0xffff, v11;
	v11 =	vld [tilespmem:s26+$0x50];
	v14 =	vadd.s32 v1, v8  }
0x238: {  	v26 =	vadd.s32 v1, v4;
	v25 =	vld [tilespmem:s26+$0xFFFFFF90];
	[tilespmem:v13+s19+$0x0] =	vst.idx.msk $0xffff, v10  }
0x239: {  	[tilespmem:v22+s19+$0x0] =	vst.idx.msk $0xffff, v19;
	v19 =	vld [tilespmem:s30+$0xFFFFFFF0];
	v22 =	vadd.s32 v3, v7;
	v7 =	vmov v9  }
.Ltmp2:
0x23a: {  	v17 =	vld [tilespmem:s26+$0xFFFFFFD0];
	v18 =	vadd.s32 v1, v7;
	[tilespmem:v24+s19+$0x0] =	vst.idx.msk $0xffff, v23;
	(pc) =	sbr.rel @p2 .LBB2_7-.Ltmp2, $4  }
0x23b: {  	v16 =	vadd.s32 v1, v12;
	v15 =	vld [tilespmem:s26+$0x10];
	[tilespmem:v21+s19+$0x0] =	vst.idx.msk $0xffff, v20  }
0x23c: {  	[tilespmem:v14+s19+$0x0] =	vst.idx.msk $0xffff, v11;
	v11 =	vld [tilespmem:s30+$0x30];
	v14 =	vadd.s32 v3, v5;
	v5 =	vmov v12  }
0x23d: {  	v12 =	vadd.s32 v2, v8;
	[tilespmem:v26+s19+$0x0] =	vst.idx.msk $0xffff, v25;
	v9 =	vld [tilespmem:s26+$0x60]  }
0x23e: {  	s14 =	sadd.s32 $0x4, s14;
	s15 =	sadd.s32 $0x3, s5;
	v13 =	vadd.s32 v2, v4;
	v10 =	vld [tilespmem:s26+$0xFFFFFFA0];
	[tilespmem:v22+s19+$0x0] =	vst.idx.msk $0xffff, v19  }
0x23f: {  	_ =	sdelay $0x2  }
0x240: {  	v19 =	vmov s15;
	s15 =	sadd.s32 $0x1, s5  }
0x241: {  	[tilespmem:v18+s19+$0x0] =	vst.idx.msk $0xffff, v17;
	v17 =	vld [tilespmem:s30+$0xFFFFFFB0];
	v6 =	vadd.s32 v3, v6;
	s14 =	sadd.s32 $0x100, s26;
	v18 =	vand.u32 $0x7F, v19;
	v19 =	vmov s15;
	s15 =	sadd.s32 $0x2, s5  }
0x242: {  	[tilespmem:v16+s19+$0x0] =	vst.idx.msk $0xffff, v15;
	v15 =	vld [tilespmem:s14+$0x40];
	v16 =	vadd.s32 v0, v18;
	v19 =	vand.u32 $0x7D, v19;
	v20 =	vmov s15  }
0x243: {  	v21 =	vmov s5;
	[tilespmem:v14+s19+$0x0] =	vst.idx.msk $0xffff, v11;
	v11 =	vld [tilespmem:s14+$0xFFFFFFC0];
	v14 =	vadd.s32 v0, v19;
	v20 =	vand.u32 $0x7E, v20  }
0x244: {  	v21 =	vand.u32 $0x7C, v21;
	[tilespmem:v12+s19+$0x0] =	vst.idx.msk $0xffff, v9;
	v9 =	vld [tilespmem:s14+$0x0];
	v12 =	vadd.s32 v0, v20  }
0x245: {  	v22 =	vld [tilespmem:s14+$0xFFFFFF80];
	[tilespmem:v13+s19+$0x0] =	vst.idx.msk $0xffff, v10;
	v10 =	vadd.s32 v0, v21  }
0x246: {  	v13 =	vld [tilespmem:s26+$0xFFFFFFE0];
	[tilespmem:v6+s19+$0x0] =	vst.idx.msk $0xffff, v17;
	v6 =	vadd.s32 v2, v7  }
0x247: {  	v8 =	vadd.s32 v3, v8;
	v17 =	vld [tilespmem:s26+$0x70];
	[tilespmem:v16+s19+$0x0] =	vst.idx.msk $0xffff, v15  }
0x248: {  	v16 =	vadd.s32 v1, v18;
	v15 =	vld [tilespmem:s14+$0x50];
	[tilespmem:v14+s19+$0x0] =	vst.idx.msk $0xffff, v11  }
0x249: {  	v14 =	vadd.s32 v1, v19;
	v11 =	vld [tilespmem:s14+$0xFFFFFFD0];
	[tilespmem:v12+s19+$0x0] =	vst.idx.msk $0xffff, v9  }
0x24a: {  	[tilespmem:v10+s19+$0x0] =	vst.idx.msk $0xffff, v22;
	v10 =	vadd.s32 v1, v20;
	v9 =	vld [tilespmem:s14+$0x10]  }
0x24b: {  	v12 =	vadd.s32 v1, v21;
	[tilespmem:v6+s19+$0x0] =	vst.idx.msk $0xffff, v13;
	v6 =	vld [tilespmem:s14+$0xFFFFFF90]  }
0x24c: {  	v60 =	vadd.s32 v2, v5;
	v13 =	vld [tilespmem:s26+$0x20];
	[tilespmem:v8+s19+$0x0] =	vst.idx.msk $0xffff, v17  }
0x24d: {  	v7 =	vadd.s32 v3, v7;
	v8 =	vld [tilespmem:s26+$0xFFFFFFF0];
	[tilespmem:v16+s19+$0x0] =	vst.idx.msk $0xffff, v15  }
0x24e: {  	v16 =	vadd.s32 v2, v18;
	v15 =	vld [tilespmem:s14+$0x60];
	[tilespmem:v14+s19+$0x0] =	vst.idx.msk $0xffff, v11  }
0x24f: {  	v14 =	vadd.s32 v2, v19;
	v11 =	vld [tilespmem:s14+$0xFFFFFFE0];
	[tilespmem:v10+s19+$0x0] =	vst.idx.msk $0xffff, v9  }
0x250: {  	[tilespmem:v12+s19+$0x0] =	vst.idx.msk $0xffff, v6;
	v9 =	vadd.s32 v2, v20;
	v6 =	vld [tilespmem:s14+$0x20]  }
0x251: {  	[tilespmem:v60+s19+$0x0] =	vst.idx.msk $0xffff, v13;
	v12 =	vadd.s32 v2, v21;
	v10 =	vld [tilespmem:s14+$0xFFFFFFA0]  }
0x252: {  	v5 =	vadd.s32 v3, v5;
	v13 =	vld [tilespmem:s26+$0x30];
	[tilespmem:v7+s19+$0x0] =	vst.idx.msk $0xffff, v8  }
0x253: {  	v4 =	vadd.s32 v3, v4;
	v7 =	vld [tilespmem:s26+$0xFFFFFFB0];
	[tilespmem:v16+s19+$0x0] =	vst.idx.msk $0xffff, v15  }
0x254: {  	v15 =	vadd.s32 v3, v18;
	v8 =	vld [tilespmem:s14+$0x70];
	[tilespmem:v14+s19+$0x0] =	vst.idx.msk $0xffff, v11  }
0x255: {  	v14 =	vadd.s32 v3, v19;
	v11 =	vld [tilespmem:s14+$0xFFFFFFF0];
	[tilespmem:v9+s19+$0x0] =	vst.idx.msk $0xffff, v6  }
0x256: {  	[tilespmem:v12+s19+$0x0] =	vst.idx.msk $0xffff, v10;
	v9 =	vadd.s32 v3, v20;
	v6 =	vld [tilespmem:s14+$0x30]  }
0x257: {  	[tilespmem:v5+s19+$0x0] =	vst.idx.msk $0xffff, v13;
	v10 =	vadd.s32 v3, v21;
	v5 =	vld [tilespmem:s14+$0xFFFFFFB0]  }
0x258: {  	[tilespmem:v4+s19+$0x0] =	vst.idx.msk $0xffff, v7  }
0x259: {  	[tilespmem:v15+s19+$0x0] =	vst.idx.msk $0xffff, v8  }
0x25a: {  	[tilespmem:v14+s19+$0x0] =	vst.idx.msk $0xffff, v11  }
0x25b: {  	[tilespmem:v9+s19+$0x0] =	vst.idx.msk $0xffff, v6  }
0x25c: {  	s5 =	sadd.s32 @!p1 $0x380, s1;
	s15 =	simm.s32 @!p1 $0x5900;
	s14 =	simm.s32 @!p1 $0x80;
	[tilespmem:v10+s19+$0x0] =	vst.idx.msk $0xffff, v5  }
0x25d: {  	[tilespmem:s15], [sflag:$0x3] =	stream.indirect.gather @!p1 [hbm4b:s4+s14], $0x40, s5, s14, $0xb8;
	[tilespmem:$0x16300] =	vst v63  }
0x25e: {  	s14 =	rddreg [dreg:$0x5]  }
0x25f: {  	s5 =	sadd.s32 s14, s20  }
0x260: {  	s26 =	sshrl.u32 s5, $0x3  }
0x261: {  	s5 =	sadd.s32 s2, s26  }
0x262: {  	[hbm4b:s5+s3] =	stream.linear.scatter [tilespmem:s19], [sflag:$0x8], $0x80, $0x38;
	[tilespmem:$0x16300] =	vst v63  }
0x263: {  	s15 =	simm.s32 $0xFD88;
	s14 =	sadd.s32 $0x10, s5  }
0x264: {  	[hbm4b:s14+s3] =	stream.linear.scatter [tilespmem:s15], [sflag:$0x8], $0x80, $0x38;
	[tilespmem:$0x16300] =	vst v63  }
0x265: {  	s14 =	sadd.s32 $0x20, s5;
	s15 =	simm.s32 $0xFE10  }
0x266: {  	[hbm4b:s14+s3] =	stream.linear.scatter [tilespmem:s15], [sflag:$0x8], $0x80, $0x38;
	[tilespmem:$0x16300] =	vst v63  }
0x267: {  	s14 =	sadd.s32 $0x30, s5;
	s15 =	simm.s32 $0xFE98  }
0x268: {  	[hbm4b:s14+s3] =	stream.linear.scatter [tilespmem:s15], [sflag:$0x8], $0x80, $0x38;
	[tilespmem:$0x16300] =	vst v63  }
0x269: {  	s14 =	sadd.s32 $0x40, s5;
	s15 =	simm.s32 $0xFF20  }
0x26a: {  	[hbm4b:s14+s3] =	stream.linear.scatter [tilespmem:s15], [sflag:$0x8], $0x80, $0x38;
	[tilespmem:$0x16300] =	vst v63  }
0x26b: {  	s14 =	sadd.s32 $0x50, s5;
	s15 =	simm.s32 $0xFFA8  }
0x26c: {  	[hbm4b:s14+s3] =	stream.linear.scatter [tilespmem:s15], [sflag:$0x8], $0x80, $0x38;
	[tilespmem:$0x16300] =	vst v63  }
0x26d: {  	s14 =	sadd.s32 $0x60, s5;
	s15 =	simm.s32 $0x10030  }
0x26e: {  	[hbm4b:s14+s3] =	stream.linear.scatter [tilespmem:s15], [sflag:$0x8], $0x80, $0x38;
	[tilespmem:$0x16300] =	vst v63  }
0x26f: {  	s5 =	sadd.s32 $0x70, s5;
	s15 =	simm.s32 $0x100B8  }
0x270: {  	[hbm4b:s5+s3] =	stream.linear.scatter [tilespmem:s15], [sflag:$0x8], $0x80, $0x38;
	[tilespmem:$0x16300] =	vst v63  }
0x271: {  	s5 =	sadd.s32 s26, s7;
	s15 =	simm.s32 $0x10140  }
0x272: {  	[hbm4b:s5+s3] =	stream.linear.scatter [tilespmem:s15], [sflag:$0x8], $0x80, $0x38;
	[tilespmem:$0x16300] =	vst v63  }
0x273: {  	s14 =	sadd.s32 $0x10, s5;
	s15 =	simm.s32 $0x101C8  }
0x274: {  	[hbm4b:s14+s3] =	stream.linear.scatter [tilespmem:s15], [sflag:$0x8], $0x80, $0x38;
	[tilespmem:$0x16300] =	vst v63  }
0x275: {  	s14 =	sadd.s32 $0x20, s5;
	s15 =	simm.s32 $0x10250  }
0x276: {  	[hbm4b:s14+s3] =	stream.linear.scatter [tilespmem:s15], [sflag:$0x8], $0x80, $0x38;
	[tilespmem:$0x16300] =	vst v63  }
0x277: {  	s14 =	sadd.s32 $0x30, s5;
	s15 =	simm.s32 $0x102D8  }
0x278: {  	[hbm4b:s14+s3] =	stream.linear.scatter [tilespmem:s15], [sflag:$0x8], $0x80, $0x38;
	[tilespmem:$0x16300] =	vst v63  }
0x279: {  	s14 =	sadd.s32 $0x40, s5;
	s15 =	simm.s32 $0x10360  }
0x27a: {  	[hbm4b:s14+s3] =	stream.linear.scatter [tilespmem:s15], [sflag:$0x8], $0x80, $0x38;
	[tilespmem:$0x16300] =	vst v63  }
0x27b: {  	s14 =	sadd.s32 $0x50, s5;
	s15 =	simm.s32 $0x103E8  }
0x27c: {  	[hbm4b:s14+s3] =	stream.linear.scatter [tilespmem:s15], [sflag:$0x8], $0x80, $0x38;
	[tilespmem:$0x16300] =	vst v63  }
0x27d: {  	s14 =	sadd.s32 $0x60, s5;
	s15 =	simm.s32 $0x10470  }
0x27e: {  	[hbm4b:s14+s3] =	stream.linear.scatter [tilespmem:s15], [sflag:$0x8], $0x80, $0x38;
	[tilespmem:$0x16300] =	vst v63  }
0x27f: {  	s5 =	sadd.s32 $0x70, s5;
	s15 =	simm.s32 $0x104F8  }
0x280: {  	[hbm4b:s5+s3] =	stream.linear.scatter [tilespmem:s15], [sflag:$0x8], $0x80, $0x38;
	[tilespmem:$0x16300] =	vst v63  }
0x281: {  	s5 =	sadd.s32 s26, s8;
	s15 =	simm.s32 $0x10580  }
0x282: {  	[hbm4b:s5+s3] =	stream.linear.scatter [tilespmem:s15], [sflag:$0x8], $0x80, $0x38;
	[tilespmem:$0x16300] =	vst v63  }
0x283: {  	s14 =	sadd.s32 $0x10, s5;
	s15 =	simm.s32 $0x10608  }
0x284: {  	[hbm4b:s14+s3] =	stream.linear.scatter [tilespmem:s15], [sflag:$0x8], $0x80, $0x38;
	[tilespmem:$0x16300] =	vst v63  }
0x285: {  	s14 =	sadd.s32 $0x20, s5;
	s15 =	simm.s32 $0x10690  }
0x286: {  	[hbm4b:s14+s3] =	stream.linear.scatter [tilespmem:s15], [sflag:$0x8], $0x80, $0x38;
	[tilespmem:$0x16300] =	vst v63  }
0x287: {  	s14 =	sadd.s32 $0x30, s5;
	s15 =	simm.s32 $0x10718  }
0x288: {  	[hbm4b:s14+s3] =	stream.linear.scatter [tilespmem:s15], [sflag:$0x8], $0x80, $0x38;
	[tilespmem:$0x16300] =	vst v63  }
0x289: {  	s14 =	sadd.s32 $0x40, s5;
	s15 =	simm.s32 $0x107A0  }
0x28a: {  	[hbm4b:s14+s3] =	stream.linear.scatter [tilespmem:s15], [sflag:$0x8], $0x80, $0x38;
	[tilespmem:$0x16300] =	vst v63  }
0x28b: {  	s14 =	sadd.s32 $0x50, s5;
	s15 =	simm.s32 $0x10828  }
0x28c: {  	[hbm4b:s14+s3] =	stream.linear.scatter [tilespmem:s15], [sflag:$0x8], $0x80, $0x38;
	[tilespmem:$0x16300] =	vst v63  }
0x28d: {  	s14 =	sadd.s32 $0x60, s5;
	s15 =	simm.s32 $0x108B0  }
0x28e: {  	[hbm4b:s14+s3] =	stream.linear.scatter [tilespmem:s15], [sflag:$0x8], $0x80, $0x38;
	[tilespmem:$0x16300] =	vst v63  }
0x28f: {  	s5 =	sadd.s32 $0x70, s5;
	s15 =	simm.s32 $0x10938  }
0x290: {  	[hbm4b:s5+s3] =	stream.linear.scatter [tilespmem:s15], [sflag:$0x8], $0x80, $0x38;
	[tilespmem:$0x16300] =	vst v63  }
0x291: {  	s5 =	sadd.s32 s26, s9;
	s15 =	simm.s32 $0x109C0  }
0x292: {  	[hbm4b:s5+s3] =	stream.linear.scatter [tilespmem:s15], [sflag:$0x8], $0x80, $0x38;
	[tilespmem:$0x16300] =	vst v63  }
0x293: {  	s14 =	sadd.s32 $0x10, s5;
	s15 =	simm.s32 $0x10A48  }
0x294: {  	[hbm4b:s14+s3] =	stream.linear.scatter [tilespmem:s15], [sflag:$0x8], $0x80, $0x38;
	[tilespmem:$0x16300] =	vst v63  }
0x295: {  	s14 =	sadd.s32 $0x20, s5;
	s15 =	simm.s32 $0x10AD0  }
0x296: {  	[hbm4b:s14+s3] =	stream.linear.scatter [tilespmem:s15], [sflag:$0x8], $0x80, $0x38;
	[tilespmem:$0x16300] =	vst v63  }
0x297: {  	s14 =	sadd.s32 $0x30, s5;
	s15 =	simm.s32 $0x10B58  }
0x298: {  	[hbm4b:s14+s3] =	stream.linear.scatter [tilespmem:s15], [sflag:$0x8], $0x80, $0x38;
	[tilespmem:$0x16300] =	vst v63  }
0x299: {  	s14 =	sadd.s32 $0x40, s5;
	s15 =	simm.s32 $0x10BE0  }
0x29a: {  	[hbm4b:s14+s3] =	stream.linear.scatter [tilespmem:s15], [sflag:$0x8], $0x80, $0x38;
	[tilespmem:$0x16300] =	vst v63  }
0x29b: {  	s14 =	sadd.s32 $0x50, s5;
	s15 =	simm.s32 $0x10C68  }
0x29c: {  	[hbm4b:s14+s3] =	stream.linear.scatter [tilespmem:s15], [sflag:$0x8], $0x80, $0x38;
	[tilespmem:$0x16300] =	vst v63  }
0x29d: {  	s14 =	sadd.s32 $0x60, s5;
	s15 =	simm.s32 $0x10CF0  }
0x29e: {  	[hbm4b:s14+s3] =	stream.linear.scatter [tilespmem:s15], [sflag:$0x8], $0x80, $0x38;
	[tilespmem:$0x16300] =	vst v63  }
0x29f: {  	s5 =	sadd.s32 $0x70, s5;
	s15 =	simm.s32 $0x10D78  }
0x2a0: {  	[hbm4b:s5+s3] =	stream.linear.scatter [tilespmem:s15], [sflag:$0x8], $0x80, $0x38;
	[tilespmem:$0x16300] =	vst v63  }
0x2a1: {  	s5 =	sadd.s32 s26, s10;
	s15 =	simm.s32 $0x10E00  }
0x2a2: {  	[hbm4b:s5+s3] =	stream.linear.scatter [tilespmem:s15], [sflag:$0x8], $0x80, $0x38;
	[tilespmem:$0x16300] =	vst v63  }
0x2a3: {  	s14 =	sadd.s32 $0x10, s5;
	s15 =	simm.s32 $0x10E88  }
0x2a4: {  	[hbm4b:s14+s3] =	stream.linear.scatter [tilespmem:s15], [sflag:$0x8], $0x80, $0x38;
	[tilespmem:$0x16300] =	vst v63  }
0x2a5: {  	s14 =	sadd.s32 $0x20, s5;
	s15 =	simm.s32 $0x10F10  }
0x2a6: {  	[hbm4b:s14+s3] =	stream.linear.scatter [tilespmem:s15], [sflag:$0x8], $0x80, $0x38;
	[tilespmem:$0x16300] =	vst v63  }
0x2a7: {  	s14 =	sadd.s32 $0x30, s5;
	s15 =	simm.s32 $0x10F98  }
0x2a8: {  	[hbm4b:s14+s3] =	stream.linear.scatter [tilespmem:s15], [sflag:$0x8], $0x80, $0x38;
	[tilespmem:$0x16300] =	vst v63  }
0x2a9: {  	s14 =	sadd.s32 $0x40, s5;
	s15 =	simm.s32 $0x11020  }
0x2aa: {  	[hbm4b:s14+s3] =	stream.linear.scatter [tilespmem:s15], [sflag:$0x8], $0x80, $0x38;
	[tilespmem:$0x16300] =	vst v63  }
0x2ab: {  	s14 =	sadd.s32 $0x50, s5;
	s15 =	simm.s32 $0x110A8  }
0x2ac: {  	[hbm4b:s14+s3] =	stream.linear.scatter [tilespmem:s15], [sflag:$0x8], $0x80, $0x38;
	[tilespmem:$0x16300] =	vst v63  }
0x2ad: {  	s14 =	sadd.s32 $0x60, s5;
	s15 =	simm.s32 $0x11130  }
0x2ae: {  	[hbm4b:s14+s3] =	stream.linear.scatter [tilespmem:s15], [sflag:$0x8], $0x80, $0x38;
	[tilespmem:$0x16300] =	vst v63  }
0x2af: {  	s5 =	sadd.s32 $0x70, s5;
	s15 =	simm.s32 $0x111B8  }
0x2b0: {  	[hbm4b:s5+s3] =	stream.linear.scatter [tilespmem:s15], [sflag:$0x8], $0x80, $0x38;
	[tilespmem:$0x16300] =	vst v63  }
0x2b1: {  	s5 =	sadd.s32 s26, s11;
	s15 =	simm.s32 $0x11240  }
0x2b2: {  	[hbm4b:s5+s3] =	stream.linear.scatter [tilespmem:s15], [sflag:$0x8], $0x80, $0x38;
	[tilespmem:$0x16300] =	vst v63  }
0x2b3: {  	s14 =	sadd.s32 $0x10, s5;
	s15 =	simm.s32 $0x112C8  }
0x2b4: {  	[hbm4b:s14+s3] =	stream.linear.scatter [tilespmem:s15], [sflag:$0x8], $0x80, $0x38;
	[tilespmem:$0x16300] =	vst v63  }
0x2b5: {  	s14 =	sadd.s32 $0x20, s5;
	s15 =	simm.s32 $0x11350  }
0x2b6: {  	[hbm4b:s14+s3] =	stream.linear.scatter [tilespmem:s15], [sflag:$0x8], $0x80, $0x38;
	[tilespmem:$0x16300] =	vst v63  }
0x2b7: {  	s14 =	sadd.s32 $0x30, s5;
	s15 =	simm.s32 $0x113D8  }
0x2b8: {  	[hbm4b:s14+s3] =	stream.linear.scatter [tilespmem:s15], [sflag:$0x8], $0x80, $0x38;
	[tilespmem:$0x16300] =	vst v63  }
0x2b9: {  	s14 =	sadd.s32 $0x40, s5;
	s15 =	simm.s32 $0x11460  }
0x2ba: {  	[hbm4b:s14+s3] =	stream.linear.scatter [tilespmem:s15], [sflag:$0x8], $0x80, $0x38;
	[tilespmem:$0x16300] =	vst v63  }
0x2bb: {  	s14 =	sadd.s32 $0x50, s5;
	s15 =	simm.s32 $0x114E8  }
0x2bc: {  	[hbm4b:s14+s3] =	stream.linear.scatter [tilespmem:s15], [sflag:$0x8], $0x80, $0x38;
	[tilespmem:$0x16300] =	vst v63  }
0x2bd: {  	s14 =	sadd.s32 $0x60, s5;
	s15 =	simm.s32 $0x11570  }
0x2be: {  	[hbm4b:s14+s3] =	stream.linear.scatter [tilespmem:s15], [sflag:$0x8], $0x80, $0x38;
	[tilespmem:$0x16300] =	vst v63  }
0x2bf: {  	s5 =	sadd.s32 $0x70, s5;
	s15 =	simm.s32 $0x115F8  }
0x2c0: {  	[hbm4b:s5+s3] =	stream.linear.scatter [tilespmem:s15], [sflag:$0x8], $0x80, $0x38;
	[tilespmem:$0x16300] =	vst v63  }
0x2c1: {  	s5 =	sadd.s32 s26, s12;
	s15 =	simm.s32 $0x11680  }
0x2c2: {  	[hbm4b:s5+s3] =	stream.linear.scatter [tilespmem:s15], [sflag:$0x8], $0x80, $0x38;
	[tilespmem:$0x16300] =	vst v63  }
0x2c3: {  	s14 =	sadd.s32 $0x10, s5;
	s15 =	simm.s32 $0x11708  }
0x2c4: {  	[hbm4b:s14+s3] =	stream.linear.scatter [tilespmem:s15], [sflag:$0x8], $0x80, $0x38;
	[tilespmem:$0x16300] =	vst v63  }
0x2c5: {  	s14 =	sadd.s32 $0x20, s5;
	s15 =	simm.s32 $0x11790  }
0x2c6: {  	[hbm4b:s14+s3] =	stream.linear.scatter [tilespmem:s15], [sflag:$0x8], $0x80, $0x38;
	[tilespmem:$0x16300] =	vst v63  }
0x2c7: {  	s14 =	sadd.s32 $0x30, s5;
	s15 =	simm.s32 $0x11818  }
0x2c8: {  	[hbm4b:s14+s3] =	stream.linear.scatter [tilespmem:s15], [sflag:$0x8], $0x80, $0x38;
	[tilespmem:$0x16300] =	vst v63  }
0x2c9: {  	s14 =	sadd.s32 $0x40, s5;
	s15 =	simm.s32 $0x118A0  }
0x2ca: {  	[hbm4b:s14+s3] =	stream.linear.scatter [tilespmem:s15], [sflag:$0x8], $0x80, $0x38;
	[tilespmem:$0x16300] =	vst v63  }
0x2cb: {  	s14 =	sadd.s32 $0x50, s5;
	s15 =	simm.s32 $0x11928  }
0x2cc: {  	[hbm4b:s14+s3] =	stream.linear.scatter [tilespmem:s15], [sflag:$0x8], $0x80, $0x38;
	[tilespmem:$0x16300] =	vst v63  }
0x2cd: {  	s14 =	sadd.s32 $0x60, s5;
	s15 =	simm.s32 $0x119B0  }
0x2ce: {  	[hbm4b:s14+s3] =	stream.linear.scatter [tilespmem:s15], [sflag:$0x8], $0x80, $0x38;
	[tilespmem:$0x16300] =	vst v63  }
0x2cf: {  	s5 =	sadd.s32 $0x70, s5;
	s15 =	simm.s32 $0x11A38  }
0x2d0: {  	[hbm4b:s5+s3] =	stream.linear.scatter [tilespmem:s15], [sflag:$0x8], $0x80, $0x38;
	[tilespmem:$0x16300] =	vst v63  }
0x2d1: {  	s5 =	sadd.s32 s26, s13;
	s26 =	simm.s32 $0x11AC0  }
0x2d2: {  	[hbm4b:s5+s3] =	stream.linear.scatter [tilespmem:s26], [sflag:$0x8], $0x80, $0x38;
	[tilespmem:$0x16300] =	vst v63  }
0x2d3: {  	s15 =	sadd.s32 $0x10, s5;
	s26 =	simm.s32 $0x11B48  }
0x2d4: {  	[hbm4b:s15+s3] =	stream.linear.scatter [tilespmem:s26], [sflag:$0x8], $0x80, $0x38;
	[tilespmem:$0x16300] =	vst v63  }
0x2d5: {  	s15 =	sadd.s32 $0x20, s5;
	s26 =	simm.s32 $0x11BD0  }
0x2d6: {  	[hbm4b:s15+s3] =	stream.linear.scatter [tilespmem:s26], [sflag:$0x8], $0x80, $0x38;
	[tilespmem:$0x16300] =	vst v63  }
0x2d7: {  	s15 =	sadd.s32 $0x30, s5;
	s26 =	simm.s32 $0x11C58  }
0x2d8: {  	[hbm4b:s15+s3] =	stream.linear.scatter [tilespmem:s26], [sflag:$0x8], $0x80, $0x38;
	[tilespmem:$0x16300] =	vst v63  }
0x2d9: {  	s15 =	sadd.s32 $0x40, s5;
	s26 =	simm.s32 $0x11CE0  }
0x2da: {  	[hbm4b:s15+s3] =	stream.linear.scatter [tilespmem:s26], [sflag:$0x8], $0x80, $0x38;
	[tilespmem:$0x16300] =	vst v63  }
0x2db: {  	s15 =	sadd.s32 $0x50, s5;
	s26 =	simm.s32 $0x11D68  }
0x2dc: {  	[hbm4b:s15+s3] =	stream.linear.scatter [tilespmem:s26], [sflag:$0x8], $0x80, $0x38;
	[tilespmem:$0x16300] =	vst v63  }
0x2dd: {  	s15 =	sadd.s32 $0x60, s5;
	s26 =	simm.s32 $0x11DF0  }
0x2de: {  	[hbm4b:s15+s3] =	stream.linear.scatter [tilespmem:s26], [sflag:$0x8], $0x80, $0x38;
	[tilespmem:$0x16300] =	vst v63  }
0x2df: {  	s5 =	sadd.s32 $0x70, s5;
	s15 =	simm.s32 $0x11E78  }
0x2e0: {  	[hbm4b:s5+s3] =	stream.linear.scatter [tilespmem:s15], [sflag:$0x8], $0x80, $0x38;
	[tilespmem:$0x16300] =	vst v63  }
0x2e1: {  	_ =	swait.ge [sflag:s23], $0x2000  }
0x2e2: {  	[sflag:s23] =	ssyncset.done $0x0  }
0x2e3: {  	s5 =	simm.s32 @!p0 $0x9;
	[sflag:s23] =	ssyncadd.s32 $0xFFFFE000  }
0x2e4: {  	_ =	swait.ge @!p0 [sflag:s5], $0x400  }
0x2e5: {  	[sflag:s5] =	ssyncset.done @!p0 $0x0  }
0x2e6: {  	[sflag:s5] =	ssyncadd.s32 @!p0 $0xFFFFFC00  }
0x2e7: {  	_ =	swait.ge @!p0 [sflag:s5], $0x400  }
0x2e8: {  	[sflag:s5] =	ssyncset.done @!p0 $0x0  }
0x2e9: {  	[sflag:s5] =	ssyncadd.s32 @!p0 $0xFFFFFC00  }
0x2ea: {  	_ =	swait.ge @!p0 [sflag:s5], $0x400  }
0x2eb: {  	[sflag:s5] =	ssyncset.done @!p0 $0x0  }
0x2ec: {  	[sflag:s5] =	ssyncadd.s32 @!p0 $0xFFFFFC00  }
0x2ed: {  	_ =	swait.ge @!p0 [sflag:s5], $0x400  }
0x2ee: {  	[sflag:s5] =	ssyncset.done @!p0 $0x0  }
0x2ef: {  	[sflag:s5] =	ssyncadd.s32 @!p0 $0xFFFFFC00  }
0x2f0: {  	_ =	swait.ge @!p0 [sflag:s5], $0x400  }
0x2f1: {  	[sflag:s5] =	ssyncset.done @!p0 $0x0  }
0x2f2: {  	[sflag:s5] =	ssyncadd.s32 @!p0 $0xFFFFFC00  }
0x2f3: {  	_ =	swait.ge @!p0 [sflag:s5], $0x400  }
0x2f4: {  	[sflag:s5] =	ssyncset.done @!p0 $0x0  }
0x2f5: {  	[sflag:s5] =	ssyncadd.s32 @!p0 $0xFFFFFC00  }
0x2f6: {  	_ =	swait.ge @!p0 [sflag:s5], $0x400  }
0x2f7: {  	[sflag:s5] =	ssyncset.done @!p0 $0x0  }
0x2f8: {  	[sflag:s5] =	ssyncadd.s32 @!p0 $0xFFFFFC00  }
0x2f9: {  	s26 =	simm.s32 $0x3;
	_ =	swait.ge @!p0 [sflag:s5], $0x400  }
0x2fa: {  	v4 =	vmov s26;
	s15 =	simm.s32 $0x0;
	[sflag:s5] =	ssyncset.done @!p0 $0x0  }
0x2fb: {  	s30 =	simm.s32 $0x7980;
	s26 =	simm.s32 $0x1;
	v5 =	vand.u32 $0x7F, v4;
	v4 =	vmov s15;
	[sflag:s5] =	ssyncadd.s32 @!p0 $0xFFFFFC00  }
0x2fc: {  	v8 =	vadd.s32 v0, v5;
	v6 =	vand.u32 $0x7C, v4;
	v4 =	vmov s26;
	v7 =	vld [tilespmem:s30+$0x40]  }
0x2fd: {  	v10 =	vadd.s32 v0, v6;
	v11 =	vand.u32 $0x7D, v4;
	v9 =	vld [tilespmem:s30+$0xFFFFFF80]  }
0x2fe: {  	s14 =	simm.s32 $0x2;
	v12 =	vadd.s32 v0, v11;
	v4 =	vld [tilespmem:s30+$0xFFFFFFC0]  }
0x2ff: {  	v13 =	vmov s14  }
0x300: {  	v13 =	vand.u32 $0x7E, v13  }
0x301: {  	v15 =	vadd.s32 v0, v13;
	v14 =	vld [tilespmem:s30+$0x0];
	[tilespmem:v8+s24+$0x0] =	vst.idx.msk $0xffff, v7  }
0x302: {  	v8 =	vadd.s32 v1, v5;
	[tilespmem:v10+s24+$0x0] =	vst.idx.msk $0xffff, v9;
	v7 =	vld [tilespmem:s30+$0x50]  }
0x303: {  	v10 =	vadd.s32 v1, v6;
	[tilespmem:v12+s24+$0x0] =	vst.idx.msk $0xffff, v4;
	v9 =	vld [tilespmem:s30+$0xFFFFFF90]  }
0x304: {  	v12 =	vadd.s32 v1, v11;
	v4 =	vld [tilespmem:s30+$0xFFFFFFD0];
	_ =	sdelay $0x1  }
0x305: {  	[tilespmem:v15+s24+$0x0] =	vst.idx.msk $0xffff, v14  }
0x306: {  	v16 =	vadd.s32 v1, v13;
	v15 =	vld [tilespmem:s30+$0x10];
	[tilespmem:v8+s24+$0x0] =	vst.idx.msk $0xffff, v7  }
0x307: {  	s15 =	simm.s32 $0x7;
	v14 =	vadd.s32 v2, v5;
	[tilespmem:v10+s24+$0x0] =	vst.idx.msk $0xffff, v9;
	v7 =	vld [tilespmem:s30+$0x60]  }
0x308: {  	s26 =	simm.s32 $0x4;
	v10 =	vadd.s32 v2, v6;
	v8 =	vmov s15;
	[tilespmem:v12+s24+$0x0] =	vst.idx.msk $0xffff, v4;
	v9 =	vld [tilespmem:s30+$0xFFFFFFA0]  }
0x309: {  	v17 =	vadd.s32 v2, v11;
	v4 =	vmov s26;
	s26 =	simm.s32 $0x7A80;
	v8 =	vand.u32 $0x7F, v8;
	v12 =	vld [tilespmem:s30+$0xFFFFFFE0]  }
0x30a: {  	v18 =	vld [tilespmem:s26+$0x40];
	v19 =	vadd.s32 v0, v8  }
0x30b: {  	s14 =	simm.s32 $0x5;
	[tilespmem:v16+s24+$0x0] =	vst.idx.msk $0xffff, v15  }
0x30c: {  	v62 =	vmov s14;
	v4 =	vand.u32 $0x7C, v4;
	[tilespmem:v14+s24+$0x0] =	vst.idx.msk $0xffff, v7  }
0x30d: {  	s15 =	simm.s32 $0x6;
	v20 =	vld [tilespmem:s26+$0xFFFFFF80];
	v61 =	vadd.s32 v0, v4;
	v7 =	vand.u32 $0x7D, v62;
	[tilespmem:v10+s24+$0x0] =	vst.idx.msk $0xffff, v9  }
0x30e: {  	v14 =	vmov s15;
	v9 =	vld [tilespmem:s26+$0xFFFFFFC0];
	[tilespmem:v17+s24+$0x0] =	vst.idx.msk $0xffff, v12;
	v10 =	vadd.s32 v0, v7  }
0x30f: {  	v16 =	vadd.s32 v3, v5;
	v12 =	vld [tilespmem:s30+$0x20];
	v5 =	vand.u32 $0x7E, v14;
	[tilespmem:v19+s24+$0x0] =	vst.idx.msk $0xffff, v18;
	v18 =	vadd.s32 v2, v13  }
0x310: {  	v14 =	vld [tilespmem:s26+$0x0];
	v63 =	vadd.s32 v0, v5  }
0x311: {  	v15 =	vld [tilespmem:s30+$0x70]  }
0x312: {  	[tilespmem:v61+s24+$0x0] =	vst.idx.msk $0xffff, v20;
	v20 =	vadd.s32 v1, v8;
	v19 =	vld [tilespmem:s26+$0x50]  }
0x313: {  	v23 =	vadd.s32 v1, v4;
	v21 =	vld [tilespmem:s26+$0xFFFFFF90];
	[tilespmem:v10+s24+$0x0] =	vst.idx.msk $0xffff, v9  }
0x314: {  	v25 =	vadd.s32 v3, v11;
	v24 =	vld [tilespmem:s30+$0xFFFFFFF0];
	[tilespmem:v18+s24+$0x0] =	vst.idx.msk $0xffff, v12  }
0x315: {  	v18 =	vadd.s32 v1, v7;
	v17 =	vld [tilespmem:s26+$0xFFFFFFD0];
	[tilespmem:v63+s24+$0x0] =	vst.idx.msk $0xffff, v14  }
0x316: {  	[tilespmem:v16+s24+$0x0] =	vst.idx.msk $0xffff, v15;
	v16 =	vadd.s32 v1, v5;
	v15 =	vld [tilespmem:s26+$0x10]  }
0x317: {  	[tilespmem:v20+s24+$0x0] =	vst.idx.msk $0xffff, v19;
	v11 =	vld [tilespmem:s30+$0x30];
	v14 =	vadd.s32 v3, v13  }
0x318: {  	v12 =	vadd.s32 v2, v8;
	[tilespmem:v23+s24+$0x0] =	vst.idx.msk $0xffff, v21;
	v9 =	vld [tilespmem:s26+$0x60]  }
0x319: {  	s14 =	simm.s32 $0xC;
	s5 =	simm.s32 $0x8;
	s15 =	simm.s32 $0xB;
	[tilespmem:v25+s24+$0x0] =	vst.idx.msk $0xffff, v24;
	v13 =	vadd.s32 v2, v4;
	v10 =	vld [tilespmem:s26+$0xFFFFFFA0]  }
.LBB2_9:
0x31a: {  	p2 =	slt.u32 s14, $0x7C;
	v19 =	vmov s15;
	[tilespmem:v18+s24+$0x0] =	vst.idx.msk $0xffff, v17;
	v17 =	vld [tilespmem:s30+$0xFFFFFFB0];
	v18 =	vadd.s32 v3, v6;
	v6 =	vmov v4;
	s30 =	smov.u32 s26  }
0x31b: {  	v4 =	vmov s5;
	v21 =	vadd.s32 v2, v7;
	s26 =	sadd.s32 $0x100, s26;
	v19 =	vand.u32 $0x7F, v19;
	v20 =	vld [tilespmem:s30+$0xFFFFFFE0];
	[tilespmem:v16+s24+$0x0] =	vst.idx.msk $0xffff, v15  }
0x31c: {  	s15 =	sadd.s32 $0x1, s5;
	v4 =	vand.u32 $0x7C, v4;
	v15 =	vld [tilespmem:s26+$0x40];
	v16 =	vadd.s32 v0, v19;
	[tilespmem:v14+s24+$0x0] =	vst.idx.msk $0xffff, v11  }
0x31d: {  	v22 =	vmov s15;
	s15 =	sadd.s32 $0x2, s5;
	s5 =	smov.u32 s14;
	v14 =	vadd.s32 v0, v4;
	v11 =	vld [tilespmem:s26+$0xFFFFFF80];
	[tilespmem:v12+s24+$0x0] =	vst.idx.msk $0xffff, v9  }
0x31e: {  	v9 =	vand.u32 $0x7D, v22;
	v12 =	vmov s15;
	[tilespmem:v13+s24+$0x0] =	vst.idx.msk $0xffff, v10;
	v10 =	vld [tilespmem:s30+$0x70];
	v13 =	vadd.s32 v3, v8;
	v8 =	vmovc v19  }
0x31f: {  	v22 =	vadd.s32 v0, v9;
	v12 =	vand.u32 $0x7E, v12;
	v19 =	vld [tilespmem:s26+$0xFFFFFFC0];
	[tilespmem:v18+s24+$0x0] =	vst.idx.msk $0xffff, v17  }
0x320: {  	v24 =	vadd.s32 v0, v12;
	v23 =	vld [tilespmem:s26+$0x0];
	[tilespmem:v21+s24+$0x0] =	vst.idx.msk $0xffff, v20  }
0x321: {  	v21 =	vadd.s32 v2, v5;
	[tilespmem:v16+s24+$0x0] =	vst.idx.msk $0xffff, v15;
	v20 =	vld [tilespmem:s30+$0x20]  }
0x322: {  	[tilespmem:v14+s24+$0x0] =	vst.idx.msk $0xffff, v11;
	v11 =	vld [tilespmem:s26+$0x50];
	v14 =	vadd.s32 v1, v8  }
0x323: {  	v26 =	vadd.s32 v1, v4;
	v25 =	vld [tilespmem:s26+$0xFFFFFF90];
	[tilespmem:v13+s24+$0x0] =	vst.idx.msk $0xffff, v10  }
0x324: {  	[tilespmem:v22+s24+$0x0] =	vst.idx.msk $0xffff, v19;
	v19 =	vld [tilespmem:s30+$0xFFFFFFF0];
	v22 =	vadd.s32 v3, v7;
	v7 =	vmov v9  }
.Ltmp3:
0x325: {  	v17 =	vld [tilespmem:s26+$0xFFFFFFD0];
	v18 =	vadd.s32 v1, v7;
	[tilespmem:v24+s24+$0x0] =	vst.idx.msk $0xffff, v23;
	(pc) =	sbr.rel @p2 .LBB2_9-.Ltmp3, $4  }
0x326: {  	v16 =	vadd.s32 v1, v12;
	v15 =	vld [tilespmem:s26+$0x10];
	[tilespmem:v21+s24+$0x0] =	vst.idx.msk $0xffff, v20  }
0x327: {  	[tilespmem:v14+s24+$0x0] =	vst.idx.msk $0xffff, v11;
	v11 =	vld [tilespmem:s30+$0x30];
	v14 =	vadd.s32 v3, v5;
	v5 =	vmov v12  }
0x328: {  	v12 =	vadd.s32 v2, v8;
	[tilespmem:v26+s24+$0x0] =	vst.idx.msk $0xffff, v25;
	v9 =	vld [tilespmem:s26+$0x60]  }
0x329: {  	s14 =	sadd.s32 $0x4, s14;
	s15 =	sadd.s32 $0x3, s5;
	v13 =	vadd.s32 v2, v4;
	v10 =	vld [tilespmem:s26+$0xFFFFFFA0];
	[tilespmem:v22+s24+$0x0] =	vst.idx.msk $0xffff, v19  }
0x32a: {  	_ =	sdelay $0x2  }
0x32b: {  	v19 =	vmov s15;
	s15 =	sadd.s32 $0x1, s5  }
0x32c: {  	[tilespmem:v18+s24+$0x0] =	vst.idx.msk $0xffff, v17;
	v17 =	vld [tilespmem:s30+$0xFFFFFFB0];
	v6 =	vadd.s32 v3, v6;
	s14 =	sadd.s32 $0x100, s26;
	v18 =	vand.u32 $0x7F, v19;
	v19 =	vmov s15;
	s15 =	sadd.s32 $0x2, s5  }
0x32d: {  	[tilespmem:v16+s24+$0x0] =	vst.idx.msk $0xffff, v15;
	v15 =	vld [tilespmem:s14+$0x40];
	v16 =	vadd.s32 v0, v18;
	v19 =	vand.u32 $0x7D, v19;
	v20 =	vmov s15  }
0x32e: {  	v21 =	vmov s5;
	[tilespmem:v14+s24+$0x0] =	vst.idx.msk $0xffff, v11;
	v11 =	vld [tilespmem:s14+$0xFFFFFFC0];
	v14 =	vadd.s32 v0, v19;
	v20 =	vand.u32 $0x7E, v20  }
0x32f: {  	v21 =	vand.u32 $0x7C, v21;
	[tilespmem:v12+s24+$0x0] =	vst.idx.msk $0xffff, v9;
	v9 =	vld [tilespmem:s14+$0x0];
	v12 =	vadd.s32 v0, v20  }
0x330: {  	v22 =	vld [tilespmem:s14+$0xFFFFFF80];
	[tilespmem:v13+s24+$0x0] =	vst.idx.msk $0xffff, v10;
	v10 =	vadd.s32 v0, v21  }
0x331: {  	v13 =	vld [tilespmem:s26+$0xFFFFFFE0];
	[tilespmem:v6+s24+$0x0] =	vst.idx.msk $0xffff, v17;
	v6 =	vadd.s32 v2, v7  }
0x332: {  	v8 =	vadd.s32 v3, v8;
	v17 =	vld [tilespmem:s26+$0x70];
	[tilespmem:v16+s24+$0x0] =	vst.idx.msk $0xffff, v15  }
0x333: {  	v16 =	vadd.s32 v1, v18;
	v15 =	vld [tilespmem:s14+$0x50];
	[tilespmem:v14+s24+$0x0] =	vst.idx.msk $0xffff, v11  }
0x334: {  	v14 =	vadd.s32 v1, v19;
	v11 =	vld [tilespmem:s14+$0xFFFFFFD0];
	[tilespmem:v12+s24+$0x0] =	vst.idx.msk $0xffff, v9  }
0x335: {  	[tilespmem:v10+s24+$0x0] =	vst.idx.msk $0xffff, v22;
	v10 =	vadd.s32 v1, v20;
	v9 =	vld [tilespmem:s14+$0x10]  }
0x336: {  	v12 =	vadd.s32 v1, v21;
	[tilespmem:v6+s24+$0x0] =	vst.idx.msk $0xffff, v13;
	v6 =	vld [tilespmem:s14+$0xFFFFFF90]  }
0x337: {  	v60 =	vadd.s32 v2, v5;
	v13 =	vld [tilespmem:s26+$0x20];
	[tilespmem:v8+s24+$0x0] =	vst.idx.msk $0xffff, v17  }
0x338: {  	v7 =	vadd.s32 v3, v7;
	v8 =	vld [tilespmem:s26+$0xFFFFFFF0];
	[tilespmem:v16+s24+$0x0] =	vst.idx.msk $0xffff, v15  }
0x339: {  	v16 =	vadd.s32 v2, v18;
	v15 =	vld [tilespmem:s14+$0x60];
	[tilespmem:v14+s24+$0x0] =	vst.idx.msk $0xffff, v11  }
0x33a: {  	v14 =	vadd.s32 v2, v19;
	v11 =	vld [tilespmem:s14+$0xFFFFFFE0];
	[tilespmem:v10+s24+$0x0] =	vst.idx.msk $0xffff, v9  }
0x33b: {  	[tilespmem:v12+s24+$0x0] =	vst.idx.msk $0xffff, v6;
	v9 =	vadd.s32 v2, v20;
	v6 =	vld [tilespmem:s14+$0x20]  }
0x33c: {  	[tilespmem:v60+s24+$0x0] =	vst.idx.msk $0xffff, v13;
	v12 =	vadd.s32 v2, v21;
	v10 =	vld [tilespmem:s14+$0xFFFFFFA0]  }
0x33d: {  	v5 =	vadd.s32 v3, v5;
	v13 =	vld [tilespmem:s26+$0x30];
	[tilespmem:v7+s24+$0x0] =	vst.idx.msk $0xffff, v8  }
0x33e: {  	v4 =	vadd.s32 v3, v4;
	v7 =	vld [tilespmem:s26+$0xFFFFFFB0];
	[tilespmem:v16+s24+$0x0] =	vst.idx.msk $0xffff, v15  }
0x33f: {  	v15 =	vadd.s32 v3, v18;
	v8 =	vld [tilespmem:s14+$0x70];
	[tilespmem:v14+s24+$0x0] =	vst.idx.msk $0xffff, v11  }
0x340: {  	v14 =	vadd.s32 v3, v19;
	v11 =	vld [tilespmem:s14+$0xFFFFFFF0];
	[tilespmem:v9+s24+$0x0] =	vst.idx.msk $0xffff, v6  }
0x341: {  	[tilespmem:v12+s24+$0x0] =	vst.idx.msk $0xffff, v10;
	v9 =	vadd.s32 v3, v20;
	v6 =	vld [tilespmem:s14+$0x30]  }
0x342: {  	[tilespmem:v5+s24+$0x0] =	vst.idx.msk $0xffff, v13;
	v10 =	vadd.s32 v3, v21;
	v5 =	vld [tilespmem:s14+$0xFFFFFFB0]  }
0x343: {  	[tilespmem:v4+s24+$0x0] =	vst.idx.msk $0xffff, v7  }
0x344: {  	[tilespmem:v15+s24+$0x0] =	vst.idx.msk $0xffff, v8  }
0x345: {  	[tilespmem:v14+s24+$0x0] =	vst.idx.msk $0xffff, v11  }
0x346: {  	[tilespmem:v9+s24+$0x0] =	vst.idx.msk $0xffff, v6  }
0x347: {  	s5 =	sadd.s32 @!p1 $0x400, s1;
	s15 =	simm.s32 @!p1 $0x7900;
	s14 =	simm.s32 @!p1 $0x80;
	[tilespmem:v10+s24+$0x0] =	vst.idx.msk $0xffff, v5  }
0x348: {  	[tilespmem:s15], [sflag:$0x4] =	stream.indirect.gather @!p1 [hbm4b:s4+s14], $0x40, s5, s14, $0xb8;
	[tilespmem:$0x16300] =	vst v63  }
0x349: {  	s14 =	sadd.s32 s16, s20  }
0x34a: {  	s26 =	sshrl.u32 s14, $0x3  }
0x34b: {  	s5 =	sadd.s32 s2, s26  }
0x34c: {  	[hbm4b:s5+s3] =	stream.linear.scatter [tilespmem:s24], [sflag:$0x9], $0x80, $0x38;
	[tilespmem:$0x16300] =	vst v63  }
0x34d: {  	s15 =	simm.s32 $0x11F88;
	s14 =	sadd.s32 $0x10, s5  }
0x34e: {  	[hbm4b:s14+s3] =	stream.linear.scatter [tilespmem:s15], [sflag:$0x9], $0x80, $0x38;
	[tilespmem:$0x16300] =	vst v63  }
0x34f: {  	s14 =	sadd.s32 $0x20, s5;
	s15 =	simm.s32 $0x12010  }
0x350: {  	[hbm4b:s14+s3] =	stream.linear.scatter [tilespmem:s15], [sflag:$0x9], $0x80, $0x38;
	[tilespmem:$0x16300] =	vst v63  }
0x351: {  	s14 =	sadd.s32 $0x30, s5;
	s15 =	simm.s32 $0x12098  }
0x352: {  	[hbm4b:s14+s3] =	stream.linear.scatter [tilespmem:s15], [sflag:$0x9], $0x80, $0x38;
	[tilespmem:$0x16300] =	vst v63  }
0x353: {  	s14 =	sadd.s32 $0x40, s5;
	s15 =	simm.s32 $0x12120  }
0x354: {  	[hbm4b:s14+s3] =	stream.linear.scatter [tilespmem:s15], [sflag:$0x9], $0x80, $0x38;
	[tilespmem:$0x16300] =	vst v63  }
0x355: {  	s14 =	sadd.s32 $0x50, s5;
	s15 =	simm.s32 $0x121A8  }
0x356: {  	[hbm4b:s14+s3] =	stream.linear.scatter [tilespmem:s15], [sflag:$0x9], $0x80, $0x38;
	[tilespmem:$0x16300] =	vst v63  }
0x357: {  	s14 =	sadd.s32 $0x60, s5;
	s15 =	simm.s32 $0x12230  }
0x358: {  	[hbm4b:s14+s3] =	stream.linear.scatter [tilespmem:s15], [sflag:$0x9], $0x80, $0x38;
	[tilespmem:$0x16300] =	vst v63  }
0x359: {  	s5 =	sadd.s32 $0x70, s5;
	s15 =	simm.s32 $0x122B8  }
0x35a: {  	[hbm4b:s5+s3] =	stream.linear.scatter [tilespmem:s15], [sflag:$0x9], $0x80, $0x38;
	[tilespmem:$0x16300] =	vst v63  }
0x35b: {  	s5 =	sadd.s32 s26, s7;
	s15 =	simm.s32 $0x12340  }
0x35c: {  	[hbm4b:s5+s3] =	stream.linear.scatter [tilespmem:s15], [sflag:$0x9], $0x80, $0x38;
	[tilespmem:$0x16300] =	vst v63  }
0x35d: {  	s14 =	sadd.s32 $0x10, s5;
	s15 =	simm.s32 $0x123C8  }
0x35e: {  	[hbm4b:s14+s3] =	stream.linear.scatter [tilespmem:s15], [sflag:$0x9], $0x80, $0x38;
	[tilespmem:$0x16300] =	vst v63  }
0x35f: {  	s14 =	sadd.s32 $0x20, s5;
	s15 =	simm.s32 $0x12450  }
0x360: {  	[hbm4b:s14+s3] =	stream.linear.scatter [tilespmem:s15], [sflag:$0x9], $0x80, $0x38;
	[tilespmem:$0x16300] =	vst v63  }
0x361: {  	s14 =	sadd.s32 $0x30, s5;
	s15 =	simm.s32 $0x124D8  }
0x362: {  	[hbm4b:s14+s3] =	stream.linear.scatter [tilespmem:s15], [sflag:$0x9], $0x80, $0x38;
	[tilespmem:$0x16300] =	vst v63  }
0x363: {  	s14 =	sadd.s32 $0x40, s5;
	s15 =	simm.s32 $0x12560  }
0x364: {  	[hbm4b:s14+s3] =	stream.linear.scatter [tilespmem:s15], [sflag:$0x9], $0x80, $0x38;
	[tilespmem:$0x16300] =	vst v63  }
0x365: {  	s14 =	sadd.s32 $0x50, s5;
	s15 =	simm.s32 $0x125E8  }
0x366: {  	[hbm4b:s14+s3] =	stream.linear.scatter [tilespmem:s15], [sflag:$0x9], $0x80, $0x38;
	[tilespmem:$0x16300] =	vst v63  }
0x367: {  	s14 =	sadd.s32 $0x60, s5;
	s15 =	simm.s32 $0x12670  }
0x368: {  	[hbm4b:s14+s3] =	stream.linear.scatter [tilespmem:s15], [sflag:$0x9], $0x80, $0x38;
	[tilespmem:$0x16300] =	vst v63  }
0x369: {  	s5 =	sadd.s32 $0x70, s5;
	s15 =	simm.s32 $0x126F8  }
0x36a: {  	[hbm4b:s5+s3] =	stream.linear.scatter [tilespmem:s15], [sflag:$0x9], $0x80, $0x38;
	[tilespmem:$0x16300] =	vst v63  }
0x36b: {  	s5 =	sadd.s32 s26, s8;
	s15 =	simm.s32 $0x12780  }
0x36c: {  	[hbm4b:s5+s3] =	stream.linear.scatter [tilespmem:s15], [sflag:$0x9], $0x80, $0x38;
	[tilespmem:$0x16300] =	vst v63  }
0x36d: {  	s14 =	sadd.s32 $0x10, s5;
	s15 =	simm.s32 $0x12808  }
0x36e: {  	[hbm4b:s14+s3] =	stream.linear.scatter [tilespmem:s15], [sflag:$0x9], $0x80, $0x38;
	[tilespmem:$0x16300] =	vst v63  }
0x36f: {  	s14 =	sadd.s32 $0x20, s5;
	s15 =	simm.s32 $0x12890  }
0x370: {  	[hbm4b:s14+s3] =	stream.linear.scatter [tilespmem:s15], [sflag:$0x9], $0x80, $0x38;
	[tilespmem:$0x16300] =	vst v63  }
0x371: {  	s14 =	sadd.s32 $0x30, s5;
	s15 =	simm.s32 $0x12918  }
0x372: {  	[hbm4b:s14+s3] =	stream.linear.scatter [tilespmem:s15], [sflag:$0x9], $0x80, $0x38;
	[tilespmem:$0x16300] =	vst v63  }
0x373: {  	s14 =	sadd.s32 $0x40, s5;
	s15 =	simm.s32 $0x129A0  }
0x374: {  	[hbm4b:s14+s3] =	stream.linear.scatter [tilespmem:s15], [sflag:$0x9], $0x80, $0x38;
	[tilespmem:$0x16300] =	vst v63  }
0x375: {  	s14 =	sadd.s32 $0x50, s5;
	s15 =	simm.s32 $0x12A28  }
0x376: {  	[hbm4b:s14+s3] =	stream.linear.scatter [tilespmem:s15], [sflag:$0x9], $0x80, $0x38;
	[tilespmem:$0x16300] =	vst v63  }
0x377: {  	s14 =	sadd.s32 $0x60, s5;
	s15 =	simm.s32 $0x12AB0  }
0x378: {  	[hbm4b:s14+s3] =	stream.linear.scatter [tilespmem:s15], [sflag:$0x9], $0x80, $0x38;
	[tilespmem:$0x16300] =	vst v63  }
0x379: {  	s5 =	sadd.s32 $0x70, s5;
	s15 =	simm.s32 $0x12B38  }
0x37a: {  	[hbm4b:s5+s3] =	stream.linear.scatter [tilespmem:s15], [sflag:$0x9], $0x80, $0x38;
	[tilespmem:$0x16300] =	vst v63  }
0x37b: {  	s5 =	sadd.s32 s26, s9;
	s15 =	simm.s32 $0x12BC0  }
0x37c: {  	[hbm4b:s5+s3] =	stream.linear.scatter [tilespmem:s15], [sflag:$0x9], $0x80, $0x38;
	[tilespmem:$0x16300] =	vst v63  }
0x37d: {  	s14 =	sadd.s32 $0x10, s5;
	s15 =	simm.s32 $0x12C48  }
0x37e: {  	[hbm4b:s14+s3] =	stream.linear.scatter [tilespmem:s15], [sflag:$0x9], $0x80, $0x38;
	[tilespmem:$0x16300] =	vst v63  }
0x37f: {  	s14 =	sadd.s32 $0x20, s5;
	s15 =	simm.s32 $0x12CD0  }
0x380: {  	[hbm4b:s14+s3] =	stream.linear.scatter [tilespmem:s15], [sflag:$0x9], $0x80, $0x38;
	[tilespmem:$0x16300] =	vst v63  }
0x381: {  	s14 =	sadd.s32 $0x30, s5;
	s15 =	simm.s32 $0x12D58  }
0x382: {  	[hbm4b:s14+s3] =	stream.linear.scatter [tilespmem:s15], [sflag:$0x9], $0x80, $0x38;
	[tilespmem:$0x16300] =	vst v63  }
0x383: {  	s14 =	sadd.s32 $0x40, s5;
	s15 =	simm.s32 $0x12DE0  }
0x384: {  	[hbm4b:s14+s3] =	stream.linear.scatter [tilespmem:s15], [sflag:$0x9], $0x80, $0x38;
	[tilespmem:$0x16300] =	vst v63  }
0x385: {  	s14 =	sadd.s32 $0x50, s5;
	s15 =	simm.s32 $0x12E68  }
0x386: {  	[hbm4b:s14+s3] =	stream.linear.scatter [tilespmem:s15], [sflag:$0x9], $0x80, $0x38;
	[tilespmem:$0x16300] =	vst v63  }
0x387: {  	s14 =	sadd.s32 $0x60, s5;
	s15 =	simm.s32 $0x12EF0  }
0x388: {  	[hbm4b:s14+s3] =	stream.linear.scatter [tilespmem:s15], [sflag:$0x9], $0x80, $0x38;
	[tilespmem:$0x16300] =	vst v63  }
0x389: {  	s5 =	sadd.s32 $0x70, s5;
	s15 =	simm.s32 $0x12F78  }
0x38a: {  	[hbm4b:s5+s3] =	stream.linear.scatter [tilespmem:s15], [sflag:$0x9], $0x80, $0x38;
	[tilespmem:$0x16300] =	vst v63  }
0x38b: {  	s5 =	sadd.s32 s26, s10;
	s15 =	simm.s32 $0x13000  }
0x38c: {  	[hbm4b:s5+s3] =	stream.linear.scatter [tilespmem:s15], [sflag:$0x9], $0x80, $0x38;
	[tilespmem:$0x16300] =	vst v63  }
0x38d: {  	s14 =	sadd.s32 $0x10, s5;
	s15 =	simm.s32 $0x13088  }
0x38e: {  	[hbm4b:s14+s3] =	stream.linear.scatter [tilespmem:s15], [sflag:$0x9], $0x80, $0x38;
	[tilespmem:$0x16300] =	vst v63  }
0x38f: {  	s14 =	sadd.s32 $0x20, s5;
	s15 =	simm.s32 $0x13110  }
0x390: {  	[hbm4b:s14+s3] =	stream.linear.scatter [tilespmem:s15], [sflag:$0x9], $0x80, $0x38;
	[tilespmem:$0x16300] =	vst v63  }
0x391: {  	s14 =	sadd.s32 $0x30, s5;
	s15 =	simm.s32 $0x13198  }
0x392: {  	[hbm4b:s14+s3] =	stream.linear.scatter [tilespmem:s15], [sflag:$0x9], $0x80, $0x38;
	[tilespmem:$0x16300] =	vst v63  }
0x393: {  	s14 =	sadd.s32 $0x40, s5;
	s15 =	simm.s32 $0x13220  }
0x394: {  	[hbm4b:s14+s3] =	stream.linear.scatter [tilespmem:s15], [sflag:$0x9], $0x80, $0x38;
	[tilespmem:$0x16300] =	vst v63  }
0x395: {  	s14 =	sadd.s32 $0x50, s5;
	s15 =	simm.s32 $0x132A8  }
0x396: {  	[hbm4b:s14+s3] =	stream.linear.scatter [tilespmem:s15], [sflag:$0x9], $0x80, $0x38;
	[tilespmem:$0x16300] =	vst v63  }
0x397: {  	s14 =	sadd.s32 $0x60, s5;
	s15 =	simm.s32 $0x13330  }
0x398: {  	[hbm4b:s14+s3] =	stream.linear.scatter [tilespmem:s15], [sflag:$0x9], $0x80, $0x38;
	[tilespmem:$0x16300] =	vst v63  }
0x399: {  	s5 =	sadd.s32 $0x70, s5;
	s15 =	simm.s32 $0x133B8  }
0x39a: {  	[hbm4b:s5+s3] =	stream.linear.scatter [tilespmem:s15], [sflag:$0x9], $0x80, $0x38;
	[tilespmem:$0x16300] =	vst v63  }
0x39b: {  	s5 =	sadd.s32 s26, s11;
	s15 =	simm.s32 $0x13440  }
0x39c: {  	[hbm4b:s5+s3] =	stream.linear.scatter [tilespmem:s15], [sflag:$0x9], $0x80, $0x38;
	[tilespmem:$0x16300] =	vst v63  }
0x39d: {  	s14 =	sadd.s32 $0x10, s5;
	s15 =	simm.s32 $0x134C8  }
0x39e: {  	[hbm4b:s14+s3] =	stream.linear.scatter [tilespmem:s15], [sflag:$0x9], $0x80, $0x38;
	[tilespmem:$0x16300] =	vst v63  }
0x39f: {  	s14 =	sadd.s32 $0x20, s5;
	s15 =	simm.s32 $0x13550  }
0x3a0: {  	[hbm4b:s14+s3] =	stream.linear.scatter [tilespmem:s15], [sflag:$0x9], $0x80, $0x38;
	[tilespmem:$0x16300] =	vst v63  }
0x3a1: {  	s14 =	sadd.s32 $0x30, s5;
	s15 =	simm.s32 $0x135D8  }
0x3a2: {  	[hbm4b:s14+s3] =	stream.linear.scatter [tilespmem:s15], [sflag:$0x9], $0x80, $0x38;
	[tilespmem:$0x16300] =	vst v63  }
0x3a3: {  	s14 =	sadd.s32 $0x40, s5;
	s15 =	simm.s32 $0x13660  }
0x3a4: {  	[hbm4b:s14+s3] =	stream.linear.scatter [tilespmem:s15], [sflag:$0x9], $0x80, $0x38;
	[tilespmem:$0x16300] =	vst v63  }
0x3a5: {  	s14 =	sadd.s32 $0x50, s5;
	s15 =	simm.s32 $0x136E8  }
0x3a6: {  	[hbm4b:s14+s3] =	stream.linear.scatter [tilespmem:s15], [sflag:$0x9], $0x80, $0x38;
	[tilespmem:$0x16300] =	vst v63  }
0x3a7: {  	s14 =	sadd.s32 $0x60, s5;
	s15 =	simm.s32 $0x13770  }
0x3a8: {  	[hbm4b:s14+s3] =	stream.linear.scatter [tilespmem:s15], [sflag:$0x9], $0x80, $0x38;
	[tilespmem:$0x16300] =	vst v63  }
0x3a9: {  	s5 =	sadd.s32 $0x70, s5;
	s15 =	simm.s32 $0x137F8  }
0x3aa: {  	[hbm4b:s5+s3] =	stream.linear.scatter [tilespmem:s15], [sflag:$0x9], $0x80, $0x38;
	[tilespmem:$0x16300] =	vst v63  }
0x3ab: {  	s5 =	sadd.s32 s26, s12;
	s15 =	simm.s32 $0x13880  }
0x3ac: {  	[hbm4b:s5+s3] =	stream.linear.scatter [tilespmem:s15], [sflag:$0x9], $0x80, $0x38;
	[tilespmem:$0x16300] =	vst v63  }
0x3ad: {  	s14 =	sadd.s32 $0x10, s5;
	s15 =	simm.s32 $0x13908  }
0x3ae: {  	[hbm4b:s14+s3] =	stream.linear.scatter [tilespmem:s15], [sflag:$0x9], $0x80, $0x38;
	[tilespmem:$0x16300] =	vst v63  }
0x3af: {  	s14 =	sadd.s32 $0x20, s5;
	s15 =	simm.s32 $0x13990  }
0x3b0: {  	[hbm4b:s14+s3] =	stream.linear.scatter [tilespmem:s15], [sflag:$0x9], $0x80, $0x38;
	[tilespmem:$0x16300] =	vst v63  }
0x3b1: {  	s14 =	sadd.s32 $0x30, s5;
	s15 =	simm.s32 $0x13A18  }
0x3b2: {  	[hbm4b:s14+s3] =	stream.linear.scatter [tilespmem:s15], [sflag:$0x9], $0x80, $0x38;
	[tilespmem:$0x16300] =	vst v63  }
0x3b3: {  	s14 =	sadd.s32 $0x40, s5;
	s15 =	simm.s32 $0x13AA0  }
0x3b4: {  	[hbm4b:s14+s3] =	stream.linear.scatter [tilespmem:s15], [sflag:$0x9], $0x80, $0x38;
	[tilespmem:$0x16300] =	vst v63  }
0x3b5: {  	s14 =	sadd.s32 $0x50, s5;
	s15 =	simm.s32 $0x13B28  }
0x3b6: {  	[hbm4b:s14+s3] =	stream.linear.scatter [tilespmem:s15], [sflag:$0x9], $0x80, $0x38;
	[tilespmem:$0x16300] =	vst v63  }
0x3b7: {  	s14 =	sadd.s32 $0x60, s5;
	s15 =	simm.s32 $0x13BB0  }
0x3b8: {  	[hbm4b:s14+s3] =	stream.linear.scatter [tilespmem:s15], [sflag:$0x9], $0x80, $0x38;
	[tilespmem:$0x16300] =	vst v63  }
0x3b9: {  	s5 =	sadd.s32 $0x70, s5;
	s15 =	simm.s32 $0x13C38  }
0x3ba: {  	[hbm4b:s5+s3] =	stream.linear.scatter [tilespmem:s15], [sflag:$0x9], $0x80, $0x38;
	[tilespmem:$0x16300] =	vst v63  }
0x3bb: {  	s5 =	sadd.s32 s26, s13;
	s26 =	simm.s32 $0x13CC0  }
0x3bc: {  	[hbm4b:s5+s3] =	stream.linear.scatter [tilespmem:s26], [sflag:$0x9], $0x80, $0x38;
	[tilespmem:$0x16300] =	vst v63  }
0x3bd: {  	s15 =	sadd.s32 $0x10, s5;
	s26 =	simm.s32 $0x13D48  }
0x3be: {  	[hbm4b:s15+s3] =	stream.linear.scatter [tilespmem:s26], [sflag:$0x9], $0x80, $0x38;
	[tilespmem:$0x16300] =	vst v63  }
0x3bf: {  	s15 =	sadd.s32 $0x20, s5;
	s26 =	simm.s32 $0x13DD0  }
0x3c0: {  	[hbm4b:s15+s3] =	stream.linear.scatter [tilespmem:s26], [sflag:$0x9], $0x80, $0x38;
	[tilespmem:$0x16300] =	vst v63  }
0x3c1: {  	s15 =	sadd.s32 $0x30, s5;
	s26 =	simm.s32 $0x13E58  }
0x3c2: {  	[hbm4b:s15+s3] =	stream.linear.scatter [tilespmem:s26], [sflag:$0x9], $0x80, $0x38;
	[tilespmem:$0x16300] =	vst v63  }
0x3c3: {  	s15 =	sadd.s32 $0x40, s5;
	s26 =	simm.s32 $0x13EE0  }
0x3c4: {  	[hbm4b:s15+s3] =	stream.linear.scatter [tilespmem:s26], [sflag:$0x9], $0x80, $0x38;
	[tilespmem:$0x16300] =	vst v63  }
0x3c5: {  	s15 =	sadd.s32 $0x50, s5;
	s26 =	simm.s32 $0x13F68  }
0x3c6: {  	[hbm4b:s15+s3] =	stream.linear.scatter [tilespmem:s26], [sflag:$0x9], $0x80, $0x38;
	[tilespmem:$0x16300] =	vst v63  }
0x3c7: {  	s15 =	sadd.s32 $0x60, s5;
	s26 =	simm.s32 $0x13FF0  }
0x3c8: {  	[hbm4b:s15+s3] =	stream.linear.scatter [tilespmem:s26], [sflag:$0x9], $0x80, $0x38;
	[tilespmem:$0x16300] =	vst v63  }
0x3c9: {  	s5 =	sadd.s32 $0x70, s5;
	s15 =	simm.s32 $0x14078  }
0x3ca: {  	[hbm4b:s5+s3] =	stream.linear.scatter [tilespmem:s15], [sflag:$0x9], $0x80, $0x38;
	[tilespmem:$0x16300] =	vst v63  }
0x3cb: {  	_ =	swait.ge [sflag:s22], $0x2000  }
0x3cc: {  	[sflag:s22] =	ssyncset.done $0x0  }
0x3cd: {  	s5 =	simm.s32 @!p0 $0xA;
	[sflag:s22] =	ssyncadd.s32 $0xFFFFE000  }
0x3ce: {  	_ =	swait.ge @!p0 [sflag:s5], $0x400  }
0x3cf: {  	[sflag:s5] =	ssyncset.done @!p0 $0x0  }
0x3d0: {  	[sflag:s5] =	ssyncadd.s32 @!p0 $0xFFFFFC00  }
0x3d1: {  	_ =	swait.ge @!p0 [sflag:s5], $0x400  }
0x3d2: {  	[sflag:s5] =	ssyncset.done @!p0 $0x0  }
0x3d3: {  	[sflag:s5] =	ssyncadd.s32 @!p0 $0xFFFFFC00  }
0x3d4: {  	_ =	swait.ge @!p0 [sflag:s5], $0x400  }
0x3d5: {  	[sflag:s5] =	ssyncset.done @!p0 $0x0  }
0x3d6: {  	[sflag:s5] =	ssyncadd.s32 @!p0 $0xFFFFFC00  }
0x3d7: {  	_ =	swait.ge @!p0 [sflag:s5], $0x400  }
0x3d8: {  	[sflag:s5] =	ssyncset.done @!p0 $0x0  }
0x3d9: {  	[sflag:s5] =	ssyncadd.s32 @!p0 $0xFFFFFC00  }
0x3da: {  	_ =	swait.ge @!p0 [sflag:s5], $0x400  }
0x3db: {  	[sflag:s5] =	ssyncset.done @!p0 $0x0  }
0x3dc: {  	[sflag:s5] =	ssyncadd.s32 @!p0 $0xFFFFFC00  }
0x3dd: {  	_ =	swait.ge @!p0 [sflag:s5], $0x400  }
0x3de: {  	[sflag:s5] =	ssyncset.done @!p0 $0x0  }
0x3df: {  	[sflag:s5] =	ssyncadd.s32 @!p0 $0xFFFFFC00  }
0x3e0: {  	_ =	swait.ge @!p0 [sflag:s5], $0x400  }
0x3e1: {  	[sflag:s5] =	ssyncset.done @!p0 $0x0  }
0x3e2: {  	[sflag:s5] =	ssyncadd.s32 @!p0 $0xFFFFFC00  }
0x3e3: {  	s26 =	simm.s32 $0x3;
	_ =	swait.ge @!p0 [sflag:s5], $0x400  }
0x3e4: {  	v4 =	vmov s26;
	s15 =	simm.s32 $0x0;
	[sflag:s5] =	ssyncset.done @!p0 $0x0  }
0x3e5: {  	s30 =	simm.s32 $0x9980;
	s26 =	simm.s32 $0x1;
	v5 =	vand.u32 $0x7F, v4;
	v4 =	vmov s15;
	[sflag:s5] =	ssyncadd.s32 @!p0 $0xFFFFFC00  }
0x3e6: {  	v8 =	vadd.s32 v0, v5;
	v6 =	vand.u32 $0x7C, v4;
	v4 =	vmov s26;
	v7 =	vld [tilespmem:s30+$0x40]  }
0x3e7: {  	v10 =	vadd.s32 v0, v6;
	v11 =	vand.u32 $0x7D, v4;
	v9 =	vld [tilespmem:s30+$0xFFFFFF80]  }
0x3e8: {  	s14 =	simm.s32 $0x2;
	v12 =	vadd.s32 v0, v11;
	v4 =	vld [tilespmem:s30+$0xFFFFFFC0]  }
0x3e9: {  	v13 =	vmov s14  }
0x3ea: {  	v13 =	vand.u32 $0x7E, v13  }
0x3eb: {  	v15 =	vadd.s32 v0, v13;
	v14 =	vld [tilespmem:s30+$0x0];
	[tilespmem:v8+s25+$0x0] =	vst.idx.msk $0xffff, v7  }
0x3ec: {  	v8 =	vadd.s32 v1, v5;
	[tilespmem:v10+s25+$0x0] =	vst.idx.msk $0xffff, v9;
	v7 =	vld [tilespmem:s30+$0x50]  }
0x3ed: {  	v10 =	vadd.s32 v1, v6;
	[tilespmem:v12+s25+$0x0] =	vst.idx.msk $0xffff, v4;
	v9 =	vld [tilespmem:s30+$0xFFFFFF90]  }
0x3ee: {  	v12 =	vadd.s32 v1, v11;
	v4 =	vld [tilespmem:s30+$0xFFFFFFD0];
	_ =	sdelay $0x1  }
0x3ef: {  	[tilespmem:v15+s25+$0x0] =	vst.idx.msk $0xffff, v14  }
0x3f0: {  	v16 =	vadd.s32 v1, v13;
	v15 =	vld [tilespmem:s30+$0x10];
	[tilespmem:v8+s25+$0x0] =	vst.idx.msk $0xffff, v7  }
0x3f1: {  	s15 =	simm.s32 $0x7;
	v14 =	vadd.s32 v2, v5;
	[tilespmem:v10+s25+$0x0] =	vst.idx.msk $0xffff, v9;
	v7 =	vld [tilespmem:s30+$0x60]  }
0x3f2: {  	s26 =	simm.s32 $0x4;
	v10 =	vadd.s32 v2, v6;
	v8 =	vmov s15;
	[tilespmem:v12+s25+$0x0] =	vst.idx.msk $0xffff, v4;
	v9 =	vld [tilespmem:s30+$0xFFFFFFA0]  }
0x3f3: {  	v17 =	vadd.s32 v2, v11;
	v4 =	vmov s26;
	s26 =	simm.s32 $0x9A80;
	v8 =	vand.u32 $0x7F, v8;
	v12 =	vld [tilespmem:s30+$0xFFFFFFE0]  }
0x3f4: {  	v18 =	vld [tilespmem:s26+$0x40];
	v19 =	vadd.s32 v0, v8  }
0x3f5: {  	s14 =	simm.s32 $0x5;
	[tilespmem:v16+s25+$0x0] =	vst.idx.msk $0xffff, v15  }
0x3f6: {  	v62 =	vmov s14;
	v4 =	vand.u32 $0x7C, v4;
	[tilespmem:v14+s25+$0x0] =	vst.idx.msk $0xffff, v7  }
0x3f7: {  	s15 =	simm.s32 $0x6;
	v20 =	vld [tilespmem:s26+$0xFFFFFF80];
	v61 =	vadd.s32 v0, v4;
	v7 =	vand.u32 $0x7D, v62;
	[tilespmem:v10+s25+$0x0] =	vst.idx.msk $0xffff, v9  }
0x3f8: {  	v14 =	vmov s15;
	v9 =	vld [tilespmem:s26+$0xFFFFFFC0];
	[tilespmem:v17+s25+$0x0] =	vst.idx.msk $0xffff, v12;
	v10 =	vadd.s32 v0, v7  }
0x3f9: {  	v16 =	vadd.s32 v3, v5;
	v12 =	vld [tilespmem:s30+$0x20];
	v5 =	vand.u32 $0x7E, v14;
	[tilespmem:v19+s25+$0x0] =	vst.idx.msk $0xffff, v18;
	v18 =	vadd.s32 v2, v13  }
0x3fa: {  	v14 =	vld [tilespmem:s26+$0x0];
	v63 =	vadd.s32 v0, v5  }
0x3fb: {  	v15 =	vld [tilespmem:s30+$0x70]  }
0x3fc: {  	[tilespmem:v61+s25+$0x0] =	vst.idx.msk $0xffff, v20;
	v20 =	vadd.s32 v1, v8;
	v19 =	vld [tilespmem:s26+$0x50]  }
0x3fd: {  	v23 =	vadd.s32 v1, v4;
	v21 =	vld [tilespmem:s26+$0xFFFFFF90];
	[tilespmem:v10+s25+$0x0] =	vst.idx.msk $0xffff, v9  }
0x3fe: {  	v25 =	vadd.s32 v3, v11;
	v24 =	vld [tilespmem:s30+$0xFFFFFFF0];
	[tilespmem:v18+s25+$0x0] =	vst.idx.msk $0xffff, v12  }
0x3ff: {  	v18 =	vadd.s32 v1, v7;
	v17 =	vld [tilespmem:s26+$0xFFFFFFD0];
	[tilespmem:v63+s25+$0x0] =	vst.idx.msk $0xffff, v14  }
0x400: {  	[tilespmem:v16+s25+$0x0] =	vst.idx.msk $0xffff, v15;
	v16 =	vadd.s32 v1, v5;
	v14 =	vld [tilespmem:s26+$0x10]  }
0x401: {  	v15 =	vadd.s32 v3, v13;
	[tilespmem:v20+s25+$0x0] =	vst.idx.msk $0xffff, v19;
	v11 =	vld [tilespmem:s30+$0x30]  }
0x402: {  	v12 =	vadd.s32 v2, v8;
	[tilespmem:v23+s25+$0x0] =	vst.idx.msk $0xffff, v21;
	v9 =	vld [tilespmem:s26+$0x60]  }
0x403: {  	s14 =	simm.s32 $0xC;
	s5 =	simm.s32 $0x8;
	s15 =	simm.s32 $0xB;
	v13 =	vadd.s32 v2, v4;
	[tilespmem:v25+s25+$0x0] =	vst.idx.msk $0xffff, v24;
	v10 =	vld [tilespmem:s26+$0xFFFFFFA0]  }
.LBB2_11:
0x404: {  	p0 =	slt.u32 s14, $0x7C;
	v19 =	vmov s15;
	[tilespmem:v18+s25+$0x0] =	vst.idx.msk $0xffff, v17;
	v17 =	vld [tilespmem:s30+$0xFFFFFFB0];
	v18 =	vadd.s32 v3, v6;
	v6 =	vmov v4;
	s30 =	smov.u32 s26  }
0x405: {  	v4 =	vmov s5;
	v21 =	vadd.s32 v2, v7;
	s26 =	sadd.s32 $0x100, s26;
	v19 =	vand.u32 $0x7F, v19;
	v20 =	vld [tilespmem:s30+$0xFFFFFFE0];
	[tilespmem:v16+s25+$0x0] =	vst.idx.msk $0xffff, v14  }
0x406: {  	s15 =	sadd.s32 $0x1, s5;
	v4 =	vand.u32 $0x7C, v4;
	v14 =	vld [tilespmem:s26+$0x40];
	v16 =	vadd.s32 v0, v19;
	[tilespmem:v15+s25+$0x0] =	vst.idx.msk $0xffff, v11  }
0x407: {  	v22 =	vmov s15;
	s15 =	sadd.s32 $0x2, s5;
	s5 =	smov.u32 s14;
	v15 =	vadd.s32 v0, v4;
	v11 =	vld [tilespmem:s26+$0xFFFFFF80];
	[tilespmem:v12+s25+$0x0] =	vst.idx.msk $0xffff, v9  }
0x408: {  	v9 =	vand.u32 $0x7D, v22;
	v12 =	vmov s15;
	[tilespmem:v13+s25+$0x0] =	vst.idx.msk $0xffff, v10;
	v10 =	vld [tilespmem:s30+$0x70];
	v13 =	vadd.s32 v3, v8;
	v8 =	vmovc v19  }
0x409: {  	v22 =	vadd.s32 v0, v9;
	v12 =	vand.u32 $0x7E, v12;
	v19 =	vld [tilespmem:s26+$0xFFFFFFC0];
	[tilespmem:v18+s25+$0x0] =	vst.idx.msk $0xffff, v17  }
0x40a: {  	v24 =	vadd.s32 v0, v12;
	v23 =	vld [tilespmem:s26+$0x0];
	[tilespmem:v21+s25+$0x0] =	vst.idx.msk $0xffff, v20  }
0x40b: {  	v21 =	vadd.s32 v2, v5;
	[tilespmem:v16+s25+$0x0] =	vst.idx.msk $0xffff, v14;
	v20 =	vld [tilespmem:s30+$0x20]  }
0x40c: {  	[tilespmem:v15+s25+$0x0] =	vst.idx.msk $0xffff, v11;
	v11 =	vld [tilespmem:s26+$0x50];
	v15 =	vadd.s32 v1, v8  }
0x40d: {  	v26 =	vadd.s32 v1, v4;
	v25 =	vld [tilespmem:s26+$0xFFFFFF90];
	[tilespmem:v13+s25+$0x0] =	vst.idx.msk $0xffff, v10  }
0x40e: {  	[tilespmem:v22+s25+$0x0] =	vst.idx.msk $0xffff, v19;
	v19 =	vld [tilespmem:s30+$0xFFFFFFF0];
	v22 =	vadd.s32 v3, v7;
	v7 =	vmov v9  }
.Ltmp4:
0x40f: {  	v17 =	vld [tilespmem:s26+$0xFFFFFFD0];
	v18 =	vadd.s32 v1, v7;
	[tilespmem:v24+s25+$0x0] =	vst.idx.msk $0xffff, v23;
	(pc) =	sbr.rel @p0 .LBB2_11-.Ltmp4, $4  }
0x410: {  	v16 =	vadd.s32 v1, v12;
	v14 =	vld [tilespmem:s26+$0x10];
	[tilespmem:v21+s25+$0x0] =	vst.idx.msk $0xffff, v20  }
0x411: {  	[tilespmem:v15+s25+$0x0] =	vst.idx.msk $0xffff, v11;
	v11 =	vld [tilespmem:s30+$0x30];
	v15 =	vadd.s32 v3, v5;
	v5 =	vmov v12  }
0x412: {  	v12 =	vadd.s32 v2, v8;
	[tilespmem:v26+s25+$0x0] =	vst.idx.msk $0xffff, v25;
	v9 =	vld [tilespmem:s26+$0x60]  }
0x413: {  	s14 =	sadd.s32 $0x4, s14;
	s15 =	sadd.s32 $0x3, s5;
	v13 =	vadd.s32 v2, v4;
	v10 =	vld [tilespmem:s26+$0xFFFFFFA0];
	[tilespmem:v22+s25+$0x0] =	vst.idx.msk $0xffff, v19  }
0x414: {  	_ =	sdelay $0x2  }
0x415: {  	v19 =	vmov s15  }
0x416: {  	s15 =	sadd.s32 $0x1, s5;
	[tilespmem:v18+s25+$0x0] =	vst.idx.msk $0xffff, v17;
	v30 =	vld [tilespmem:s30+$0xFFFFFFB0];
	v6 =	vadd.s32 v3, v6;
	s14 =	sadd.s32 $0x100, s26;
	v21 =	vmov s5;
	v31 =	vand.u32 $0x7F, v19  }
0x417: {  	s30 =	sadd.s32 $0x2, s5;
	v32 =	vmov s15;
	[tilespmem:v16+s25+$0x0] =	vst.idx.msk $0xffff, v14;
	v33 =	vld [tilespmem:s14+$0x40];
	v21 =	vand.u32 $0x7C, v21;
	v34 =	vadd.s32 v0, v31  }
0x418: {  	v20 =	vmov s30;
	v22 =	vld [tilespmem:s14+$0xFFFFFF80];
	v19 =	vand.u32 $0x7D, v32;
	[tilespmem:v15+s25+$0x0] =	vst.idx.msk $0xffff, v11;
	v39 =	vadd.s32 v0, v21  }
0x419: {  	v35 =	vld [tilespmem:s14+$0xFFFFFFC0];
	v20 =	vand.u32 $0x7E, v20;
	v36 =	vadd.s32 v0, v19;
	[tilespmem:v12+s25+$0x0] =	vst.idx.msk $0xffff, v9  }
0x41a: {  	v37 =	vld [tilespmem:s14+$0x0];
	v38 =	vadd.s32 v0, v20;
	[tilespmem:v13+s25+$0x0] =	vst.idx.msk $0xffff, v10  }
0x41b: {  	v41 =	vadd.s32 v2, v7;
	v40 =	vld [tilespmem:s26+$0xFFFFFFE0];
	[tilespmem:v6+s25+$0x0] =	vst.idx.msk $0xffff, v30  }
0x41c: {  	v49 =	vadd.s32 v2, v5;
	v48 =	vld [tilespmem:s26+$0x20];
	[tilespmem:v34+s25+$0x0] =	vst.idx.msk $0xffff, v33  }
0x41d: {  	v43 =	vadd.s32 v1, v31;
	[tilespmem:v39+s25+$0x0] =	vst.idx.msk $0xffff, v22;
	v14 =	vld [tilespmem:s14+$0x50]  }
0x41e: {  	v47 =	vadd.s32 v1, v21;
	[tilespmem:v36+s25+$0x0] =	vst.idx.msk $0xffff, v35;
	v46 =	vld [tilespmem:s14+$0xFFFFFF90]  }
0x41f: {  	v44 =	vadd.s32 v1, v19;
	[tilespmem:v38+s25+$0x0] =	vst.idx.msk $0xffff, v37;
	v11 =	vld [tilespmem:s14+$0xFFFFFFD0]  }
0x420: {  	v45 =	vadd.s32 v1, v20;
	[tilespmem:v41+s25+$0x0] =	vst.idx.msk $0xffff, v40;
	v9 =	vld [tilespmem:s14+$0x10]  }
0x421: {  	v8 =	vadd.s32 v3, v8;
	v42 =	vld [tilespmem:s26+$0x70];
	[tilespmem:v49+s25+$0x0] =	vst.idx.msk $0xffff, v48  }
0x422: {  	v5 =	vadd.s32 v3, v5;
	v13 =	vld [tilespmem:s26+$0x30];
	[tilespmem:v43+s25+$0x0] =	vst.idx.msk $0xffff, v14  }
0x423: {  	v52 =	vadd.s32 v2, v31;
	[tilespmem:v47+s25+$0x0] =	vst.idx.msk $0xffff, v46;
	v14 =	vld [tilespmem:s14+$0x60]  }
0x424: {  	v57 =	vadd.s32 v2, v21;
	[tilespmem:v44+s25+$0x0] =	vst.idx.msk $0xffff, v11;
	v56 =	vld [tilespmem:s14+$0xFFFFFFA0]  }
0x425: {  	v53 =	vadd.s32 v2, v19;
	[tilespmem:v45+s25+$0x0] =	vst.idx.msk $0xffff, v9;
	v11 =	vld [tilespmem:s14+$0xFFFFFFE0]  }
0x426: {  	v55 =	vadd.s32 v2, v20;
	[tilespmem:v8+s25+$0x0] =	vst.idx.msk $0xffff, v42;
	v54 =	vld [tilespmem:s14+$0x20]  }
0x427: {  	v4 =	vadd.s32 v3, v4;
	v58 =	vld [tilespmem:s26+$0xFFFFFFB0];
	[tilespmem:v5+s25+$0x0] =	vst.idx.msk $0xffff, v13  }
0x428: {  	v51 =	vadd.s32 v3, v7;
	v50 =	vld [tilespmem:s26+$0xFFFFFFF0];
	[tilespmem:v52+s25+$0x0] =	vst.idx.msk $0xffff, v14  }
0x429: {  	v60 =	vadd.s32 v3, v31;
	[tilespmem:v57+s25+$0x0] =	vst.idx.msk $0xffff, v56;
	v59 =	vld [tilespmem:s14+$0x70]  }
0x42a: {  	v63 =	vadd.s32 v3, v21;
	[tilespmem:v53+s25+$0x0] =	vst.idx.msk $0xffff, v11;
	v5 =	vld [tilespmem:s14+$0xFFFFFFB0]  }
0x42b: {  	v61 =	vadd.s32 v3, v19;
	[tilespmem:v55+s25+$0x0] =	vst.idx.msk $0xffff, v54;
	v11 =	vld [tilespmem:s14+$0xFFFFFFF0]  }
0x42c: {  	v62 =	vadd.s32 v3, v20;
	[tilespmem:v4+s25+$0x0] =	vst.idx.msk $0xffff, v58;
	v6 =	vld [tilespmem:s14+$0x30]  }
0x42d: {  	[tilespmem:v51+s25+$0x0] =	vst.idx.msk $0xffff, v50  }
0x42e: {  	[tilespmem:v60+s25+$0x0] =	vst.idx.msk $0xffff, v59  }
0x42f: {  	[tilespmem:v63+s25+$0x0] =	vst.idx.msk $0xffff, v5  }
0x430: {  	s1 =	sadd.s32 @!p1 $0x480, s1;
	[tilespmem:v61+s25+$0x0] =	vst.idx.msk $0xffff, v11  }
0x431: {  	s5 =	simm.s32 @!p1 $0x80;
	s20 =	sadd.s32 s17, s20;
	s14 =	simm.s32 @!p1 $0x9900;
	[tilespmem:v62+s25+$0x0] =	vst.idx.msk $0xffff, v6  }
0x432: {  	[tilespmem:s14], [sflag:$0x5] =	stream.indirect.gather @!p1 [hbm4b:s4+s5], $0x40, s1, s5, $0xb8;
	[tilespmem:$0x16300] =	vst v63  }
0x433: {  	s1 =	sshrl.u32 s20, $0x3  }
0x434: {  	s5 =	sadd.s32 s2, s1  }
0x435: {  	[hbm4b:s5+s3] =	stream.linear.scatter [tilespmem:s25], [sflag:$0xA], $0x80, $0x38;
	[tilespmem:$0x16300] =	vst v63  }
0x436: {  	s30 =	simm.s32 $0x14188;
	s26 =	sadd.s32 $0x10, s5  }
0x437: {  	[hbm4b:s26+s3] =	stream.linear.scatter [tilespmem:s30], [sflag:$0xA], $0x80, $0x38;
	[tilespmem:$0x16300] =	vst v63  }
0x438: {  	s20 =	simm.s32 $0x14210;
	s15 =	sadd.s32 $0x20, s5  }
0x439: {  	[hbm4b:s15+s3] =	stream.linear.scatter [tilespmem:s20], [sflag:$0xA], $0x80, $0x38;
	[tilespmem:$0x16300] =	vst v63  }
0x43a: {  	s26 =	sadd.s32 $0x30, s5;
	s30 =	simm.s32 $0x14298  }
0x43b: {  	[hbm4b:s26+s3] =	stream.linear.scatter [tilespmem:s30], [sflag:$0xA], $0x80, $0x38;
	[tilespmem:$0x16300] =	vst v63  }
0x43c: {  	s15 =	sadd.s32 $0x40, s5;
	s20 =	simm.s32 $0x14320  }
0x43d: {  	[hbm4b:s15+s3] =	stream.linear.scatter [tilespmem:s20], [sflag:$0xA], $0x80, $0x38;
	[tilespmem:$0x16300] =	vst v63  }
0x43e: {  	s26 =	sadd.s32 $0x50, s5;
	s30 =	simm.s32 $0x143A8  }
0x43f: {  	[hbm4b:s26+s3] =	stream.linear.scatter [tilespmem:s30], [sflag:$0xA], $0x80, $0x38;
	[tilespmem:$0x16300] =	vst v63  }
0x440: {  	s15 =	sadd.s32 $0x60, s5;
	s20 =	simm.s32 $0x14430  }
0x441: {  	[hbm4b:s15+s3] =	stream.linear.scatter [tilespmem:s20], [sflag:$0xA], $0x80, $0x38;
	[tilespmem:$0x16300] =	vst v63  }
0x442: {  	s5 =	sadd.s32 $0x70, s5;
	s26 =	simm.s32 $0x144B8  }
0x443: {  	[hbm4b:s5+s3] =	stream.linear.scatter [tilespmem:s26], [sflag:$0xA], $0x80, $0x38;
	[tilespmem:$0x16300] =	vst v63  }
0x444: {  	s30 =	simm.s32 $0x14540;
	s5 =	sadd.s32 s1, s7  }
0x445: {  	[hbm4b:s5+s3] =	stream.linear.scatter [tilespmem:s30], [sflag:$0xA], $0x80, $0x38;
	[tilespmem:$0x16300] =	vst v63  }
0x446: {  	s20 =	simm.s32 $0x145C8;
	s15 =	sadd.s32 $0x10, s5  }
0x447: {  	[hbm4b:s15+s3] =	stream.linear.scatter [tilespmem:s20], [sflag:$0xA], $0x80, $0x38;
	[tilespmem:$0x16300] =	vst v63  }
0x448: {  	s26 =	sadd.s32 $0x20, s5;
	s30 =	simm.s32 $0x14650  }
0x449: {  	[hbm4b:s26+s3] =	stream.linear.scatter [tilespmem:s30], [sflag:$0xA], $0x80, $0x38;
	[tilespmem:$0x16300] =	vst v63  }
0x44a: {  	s15 =	sadd.s32 $0x30, s5;
	s20 =	simm.s32 $0x146D8  }
0x44b: {  	[hbm4b:s15+s3] =	stream.linear.scatter [tilespmem:s20], [sflag:$0xA], $0x80, $0x38;
	[tilespmem:$0x16300] =	vst v63  }
0x44c: {  	s26 =	sadd.s32 $0x40, s5;
	s30 =	simm.s32 $0x14760  }
0x44d: {  	[hbm4b:s26+s3] =	stream.linear.scatter [tilespmem:s30], [sflag:$0xA], $0x80, $0x38;
	[tilespmem:$0x16300] =	vst v63  }
0x44e: {  	s15 =	sadd.s32 $0x50, s5;
	s20 =	simm.s32 $0x147E8  }
0x44f: {  	[hbm4b:s15+s3] =	stream.linear.scatter [tilespmem:s20], [sflag:$0xA], $0x80, $0x38;
	[tilespmem:$0x16300] =	vst v63  }
0x450: {  	s26 =	sadd.s32 $0x60, s5;
	s30 =	simm.s32 $0x14870  }
0x451: {  	[hbm4b:s26+s3] =	stream.linear.scatter [tilespmem:s30], [sflag:$0xA], $0x80, $0x38;
	[tilespmem:$0x16300] =	vst v63  }
0x452: {  	s5 =	sadd.s32 $0x70, s5;
	s15 =	simm.s32 $0x148F8  }
0x453: {  	[hbm4b:s5+s3] =	stream.linear.scatter [tilespmem:s15], [sflag:$0xA], $0x80, $0x38;
	[tilespmem:$0x16300] =	vst v63  }
0x454: {  	s20 =	simm.s32 $0x14980;
	s5 =	sadd.s32 s1, s8  }
0x455: {  	[hbm4b:s5+s3] =	stream.linear.scatter [tilespmem:s20], [sflag:$0xA], $0x80, $0x38;
	[tilespmem:$0x16300] =	vst v63  }
0x456: {  	s30 =	simm.s32 $0x14A08;
	s26 =	sadd.s32 $0x10, s5  }
0x457: {  	[hbm4b:s26+s3] =	stream.linear.scatter [tilespmem:s30], [sflag:$0xA], $0x80, $0x38;
	[tilespmem:$0x16300] =	vst v63  }
0x458: {  	s15 =	sadd.s32 $0x20, s5;
	s20 =	simm.s32 $0x14A90  }
0x459: {  	[hbm4b:s15+s3] =	stream.linear.scatter [tilespmem:s20], [sflag:$0xA], $0x80, $0x38;
	[tilespmem:$0x16300] =	vst v63  }
0x45a: {  	s26 =	sadd.s32 $0x30, s5;
	s30 =	simm.s32 $0x14B18  }
0x45b: {  	[hbm4b:s26+s3] =	stream.linear.scatter [tilespmem:s30], [sflag:$0xA], $0x80, $0x38;
	[tilespmem:$0x16300] =	vst v63  }
0x45c: {  	s15 =	sadd.s32 $0x40, s5;
	s20 =	simm.s32 $0x14BA0  }
0x45d: {  	[hbm4b:s15+s3] =	stream.linear.scatter [tilespmem:s20], [sflag:$0xA], $0x80, $0x38;
	[tilespmem:$0x16300] =	vst v63  }
0x45e: {  	s26 =	sadd.s32 $0x50, s5;
	s30 =	simm.s32 $0x14C28  }
0x45f: {  	[hbm4b:s26+s3] =	stream.linear.scatter [tilespmem:s30], [sflag:$0xA], $0x80, $0x38;
	[tilespmem:$0x16300] =	vst v63  }
0x460: {  	s15 =	sadd.s32 $0x60, s5;
	s20 =	simm.s32 $0x14CB0  }
0x461: {  	[hbm4b:s15+s3] =	stream.linear.scatter [tilespmem:s20], [sflag:$0xA], $0x80, $0x38;
	[tilespmem:$0x16300] =	vst v63  }
0x462: {  	s5 =	sadd.s32 $0x70, s5;
	s26 =	simm.s32 $0x14D38  }
0x463: {  	[hbm4b:s5+s3] =	stream.linear.scatter [tilespmem:s26], [sflag:$0xA], $0x80, $0x38;
	[tilespmem:$0x16300] =	vst v63  }
0x464: {  	s30 =	simm.s32 $0x14DC0;
	s5 =	sadd.s32 s1, s9  }
0x465: {  	[hbm4b:s5+s3] =	stream.linear.scatter [tilespmem:s30], [sflag:$0xA], $0x80, $0x38;
	[tilespmem:$0x16300] =	vst v63  }
0x466: {  	s20 =	simm.s32 $0x14E48;
	s15 =	sadd.s32 $0x10, s5  }
0x467: {  	[hbm4b:s15+s3] =	stream.linear.scatter [tilespmem:s20], [sflag:$0xA], $0x80, $0x38;
	[tilespmem:$0x16300] =	vst v63  }
0x468: {  	s26 =	sadd.s32 $0x20, s5;
	s30 =	simm.s32 $0x14ED0  }
0x469: {  	[hbm4b:s26+s3] =	stream.linear.scatter [tilespmem:s30], [sflag:$0xA], $0x80, $0x38;
	[tilespmem:$0x16300] =	vst v63  }
0x46a: {  	s15 =	sadd.s32 $0x30, s5;
	s20 =	simm.s32 $0x14F58  }
0x46b: {  	[hbm4b:s15+s3] =	stream.linear.scatter [tilespmem:s20], [sflag:$0xA], $0x80, $0x38;
	[tilespmem:$0x16300] =	vst v63  }
0x46c: {  	s26 =	sadd.s32 $0x40, s5;
	s30 =	simm.s32 $0x14FE0  }
0x46d: {  	[hbm4b:s26+s3] =	stream.linear.scatter [tilespmem:s30], [sflag:$0xA], $0x80, $0x38;
	[tilespmem:$0x16300] =	vst v63  }
0x46e: {  	s15 =	sadd.s32 $0x50, s5;
	s20 =	simm.s32 $0x15068  }
0x46f: {  	[hbm4b:s15+s3] =	stream.linear.scatter [tilespmem:s20], [sflag:$0xA], $0x80, $0x38;
	[tilespmem:$0x16300] =	vst v63  }
0x470: {  	s26 =	sadd.s32 $0x60, s5;
	s30 =	simm.s32 $0x150F0  }
0x471: {  	[hbm4b:s26+s3] =	stream.linear.scatter [tilespmem:s30], [sflag:$0xA], $0x80, $0x38;
	[tilespmem:$0x16300] =	vst v63  }
0x472: {  	s5 =	sadd.s32 $0x70, s5;
	s15 =	simm.s32 $0x15178  }
0x473: {  	[hbm4b:s5+s3] =	stream.linear.scatter [tilespmem:s15], [sflag:$0xA], $0x80, $0x38;
	[tilespmem:$0x16300] =	vst v63  }
0x474: {  	s20 =	simm.s32 $0x15200;
	s5 =	sadd.s32 s1, s10  }
0x475: {  	[hbm4b:s5+s3] =	stream.linear.scatter [tilespmem:s20], [sflag:$0xA], $0x80, $0x38;
	[tilespmem:$0x16300] =	vst v63  }
0x476: {  	s30 =	simm.s32 $0x15288;
	s26 =	sadd.s32 $0x10, s5  }
0x477: {  	[hbm4b:s26+s3] =	stream.linear.scatter [tilespmem:s30], [sflag:$0xA], $0x80, $0x38;
	[tilespmem:$0x16300] =	vst v63  }
0x478: {  	s15 =	sadd.s32 $0x20, s5;
	s20 =	simm.s32 $0x15310  }
0x479: {  	[hbm4b:s15+s3] =	stream.linear.scatter [tilespmem:s20], [sflag:$0xA], $0x80, $0x38;
	[tilespmem:$0x16300] =	vst v63  }
0x47a: {  	s26 =	sadd.s32 $0x30, s5;
	s30 =	simm.s32 $0x15398  }
0x47b: {  	[hbm4b:s26+s3] =	stream.linear.scatter [tilespmem:s30], [sflag:$0xA], $0x80, $0x38;
	[tilespmem:$0x16300] =	vst v63  }
0x47c: {  	s15 =	sadd.s32 $0x40, s5;
	s20 =	simm.s32 $0x15420  }
0x47d: {  	[hbm4b:s15+s3] =	stream.linear.scatter [tilespmem:s20], [sflag:$0xA], $0x80, $0x38;
	[tilespmem:$0x16300] =	vst v63  }
0x47e: {  	s26 =	sadd.s32 $0x50, s5;
	s30 =	simm.s32 $0x154A8  }
0x47f: {  	[hbm4b:s26+s3] =	stream.linear.scatter [tilespmem:s30], [sflag:$0xA], $0x80, $0x38;
	[tilespmem:$0x16300] =	vst v63  }
0x480: {  	s15 =	sadd.s32 $0x60, s5;
	s20 =	simm.s32 $0x15530  }
0x481: {  	[hbm4b:s15+s3] =	stream.linear.scatter [tilespmem:s20], [sflag:$0xA], $0x80, $0x38;
	[tilespmem:$0x16300] =	vst v63  }
0x482: {  	s5 =	sadd.s32 $0x70, s5;
	s26 =	simm.s32 $0x155B8  }
0x483: {  	[hbm4b:s5+s3] =	stream.linear.scatter [tilespmem:s26], [sflag:$0xA], $0x80, $0x38;
	[tilespmem:$0x16300] =	vst v63  }
0x484: {  	s30 =	simm.s32 $0x15640;
	s5 =	sadd.s32 s1, s11  }
0x485: {  	[hbm4b:s5+s3] =	stream.linear.scatter [tilespmem:s30], [sflag:$0xA], $0x80, $0x38;
	[tilespmem:$0x16300] =	vst v63  }
0x486: {  	s20 =	simm.s32 $0x156C8;
	s15 =	sadd.s32 $0x10, s5  }
0x487: {  	[hbm4b:s15+s3] =	stream.linear.scatter [tilespmem:s20], [sflag:$0xA], $0x80, $0x38;
	[tilespmem:$0x16300] =	vst v63  }
0x488: {  	s26 =	sadd.s32 $0x20, s5;
	s30 =	simm.s32 $0x15750  }
0x489: {  	[hbm4b:s26+s3] =	stream.linear.scatter [tilespmem:s30], [sflag:$0xA], $0x80, $0x38;
	[tilespmem:$0x16300] =	vst v63  }
0x48a: {  	s15 =	sadd.s32 $0x30, s5;
	s20 =	simm.s32 $0x157D8  }
0x48b: {  	[hbm4b:s15+s3] =	stream.linear.scatter [tilespmem:s20], [sflag:$0xA], $0x80, $0x38;
	[tilespmem:$0x16300] =	vst v63  }
0x48c: {  	s26 =	sadd.s32 $0x40, s5;
	s30 =	simm.s32 $0x15860  }
0x48d: {  	[hbm4b:s26+s3] =	stream.linear.scatter [tilespmem:s30], [sflag:$0xA], $0x80, $0x38;
	[tilespmem:$0x16300] =	vst v63  }
0x48e: {  	s15 =	sadd.s32 $0x50, s5;
	s20 =	simm.s32 $0x158E8  }
0x48f: {  	[hbm4b:s15+s3] =	stream.linear.scatter [tilespmem:s20], [sflag:$0xA], $0x80, $0x38;
	[tilespmem:$0x16300] =	vst v63  }
0x490: {  	s26 =	sadd.s32 $0x60, s5;
	s30 =	simm.s32 $0x15970  }
0x491: {  	[hbm4b:s26+s3] =	stream.linear.scatter [tilespmem:s30], [sflag:$0xA], $0x80, $0x38;
	[tilespmem:$0x16300] =	vst v63  }
0x492: {  	s5 =	sadd.s32 $0x70, s5;
	s15 =	simm.s32 $0x159F8  }
0x493: {  	[hbm4b:s5+s3] =	stream.linear.scatter [tilespmem:s15], [sflag:$0xA], $0x80, $0x38;
	[tilespmem:$0x16300] =	vst v63  }
0x494: {  	s20 =	simm.s32 $0x15A80;
	s5 =	sadd.s32 s1, s12  }
0x495: {  	[hbm4b:s5+s3] =	stream.linear.scatter [tilespmem:s20], [sflag:$0xA], $0x80, $0x38;
	[tilespmem:$0x16300] =	vst v63  }
0x496: {  	s30 =	simm.s32 $0x15B08;
	s26 =	sadd.s32 $0x10, s5  }
0x497: {  	[hbm4b:s26+s3] =	stream.linear.scatter [tilespmem:s30], [sflag:$0xA], $0x80, $0x38;
	[tilespmem:$0x16300] =	vst v63  }
0x498: {  	s15 =	sadd.s32 $0x20, s5;
	s20 =	simm.s32 $0x15B90  }
0x499: {  	[hbm4b:s15+s3] =	stream.linear.scatter [tilespmem:s20], [sflag:$0xA], $0x80, $0x38;
	[tilespmem:$0x16300] =	vst v63  }
0x49a: {  	s26 =	sadd.s32 $0x30, s5;
	s30 =	simm.s32 $0x15C18  }
0x49b: {  	[hbm4b:s26+s3] =	stream.linear.scatter [tilespmem:s30], [sflag:$0xA], $0x80, $0x38;
	[tilespmem:$0x16300] =	vst v63  }
0x49c: {  	s15 =	sadd.s32 $0x40, s5;
	s20 =	simm.s32 $0x15CA0  }
0x49d: {  	[hbm4b:s15+s3] =	stream.linear.scatter [tilespmem:s20], [sflag:$0xA], $0x80, $0x38;
	[tilespmem:$0x16300] =	vst v63  }
0x49e: {  	s26 =	sadd.s32 $0x50, s5;
	s30 =	simm.s32 $0x15D28  }
0x49f: {  	[hbm4b:s26+s3] =	stream.linear.scatter [tilespmem:s30], [sflag:$0xA], $0x80, $0x38;
	[tilespmem:$0x16300] =	vst v63  }
0x4a0: {  	s20 =	sadd.s32 $0x60, s5;
	s26 =	simm.s32 $0x15DB0  }
0x4a1: {  	[hbm4b:s20+s3] =	stream.linear.scatter [tilespmem:s26], [sflag:$0xA], $0x80, $0x38;
	[tilespmem:$0x16300] =	vst v63  }
0x4a2: {  	s5 =	sadd.s32 $0x70, s5;
	s30 =	simm.s32 $0x15E38  }
0x4a3: {  	[hbm4b:s5+s3] =	stream.linear.scatter [tilespmem:s30], [sflag:$0xA], $0x80, $0x38;
	[tilespmem:$0x16300] =	vst v63  }
0x4a4: {  	s14 =	simm.s32 $0x15EC0;
	s1 =	sadd.s32 s1, s13  }
0x4a5: {  	[hbm4b:s1+s3] =	stream.linear.scatter [tilespmem:s14], [sflag:$0xA], $0x80, $0x38;
	[tilespmem:$0x16300] =	vst v63  }
0x4a6: {  	s15 =	sadd.s32 $0x10, s1;
	s20 =	simm.s32 $0x15F48  }
0x4a7: {  	[hbm4b:s15+s3] =	stream.linear.scatter [tilespmem:s20], [sflag:$0xA], $0x80, $0x38;
	[tilespmem:$0x16300] =	vst v63  }
0x4a8: {  	s26 =	sadd.s32 $0x20, s1;
	s30 =	simm.s32 $0x15FD0  }
0x4a9: {  	[hbm4b:s26+s3] =	stream.linear.scatter [tilespmem:s30], [sflag:$0xA], $0x80, $0x38;
	[tilespmem:$0x16300] =	vst v63  }
0x4aa: {  	s15 =	sadd.s32 $0x30, s1;
	s20 =	simm.s32 $0x16058  }
0x4ab: {  	[hbm4b:s15+s3] =	stream.linear.scatter [tilespmem:s20], [sflag:$0xA], $0x80, $0x38;
	[tilespmem:$0x16300] =	vst v63  }
0x4ac: {  	s18 =	sadd.s32 $0x1, s18;
	s26 =	sadd.s32 $0x40, s1;
	s30 =	simm.s32 $0x160E0  }
0x4ad: {  	[hbm4b:s26+s3] =	stream.linear.scatter [tilespmem:s30], [sflag:$0xA], $0x80, $0x38;
	[tilespmem:$0x16300] =	vst v63  }
0x4ae: {  	p0 =	sne.s32 s18, $0xA;
	s14 =	sadd.s32 $0x50, s1;
	s15 =	simm.s32 $0x16168  }
0x4af: {  	[hbm4b:s14+s3] =	stream.linear.scatter [tilespmem:s15], [sflag:$0xA], $0x80, $0x38;
	[tilespmem:$0x16300] =	vst v63  }
.Ltmp5:
0x4b0: {  	_ = 	snop;
	(pc) =	sbr.rel @p0 .LBB2_2-.Ltmp5, $4  }
0x4b1: {  	s20 =	sadd.s32 $0x60, s1;
	s26 =	simm.s32 $0x161F0  }
0x4b2: {  	[hbm4b:s20+s3] =	stream.linear.scatter [tilespmem:s26], [sflag:$0xA], $0x80, $0x38;
	[tilespmem:$0x16300] =	vst v63  }
0x4b3: {  	s1 =	sadd.s32 $0x70, s1;
	s30 =	simm.s32 $0x16278  }
0x4b4: {  	[hbm4b:s1+s3] =	stream.linear.scatter [tilespmem:s30], [sflag:$0xA], $0x80, $0x38;
	[tilespmem:$0x16300] =	vst v63  }
0x4b5: {  	s1 =	simm.s32 $0x6  }
0x4b6: {  	_ =	swait.ge [sflag:s1], $0x400  }
0x4b7: {  	[sflag:s1] =	ssyncset.done $0x0  }
0x4b8: {  	[sflag:s1] =	ssyncadd.s32 $0xFFFFFC00  }
0x4b9: {  	_ =	swait.ge [sflag:s1], $0x400  }
0x4ba: {  	[sflag:s1] =	ssyncset.done $0x0  }
0x4bb: {  	[sflag:s1] =	ssyncadd.s32 $0xFFFFFC00  }
0x4bc: {  	_ =	swait.ge [sflag:s1], $0x400  }
0x4bd: {  	[sflag:s1] =	ssyncset.done $0x0  }
0x4be: {  	[sflag:s1] =	ssyncadd.s32 $0xFFFFFC00  }
0x4bf: {  	_ =	swait.ge [sflag:s1], $0x400  }
0x4c0: {  	[sflag:s1] =	ssyncset.done $0x0  }
0x4c1: {  	[sflag:s1] =	ssyncadd.s32 $0xFFFFFC00  }
0x4c2: {  	_ =	swait.ge [sflag:s1], $0x400  }
0x4c3: {  	[sflag:s1] =	ssyncset.done $0x0  }
0x4c4: {  	[sflag:s1] =	ssyncadd.s32 $0xFFFFFC00  }
0x4c5: {  	_ =	swait.ge [sflag:s1], $0x400  }
0x4c6: {  	[sflag:s1] =	ssyncset.done $0x0  }
0x4c7: {  	[sflag:s1] =	ssyncadd.s32 $0xFFFFFC00  }
0x4c8: {  	_ =	swait.ge [sflag:s1], $0x400  }
0x4c9: {  	[sflag:s1] =	ssyncset.done $0x0  }
0x4ca: {  	[sflag:s1] =	ssyncadd.s32 $0xFFFFFC00  }
0x4cb: {  	_ =	swait.ge [sflag:s1], $0x400  }
0x4cc: {  	[sflag:s1] =	ssyncset.done $0x0  }
0x4cd: {  	s18 =	simm.s32 $0x7;
	[sflag:s1] =	ssyncadd.s32 $0xFFFFFC00  }
0x4ce: {  	_ =	swait.ge [sflag:s18], $0x400  }
0x4cf: {  	[sflag:s18] =	ssyncset.done $0x0  }
0x4d0: {  	[sflag:s18] =	ssyncadd.s32 $0xFFFFFC00  }
0x4d1: {  	_ =	swait.ge [sflag:s18], $0x400  }
0x4d2: {  	[sflag:s18] =	ssyncset.done $0x0  }
0x4d3: {  	[sflag:s18] =	ssyncadd.s32 $0xFFFFFC00  }
0x4d4: {  	_ =	swait.ge [sflag:s18], $0x400  }
0x4d5: {  	[sflag:s18] =	ssyncset.done $0x0  }
0x4d6: {  	[sflag:s18] =	ssyncadd.s32 $0xFFFFFC00  }
0x4d7: {  	_ =	swait.ge [sflag:s18], $0x400  }
0x4d8: {  	[sflag:s18] =	ssyncset.done $0x0  }
0x4d9: {  	[sflag:s18] =	ssyncadd.s32 $0xFFFFFC00  }
0x4da: {  	_ =	swait.ge [sflag:s18], $0x400  }
0x4db: {  	[sflag:s18] =	ssyncset.done $0x0  }
0x4dc: {  	[sflag:s18] =	ssyncadd.s32 $0xFFFFFC00  }
0x4dd: {  	_ =	swait.ge [sflag:s18], $0x400  }
0x4de: {  	[sflag:s18] =	ssyncset.done $0x0  }
0x4df: {  	[sflag:s18] =	ssyncadd.s32 $0xFFFFFC00  }
0x4e0: {  	_ =	swait.ge [sflag:s18], $0x400  }
0x4e1: {  	[sflag:s18] =	ssyncset.done $0x0  }
0x4e2: {  	[sflag:s18] =	ssyncadd.s32 $0xFFFFFC00  }
0x4e3: {  	_ =	swait.ge [sflag:s18], $0x400  }
0x4e4: {  	[sflag:s18] =	ssyncset.done $0x0  }
0x4e5: {  	s20 =	simm.s32 $0x8;
	[sflag:s18] =	ssyncadd.s32 $0xFFFFFC00  }
0x4e6: {  	_ =	swait.ge [sflag:s20], $0x400  }
0x4e7: {  	[sflag:s20] =	ssyncset.done $0x0  }
0x4e8: {  	[sflag:s20] =	ssyncadd.s32 $0xFFFFFC00  }
0x4e9: {  	_ =	swait.ge [sflag:s20], $0x400  }
0x4ea: {  	[sflag:s20] =	ssyncset.done $0x0  }
0x4eb: {  	[sflag:s20] =	ssyncadd.s32 $0xFFFFFC00  }
0x4ec: {  	_ =	swait.ge [sflag:s20], $0x400  }
0x4ed: {  	[sflag:s20] =	ssyncset.done $0x0  }
0x4ee: {  	[sflag:s20] =	ssyncadd.s32 $0xFFFFFC00  }
0x4ef: {  	_ =	swait.ge [sflag:s20], $0x400  }
0x4f0: {  	[sflag:s20] =	ssyncset.done $0x0  }
0x4f1: {  	[sflag:s20] =	ssyncadd.s32 $0xFFFFFC00  }
0x4f2: {  	_ =	swait.ge [sflag:s20], $0x400  }
0x4f3: {  	[sflag:s20] =	ssyncset.done $0x0  }
0x4f4: {  	[sflag:s20] =	ssyncadd.s32 $0xFFFFFC00  }
0x4f5: {  	_ =	swait.ge [sflag:s20], $0x400  }
0x4f6: {  	[sflag:s20] =	ssyncset.done $0x0  }
0x4f7: {  	[sflag:s20] =	ssyncadd.s32 $0xFFFFFC00  }
0x4f8: {  	_ =	swait.ge [sflag:s20], $0x400  }
0x4f9: {  	[sflag:s20] =	ssyncset.done $0x0  }
0x4fa: {  	[sflag:s20] =	ssyncadd.s32 $0xFFFFFC00  }
0x4fb: {  	_ =	swait.ge [sflag:s20], $0x400  }
0x4fc: {  	[sflag:s20] =	ssyncset.done $0x0  }
0x4fd: {  	s26 =	simm.s32 $0x9;
	[sflag:s20] =	ssyncadd.s32 $0xFFFFFC00  }
0x4fe: {  	_ =	swait.ge [sflag:s26], $0x400  }
0x4ff: {  	[sflag:s26] =	ssyncset.done $0x0  }
0x500: {  	[sflag:s26] =	ssyncadd.s32 $0xFFFFFC00  }
0x501: {  	_ =	swait.ge [sflag:s26], $0x400  }
0x502: {  	[sflag:s26] =	ssyncset.done $0x0  }
0x503: {  	[sflag:s26] =	ssyncadd.s32 $0xFFFFFC00  }
0x504: {  	_ =	swait.ge [sflag:s26], $0x400  }
0x505: {  	[sflag:s26] =	ssyncset.done $0x0  }
0x506: {  	[sflag:s26] =	ssyncadd.s32 $0xFFFFFC00  }
0x507: {  	_ =	swait.ge [sflag:s26], $0x400  }
0x508: {  	[sflag:s26] =	ssyncset.done $0x0  }
0x509: {  	[sflag:s26] =	ssyncadd.s32 $0xFFFFFC00  }
0x50a: {  	_ =	swait.ge [sflag:s26], $0x400  }
0x50b: {  	[sflag:s26] =	ssyncset.done $0x0  }
0x50c: {  	[sflag:s26] =	ssyncadd.s32 $0xFFFFFC00  }
0x50d: {  	_ =	swait.ge [sflag:s26], $0x400  }
0x50e: {  	[sflag:s26] =	ssyncset.done $0x0  }
0x50f: {  	[sflag:s26] =	ssyncadd.s32 $0xFFFFFC00  }
0x510: {  	_ =	swait.ge [sflag:s26], $0x400  }
0x511: {  	[sflag:s26] =	ssyncset.done $0x0  }
0x512: {  	[sflag:s26] =	ssyncadd.s32 $0xFFFFFC00  }
0x513: {  	_ =	swait.ge [sflag:s26], $0x400  }
0x514: {  	[sflag:s26] =	ssyncset.done $0x0  }
0x515: {  	s5 =	simm.s32 $0xA;
	[sflag:s26] =	ssyncadd.s32 $0xFFFFFC00  }
0x516: {  	_ =	swait.ge [sflag:s5], $0x400  }
0x517: {  	[sflag:s5] =	ssyncset.done $0x0  }
0x518: {  	[sflag:s5] =	ssyncadd.s32 $0xFFFFFC00  }
0x519: {  	_ =	swait.ge [sflag:s5], $0x400  }
0x51a: {  	[sflag:s5] =	ssyncset.done $0x0  }
0x51b: {  	[sflag:s5] =	ssyncadd.s32 $0xFFFFFC00  }
0x51c: {  	_ =	swait.ge [sflag:s5], $0x400  }
0x51d: {  	[sflag:s5] =	ssyncset.done $0x0  }
0x51e: {  	[sflag:s5] =	ssyncadd.s32 $0xFFFFFC00  }
0x51f: {  	_ =	swait.ge [sflag:s5], $0x400  }
0x520: {  	[sflag:s5] =	ssyncset.done $0x0  }
0x521: {  	[sflag:s5] =	ssyncadd.s32 $0xFFFFFC00  }
0x522: {  	_ =	swait.ge [sflag:s5], $0x400  }
0x523: {  	[sflag:s5] =	ssyncset.done $0x0  }
0x524: {  	[sflag:s5] =	ssyncadd.s32 $0xFFFFFC00  }
0x525: {  	_ =	swait.ge [sflag:s5], $0x400  }
0x526: {  	[sflag:s5] =	ssyncset.done $0x0  }
0x527: {  	[sflag:s5] =	ssyncadd.s32 $0xFFFFFC00  }
0x528: {  	_ =	swait.ge [sflag:s5], $0x400  }
0x529: {  	[sflag:s5] =	ssyncset.done $0x0  }
0x52a: {  	[sflag:s5] =	ssyncadd.s32 $0xFFFFFC00  }
0x52b: {  	_ =	swait.ge [sflag:s5], $0x400  }
0x52c: {  	s14 =	rddreg [dreg:$0x7]  }
0x52d: {  	s30 =	rddreg [dreg:$0x6];
	s14 =	sadd.s32 $0x1, s14  }
0x52e: {  	p0 =	sne.s32 s14, s30  }
.Ltmp6:
0x52f: {  	_ = 	snop;
	(pc) =	sbr.rel @p0 .LBB2_1-.Ltmp6, $3  }
0x530: {  	_ =	sdelay $0x1  }
0x531: {  	[sflag:s5] =	ssyncset.done $0x0  }
0x532: {  	[sflag:s5] =	ssyncadd.s32 $0xFFFFFC00  }
0x533: {  	_ =	sfence.sel $0x180000  }
0x534: {  	[bflag:$0x0] =	sbarrier.arrive $0xFFFF  }
0x535: {  	_ =	strace $0x90000047  }
0x536: {  	s0 =	stileid.u32;
	[bflag:$0x2] =	sbarrier.arrive $0xFFFF  }
0x537: {  	p0 =	sne.s32 s0, $0x0;
	s0 =	rddreg [dreg:$0x2]  }
0x538: {  	s0 =	sadd.s32 @!p0 $0x100000, s0  }
0x539: {  	[sflag:s0] =	ssyncadd.tile.s32 @!p0 $0x1;
	_ =	shalt  }
.Lfunc_end2:
_tile_overlayer_lowered:
.L_overlay_start_2:
0x53a: {  	(tag) =	ssettag $0x2  }
0x53b: {  	s0 =	rddreg [dreg:$0x0];
	s2 =	stileid.u32  }
0x53c: {  	s1 =	rddreg [dreg:$0x1];
	p0 =	sne.s32 s2, $0x0  }
0x53d: {  	s3 =	rddreg [dreg:$0x2];
	[bflag:$0x3] =	sbarrier.arrive $0xFFFF;
	s2 =	simm.s32 @!p0 $0x1C0B  }
0x53e: {  	[timem:s3], [sflag:s2] =	dma.local @!p0 [hbm:s0], s1  }
0x53f: {  	s0 =	simm.s32 @!p0 $0xB  }
0x540: {  	_ =	swait.ge @!p0 [sflag:s0], s1  }
0x541: {  	s1 =	ssub.s32 @!p0 $0x0, s1;
	[sflag:s0] =	ssyncset.done @!p0 $0x0  }
0x542: {  	[sflag:s0] =	ssyncadd.s32 @!p0 s1  }
0x543: {  	[bflag:$0x3] =	sbarrier.arrive $0xFFFF  }
0x544: {  	_ =	shalt  }

</sc_bundles>
